<compile_context>
chip_gen: v7x
topology: tpu7x:2x2x1
jax: 0.10.2.dev20260603
libtpu: 0.0.44.dev20260713+nightly
codegen_flags: <defaults>
</compile_context>

<pallas_src>
import functools

import jax
import jax.numpy as jnp
from jax import lax
from jax.experimental import pallas as pl
from jax.experimental.pallas import tpu as pltpu
from jax.experimental.pallas import tpu_sc as plsc

N_GRAM = 4
D_STATE = 16
N_SLOTS = 500000
N_BLADES = 8

NC = 2
NS = 16
L = 16
NW = NC * NS

FNV_INIT = -2128831035
FNV_PRIME = 16777619
HIGH_MOD = 483648

B_DIM = 1024
S_DIM = 200
N_TOK = B_DIM * S_DIM
PER_W = N_TOK // NW
B_PER_W = PER_W // S_DIM
CHUNK = 2 * S_DIM
N_CHUNKS = PER_W // CHUNK


def _hash_chunk(tok_v, idx_ref, c):

    def vec_body(i, carry):
        i = i.astype(jnp.int32)
        off = jnp.int32(c * CHUNK) + i * jnp.int32(L)
        h = jnp.full((L,), FNV_INIT, dtype=jnp.int32)
        for j in range(N_GRAM):
            h = (h ^ tok_v[jnp.int32(j), pl.ds(off, L)]) * jnp.int32(FNV_PRIME)
        m = lax.rem(h & jnp.int32(0x7FFFFFFF), jnp.int32(N_SLOTS))
        fix = jnp.where(h < 0, jnp.int32(HIGH_MOD), jnp.int32(0))
        idx_ref[pl.ds(i * jnp.int32(L), L)] = lax.rem(m + fix,
                                                      jnp.int32(N_SLOTS))
        return carry

    lax.fori_loop(jnp.int32(0), jnp.int32(CHUNK // L), vec_body, 0)


def _tile_body(tok_hbm, bank_hbm, out_hbm, tok_v, idx0, idx1, rows0, rows1,
               rows2, sem0, sem1, sem2):
    idx = (idx0, idx1)
    rows = (rows0, rows1, rows2)
    sems = (sem0, sem1, sem2)
    wid = (lax.axis_index("s").astype(jnp.int32) * jnp.int32(NC)
           + lax.axis_index("c").astype(jnp.int32))
    base = pl.multiple_of(wid * jnp.int32(PER_W), 128)
    for j in range(N_GRAM):
        pltpu.sync_copy(tok_hbm.at[jnp.int32(j), pl.ds(base, PER_W)],
                        tok_v.at[jnp.int32(j)])
    b_base = wid * jnp.int32(B_PER_W)

    def start_gather(r):
        seg = idx[(r // 2) % 2].at[pl.ds((r % 2) * S_DIM, S_DIM)]
        return pltpu.async_copy(bank_hbm.at[seg], rows[r % 3], sems[r % 3])

    _hash_chunk(tok_v, idx[0], 0)
    inflight = [start_gather(0), start_gather(1)]
    _hash_chunk(tok_v, idx[1], 1)
    for r in range(B_PER_W):
        if r + 2 < B_PER_W:
            if (r + 2) % 2 == 0 and r + 2 >= 4:
                _hash_chunk(tok_v, idx[((r + 2) // 2) % 2], (r + 2) // 2)
            inflight.append(start_gather(r + 2))
        inflight.pop(0).wait()
        pltpu.sync_copy(rows[r % 3], out_hbm.at[b_base + jnp.int32(r)])


_sc_gather = functools.partial(
    pl.kernel,
    mesh=plsc.VectorSubcoreMesh(core_axis_name="c", subcore_axis_name="s"),
    compiler_params=pltpu.CompilerParams(needs_layout_passes=False,
                                         use_tc_tiling_on_sc=True),
    out_type=jax.ShapeDtypeStruct((B_DIM, S_DIM, N_BLADES * D_STATE),
                                  jnp.float32),
    scratch_types=[
        pltpu.VMEM((N_GRAM, PER_W), jnp.int32),
        pltpu.VMEM((CHUNK,), jnp.int32),
        pltpu.VMEM((CHUNK,), jnp.int32),
        pltpu.VMEM((S_DIM, N_BLADES * D_STATE), jnp.float32),
        pltpu.VMEM((S_DIM, N_BLADES * D_STATE), jnp.float32),
        pltpu.VMEM((S_DIM, N_BLADES * D_STATE), jnp.float32),
        pltpu.SemaphoreType.DMA,
        pltpu.SemaphoreType.DMA,
        pltpu.SemaphoreType.DMA,
    ],
)(_tile_body)


def kernel(token_window, bank):
    tok = token_window.astype(jnp.int32).reshape(-1, N_GRAM).T
    bank_t = jnp.transpose(bank, (1, 0, 2)).reshape(N_SLOTS,
                                                    N_BLADES * D_STATE)
    out = _sc_gather(tok, bank_t)
    return out.reshape(B_DIM, S_DIM, N_BLADES, D_STATE)

# --- scband reference (transcript-rebuilt; emitter-appended) ---
"""Pipeline reference for scband-token-blade-bank-8186207666894 (READ-ONLY COPY).

The authoritative reference and input builder live on the scoring server;
editing this copy changes nothing except your own understanding.
"""

import jax, jax.numpy as jnp
import numpy as np

jax.config.update("jax_enable_x64", True)

N_GRAM = 4
D_STATE = 16
N_SLOTS = 500000
N_BLADES = 8


def compute_address(token_window):
    # FNV-1a hash on token IDs, faithful to the torch module
    tw = token_window.astype(jnp.int64)
    h = jnp.full(tw.shape[:-1], 2166136261, dtype=jnp.int64)
    for i in range(N_GRAM):
        h = ((h ^ tw[..., i]) * 16777619) % (2 ** 32)
    return h % N_SLOTS


def setup_inputs(seed: int = 0) -> dict:
    key = jax.random.key(seed)
    k1, k2 = jax.random.split(key)
    token_window = jax.random.randint(k1, (1024, 200, N_GRAM), 0, 100000, dtype=jnp.int64)
    # persistent memory bank buffer (8 blades x n_slots x d_state)
    bank = jax.random.normal(k2, (N_BLADES, N_SLOTS, D_STATE), dtype=jnp.float32)
    return {"token_window": token_window, "bank": bank}


def reference(token_window, bank):
    # read_all_blades: gather from all 8 blade banks -> (B, S, 8, d_state)
    addr = compute_address(token_window)
    addr_flat = addr.reshape(-1)
    results = bank[:, addr_flat, :]  # (8, N, d_state) gather
    B, S = addr.shape
    out = jnp.transpose(results, (1, 0, 2)).reshape(B, S, N_BLADES, D_STATE)
    return out

if __name__ == "__main__":
    import jax
    _d = setup_inputs()
    print(jax.jit(kernel)(*tuple(_d.values())))

</pallas_src>

<mosaic_0001>
#map = affine_map<(d0, d1) -> (0, 0)>
#map1 = affine_map<(d0, d1) -> (0, 0, 0)>
module attributes {stable_mosaic.version = 14 : i64} {
  func.func @_tile_body(%arg0: i32, %arg1: i32, %arg2: memref<4x204800xi32, #tpu.memory_space<hbm>>, %arg3: memref<500000x128xf32, #tpu.memory_space<hbm>>, %arg4: memref<1024x200x128xf32, #tpu.memory_space<hbm>>, %arg5: memref<4x6400xi32, #tpu.memory_space<vmem>>, %arg6: memref<400xi32, #tpu.memory_space<vmem>>, %arg7: memref<400xi32, #tpu.memory_space<vmem>>, %arg8: memref<200x128xf32, #tpu.memory_space<vmem>>, %arg9: memref<200x128xf32, #tpu.memory_space<vmem>>, %arg10: memref<200x128xf32, #tpu.memory_space<vmem>>, %arg11: memref<!tpu.dma_semaphore, #tpu.memory_space<semaphore_mem>>, %arg12: memref<!tpu.dma_semaphore, #tpu.memory_space<semaphore_mem>>, %arg13: memref<!tpu.dma_semaphore, #tpu.memory_space<semaphore_mem>>) attributes {dimension_semantics = [#tpu.dimension_semantics<core_parallel>, #tpu.dimension_semantics<subcore_parallel>], iteration_bounds = array<i64: 2, 16>, scalar_prefetch = 0 : i64, scratch_operands = 9 : i64, tpu.core_type = #tpu.core_type<sc_vector_subcore>, window_params = [{transform_indices = #map}, {transform_indices = #map}, {transform_indices = #map1}]} {
    %mul3A = arith.constant 2 : i32
    %mul3A_0 = arith.muli %arg1, %mul3A : i32
    %add3A = arith.addi %mul3A_0, %arg0 : i32
    %mul3A_1 = arith.constant 6400 : i32
    %mul3A_2 = arith.muli %add3A, %mul3A_1 : i32
    %multiple_of3A = tpu.assume_multiple %mul3A_2, 128 : i32
    %run_scoped3A = arith.constant 0 : i32
    %run_scoped3A_3 = arith.constant 0 : i32
    "tpu.region"() ({
      %run_scoped3A_569 = tpu.sem_alloc : memref<!tpu.dma_semaphore, #tpu.memory_space<semaphore_mem>>
      %dma_start3A_570 = arith.constant 0 : i32
      %dma_start3A_571 = tpu.memref_slice %arg5[%run_scoped3A_3, %dma_start3A_570] : memref<4x6400xi32, #tpu.memory_space<vmem>> -> memref<1x6400xi32, #tpu.memory_space<vmem>>
      %dma_start3A_572 = tpu.memref_squeeze %dma_start3A_571 : memref<1x6400xi32, #tpu.memory_space<vmem>> -> memref<6400xi32, #tpu.memory_space<vmem>>
      %dma_start3A_573 = tpu.memref_slice %arg2[%run_scoped3A, %multiple_of3A] : memref<4x204800xi32, #tpu.memory_space<hbm>> -> memref<1x6400xi32, #tpu.memory_space<hbm>>
      %dma_start3A_574 = tpu.memref_squeeze %dma_start3A_573 : memref<1x6400xi32, #tpu.memory_space<hbm>> -> memref<6400xi32, #tpu.memory_space<hbm>>
      %dma_start3A_575 = arith.constant 0 : i32
      %dma_start3A_576 = tpu.memref_slice %arg5[%run_scoped3A_3, %dma_start3A_575] : memref<4x6400xi32, #tpu.memory_space<vmem>> -> memref<1x6400xi32, #tpu.memory_space<vmem>>
      %dma_start3A_577 = tpu.memref_squeeze %dma_start3A_576 : memref<1x6400xi32, #tpu.memory_space<vmem>> -> memref<6400xi32, #tpu.memory_space<vmem>>
      %dma_start3A_578 = tpu.memref_slice %arg2[%run_scoped3A, %multiple_of3A] : memref<4x204800xi32, #tpu.memory_space<hbm>> -> memref<1x6400xi32, #tpu.memory_space<hbm>>
      %dma_start3A_579 = tpu.memref_squeeze %dma_start3A_578 : memref<1x6400xi32, #tpu.memory_space<hbm>> -> memref<6400xi32, #tpu.memory_space<hbm>>
      tpu.enqueue_dma source(%dma_start3A_579 : memref<6400xi32, #tpu.memory_space<hbm>>) target(%dma_start3A_577 : memref<6400xi32, #tpu.memory_space<vmem>>) target_semaphore(%run_scoped3A_569 : memref<!tpu.dma_semaphore, #tpu.memory_space<semaphore_mem>>)
      %dma_wait3A_580 = arith.constant 0 : i32
      %dma_wait3A_581 = tpu.memref_slice %arg5[%run_scoped3A_3, %dma_wait3A_580] : memref<4x6400xi32, #tpu.memory_space<vmem>> -> memref<1x6400xi32, #tpu.memory_space<vmem>>
      %dma_wait3A_582 = tpu.memref_squeeze %dma_wait3A_581 : memref<1x6400xi32, #tpu.memory_space<vmem>> -> memref<6400xi32, #tpu.memory_space<vmem>>
      %dma_wait3A_583 = tpu.memref_slice %arg2[%run_scoped3A, %multiple_of3A] : memref<4x204800xi32, #tpu.memory_space<hbm>> -> memref<1x6400xi32, #tpu.memory_space<hbm>>
      %dma_wait3A_584 = tpu.memref_squeeze %dma_wait3A_583 : memref<1x6400xi32, #tpu.memory_space<hbm>> -> memref<6400xi32, #tpu.memory_space<hbm>>
      %dma_wait3A_585 = arith.constant 0 : i32
      %dma_wait3A_586 = tpu.memref_slice %arg5[%run_scoped3A_3, %dma_wait3A_585] : memref<4x6400xi32, #tpu.memory_space<vmem>> -> memref<1x6400xi32, #tpu.memory_space<vmem>>
      %dma_wait3A_587 = tpu.memref_squeeze %dma_wait3A_586 : memref<1x6400xi32, #tpu.memory_space<vmem>> -> memref<6400xi32, #tpu.memory_space<vmem>>
      %dma_wait3A_588 = tpu.memref_slice %arg2[%run_scoped3A, %multiple_of3A] : memref<4x204800xi32, #tpu.memory_space<hbm>> -> memref<1x6400xi32, #tpu.memory_space<hbm>>
      %dma_wait3A_589 = tpu.memref_squeeze %dma_wait3A_588 : memref<1x6400xi32, #tpu.memory_space<hbm>> -> memref<6400xi32, #tpu.memory_space<hbm>>
      tpu.wait_dma2 semaphore(%run_scoped3A_569 : memref<!tpu.dma_semaphore, #tpu.memory_space<semaphore_mem>>) src(%dma_wait3A_589 : memref<6400xi32, #tpu.memory_space<hbm>>) dst(%dma_wait3A_587 : memref<6400xi32, #tpu.memory_space<vmem>>)
      tpu.yield
    }) : () -> ()
    %run_scoped3A_4 = arith.constant 1 : i32
    %run_scoped3A_5 = arith.constant 1 : i32
    "tpu.region"() ({
      %run_scoped3A_569 = tpu.sem_alloc : memref<!tpu.dma_semaphore, #tpu.memory_space<semaphore_mem>>
      %dma_start3A_570 = arith.constant 0 : i32
      %dma_start3A_571 = tpu.memref_slice %arg5[%run_scoped3A_5, %dma_start3A_570] : memref<4x6400xi32, #tpu.memory_space<vmem>> -> memref<1x6400xi32, #tpu.memory_space<vmem>>
      %dma_start3A_572 = tpu.memref_squeeze %dma_start3A_571 : memref<1x6400xi32, #tpu.memory_space<vmem>> -> memref<6400xi32, #tpu.memory_space<vmem>>
      %dma_start3A_573 = tpu.memref_slice %arg2[%run_scoped3A_4, %multiple_of3A] : memref<4x204800xi32, #tpu.memory_space<hbm>> -> memref<1x6400xi32, #tpu.memory_space<hbm>>
      %dma_start3A_574 = tpu.memref_squeeze %dma_start3A_573 : memref<1x6400xi32, #tpu.memory_space<hbm>> -> memref<6400xi32, #tpu.memory_space<hbm>>
      %dma_start3A_575 = arith.constant 0 : i32
      %dma_start3A_576 = tpu.memref_slice %arg5[%run_scoped3A_5, %dma_start3A_575] : memref<4x6400xi32, #tpu.memory_space<vmem>> -> memref<1x6400xi32, #tpu.memory_space<vmem>>
      %dma_start3A_577 = tpu.memref_squeeze %dma_start3A_576 : memref<1x6400xi32, #tpu.memory_space<vmem>> -> memref<6400xi32, #tpu.memory_space<vmem>>
      %dma_start3A_578 = tpu.memref_slice %arg2[%run_scoped3A_4, %multiple_of3A] : memref<4x204800xi32, #tpu.memory_space<hbm>> -> memref<1x6400xi32, #tpu.memory_space<hbm>>
      %dma_start3A_579 = tpu.memref_squeeze %dma_start3A_578 : memref<1x6400xi32, #tpu.memory_space<hbm>> -> memref<6400xi32, #tpu.memory_space<hbm>>
      tpu.enqueue_dma source(%dma_start3A_579 : memref<6400xi32, #tpu.memory_space<hbm>>) target(%dma_start3A_577 : memref<6400xi32, #tpu.memory_space<vmem>>) target_semaphore(%run_scoped3A_569 : memref<!tpu.dma_semaphore, #tpu.memory_space<semaphore_mem>>)
      %dma_wait3A_580 = arith.constant 0 : i32
      %dma_wait3A_581 = tpu.memref_slice %arg5[%run_scoped3A_5, %dma_wait3A_580] : memref<4x6400xi32, #tpu.memory_space<vmem>> -> memref<1x6400xi32, #tpu.memory_space<vmem>>
      %dma_wait3A_582 = tpu.memref_squeeze %dma_wait3A_581 : memref<1x6400xi32, #tpu.memory_space<vmem>> -> memref<6400xi32, #tpu.memory_space<vmem>>
      %dma_wait3A_583 = tpu.memref_slice %arg2[%run_scoped3A_4, %multiple_of3A] : memref<4x204800xi32, #tpu.memory_space<hbm>> -> memref<1x6400xi32, #tpu.memory_space<hbm>>
      %dma_wait3A_584 = tpu.memref_squeeze %dma_wait3A_583 : memref<1x6400xi32, #tpu.memory_space<hbm>> -> memref<6400xi32, #tpu.memory_space<hbm>>
      %dma_wait3A_585 = arith.constant 0 : i32
      %dma_wait3A_586 = tpu.memref_slice %arg5[%run_scoped3A_5, %dma_wait3A_585] : memref<4x6400xi32, #tpu.memory_space<vmem>> -> memref<1x6400xi32, #tpu.memory_space<vmem>>
      %dma_wait3A_587 = tpu.memref_squeeze %dma_wait3A_586 : memref<1x6400xi32, #tpu.memory_space<vmem>> -> memref<6400xi32, #tpu.memory_space<vmem>>
      %dma_wait3A_588 = tpu.memref_slice %arg2[%run_scoped3A_4, %multiple_of3A] : memref<4x204800xi32, #tpu.memory_space<hbm>> -> memref<1x6400xi32, #tpu.memory_space<hbm>>
      %dma_wait3A_589 = tpu.memref_squeeze %dma_wait3A_588 : memref<1x6400xi32, #tpu.memory_space<hbm>> -> memref<6400xi32, #tpu.memory_space<hbm>>
      tpu.wait_dma2 semaphore(%run_scoped3A_569 : memref<!tpu.dma_semaphore, #tpu.memory_space<semaphore_mem>>) src(%dma_wait3A_589 : memref<6400xi32, #tpu.memory_space<hbm>>) dst(%dma_wait3A_587 : memref<6400xi32, #tpu.memory_space<vmem>>)
      tpu.yield
    }) : () -> ()
    %run_scoped3A_6 = arith.constant 2 : i32
    %run_scoped3A_7 = arith.constant 2 : i32
    "tpu.region"() ({
      %run_scoped3A_569 = tpu.sem_alloc : memref<!tpu.dma_semaphore, #tpu.memory_space<semaphore_mem>>
      %dma_start3A_570 = arith.constant 0 : i32
      %dma_start3A_571 = tpu.memref_slice %arg5[%run_scoped3A_7, %dma_start3A_570] : memref<4x6400xi32, #tpu.memory_space<vmem>> -> memref<1x6400xi32, #tpu.memory_space<vmem>>
      %dma_start3A_572 = tpu.memref_squeeze %dma_start3A_571 : memref<1x6400xi32, #tpu.memory_space<vmem>> -> memref<6400xi32, #tpu.memory_space<vmem>>
      %dma_start3A_573 = tpu.memref_slice %arg2[%run_scoped3A_6, %multiple_of3A] : memref<4x204800xi32, #tpu.memory_space<hbm>> -> memref<1x6400xi32, #tpu.memory_space<hbm>>
      %dma_start3A_574 = tpu.memref_squeeze %dma_start3A_573 : memref<1x6400xi32, #tpu.memory_space<hbm>> -> memref<6400xi32, #tpu.memory_space<hbm>>
      %dma_start3A_575 = arith.constant 0 : i32
      %dma_start3A_576 = tpu.memref_slice %arg5[%run_scoped3A_7, %dma_start3A_575] : memref<4x6400xi32, #tpu.memory_space<vmem>> -> memref<1x6400xi32, #tpu.memory_space<vmem>>
      %dma_start3A_577 = tpu.memref_squeeze %dma_start3A_576 : memref<1x6400xi32, #tpu.memory_space<vmem>> -> memref<6400xi32, #tpu.memory_space<vmem>>
      %dma_start3A_578 = tpu.memref_slice %arg2[%run_scoped3A_6, %multiple_of3A] : memref<4x204800xi32, #tpu.memory_space<hbm>> -> memref<1x6400xi32, #tpu.memory_space<hbm>>
      %dma_start3A_579 = tpu.memref_squeeze %dma_start3A_578 : memref<1x6400xi32, #tpu.memory_space<hbm>> -> memref<6400xi32, #tpu.memory_space<hbm>>
      tpu.enqueue_dma source(%dma_start3A_579 : memref<6400xi32, #tpu.memory_space<hbm>>) target(%dma_start3A_577 : memref<6400xi32, #tpu.memory_space<vmem>>) target_semaphore(%run_scoped3A_569 : memref<!tpu.dma_semaphore, #tpu.memory_space<semaphore_mem>>)
      %dma_wait3A_580 = arith.constant 0 : i32
      %dma_wait3A_581 = tpu.memref_slice %arg5[%run_scoped3A_7, %dma_wait3A_580] : memref<4x6400xi32, #tpu.memory_space<vmem>> -> memref<1x6400xi32, #tpu.memory_space<vmem>>
      %dma_wait3A_582 = tpu.memref_squeeze %dma_wait3A_581 : memref<1x6400xi32, #tpu.memory_space<vmem>> -> memref<6400xi32, #tpu.memory_space<vmem>>
      %dma_wait3A_583 = tpu.memref_slice %arg2[%run_scoped3A_6, %multiple_of3A] : memref<4x204800xi32, #tpu.memory_space<hbm>> -> memref<1x6400xi32, #tpu.memory_space<hbm>>
      %dma_wait3A_584 = tpu.memref_squeeze %dma_wait3A_583 : memref<1x6400xi32, #tpu.memory_space<hbm>> -> memref<6400xi32, #tpu.memory_space<hbm>>
      %dma_wait3A_585 = arith.constant 0 : i32
      %dma_wait3A_586 = tpu.memref_slice %arg5[%run_scoped3A_7, %dma_wait3A_585] : memref<4x6400xi32, #tpu.memory_space<vmem>> -> memref<1x6400xi32, #tpu.memory_space<vmem>>
      %dma_wait3A_587 = tpu.memref_squeeze %dma_wait3A_586 : memref<1x6400xi32, #tpu.memory_space<vmem>> -> memref<6400xi32, #tpu.memory_space<vmem>>
      %dma_wait3A_588 = tpu.memref_slice %arg2[%run_scoped3A_6, %multiple_of3A] : memref<4x204800xi32, #tpu.memory_space<hbm>> -> memref<1x6400xi32, #tpu.memory_space<hbm>>
      %dma_wait3A_589 = tpu.memref_squeeze %dma_wait3A_588 : memref<1x6400xi32, #tpu.memory_space<hbm>> -> memref<6400xi32, #tpu.memory_space<hbm>>
      tpu.wait_dma2 semaphore(%run_scoped3A_569 : memref<!tpu.dma_semaphore, #tpu.memory_space<semaphore_mem>>) src(%dma_wait3A_589 : memref<6400xi32, #tpu.memory_space<hbm>>) dst(%dma_wait3A_587 : memref<6400xi32, #tpu.memory_space<vmem>>)
      tpu.yield
    }) : () -> ()
    %run_scoped3A_8 = arith.constant 3 : i32
    %run_scoped3A_9 = arith.constant 3 : i32
    "tpu.region"() ({
      %run_scoped3A_569 = tpu.sem_alloc : memref<!tpu.dma_semaphore, #tpu.memory_space<semaphore_mem>>
      %dma_start3A_570 = arith.constant 0 : i32
      %dma_start3A_571 = tpu.memref_slice %arg5[%run_scoped3A_9, %dma_start3A_570] : memref<4x6400xi32, #tpu.memory_space<vmem>> -> memref<1x6400xi32, #tpu.memory_space<vmem>>
      %dma_start3A_572 = tpu.memref_squeeze %dma_start3A_571 : memref<1x6400xi32, #tpu.memory_space<vmem>> -> memref<6400xi32, #tpu.memory_space<vmem>>
      %dma_start3A_573 = tpu.memref_slice %arg2[%run_scoped3A_8, %multiple_of3A] : memref<4x204800xi32, #tpu.memory_space<hbm>> -> memref<1x6400xi32, #tpu.memory_space<hbm>>
      %dma_start3A_574 = tpu.memref_squeeze %dma_start3A_573 : memref<1x6400xi32, #tpu.memory_space<hbm>> -> memref<6400xi32, #tpu.memory_space<hbm>>
      %dma_start3A_575 = arith.constant 0 : i32
      %dma_start3A_576 = tpu.memref_slice %arg5[%run_scoped3A_9, %dma_start3A_575] : memref<4x6400xi32, #tpu.memory_space<vmem>> -> memref<1x6400xi32, #tpu.memory_space<vmem>>
      %dma_start3A_577 = tpu.memref_squeeze %dma_start3A_576 : memref<1x6400xi32, #tpu.memory_space<vmem>> -> memref<6400xi32, #tpu.memory_space<vmem>>
      %dma_start3A_578 = tpu.memref_slice %arg2[%run_scoped3A_8, %multiple_of3A] : memref<4x204800xi32, #tpu.memory_space<hbm>> -> memref<1x6400xi32, #tpu.memory_space<hbm>>
      %dma_start3A_579 = tpu.memref_squeeze %dma_start3A_578 : memref<1x6400xi32, #tpu.memory_space<hbm>> -> memref<6400xi32, #tpu.memory_space<hbm>>
      tpu.enqueue_dma source(%dma_start3A_579 : memref<6400xi32, #tpu.memory_space<hbm>>) target(%dma_start3A_577 : memref<6400xi32, #tpu.memory_space<vmem>>) target_semaphore(%run_scoped3A_569 : memref<!tpu.dma_semaphore, #tpu.memory_space<semaphore_mem>>)
      %dma_wait3A_580 = arith.constant 0 : i32
      %dma_wait3A_581 = tpu.memref_slice %arg5[%run_scoped3A_9, %dma_wait3A_580] : memref<4x6400xi32, #tpu.memory_space<vmem>> -> memref<1x6400xi32, #tpu.memory_space<vmem>>
      %dma_wait3A_582 = tpu.memref_squeeze %dma_wait3A_581 : memref<1x6400xi32, #tpu.memory_space<vmem>> -> memref<6400xi32, #tpu.memory_space<vmem>>
      %dma_wait3A_583 = tpu.memref_slice %arg2[%run_scoped3A_8, %multiple_of3A] : memref<4x204800xi32, #tpu.memory_space<hbm>> -> memref<1x6400xi32, #tpu.memory_space<hbm>>
      %dma_wait3A_584 = tpu.memref_squeeze %dma_wait3A_583 : memref<1x6400xi32, #tpu.memory_space<hbm>> -> memref<6400xi32, #tpu.memory_space<hbm>>
      %dma_wait3A_585 = arith.constant 0 : i32
      %dma_wait3A_586 = tpu.memref_slice %arg5[%run_scoped3A_9, %dma_wait3A_585] : memref<4x6400xi32, #tpu.memory_space<vmem>> -> memref<1x6400xi32, #tpu.memory_space<vmem>>
      %dma_wait3A_587 = tpu.memref_squeeze %dma_wait3A_586 : memref<1x6400xi32, #tpu.memory_space<vmem>> -> memref<6400xi32, #tpu.memory_space<vmem>>
      %dma_wait3A_588 = tpu.memref_slice %arg2[%run_scoped3A_8, %multiple_of3A] : memref<4x204800xi32, #tpu.memory_space<hbm>> -> memref<1x6400xi32, #tpu.memory_space<hbm>>
      %dma_wait3A_589 = tpu.memref_squeeze %dma_wait3A_588 : memref<1x6400xi32, #tpu.memory_space<hbm>> -> memref<6400xi32, #tpu.memory_space<hbm>>
      tpu.wait_dma2 semaphore(%run_scoped3A_569 : memref<!tpu.dma_semaphore, #tpu.memory_space<semaphore_mem>>) src(%dma_wait3A_589 : memref<6400xi32, #tpu.memory_space<hbm>>) dst(%dma_wait3A_587 : memref<6400xi32, #tpu.memory_space<vmem>>)
      tpu.yield
    }) : () -> ()
    %mul3A_10 = arith.constant 32 : i32
    %mul3A_11 = arith.muli %add3A, %mul3A_10 : i32
    %while3A = arith.constant 0 : i64
    %while3A_12 = arith.constant 0 : i32
    %while3A_13 = arith.constant 25 : i32
    %while3A_14 = arith.subi %while3A_13, %while3A_12 : i32
    %while3A_15 = arith.addi %while3A_12, %while3A_14 : i32
    %while3A_16 = arith.constant 1 : i32
    %while3A_17 = arith.divsi %while3A_14, %while3A_16 : i32
    %while3A_18 = arith.muli %while3A_17, %while3A_16 : i32
    %while3A_19 = arith.addi %while3A_12, %while3A_18 : i32
    %while3A_20 = arith.constant 1 : i32
    scf.for %while3A_569 = %while3A_12 to %while3A_19 step %while3A_20  : i32 {
      %mul3A_570 = arith.constant 16 : i32
      %mul3A_571 = arith.muli %while3A_569, %mul3A_570 : i32
      %add3A_572 = arith.constant 0 : i32
      %add3A_573 = arith.addi %add3A_572, %mul3A_571 : i32
      %broadcast_in_dim3A = arith.constant -2128831035 : i32
      %broadcast_in_dim3A_574 = vector.broadcast %broadcast_in_dim3A : i32 to vector<16xi32>
      %get3A = arith.constant 0 : i32
      %get3A_575 = arith.index_cast %get3A : i32 to index
      %get3A_576 = arith.index_cast %add3A_573 : i32 to index
      %get3A_577 = tpu.vector_load %arg5[%get3A_575, %get3A_576] {strides = array<i32>} : memref<4x6400xi32, #tpu.memory_space<vmem>>, vector<16xi32>,
      %xor3A = arith.xori %broadcast_in_dim3A_574, %get3A_577 : vector<16xi32>
      %mul3A_578 = arith.constant 16777619 : i32
      %mul3A_579 = vector.broadcast %mul3A_578 : i32 to vector<16xi32>
      %mul3A_580 = arith.muli %xor3A, %mul3A_579 : vector<16xi32>
      %get3A_581 = arith.constant 1 : i32
      %get3A_582 = arith.index_cast %get3A_581 : i32 to index
      %get3A_583 = arith.index_cast %add3A_573 : i32 to index
      %get3A_584 = tpu.vector_load %arg5[%get3A_582, %get3A_583] {strides = array<i32>} : memref<4x6400xi32, #tpu.memory_space<vmem>>, vector<16xi32>,
      %xor3A_585 = arith.xori %mul3A_580, %get3A_584 : vector<16xi32>
      %mul3A_586 = arith.constant 16777619 : i32
      %mul3A_587 = vector.broadcast %mul3A_586 : i32 to vector<16xi32>
      %mul3A_588 = arith.muli %xor3A_585, %mul3A_587 : vector<16xi32>
      %get3A_589 = arith.constant 2 : i32
      %get3A_590 = arith.index_cast %get3A_589 : i32 to index
      %get3A_591 = arith.index_cast %add3A_573 : i32 to index
      %get3A_592 = tpu.vector_load %arg5[%get3A_590, %get3A_591] {strides = array<i32>} : memref<4x6400xi32, #tpu.memory_space<vmem>>, vector<16xi32>,
      %xor3A_593 = arith.xori %mul3A_588, %get3A_592 : vector<16xi32>
      %mul3A_594 = arith.constant 16777619 : i32
      %mul3A_595 = vector.broadcast %mul3A_594 : i32 to vector<16xi32>
      %mul3A_596 = arith.muli %xor3A_593, %mul3A_595 : vector<16xi32>
      %get3A_597 = arith.constant 3 : i32
      %get3A_598 = arith.index_cast %get3A_597 : i32 to index
      %get3A_599 = arith.index_cast %add3A_573 : i32 to index
      %get3A_600 = tpu.vector_load %arg5[%get3A_598, %get3A_599] {strides = array<i32>} : memref<4x6400xi32, #tpu.memory_space<vmem>>, vector<16xi32>,
      %xor3A_601 = arith.xori %mul3A_596, %get3A_600 : vector<16xi32>
      %mul3A_602 = arith.constant 16777619 : i32
      %mul3A_603 = vector.broadcast %mul3A_602 : i32 to vector<16xi32>
      %mul3A_604 = arith.muli %xor3A_601, %mul3A_603 : vector<16xi32>
      %and3A = arith.constant 2147483647 : i32
      %and3A_605 = vector.broadcast %and3A : i32 to vector<16xi32>
      %and3A_606 = arith.andi %mul3A_604, %and3A_605 : vector<16xi32>
      %rem3A = arith.constant 500000 : i32
      %rem3A_607 = vector.broadcast %rem3A : i32 to vector<16xi32>
      %rem3A_608 = arith.remsi %and3A_606, %rem3A_607 : vector<16xi32>
      %lt3A = arith.constant 0 : i32
      %lt3A_609 = vector.broadcast %lt3A : i32 to vector<16xi32>
      %lt3A_610 = arith.cmpi slt, %mul3A_604, %lt3A_609 : vector<16xi32>
      %jit3A = arith.constant 483648 : i32
      %jit3A_611 = arith.constant 0 : i32
      %broadcast_in_dim3A_612 = vector.broadcast %jit3A : i32 to vector<16xi32>
      %broadcast_in_dim3A_613 = vector.broadcast %jit3A_611 : i32 to vector<16xi32>
      %select_n3A = arith.select %lt3A_610, %broadcast_in_dim3A_612, %broadcast_in_dim3A_613 : vector<16xi1>, vector<16xi32>
      %add3A_614 = arith.addi %rem3A_608, %select_n3A : vector<16xi32>
      %rem3A_615 = arith.constant 500000 : i32
      %rem3A_616 = vector.broadcast %rem3A_615 : i32 to vector<16xi32>
      %rem3A_617 = arith.remsi %add3A_614, %rem3A_616 : vector<16xi32>
      %mul3A_618 = arith.constant 16 : i32
      %mul3A_619 = arith.muli %while3A_569, %mul3A_618 : i32
      %swap3A = arith.index_cast %mul3A_619 : i32 to index
      %swap3A_620 = tpu.vector_load %arg6[%swap3A] {strides = array<i32>} : memref<400xi32, #tpu.memory_space<vmem>>, vector<16xi32>,
      tpu.vector_store %arg6[%swap3A], %rem3A_617 {strides = array<i32>} : memref<400xi32, #tpu.memory_space<vmem>>, vector<16xi32>,
    }
    %while3A_21 = arith.constant 1 : i32
    scf.for %while3A_569 = %while3A_19 to %while3A_15 step %while3A_21  : i32 {
      %mul3A_570 = arith.constant 16 : i32
      %mul3A_571 = arith.muli %while3A_569, %mul3A_570 : i32
      %add3A_572 = arith.constant 0 : i32
      %add3A_573 = arith.addi %add3A_572, %mul3A_571 : i32
      %broadcast_in_dim3A = arith.constant -2128831035 : i32
      %broadcast_in_dim3A_574 = vector.broadcast %broadcast_in_dim3A : i32 to vector<16xi32>
      %get3A = arith.constant 0 : i32
      %get3A_575 = arith.index_cast %get3A : i32 to index
      %get3A_576 = arith.index_cast %add3A_573 : i32 to index
      %get3A_577 = tpu.vector_load %arg5[%get3A_575, %get3A_576] {strides = array<i32>} : memref<4x6400xi32, #tpu.memory_space<vmem>>, vector<16xi32>,
      %xor3A = arith.xori %broadcast_in_dim3A_574, %get3A_577 : vector<16xi32>
      %mul3A_578 = arith.constant 16777619 : i32
      %mul3A_579 = vector.broadcast %mul3A_578 : i32 to vector<16xi32>
      %mul3A_580 = arith.muli %xor3A, %mul3A_579 : vector<16xi32>
      %get3A_581 = arith.constant 1 : i32
      %get3A_582 = arith.index_cast %get3A_581 : i32 to index
      %get3A_583 = arith.index_cast %add3A_573 : i32 to index
      %get3A_584 = tpu.vector_load %arg5[%get3A_582, %get3A_583] {strides = array<i32>} : memref<4x6400xi32, #tpu.memory_space<vmem>>, vector<16xi32>,
      %xor3A_585 = arith.xori %mul3A_580, %get3A_584 : vector<16xi32>
      %mul3A_586 = arith.constant 16777619 : i32
      %mul3A_587 = vector.broadcast %mul3A_586 : i32 to vector<16xi32>
      %mul3A_588 = arith.muli %xor3A_585, %mul3A_587 : vector<16xi32>
      %get3A_589 = arith.constant 2 : i32
      %get3A_590 = arith.index_cast %get3A_589 : i32 to index
      %get3A_591 = arith.index_cast %add3A_573 : i32 to index
      %get3A_592 = tpu.vector_load %arg5[%get3A_590, %get3A_591] {strides = array<i32>} : memref<4x6400xi32, #tpu.memory_space<vmem>>, vector<16xi32>,
      %xor3A_593 = arith.xori %mul3A_588, %get3A_592 : vector<16xi32>
      %mul3A_594 = arith.constant 16777619 : i32
      %mul3A_595 = vector.broadcast %mul3A_594 : i32 to vector<16xi32>
      %mul3A_596 = arith.muli %xor3A_593, %mul3A_595 : vector<16xi32>
      %get3A_597 = arith.constant 3 : i32
      %get3A_598 = arith.index_cast %get3A_597 : i32 to index
      %get3A_599 = arith.index_cast %add3A_573 : i32 to index
      %get3A_600 = tpu.vector_load %arg5[%get3A_598, %get3A_599] {strides = array<i32>} : memref<4x6400xi32, #tpu.memory_space<vmem>>, vector<16xi32>,
      %xor3A_601 = arith.xori %mul3A_596, %get3A_600 : vector<16xi32>
      %mul3A_602 = arith.constant 16777619 : i32
      %mul3A_603 = vector.broadcast %mul3A_602 : i32 to vector<16xi32>
      %mul3A_604 = arith.muli %xor3A_601, %mul3A_603 : vector<16xi32>
      %and3A = arith.constant 2147483647 : i32
      %and3A_605 = vector.broadcast %and3A : i32 to vector<16xi32>
      %and3A_606 = arith.andi %mul3A_604, %and3A_605 : vector<16xi32>
      %rem3A = arith.constant 500000 : i32
      %rem3A_607 = vector.broadcast %rem3A : i32 to vector<16xi32>
      %rem3A_608 = arith.remsi %and3A_606, %rem3A_607 : vector<16xi32>
      %lt3A = arith.constant 0 : i32
      %lt3A_609 = vector.broadcast %lt3A : i32 to vector<16xi32>
      %lt3A_610 = arith.cmpi slt, %mul3A_604, %lt3A_609 : vector<16xi32>
      %jit3A = arith.constant 483648 : i32
      %jit3A_611 = arith.constant 0 : i32
      %broadcast_in_dim3A_612 = vector.broadcast %jit3A : i32 to vector<16xi32>
      %broadcast_in_dim3A_613 = vector.broadcast %jit3A_611 : i32 to vector<16xi32>
      %select_n3A = arith.select %lt3A_610, %broadcast_in_dim3A_612, %broadcast_in_dim3A_613 : vector<16xi1>, vector<16xi32>
      %add3A_614 = arith.addi %rem3A_608, %select_n3A : vector<16xi32>
      %rem3A_615 = arith.constant 500000 : i32
      %rem3A_616 = vector.broadcast %rem3A_615 : i32 to vector<16xi32>
      %rem3A_617 = arith.remsi %add3A_614, %rem3A_616 : vector<16xi32>
      %mul3A_618 = arith.constant 16 : i32
      %mul3A_619 = arith.muli %while3A_569, %mul3A_618 : i32
      %swap3A = arith.index_cast %mul3A_619 : i32 to index
      %swap3A_620 = tpu.vector_load %arg6[%swap3A] {strides = array<i32>} : memref<400xi32, #tpu.memory_space<vmem>>, vector<16xi32>,
      tpu.vector_store %arg6[%swap3A], %rem3A_617 {strides = array<i32>} : memref<400xi32, #tpu.memory_space<vmem>>, vector<16xi32>,
    }
    %dma_start3A = arith.constant 0 : i32
    %dma_start3A_22 = tpu.memref_slice %arg6[%dma_start3A] : memref<400xi32, #tpu.memory_space<vmem>> -> memref<200xi32, #tpu.memory_space<vmem>>
    %dma_start3A_23 = arith.constant 0 : i32
    %dma_start3A_24 = arith.constant 0 : i32
    %dma_start3A_25 = tpu.memref_slice %arg3[%dma_start3A_23, %dma_start3A_24] : memref<500000x128xf32, #tpu.memory_space<hbm>> -> memref<500000x128xf32, #tpu.memory_space<hbm>>
    tpu.enqueue_indirect_dma source(%dma_start3A_25 : memref<500000x128xf32, #tpu.memory_space<hbm>>) target(%arg8 : memref<200x128xf32, #tpu.memory_space<vmem>>) offsets(%dma_start3A_22 : memref<200xi32, #tpu.memory_space<vmem>>) semaphore(%arg11 : memref<!tpu.dma_semaphore, #tpu.memory_space<semaphore_mem>>)
    %dma_start3A_26 = arith.constant 200 : i32
    %dma_start3A_27 = tpu.memref_slice %arg6[%dma_start3A_26] : memref<400xi32, #tpu.memory_space<vmem>> -> memref<200xi32, #tpu.memory_space<vmem>>
    %dma_start3A_28 = arith.constant 0 : i32
    %dma_start3A_29 = arith.constant 0 : i32
    %dma_start3A_30 = tpu.memref_slice %arg3[%dma_start3A_28, %dma_start3A_29] : memref<500000x128xf32, #tpu.memory_space<hbm>> -> memref<500000x128xf32, #tpu.memory_space<hbm>>
    tpu.enqueue_indirect_dma source(%dma_start3A_30 : memref<500000x128xf32, #tpu.memory_space<hbm>>) target(%arg9 : memref<200x128xf32, #tpu.memory_space<vmem>>) offsets(%dma_start3A_27 : memref<200xi32, #tpu.memory_space<vmem>>) semaphore(%arg12 : memref<!tpu.dma_semaphore, #tpu.memory_space<semaphore_mem>>)
    %while3A_31 = arith.constant 0 : i64
    %while3A_32 = arith.constant 0 : i32
    %while3A_33 = arith.constant 25 : i32
    %while3A_34 = arith.subi %while3A_33, %while3A_32 : i32
    %while3A_35 = arith.addi %while3A_32, %while3A_34 : i32
    %while3A_36 = arith.constant 1 : i32
    %while3A_37 = arith.divsi %while3A_34, %while3A_36 : i32
    %while3A_38 = arith.muli %while3A_37, %while3A_36 : i32
    %while3A_39 = arith.addi %while3A_32, %while3A_38 : i32
    %while3A_40 = arith.constant 1 : i32
    scf.for %while3A_569 = %while3A_32 to %while3A_39 step %while3A_40  : i32 {
      %mul3A_570 = arith.constant 16 : i32
      %mul3A_571 = arith.muli %while3A_569, %mul3A_570 : i32
      %add3A_572 = arith.constant 400 : i32
      %add3A_573 = arith.addi %add3A_572, %mul3A_571 : i32
      %broadcast_in_dim3A = arith.constant -2128831035 : i32
      %broadcast_in_dim3A_574 = vector.broadcast %broadcast_in_dim3A : i32 to vector<16xi32>
      %get3A = arith.constant 0 : i32
      %get3A_575 = arith.index_cast %get3A : i32 to index
      %get3A_576 = arith.index_cast %add3A_573 : i32 to index
      %get3A_577 = tpu.vector_load %arg5[%get3A_575, %get3A_576] {strides = array<i32>} : memref<4x6400xi32, #tpu.memory_space<vmem>>, vector<16xi32>,
      %xor3A = arith.xori %broadcast_in_dim3A_574, %get3A_577 : vector<16xi32>
      %mul3A_578 = arith.constant 16777619 : i32
      %mul3A_579 = vector.broadcast %mul3A_578 : i32 to vector<16xi32>
      %mul3A_580 = arith.muli %xor3A, %mul3A_579 : vector<16xi32>
      %get3A_581 = arith.constant 1 : i32
      %get3A_582 = arith.index_cast %get3A_581 : i32 to index
      %get3A_583 = arith.index_cast %add3A_573 : i32 to index
      %get3A_584 = tpu.vector_load %arg5[%get3A_582, %get3A_583] {strides = array<i32>} : memref<4x6400xi32, #tpu.memory_space<vmem>>, vector<16xi32>,
      %xor3A_585 = arith.xori %mul3A_580, %get3A_584 : vector<16xi32>
      %mul3A_586 = arith.constant 16777619 : i32
      %mul3A_587 = vector.broadcast %mul3A_586 : i32 to vector<16xi32>
      %mul3A_588 = arith.muli %xor3A_585, %mul3A_587 : vector<16xi32>
      %get3A_589 = arith.constant 2 : i32
      %get3A_590 = arith.index_cast %get3A_589 : i32 to index
      %get3A_591 = arith.index_cast %add3A_573 : i32 to index
      %get3A_592 = tpu.vector_load %arg5[%get3A_590, %get3A_591] {strides = array<i32>} : memref<4x6400xi32, #tpu.memory_space<vmem>>, vector<16xi32>,
      %xor3A_593 = arith.xori %mul3A_588, %get3A_592 : vector<16xi32>
      %mul3A_594 = arith.constant 16777619 : i32
      %mul3A_595 = vector.broadcast %mul3A_594 : i32 to vector<16xi32>
      %mul3A_596 = arith.muli %xor3A_593, %mul3A_595 : vector<16xi32>
      %get3A_597 = arith.constant 3 : i32
      %get3A_598 = arith.index_cast %get3A_597 : i32 to index
      %get3A_599 = arith.index_cast %add3A_573 : i32 to index
      %get3A_600 = tpu.vector_load %arg5[%get3A_598, %get3A_599] {strides = array<i32>} : memref<4x6400xi32, #tpu.memory_space<vmem>>, vector<16xi32>,
      %xor3A_601 = arith.xori %mul3A_596, %get3A_600 : vector<16xi32>
      %mul3A_602 = arith.constant 16777619 : i32
      %mul3A_603 = vector.broadcast %mul3A_602 : i32 to vector<16xi32>
      %mul3A_604 = arith.muli %xor3A_601, %mul3A_603 : vector<16xi32>
      %and3A = arith.constant 2147483647 : i32
      %and3A_605 = vector.broadcast %and3A : i32 to vector<16xi32>
      %and3A_606 = arith.andi %mul3A_604, %and3A_605 : vector<16xi32>
      %rem3A = arith.constant 500000 : i32
      %rem3A_607 = vector.broadcast %rem3A : i32 to vector<16xi32>
      %rem3A_608 = arith.remsi %and3A_606, %rem3A_607 : vector<16xi32>
      %lt3A = arith.constant 0 : i32
      %lt3A_609 = vector.broadcast %lt3A : i32 to vector<16xi32>
      %lt3A_610 = arith.cmpi slt, %mul3A_604, %lt3A_609 : vector<16xi32>
      %jit3A = arith.constant 483648 : i32
      %jit3A_611 = arith.constant 0 : i32
      %broadcast_in_dim3A_612 = vector.broadcast %jit3A : i32 to vector<16xi32>
      %broadcast_in_dim3A_613 = vector.broadcast %jit3A_611 : i32 to vector<16xi32>
      %select_n3A = arith.select %lt3A_610, %broadcast_in_dim3A_612, %broadcast_in_dim3A_613 : vector<16xi1>, vector<16xi32>
      %add3A_614 = arith.addi %rem3A_608, %select_n3A : vector<16xi32>
      %rem3A_615 = arith.constant 500000 : i32
      %rem3A_616 = vector.broadcast %rem3A_615 : i32 to vector<16xi32>
      %rem3A_617 = arith.remsi %add3A_614, %rem3A_616 : vector<16xi32>
      %mul3A_618 = arith.constant 16 : i32
      %mul3A_619 = arith.muli %while3A_569, %mul3A_618 : i32
      %swap3A = arith.index_cast %mul3A_619 : i32 to index
      %swap3A_620 = tpu.vector_load %arg7[%swap3A] {strides = array<i32>} : memref<400xi32, #tpu.memory_space<vmem>>, vector<16xi32>,
      tpu.vector_store %arg7[%swap3A], %rem3A_617 {strides = array<i32>} : memref<400xi32, #tpu.memory_space<vmem>>, vector<16xi32>,
    }
    %while3A_41 = arith.constant 1 : i32
    scf.for %while3A_569 = %while3A_39 to %while3A_35 step %while3A_41  : i32 {
      %mul3A_570 = arith.constant 16 : i32
      %mul3A_571 = arith.muli %while3A_569, %mul3A_570 : i32
      %add3A_572 = arith.constant 400 : i32
      %add3A_573 = arith.addi %add3A_572, %mul3A_571 : i32
      %broadcast_in_dim3A = arith.constant -2128831035 : i32
      %broadcast_in_dim3A_574 = vector.broadcast %broadcast_in_dim3A : i32 to vector<16xi32>
      %get3A = arith.constant 0 : i32
      %get3A_575 = arith.index_cast %get3A : i32 to index
      %get3A_576 = arith.index_cast %add3A_573 : i32 to index
      %get3A_577 = tpu.vector_load %arg5[%get3A_575, %get3A_576] {strides = array<i32>} : memref<4x6400xi32, #tpu.memory_space<vmem>>, vector<16xi32>,
      %xor3A = arith.xori %broadcast_in_dim3A_574, %get3A_577 : vector<16xi32>
      %mul3A_578 = arith.constant 16777619 : i32
      %mul3A_579 = vector.broadcast %mul3A_578 : i32 to vector<16xi32>
      %mul3A_580 = arith.muli %xor3A, %mul3A_579 : vector<16xi32>
      %get3A_581 = arith.constant 1 : i32
      %get3A_582 = arith.index_cast %get3A_581 : i32 to index
      %get3A_583 = arith.index_cast %add3A_573 : i32 to index
      %get3A_584 = tpu.vector_load %arg5[%get3A_582, %get3A_583] {strides = array<i32>} : memref<4x6400xi32, #tpu.memory_space<vmem>>, vector<16xi32>,
      %xor3A_585 = arith.xori %mul3A_580, %get3A_584 : vector<16xi32>
      %mul3A_586 = arith.constant 16777619 : i32
      %mul3A_587 = vector.broadcast %mul3A_586 : i32 to vector<16xi32>
      %mul3A_588 = arith.muli %xor3A_585, %mul3A_587 : vector<16xi32>
      %get3A_589 = arith.constant 2 : i32
      %get3A_590 = arith.index_cast %get3A_589 : i32 to index
      %get3A_591 = arith.index_cast %add3A_573 : i32 to index
      %get3A_592 = tpu.vector_load %arg5[%get3A_590, %get3A_591] {strides = array<i32>} : memref<4x6400xi32, #tpu.memory_space<vmem>>, vector<16xi32>,
      %xor3A_593 = arith.xori %mul3A_588, %get3A_592 : vector<16xi32>
      %mul3A_594 = arith.constant 16777619 : i32
      %mul3A_595 = vector.broadcast %mul3A_594 : i32 to vector<16xi32>
      %mul3A_596 = arith.muli %xor3A_593, %mul3A_595 : vector<16xi32>
      %get3A_597 = arith.constant 3 : i32
      %get3A_598 = arith.index_cast %get3A_597 : i32 to index
      %get3A_599 = arith.index_cast %add3A_573 : i32 to index
      %get3A_600 = tpu.vector_load %arg5[%get3A_598, %get3A_599] {strides = array<i32>} : memref<4x6400xi32, #tpu.memory_space<vmem>>, vector<16xi32>,
      %xor3A_601 = arith.xori %mul3A_596, %get3A_600 : vector<16xi32>
      %mul3A_602 = arith.constant 16777619 : i32
      %mul3A_603 = vector.broadcast %mul3A_602 : i32 to vector<16xi32>
      %mul3A_604 = arith.muli %xor3A_601, %mul3A_603 : vector<16xi32>
      %and3A = arith.constant 2147483647 : i32
      %and3A_605 = vector.broadcast %and3A : i32 to vector<16xi32>
      %and3A_606 = arith.andi %mul3A_604, %and3A_605 : vector<16xi32>
      %rem3A = arith.constant 500000 : i32
      %rem3A_607 = vector.broadcast %rem3A : i32 to vector<16xi32>
      %rem3A_608 = arith.remsi %and3A_606, %rem3A_607 : vector<16xi32>
      %lt3A = arith.constant 0 : i32
      %lt3A_609 = vector.broadcast %lt3A : i32 to vector<16xi32>
      %lt3A_610 = arith.cmpi slt, %mul3A_604, %lt3A_609 : vector<16xi32>
      %jit3A = arith.constant 483648 : i32
      %jit3A_611 = arith.constant 0 : i32
      %broadcast_in_dim3A_612 = vector.broadcast %jit3A : i32 to vector<16xi32>
      %broadcast_in_dim3A_613 = vector.broadcast %jit3A_611 : i32 to vector<16xi32>
      %select_n3A = arith.select %lt3A_610, %broadcast_in_dim3A_612, %broadcast_in_dim3A_613 : vector<16xi1>, vector<16xi32>
      %add3A_614 = arith.addi %rem3A_608, %select_n3A : vector<16xi32>
      %rem3A_615 = arith.constant 500000 : i32
      %rem3A_616 = vector.broadcast %rem3A_615 : i32 to vector<16xi32>
      %rem3A_617 = arith.remsi %add3A_614, %rem3A_616 : vector<16xi32>
      %mul3A_618 = arith.constant 16 : i32
      %mul3A_619 = arith.muli %while3A_569, %mul3A_618 : i32
      %swap3A = arith.index_cast %mul3A_619 : i32 to index
      %swap3A_620 = tpu.vector_load %arg7[%swap3A] {strides = array<i32>} : memref<400xi32, #tpu.memory_space<vmem>>, vector<16xi32>,
      tpu.vector_store %arg7[%swap3A], %rem3A_617 {strides = array<i32>} : memref<400xi32, #tpu.memory_space<vmem>>, vector<16xi32>,
    }
    %dma_start3A_42 = arith.constant 0 : i32
    %dma_start3A_43 = tpu.memref_slice %arg7[%dma_start3A_42] : memref<400xi32, #tpu.memory_space<vmem>> -> memref<200xi32, #tpu.memory_space<vmem>>
    %dma_start3A_44 = arith.constant 0 : i32
    %dma_start3A_45 = arith.constant 0 : i32
    %dma_start3A_46 = tpu.memref_slice %arg3[%dma_start3A_44, %dma_start3A_45] : memref<500000x128xf32, #tpu.memory_space<hbm>> -> memref<500000x128xf32, #tpu.memory_space<hbm>>
    tpu.enqueue_indirect_dma source(%dma_start3A_46 : memref<500000x128xf32, #tpu.memory_space<hbm>>) target(%arg10 : memref<200x128xf32, #tpu.memory_space<vmem>>) offsets(%dma_start3A_43 : memref<200xi32, #tpu.memory_space<vmem>>) semaphore(%arg13 : memref<!tpu.dma_semaphore, #tpu.memory_space<semaphore_mem>>)
    %dma_wait3A = arith.constant 0 : i32
    %dma_wait3A_47 = tpu.memref_slice %arg6[%dma_wait3A] : memref<400xi32, #tpu.memory_space<vmem>> -> memref<200xi32, #tpu.memory_space<vmem>>
    %dma_wait3A_48 = arith.constant 0 : i32
    %dma_wait3A_49 = arith.constant 0 : i32
    %dma_wait3A_50 = tpu.memref_slice %arg3[%dma_wait3A_48, %dma_wait3A_49] : memref<500000x128xf32, #tpu.memory_space<hbm>> -> memref<500000x128xf32, #tpu.memory_space<hbm>>
    tpu.wait_indirect_dma semaphore(%arg11 : memref<!tpu.dma_semaphore, #tpu.memory_space<semaphore_mem>>) src(%dma_wait3A_50 : memref<500000x128xf32, #tpu.memory_space<hbm>>) dst(%arg8 : memref<200x128xf32, #tpu.memory_space<vmem>>)
    %add3A_51 = arith.constant 0 : i32
    %add3A_52 = arith.addi %mul3A_11, %add3A_51 : i32
    "tpu.region"() ({
      %run_scoped3A_569 = tpu.sem_alloc : memref<!tpu.dma_semaphore, #tpu.memory_space<semaphore_mem>>
      %dma_start3A_570 = arith.constant 0 : i32
      %dma_start3A_571 = arith.constant 0 : i32
      %dma_start3A_572 = tpu.memref_slice %arg4[%add3A_52, %dma_start3A_570, %dma_start3A_571] : memref<1024x200x128xf32, #tpu.memory_space<hbm>> -> memref<1x200x128xf32, #tpu.memory_space<hbm>>
      %dma_start3A_573 = tpu.memref_squeeze %dma_start3A_572 : memref<1x200x128xf32, #tpu.memory_space<hbm>> -> memref<200x128xf32, #tpu.memory_space<hbm>>
      %dma_start3A_574 = arith.constant 0 : i32
      %dma_start3A_575 = arith.constant 0 : i32
      %dma_start3A_576 = tpu.memref_slice %arg4[%add3A_52, %dma_start3A_574, %dma_start3A_575] : memref<1024x200x128xf32, #tpu.memory_space<hbm>> -> memref<1x200x128xf32, #tpu.memory_space<hbm>>
      %dma_start3A_577 = tpu.memref_squeeze %dma_start3A_576 : memref<1x200x128xf32, #tpu.memory_space<hbm>> -> memref<200x128xf32, #tpu.memory_space<hbm>>
      tpu.enqueue_dma source(%arg8 : memref<200x128xf32, #tpu.memory_space<vmem>>) target(%dma_start3A_577 : memref<200x128xf32, #tpu.memory_space<hbm>>) target_semaphore(%run_scoped3A_569 : memref<!tpu.dma_semaphore, #tpu.memory_space<semaphore_mem>>)
      %dma_wait3A_578 = arith.constant 0 : i32
      %dma_wait3A_579 = arith.constant 0 : i32
      %dma_wait3A_580 = tpu.memref_slice %arg4[%add3A_52, %dma_wait3A_578, %dma_wait3A_579] : memref<1024x200x128xf32, #tpu.memory_space<hbm>> -> memref<1x200x128xf32, #tpu.memory_space<hbm>>
      %dma_wait3A_581 = tpu.memref_squeeze %dma_wait3A_580 : memref<1x200x128xf32, #tpu.memory_space<hbm>> -> memref<200x128xf32, #tpu.memory_space<hbm>>
      %dma_wait3A_582 = arith.constant 0 : i32
      %dma_wait3A_583 = arith.constant 0 : i32
      %dma_wait3A_584 = tpu.memref_slice %arg4[%add3A_52, %dma_wait3A_582, %dma_wait3A_583] : memref<1024x200x128xf32, #tpu.memory_space<hbm>> -> memref<1x200x128xf32, #tpu.memory_space<hbm>>
      %dma_wait3A_585 = tpu.memref_squeeze %dma_wait3A_584 : memref<1x200x128xf32, #tpu.memory_space<hbm>> -> memref<200x128xf32, #tpu.memory_space<hbm>>
      tpu.wait_dma2 semaphore(%run_scoped3A_569 : memref<!tpu.dma_semaphore, #tpu.memory_space<semaphore_mem>>) src(%arg8 : memref<200x128xf32, #tpu.memory_space<vmem>>) dst(%dma_wait3A_585 : memref<200x128xf32, #tpu.memory_space<hbm>>)
      tpu.yield
    }) : () -> ()
    %dma_start3A_53 = arith.constant 200 : i32
    %dma_start3A_54 = tpu.memref_slice %arg7[%dma_start3A_53] : memref<400xi32, #tpu.memory_space<vmem>> -> memref<200xi32, #tpu.memory_space<vmem>>
    %dma_start3A_55 = arith.constant 0 : i32
    %dma_start3A_56 = arith.constant 0 : i32
    %dma_start3A_57 = tpu.memref_slice %arg3[%dma_start3A_55, %dma_start3A_56] : memref<500000x128xf32, #tpu.memory_space<hbm>> -> memref<500000x128xf32, #tpu.memory_space<hbm>>
    tpu.enqueue_indirect_dma source(%dma_start3A_57 : memref<500000x128xf32, #tpu.memory_space<hbm>>) target(%arg8 : memref<200x128xf32, #tpu.memory_space<vmem>>) offsets(%dma_start3A_54 : memref<200xi32, #tpu.memory_space<vmem>>) semaphore(%arg11 : memref<!tpu.dma_semaphore, #tpu.memory_space<semaphore_mem>>)
    %dma_wait3A_58 = arith.constant 200 : i32
    %dma_wait3A_59 = tpu.memref_slice %arg6[%dma_wait3A_58] : memref<400xi32, #tpu.memory_space<vmem>> -> memref<200xi32, #tpu.memory_space<vmem>>
    %dma_wait3A_60 = arith.constant 0 : i32
    %dma_wait3A_61 = arith.constant 0 : i32
    %dma_wait3A_62 = tpu.memref_slice %arg3[%dma_wait3A_60, %dma_wait3A_61] : memref<500000x128xf32, #tpu.memory_space<hbm>> -> memref<500000x128xf32, #tpu.memory_space<hbm>>
    tpu.wait_indirect_dma semaphore(%arg12 : memref<!tpu.dma_semaphore, #tpu.memory_space<semaphore_mem>>) src(%dma_wait3A_62 : memref<500000x128xf32, #tpu.memory_space<hbm>>) dst(%arg9 : memref<200x128xf32, #tpu.memory_space<vmem>>)
    %add3A_63 = arith.constant 1 : i32
    %add3A_64 = arith.addi %mul3A_11, %add3A_63 : i32
    "tpu.region"() ({
      %run_scoped3A_569 = tpu.sem_alloc : memref<!tpu.dma_semaphore, #tpu.memory_space<semaphore_mem>>
      %dma_start3A_570 = arith.constant 0 : i32
      %dma_start3A_571 = arith.constant 0 : i32
      %dma_start3A_572 = tpu.memref_slice %arg4[%add3A_64, %dma_start3A_570, %dma_start3A_571] : memref<1024x200x128xf32, #tpu.memory_space<hbm>> -> memref<1x200x128xf32, #tpu.memory_space<hbm>>
      %dma_start3A_573 = tpu.memref_squeeze %dma_start3A_572 : memref<1x200x128xf32, #tpu.memory_space<hbm>> -> memref<200x128xf32, #tpu.memory_space<hbm>>
      %dma_start3A_574 = arith.constant 0 : i32
      %dma_start3A_575 = arith.constant 0 : i32
      %dma_start3A_576 = tpu.memref_slice %arg4[%add3A_64, %dma_start3A_574, %dma_start3A_575] : memref<1024x200x128xf32, #tpu.memory_space<hbm>> -> memref<1x200x128xf32, #tpu.memory_space<hbm>>
      %dma_start3A_577 = tpu.memref_squeeze %dma_start3A_576 : memref<1x200x128xf32, #tpu.memory_space<hbm>> -> memref<200x128xf32, #tpu.memory_space<hbm>>
      tpu.enqueue_dma source(%arg9 : memref<200x128xf32, #tpu.memory_space<vmem>>) target(%dma_start3A_577 : memref<200x128xf32, #tpu.memory_space<hbm>>) target_semaphore(%run_scoped3A_569 : memref<!tpu.dma_semaphore, #tpu.memory_space<semaphore_mem>>)
      %dma_wait3A_578 = arith.constant 0 : i32
      %dma_wait3A_579 = arith.constant 0 : i32
      %dma_wait3A_580 = tpu.memref_slice %arg4[%add3A_64, %dma_wait3A_578, %dma_wait3A_579] : memref<1024x200x128xf32, #tpu.memory_space<hbm>> -> memref<1x200x128xf32, #tpu.memory_space<hbm>>
      %dma_wait3A_581 = tpu.memref_squeeze %dma_wait3A_580 : memref<1x200x128xf32, #tpu.memory_space<hbm>> -> memref<200x128xf32, #tpu.memory_space<hbm>>
      %dma_wait3A_582 = arith.constant 0 : i32
      %dma_wait3A_583 = arith.constant 0 : i32
      %dma_wait3A_584 = tpu.memref_slice %arg4[%add3A_64, %dma_wait3A_582, %dma_wait3A_583] : memref<1024x200x128xf32, #tpu.memory_space<hbm>> -> memref<1x200x128xf32, #tpu.memory_space<hbm>>
      %dma_wait3A_585 = tpu.memref_squeeze %dma_wait3A_584 : memref<1x200x128xf32, #tpu.memory_space<hbm>> -> memref<200x128xf32, #tpu.memory_space<hbm>>
      tpu.wait_dma2 semaphore(%run_scoped3A_569 : memref<!tpu.dma_semaphore, #tpu.memory_space<semaphore_mem>>) src(%arg9 : memref<200x128xf32, #tpu.memory_space<vmem>>) dst(%dma_wait3A_585 : memref<200x128xf32, #tpu.memory_space<hbm>>)
      tpu.yield
    }) : () -> ()
    %while3A_65 = arith.constant 0 : i64
    %while3A_66 = arith.constant 0 : i32
    %while3A_67 = arith.constant 25 : i32
    %while3A_68 = arith.subi %while3A_67, %while3A_66 : i32
    %while3A_69 = arith.addi %while3A_66, %while3A_68 : i32
    %while3A_70 = arith.constant 1 : i32
    %while3A_71 = arith.divsi %while3A_68, %while3A_70 : i32
    %while3A_72 = arith.muli %while3A_71, %while3A_70 : i32
    %while3A_73 = arith.addi %while3A_66, %while3A_72 : i32
    %while3A_74 = arith.constant 1 : i32
    scf.for %while3A_569 = %while3A_66 to %while3A_73 step %while3A_74  : i32 {
      %mul3A_570 = arith.constant 16 : i32
      %mul3A_571 = arith.muli %while3A_569, %mul3A_570 : i32
      %add3A_572 = arith.constant 800 : i32
      %add3A_573 = arith.addi %add3A_572, %mul3A_571 : i32
      %broadcast_in_dim3A = arith.constant -2128831035 : i32
      %broadcast_in_dim3A_574 = vector.broadcast %broadcast_in_dim3A : i32 to vector<16xi32>
      %get3A = arith.constant 0 : i32
      %get3A_575 = arith.index_cast %get3A : i32 to index
      %get3A_576 = arith.index_cast %add3A_573 : i32 to index
      %get3A_577 = tpu.vector_load %arg5[%get3A_575, %get3A_576] {strides = array<i32>} : memref<4x6400xi32, #tpu.memory_space<vmem>>, vector<16xi32>,
      %xor3A = arith.xori %broadcast_in_dim3A_574, %get3A_577 : vector<16xi32>
      %mul3A_578 = arith.constant 16777619 : i32
      %mul3A_579 = vector.broadcast %mul3A_578 : i32 to vector<16xi32>
      %mul3A_580 = arith.muli %xor3A, %mul3A_579 : vector<16xi32>
      %get3A_581 = arith.constant 1 : i32
      %get3A_582 = arith.index_cast %get3A_581 : i32 to index
      %get3A_583 = arith.index_cast %add3A_573 : i32 to index
      %get3A_584 = tpu.vector_load %arg5[%get3A_582, %get3A_583] {strides = array<i32>} : memref<4x6400xi32, #tpu.memory_space<vmem>>, vector<16xi32>,
      %xor3A_585 = arith.xori %mul3A_580, %get3A_584 : vector<16xi32>
      %mul3A_586 = arith.constant 16777619 : i32
      %mul3A_587 = vector.broadcast %mul3A_586 : i32 to vector<16xi32>
      %mul3A_588 = arith.muli %xor3A_585, %mul3A_587 : vector<16xi32>
      %get3A_589 = arith.constant 2 : i32
      %get3A_590 = arith.index_cast %get3A_589 : i32 to index
      %get3A_591 = arith.index_cast %add3A_573 : i32 to index
      %get3A_592 = tpu.vector_load %arg5[%get3A_590, %get3A_591] {strides = array<i32>} : memref<4x6400xi32, #tpu.memory_space<vmem>>, vector<16xi32>,
      %xor3A_593 = arith.xori %mul3A_588, %get3A_592 : vector<16xi32>
      %mul3A_594 = arith.constant 16777619 : i32
      %mul3A_595 = vector.broadcast %mul3A_594 : i32 to vector<16xi32>
      %mul3A_596 = arith.muli %xor3A_593, %mul3A_595 : vector<16xi32>
      %get3A_597 = arith.constant 3 : i32
      %get3A_598 = arith.index_cast %get3A_597 : i32 to index
      %get3A_599 = arith.index_cast %add3A_573 : i32 to index
      %get3A_600 = tpu.vector_load %arg5[%get3A_598, %get3A_599] {strides = array<i32>} : memref<4x6400xi32, #tpu.memory_space<vmem>>, vector<16xi32>,
      %xor3A_601 = arith.xori %mul3A_596, %get3A_600 : vector<16xi32>
      %mul3A_602 = arith.constant 16777619 : i32
      %mul3A_603 = vector.broadcast %mul3A_602 : i32 to vector<16xi32>
      %mul3A_604 = arith.muli %xor3A_601, %mul3A_603 : vector<16xi32>
      %and3A = arith.constant 2147483647 : i32
      %and3A_605 = vector.broadcast %and3A : i32 to vector<16xi32>
      %and3A_606 = arith.andi %mul3A_604, %and3A_605 : vector<16xi32>
      %rem3A = arith.constant 500000 : i32
      %rem3A_607 = vector.broadcast %rem3A : i32 to vector<16xi32>
      %rem3A_608 = arith.remsi %and3A_606, %rem3A_607 : vector<16xi32>
      %lt3A = arith.constant 0 : i32
      %lt3A_609 = vector.broadcast %lt3A : i32 to vector<16xi32>
      %lt3A_610 = arith.cmpi slt, %mul3A_604, %lt3A_609 : vector<16xi32>
      %jit3A = arith.constant 483648 : i32
      %jit3A_611 = arith.constant 0 : i32
      %broadcast_in_dim3A_612 = vector.broadcast %jit3A : i32 to vector<16xi32>
      %broadcast_in_dim3A_613 = vector.broadcast %jit3A_611 : i32 to vector<16xi32>
      %select_n3A = arith.select %lt3A_610, %broadcast_in_dim3A_612, %broadcast_in_dim3A_613 : vector<16xi1>, vector<16xi32>
      %add3A_614 = arith.addi %rem3A_608, %select_n3A : vector<16xi32>
      %rem3A_615 = arith.constant 500000 : i32
      %rem3A_616 = vector.broadcast %rem3A_615 : i32 to vector<16xi32>
      %rem3A_617 = arith.remsi %add3A_614, %rem3A_616 : vector<16xi32>
      %mul3A_618 = arith.constant 16 : i32
      %mul3A_619 = arith.muli %while3A_569, %mul3A_618 : i32
      %swap3A = arith.index_cast %mul3A_619 : i32 to index
      %swap3A_620 = tpu.vector_load %arg6[%swap3A] {strides = array<i32>} : memref<400xi32, #tpu.memory_space<vmem>>, vector<16xi32>,
      tpu.vector_store %arg6[%swap3A], %rem3A_617 {strides = array<i32>} : memref<400xi32, #tpu.memory_space<vmem>>, vector<16xi32>,
    }
    %while3A_75 = arith.constant 1 : i32
    scf.for %while3A_569 = %while3A_73 to %while3A_69 step %while3A_75  : i32 {
      %mul3A_570 = arith.constant 16 : i32
      %mul3A_571 = arith.muli %while3A_569, %mul3A_570 : i32
      %add3A_572 = arith.constant 800 : i32
      %add3A_573 = arith.addi %add3A_572, %mul3A_571 : i32
      %broadcast_in_dim3A = arith.constant -2128831035 : i32
      %broadcast_in_dim3A_574 = vector.broadcast %broadcast_in_dim3A : i32 to vector<16xi32>
      %get3A = arith.constant 0 : i32
      %get3A_575 = arith.index_cast %get3A : i32 to index
      %get3A_576 = arith.index_cast %add3A_573 : i32 to index
      %get3A_577 = tpu.vector_load %arg5[%get3A_575, %get3A_576] {strides = array<i32>} : memref<4x6400xi32, #tpu.memory_space<vmem>>, vector<16xi32>,
      %xor3A = arith.xori %broadcast_in_dim3A_574, %get3A_577 : vector<16xi32>
      %mul3A_578 = arith.constant 16777619 : i32
      %mul3A_579 = vector.broadcast %mul3A_578 : i32 to vector<16xi32>
      %mul3A_580 = arith.muli %xor3A, %mul3A_579 : vector<16xi32>
      %get3A_581 = arith.constant 1 : i32
      %get3A_582 = arith.index_cast %get3A_581 : i32 to index
      %get3A_583 = arith.index_cast %add3A_573 : i32 to index
      %get3A_584 = tpu.vector_load %arg5[%get3A_582, %get3A_583] {strides = array<i32>} : memref<4x6400xi32, #tpu.memory_space<vmem>>, vector<16xi32>,
      %xor3A_585 = arith.xori %mul3A_580, %get3A_584 : vector<16xi32>
      %mul3A_586 = arith.constant 16777619 : i32
      %mul3A_587 = vector.broadcast %mul3A_586 : i32 to vector<16xi32>
      %mul3A_588 = arith.muli %xor3A_585, %mul3A_587 : vector<16xi32>
      %get3A_589 = arith.constant 2 : i32
      %get3A_590 = arith.index_cast %get3A_589 : i32 to index
      %get3A_591 = arith.index_cast %add3A_573 : i32 to index
      %get3A_592 = tpu.vector_load %arg5[%get3A_590, %get3A_591] {strides = array<i32>} : memref<4x6400xi32, #tpu.memory_space<vmem>>, vector<16xi32>,
      %xor3A_593 = arith.xori %mul3A_588, %get3A_592 : vector<16xi32>
      %mul3A_594 = arith.constant 16777619 : i32
      %mul3A_595 = vector.broadcast %mul3A_594 : i32 to vector<16xi32>
      %mul3A_596 = arith.muli %xor3A_593, %mul3A_595 : vector<16xi32>
      %get3A_597 = arith.constant 3 : i32
      %get3A_598 = arith.index_cast %get3A_597 : i32 to index
      %get3A_599 = arith.index_cast %add3A_573 : i32 to index
      %get3A_600 = tpu.vector_load %arg5[%get3A_598, %get3A_599] {strides = array<i32>} : memref<4x6400xi32, #tpu.memory_space<vmem>>, vector<16xi32>,
      %xor3A_601 = arith.xori %mul3A_596, %get3A_600 : vector<16xi32>
      %mul3A_602 = arith.constant 16777619 : i32
      %mul3A_603 = vector.broadcast %mul3A_602 : i32 to vector<16xi32>
      %mul3A_604 = arith.muli %xor3A_601, %mul3A_603 : vector<16xi32>
      %and3A = arith.constant 2147483647 : i32
      %and3A_605 = vector.broadcast %and3A : i32 to vector<16xi32>
      %and3A_606 = arith.andi %mul3A_604, %and3A_605 : vector<16xi32>
      %rem3A = arith.constant 500000 : i32
      %rem3A_607 = vector.broadcast %rem3A : i32 to vector<16xi32>
      %rem3A_608 = arith.remsi %and3A_606, %rem3A_607 : vector<16xi32>
      %lt3A = arith.constant 0 : i32
      %lt3A_609 = vector.broadcast %lt3A : i32 to vector<16xi32>
      %lt3A_610 = arith.cmpi slt, %mul3A_604, %lt3A_609 : vector<16xi32>
      %jit3A = arith.constant 483648 : i32
      %jit3A_611 = arith.constant 0 : i32
      %broadcast_in_dim3A_612 = vector.broadcast %jit3A : i32 to vector<16xi32>
      %broadcast_in_dim3A_613 = vector.broadcast %jit3A_611 : i32 to vector<16xi32>
      %select_n3A = arith.select %lt3A_610, %broadcast_in_dim3A_612, %broadcast_in_dim3A_613 : vector<16xi1>, vector<16xi32>
      %add3A_614 = arith.addi %rem3A_608, %select_n3A : vector<16xi32>
      %rem3A_615 = arith.constant 500000 : i32
      %rem3A_616 = vector.broadcast %rem3A_615 : i32 to vector<16xi32>
      %rem3A_617 = arith.remsi %add3A_614, %rem3A_616 : vector<16xi32>
      %mul3A_618 = arith.constant 16 : i32
      %mul3A_619 = arith.muli %while3A_569, %mul3A_618 : i32
      %swap3A = arith.index_cast %mul3A_619 : i32 to index
      %swap3A_620 = tpu.vector_load %arg6[%swap3A] {strides = array<i32>} : memref<400xi32, #tpu.memory_space<vmem>>, vector<16xi32>,
      tpu.vector_store %arg6[%swap3A], %rem3A_617 {strides = array<i32>} : memref<400xi32, #tpu.memory_space<vmem>>, vector<16xi32>,
    }
    %dma_start3A_76 = arith.constant 0 : i32
    %dma_start3A_77 = tpu.memref_slice %arg6[%dma_start3A_76] : memref<400xi32, #tpu.memory_space<vmem>> -> memref<200xi32, #tpu.memory_space<vmem>>
    %dma_start3A_78 = arith.constant 0 : i32
    %dma_start3A_79 = arith.constant 0 : i32
    %dma_start3A_80 = tpu.memref_slice %arg3[%dma_start3A_78, %dma_start3A_79] : memref<500000x128xf32, #tpu.memory_space<hbm>> -> memref<500000x128xf32, #tpu.memory_space<hbm>>
    tpu.enqueue_indirect_dma source(%dma_start3A_80 : memref<500000x128xf32, #tpu.memory_space<hbm>>) target(%arg9 : memref<200x128xf32, #tpu.memory_space<vmem>>) offsets(%dma_start3A_77 : memref<200xi32, #tpu.memory_space<vmem>>) semaphore(%arg12 : memref<!tpu.dma_semaphore, #tpu.memory_space<semaphore_mem>>)
    %dma_wait3A_81 = arith.constant 0 : i32
    %dma_wait3A_82 = tpu.memref_slice %arg7[%dma_wait3A_81] : memref<400xi32, #tpu.memory_space<vmem>> -> memref<200xi32, #tpu.memory_space<vmem>>
    %dma_wait3A_83 = arith.constant 0 : i32
    %dma_wait3A_84 = arith.constant 0 : i32
    %dma_wait3A_85 = tpu.memref_slice %arg3[%dma_wait3A_83, %dma_wait3A_84] : memref<500000x128xf32, #tpu.memory_space<hbm>> -> memref<500000x128xf32, #tpu.memory_space<hbm>>
    tpu.wait_indirect_dma semaphore(%arg13 : memref<!tpu.dma_semaphore, #tpu.memory_space<semaphore_mem>>) src(%dma_wait3A_85 : memref<500000x128xf32, #tpu.memory_space<hbm>>) dst(%arg10 : memref<200x128xf32, #tpu.memory_space<vmem>>)
    %add3A_86 = arith.constant 2 : i32
    %add3A_87 = arith.addi %mul3A_11, %add3A_86 : i32
    "tpu.region"() ({
      %run_scoped3A_569 = tpu.sem_alloc : memref<!tpu.dma_semaphore, #tpu.memory_space<semaphore_mem>>
      %dma_start3A_570 = arith.constant 0 : i32
      %dma_start3A_571 = arith.constant 0 : i32
      %dma_start3A_572 = tpu.memref_slice %arg4[%add3A_87, %dma_start3A_570, %dma_start3A_571] : memref<1024x200x128xf32, #tpu.memory_space<hbm>> -> memref<1x200x128xf32, #tpu.memory_space<hbm>>
      %dma_start3A_573 = tpu.memref_squeeze %dma_start3A_572 : memref<1x200x128xf32, #tpu.memory_space<hbm>> -> memref<200x128xf32, #tpu.memory_space<hbm>>
      %dma_start3A_574 = arith.constant 0 : i32
      %dma_start3A_575 = arith.constant 0 : i32
      %dma_start3A_576 = tpu.memref_slice %arg4[%add3A_87, %dma_start3A_574, %dma_start3A_575] : memref<1024x200x128xf32, #tpu.memory_space<hbm>> -> memref<1x200x128xf32, #tpu.memory_space<hbm>>
      %dma_start3A_577 = tpu.memref_squeeze %dma_start3A_576 : memref<1x200x128xf32, #tpu.memory_space<hbm>> -> memref<200x128xf32, #tpu.memory_space<hbm>>
      tpu.enqueue_dma source(%arg10 : memref<200x128xf32, #tpu.memory_space<vmem>>) target(%dma_start3A_577 : memref<200x128xf32, #tpu.memory_space<hbm>>) target_semaphore(%run_scoped3A_569 : memref<!tpu.dma_semaphore, #tpu.memory_space<semaphore_mem>>)
      %dma_wait3A_578 = arith.constant 0 : i32
      %dma_wait3A_579 = arith.constant 0 : i32
      %dma_wait3A_580 = tpu.memref_slice %arg4[%add3A_87, %dma_wait3A_578, %dma_wait3A_579] : memref<1024x200x128xf32, #tpu.memory_space<hbm>> -> memref<1x200x128xf32, #tpu.memory_space<hbm>>
      %dma_wait3A_581 = tpu.memref_squeeze %dma_wait3A_580 : memref<1x200x128xf32, #tpu.memory_space<hbm>> -> memref<200x128xf32, #tpu.memory_space<hbm>>
      %dma_wait3A_582 = arith.constant 0 : i32
      %dma_wait3A_583 = arith.constant 0 : i32
      %dma_wait3A_584 = tpu.memref_slice %arg4[%add3A_87, %dma_wait3A_582, %dma_wait3A_583] : memref<1024x200x128xf32, #tpu.memory_space<hbm>> -> memref<1x200x128xf32, #tpu.memory_space<hbm>>
      %dma_wait3A_585 = tpu.memref_squeeze %dma_wait3A_584 : memref<1x200x128xf32, #tpu.memory_space<hbm>> -> memref<200x128xf32, #tpu.memory_space<hbm>>
      tpu.wait_dma2 semaphore(%run_scoped3A_569 : memref<!tpu.dma_semaphore, #tpu.memory_space<semaphore_mem>>) src(%arg10 : memref<200x128xf32, #tpu.memory_space<vmem>>) dst(%dma_wait3A_585 : memref<200x128xf32, #tpu.memory_space<hbm>>)
      tpu.yield
    }) : () -> ()
    %dma_start3A_88 = arith.constant 200 : i32
    %dma_start3A_89 = tpu.memref_slice %arg6[%dma_start3A_88] : memref<400xi32, #tpu.memory_space<vmem>> -> memref<200xi32, #tpu.memory_space<vmem>>
    %dma_start3A_90 = arith.constant 0 : i32
    %dma_start3A_91 = arith.constant 0 : i32
    %dma_start3A_92 = tpu.memref_slice %arg3[%dma_start3A_90, %dma_start3A_91] : memref<500000x128xf32, #tpu.memory_space<hbm>> -> memref<500000x128xf32, #tpu.memory_space<hbm>>
    tpu.enqueue_indirect_dma source(%dma_start3A_92 : memref<500000x128xf32, #tpu.memory_space<hbm>>) target(%arg10 : memref<200x128xf32, #tpu.memory_space<vmem>>) offsets(%dma_start3A_89 : memref<200xi32, #tpu.memory_space<vmem>>) semaphore(%arg13 : memref<!tpu.dma_semaphore, #tpu.memory_space<semaphore_mem>>)
    %dma_wait3A_93 = arith.constant 200 : i32
    %dma_wait3A_94 = tpu.memref_slice %arg7[%dma_wait3A_93] : memref<400xi32, #tpu.memory_space<vmem>> -> memref<200xi32, #tpu.memory_space<vmem>>
    %dma_wait3A_95 = arith.constant 0 : i32
    %dma_wait3A_96 = arith.constant 0 : i32
    %dma_wait3A_97 = tpu.memref_slice %arg3[%dma_wait3A_95, %dma_wait3A_96] : memref<500000x128xf32, #tpu.memory_space<hbm>> -> memref<500000x128xf32, #tpu.memory_space<hbm>>
    tpu.wait_indirect_dma semaphore(%arg11 : memref<!tpu.dma_semaphore, #tpu.memory_space<semaphore_mem>>) src(%dma_wait3A_97 : memref<500000x128xf32, #tpu.memory_space<hbm>>) dst(%arg8 : memref<200x128xf32, #tpu.memory_space<vmem>>)
    %add3A_98 = arith.constant 3 : i32
    %add3A_99 = arith.addi %mul3A_11, %add3A_98 : i32
    "tpu.region"() ({
      %run_scoped3A_569 = tpu.sem_alloc : memref<!tpu.dma_semaphore, #tpu.memory_space<semaphore_mem>>
      %dma_start3A_570 = arith.constant 0 : i32
      %dma_start3A_571 = arith.constant 0 : i32
      %dma_start3A_572 = tpu.memref_slice %arg4[%add3A_99, %dma_start3A_570, %dma_start3A_571] : memref<1024x200x128xf32, #tpu.memory_space<hbm>> -> memref<1x200x128xf32, #tpu.memory_space<hbm>>
      %dma_start3A_573 = tpu.memref_squeeze %dma_start3A_572 : memref<1x200x128xf32, #tpu.memory_space<hbm>> -> memref<200x128xf32, #tpu.memory_space<hbm>>
      %dma_start3A_574 = arith.constant 0 : i32
      %dma_start3A_575 = arith.constant 0 : i32
      %dma_start3A_576 = tpu.memref_slice %arg4[%add3A_99, %dma_start3A_574, %dma_start3A_575] : memref<1024x200x128xf32, #tpu.memory_space<hbm>> -> memref<1x200x128xf32, #tpu.memory_space<hbm>>
      %dma_start3A_577 = tpu.memref_squeeze %dma_start3A_576 : memref<1x200x128xf32, #tpu.memory_space<hbm>> -> memref<200x128xf32, #tpu.memory_space<hbm>>
      tpu.enqueue_dma source(%arg8 : memref<200x128xf32, #tpu.memory_space<vmem>>) target(%dma_start3A_577 : memref<200x128xf32, #tpu.memory_space<hbm>>) target_semaphore(%run_scoped3A_569 : memref<!tpu.dma_semaphore, #tpu.memory_space<semaphore_mem>>)
      %dma_wait3A_578 = arith.constant 0 : i32
      %dma_wait3A_579 = arith.constant 0 : i32
      %dma_wait3A_580 = tpu.memref_slice %arg4[%add3A_99, %dma_wait3A_578, %dma_wait3A_579] : memref<1024x200x128xf32, #tpu.memory_space<hbm>> -> memref<1x200x128xf32, #tpu.memory_space<hbm>>
      %dma_wait3A_581 = tpu.memref_squeeze %dma_wait3A_580 : memref<1x200x128xf32, #tpu.memory_space<hbm>> -> memref<200x128xf32, #tpu.memory_space<hbm>>
      %dma_wait3A_582 = arith.constant 0 : i32
      %dma_wait3A_583 = arith.constant 0 : i32
      %dma_wait3A_584 = tpu.memref_slice %arg4[%add3A_99, %dma_wait3A_582, %dma_wait3A_583] : memref<1024x200x128xf32, #tpu.memory_space<hbm>> -> memref<1x200x128xf32, #tpu.memory_space<hbm>>
      %dma_wait3A_585 = tpu.memref_squeeze %dma_wait3A_584 : memref<1x200x128xf32, #tpu.memory_space<hbm>> -> memref<200x128xf32, #tpu.memory_space<hbm>>
      tpu.wait_dma2 semaphore(%run_scoped3A_569 : memref<!tpu.dma_semaphore, #tpu.memory_space<semaphore_mem>>) src(%arg8 : memref<200x128xf32, #tpu.memory_space<vmem>>) dst(%dma_wait3A_585 : memref<200x128xf32, #tpu.memory_space<hbm>>)
      tpu.yield
    }) : () -> ()
    %while3A_100 = arith.constant 0 : i64
    %while3A_101 = arith.constant 0 : i32
    %while3A_102 = arith.constant 25 : i32
    %while3A_103 = arith.subi %while3A_102, %while3A_101 : i32
    %while3A_104 = arith.addi %while3A_101, %while3A_103 : i32
    %while3A_105 = arith.constant 1 : i32
    %while3A_106 = arith.divsi %while3A_103, %while3A_105 : i32
    %while3A_107 = arith.muli %while3A_106, %while3A_105 : i32
    %while3A_108 = arith.addi %while3A_101, %while3A_107 : i32
    %while3A_109 = arith.constant 1 : i32
    scf.for %while3A_569 = %while3A_101 to %while3A_108 step %while3A_109  : i32 {
      %mul3A_570 = arith.constant 16 : i32
      %mul3A_571 = arith.muli %while3A_569, %mul3A_570 : i32
      %add3A_572 = arith.constant 1200 : i32
      %add3A_573 = arith.addi %add3A_572, %mul3A_571 : i32
      %broadcast_in_dim3A = arith.constant -2128831035 : i32
      %broadcast_in_dim3A_574 = vector.broadcast %broadcast_in_dim3A : i32 to vector<16xi32>
      %get3A = arith.constant 0 : i32
      %get3A_575 = arith.index_cast %get3A : i32 to index
      %get3A_576 = arith.index_cast %add3A_573 : i32 to index
      %get3A_577 = tpu.vector_load %arg5[%get3A_575, %get3A_576] {strides = array<i32>} : memref<4x6400xi32, #tpu.memory_space<vmem>>, vector<16xi32>,
      %xor3A = arith.xori %broadcast_in_dim3A_574, %get3A_577 : vector<16xi32>
      %mul3A_578 = arith.constant 16777619 : i32
      %mul3A_579 = vector.broadcast %mul3A_578 : i32 to vector<16xi32>
      %mul3A_580 = arith.muli %xor3A, %mul3A_579 : vector<16xi32>
      %get3A_581 = arith.constant 1 : i32
      %get3A_582 = arith.index_cast %get3A_581 : i32 to index
      %get3A_583 = arith.index_cast %add3A_573 : i32 to index
      %get3A_584 = tpu.vector_load %arg5[%get3A_582, %get3A_583] {strides = array<i32>} : memref<4x6400xi32, #tpu.memory_space<vmem>>, vector<16xi32>,
      %xor3A_585 = arith.xori %mul3A_580, %get3A_584 : vector<16xi32>
      %mul3A_586 = arith.constant 16777619 : i32
      %mul3A_587 = vector.broadcast %mul3A_586 : i32 to vector<16xi32>
      %mul3A_588 = arith.muli %xor3A_585, %mul3A_587 : vector<16xi32>
      %get3A_589 = arith.constant 2 : i32
      %get3A_590 = arith.index_cast %get3A_589 : i32 to index
      %get3A_591 = arith.index_cast %add3A_573 : i32 to index
      %get3A_592 = tpu.vector_load %arg5[%get3A_590, %get3A_591] {strides = array<i32>} : memref<4x6400xi32, #tpu.memory_space<vmem>>, vector<16xi32>,
      %xor3A_593 = arith.xori %mul3A_588, %get3A_592 : vector<16xi32>
      %mul3A_594 = arith.constant 16777619 : i32
      %mul3A_595 = vector.broadcast %mul3A_594 : i32 to vector<16xi32>
      %mul3A_596 = arith.muli %xor3A_593, %mul3A_595 : vector<16xi32>
      %get3A_597 = arith.constant 3 : i32
      %get3A_598 = arith.index_cast %get3A_597 : i32 to index
      %get3A_599 = arith.index_cast %add3A_573 : i32 to index
      %get3A_600 = tpu.vector_load %arg5[%get3A_598, %get3A_599] {strides = array<i32>} : memref<4x6400xi32, #tpu.memory_space<vmem>>, vector<16xi32>,
      %xor3A_601 = arith.xori %mul3A_596, %get3A_600 : vector<16xi32>
      %mul3A_602 = arith.constant 16777619 : i32
      %mul3A_603 = vector.broadcast %mul3A_602 : i32 to vector<16xi32>
      %mul3A_604 = arith.muli %xor3A_601, %mul3A_603 : vector<16xi32>
      %and3A = arith.constant 2147483647 : i32
      %and3A_605 = vector.broadcast %and3A : i32 to vector<16xi32>
      %and3A_606 = arith.andi %mul3A_604, %and3A_605 : vector<16xi32>
      %rem3A = arith.constant 500000 : i32
      %rem3A_607 = vector.broadcast %rem3A : i32 to vector<16xi32>
      %rem3A_608 = arith.remsi %and3A_606, %rem3A_607 : vector<16xi32>
      %lt3A = arith.constant 0 : i32
      %lt3A_609 = vector.broadcast %lt3A : i32 to vector<16xi32>
      %lt3A_610 = arith.cmpi slt, %mul3A_604, %lt3A_609 : vector<16xi32>
      %jit3A = arith.constant 483648 : i32
      %jit3A_611 = arith.constant 0 : i32
      %broadcast_in_dim3A_612 = vector.broadcast %jit3A : i32 to vector<16xi32>
      %broadcast_in_dim3A_613 = vector.broadcast %jit3A_611 : i32 to vector<16xi32>
      %select_n3A = arith.select %lt3A_610, %broadcast_in_dim3A_612, %broadcast_in_dim3A_613 : vector<16xi1>, vector<16xi32>
      %add3A_614 = arith.addi %rem3A_608, %select_n3A : vector<16xi32>
      %rem3A_615 = arith.constant 500000 : i32
      %rem3A_616 = vector.broadcast %rem3A_615 : i32 to vector<16xi32>
      %rem3A_617 = arith.remsi %add3A_614, %rem3A_616 : vector<16xi32>
      %mul3A_618 = arith.constant 16 : i32
      %mul3A_619 = arith.muli %while3A_569, %mul3A_618 : i32
      %swap3A = arith.index_cast %mul3A_619 : i32 to index
      %swap3A_620 = tpu.vector_load %arg7[%swap3A] {strides = array<i32>} : memref<400xi32, #tpu.memory_space<vmem>>, vector<16xi32>,
      tpu.vector_store %arg7[%swap3A], %rem3A_617 {strides = array<i32>} : memref<400xi32, #tpu.memory_space<vmem>>, vector<16xi32>,
    }
    %while3A_110 = arith.constant 1 : i32
    scf.for %while3A_569 = %while3A_108 to %while3A_104 step %while3A_110  : i32 {
      %mul3A_570 = arith.constant 16 : i32
      %mul3A_571 = arith.muli %while3A_569, %mul3A_570 : i32
      %add3A_572 = arith.constant 1200 : i32
      %add3A_573 = arith.addi %add3A_572, %mul3A_571 : i32
      %broadcast_in_dim3A = arith.constant -2128831035 : i32
      %broadcast_in_dim3A_574 = vector.broadcast %broadcast_in_dim3A : i32 to vector<16xi32>
      %get3A = arith.constant 0 : i32
      %get3A_575 = arith.index_cast %get3A : i32 to index
      %get3A_576 = arith.index_cast %add3A_573 : i32 to index
      %get3A_577 = tpu.vector_load %arg5[%get3A_575, %get3A_576] {strides = array<i32>} : memref<4x6400xi32, #tpu.memory_space<vmem>>, vector<16xi32>,
      %xor3A = arith.xori %broadcast_in_dim3A_574, %get3A_577 : vector<16xi32>
      %mul3A_578 = arith.constant 16777619 : i32
      %mul3A_579 = vector.broadcast %mul3A_578 : i32 to vector<16xi32>
      %mul3A_580 = arith.muli %xor3A, %mul3A_579 : vector<16xi32>
      %get3A_581 = arith.constant 1 : i32
      %get3A_582 = arith.index_cast %get3A_581 : i32 to index
      %get3A_583 = arith.index_cast %add3A_573 : i32 to index
      %get3A_584 = tpu.vector_load %arg5[%get3A_582, %get3A_583] {strides = array<i32>} : memref<4x6400xi32, #tpu.memory_space<vmem>>, vector<16xi32>,
      %xor3A_585 = arith.xori %mul3A_580, %get3A_584 : vector<16xi32>
      %mul3A_586 = arith.constant 16777619 : i32
      %mul3A_587 = vector.broadcast %mul3A_586 : i32 to vector<16xi32>
      %mul3A_588 = arith.muli %xor3A_585, %mul3A_587 : vector<16xi32>
      %get3A_589 = arith.constant 2 : i32
      %get3A_590 = arith.index_cast %get3A_589 : i32 to index
      %get3A_591 = arith.index_cast %add3A_573 : i32 to index
      %get3A_592 = tpu.vector_load %arg5[%get3A_590, %get3A_591] {strides = array<i32>} : memref<4x6400xi32, #tpu.memory_space<vmem>>, vector<16xi32>,
      %xor3A_593 = arith.xori %mul3A_588, %get3A_592 : vector<16xi32>
      %mul3A_594 = arith.constant 16777619 : i32
      %mul3A_595 = vector.broadcast %mul3A_594 : i32 to vector<16xi32>
      %mul3A_596 = arith.muli %xor3A_593, %mul3A_595 : vector<16xi32>
      %get3A_597 = arith.constant 3 : i32
      %get3A_598 = arith.index_cast %get3A_597 : i32 to index
      %get3A_599 = arith.index_cast %add3A_573 : i32 to index
      %get3A_600 = tpu.vector_load %arg5[%get3A_598, %get3A_599] {strides = array<i32>} : memref<4x6400xi32, #tpu.memory_space<vmem>>, vector<16xi32>,
      %xor3A_601 = arith.xori %mul3A_596, %get3A_600 : vector<16xi32>
      %mul3A_602 = arith.constant 16777619 : i32
      %mul3A_603 = vector.broadcast %mul3A_602 : i32 to vector<16xi32>
      %mul3A_604 = arith.muli %xor3A_601, %mul3A_603 : vector<16xi32>
      %and3A = arith.constant 2147483647 : i32
      %and3A_605 = vector.broadcast %and3A : i32 to vector<16xi32>
      %and3A_606 = arith.andi %mul3A_604, %and3A_605 : vector<16xi32>
      %rem3A = arith.constant 500000 : i32
      %rem3A_607 = vector.broadcast %rem3A : i32 to vector<16xi32>
      %rem3A_608 = arith.remsi %and3A_606, %rem3A_607 : vector<16xi32>
      %lt3A = arith.constant 0 : i32
      %lt3A_609 = vector.broadcast %lt3A : i32 to vector<16xi32>
      %lt3A_610 = arith.cmpi slt, %mul3A_604, %lt3A_609 : vector<16xi32>
      %jit3A = arith.constant 483648 : i32
      %jit3A_611 = arith.constant 0 : i32
      %broadcast_in_dim3A_612 = vector.broadcast %jit3A : i32 to vector<16xi32>
      %broadcast_in_dim3A_613 = vector.broadcast %jit3A_611 : i32 to vector<16xi32>
      %select_n3A = arith.select %lt3A_610, %broadcast_in_dim3A_612, %broadcast_in_dim3A_613 : vector<16xi1>, vector<16xi32>
      %add3A_614 = arith.addi %rem3A_608, %select_n3A : vector<16xi32>
      %rem3A_615 = arith.constant 500000 : i32
      %rem3A_616 = vector.broadcast %rem3A_615 : i32 to vector<16xi32>
      %rem3A_617 = arith.remsi %add3A_614, %rem3A_616 : vector<16xi32>
      %mul3A_618 = arith.constant 16 : i32
      %mul3A_619 = arith.muli %while3A_569, %mul3A_618 : i32
      %swap3A = arith.index_cast %mul3A_619 : i32 to index
      %swap3A_620 = tpu.vector_load %arg7[%swap3A] {strides = array<i32>} : memref<400xi32, #tpu.memory_space<vmem>>, vector<16xi32>,
      tpu.vector_store %arg7[%swap3A], %rem3A_617 {strides = array<i32>} : memref<400xi32, #tpu.memory_space<vmem>>, vector<16xi32>,
    }
    %dma_start3A_111 = arith.constant 0 : i32
    %dma_start3A_112 = tpu.memref_slice %arg7[%dma_start3A_111] : memref<400xi32, #tpu.memory_space<vmem>> -> memref<200xi32, #tpu.memory_space<vmem>>
    %dma_start3A_113 = arith.constant 0 : i32
    %dma_start3A_114 = arith.constant 0 : i32
    %dma_start3A_115 = tpu.memref_slice %arg3[%dma_start3A_113, %dma_start3A_114] : memref<500000x128xf32, #tpu.memory_space<hbm>> -> memref<500000x128xf32, #tpu.memory_space<hbm>>
    tpu.enqueue_indirect_dma source(%dma_start3A_115 : memref<500000x128xf32, #tpu.memory_space<hbm>>) target(%arg8 : memref<200x128xf32, #tpu.memory_space<vmem>>) offsets(%dma_start3A_112 : memref<200xi32, #tpu.memory_space<vmem>>) semaphore(%arg11 : memref<!tpu.dma_semaphore, #tpu.memory_space<semaphore_mem>>)
    %dma_wait3A_116 = arith.constant 0 : i32
    %dma_wait3A_117 = tpu.memref_slice %arg6[%dma_wait3A_116] : memref<400xi32, #tpu.memory_space<vmem>> -> memref<200xi32, #tpu.memory_space<vmem>>
    %dma_wait3A_118 = arith.constant 0 : i32
    %dma_wait3A_119 = arith.constant 0 : i32
    %dma_wait3A_120 = tpu.memref_slice %arg3[%dma_wait3A_118, %dma_wait3A_119] : memref<500000x128xf32, #tpu.memory_space<hbm>> -> memref<500000x128xf32, #tpu.memory_space<hbm>>
    tpu.wait_indirect_dma semaphore(%arg12 : memref<!tpu.dma_semaphore, #tpu.memory_space<semaphore_mem>>) src(%dma_wait3A_120 : memref<500000x128xf32, #tpu.memory_space<hbm>>) dst(%arg9 : memref<200x128xf32, #tpu.memory_space<vmem>>)
    %add3A_121 = arith.constant 4 : i32
    %add3A_122 = arith.addi %mul3A_11, %add3A_121 : i32
    "tpu.region"() ({
      %run_scoped3A_569 = tpu.sem_alloc : memref<!tpu.dma_semaphore, #tpu.memory_space<semaphore_mem>>
      %dma_start3A_570 = arith.constant 0 : i32
      %dma_start3A_571 = arith.constant 0 : i32
      %dma_start3A_572 = tpu.memref_slice %arg4[%add3A_122, %dma_start3A_570, %dma_start3A_571] : memref<1024x200x128xf32, #tpu.memory_space<hbm>> -> memref<1x200x128xf32, #tpu.memory_space<hbm>>
      %dma_start3A_573 = tpu.memref_squeeze %dma_start3A_572 : memref<1x200x128xf32, #tpu.memory_space<hbm>> -> memref<200x128xf32, #tpu.memory_space<hbm>>
      %dma_start3A_574 = arith.constant 0 : i32
      %dma_start3A_575 = arith.constant 0 : i32
      %dma_start3A_576 = tpu.memref_slice %arg4[%add3A_122, %dma_start3A_574, %dma_start3A_575] : memref<1024x200x128xf32, #tpu.memory_space<hbm>> -> memref<1x200x128xf32, #tpu.memory_space<hbm>>
      %dma_start3A_577 = tpu.memref_squeeze %dma_start3A_576 : memref<1x200x128xf32, #tpu.memory_space<hbm>> -> memref<200x128xf32, #tpu.memory_space<hbm>>
      tpu.enqueue_dma source(%arg9 : memref<200x128xf32, #tpu.memory_space<vmem>>) target(%dma_start3A_577 : memref<200x128xf32, #tpu.memory_space<hbm>>) target_semaphore(%run_scoped3A_569 : memref<!tpu.dma_semaphore, #tpu.memory_space<semaphore_mem>>)
      %dma_wait3A_578 = arith.constant 0 : i32
      %dma_wait3A_579 = arith.constant 0 : i32
      %dma_wait3A_580 = tpu.memref_slice %arg4[%add3A_122, %dma_wait3A_578, %dma_wait3A_579] : memref<1024x200x128xf32, #tpu.memory_space<hbm>> -> memref<1x200x128xf32, #tpu.memory_space<hbm>>
      %dma_wait3A_581 = tpu.memref_squeeze %dma_wait3A_580 : memref<1x200x128xf32, #tpu.memory_space<hbm>> -> memref<200x128xf32, #tpu.memory_space<hbm>>
      %dma_wait3A_582 = arith.constant 0 : i32
      %dma_wait3A_583 = arith.constant 0 : i32
      %dma_wait3A_584 = tpu.memref_slice %arg4[%add3A_122, %dma_wait3A_582, %dma_wait3A_583] : memref<1024x200x128xf32, #tpu.memory_space<hbm>> -> memref<1x200x128xf32, #tpu.memory_space<hbm>>
      %dma_wait3A_585 = tpu.memref_squeeze %dma_wait3A_584 : memref<1x200x128xf32, #tpu.memory_space<hbm>> -> memref<200x128xf32, #tpu.memory_space<hbm>>
      tpu.wait_dma2 semaphore(%run_scoped3A_569 : memref<!tpu.dma_semaphore, #tpu.memory_space<semaphore_mem>>) src(%arg9 : memref<200x128xf32, #tpu.memory_space<vmem>>) dst(%dma_wait3A_585 : memref<200x128xf32, #tpu.memory_space<hbm>>)
      tpu.yield
    }) : () -> ()
    %dma_start3A_123 = arith.constant 200 : i32
    %dma_start3A_124 = tpu.memref_slice %arg7[%dma_start3A_123] : memref<400xi32, #tpu.memory_space<vmem>> -> memref<200xi32, #tpu.memory_space<vmem>>
    %dma_start3A_125 = arith.constant 0 : i32
    %dma_start3A_126 = arith.constant 0 : i32
    %dma_start3A_127 = tpu.memref_slice %arg3[%dma_start3A_125, %dma_start3A_126] : memref<500000x128xf32, #tpu.memory_space<hbm>> -> memref<500000x128xf32, #tpu.memory_space<hbm>>
    tpu.enqueue_indirect_dma source(%dma_start3A_127 : memref<500000x128xf32, #tpu.memory_space<hbm>>) target(%arg9 : memref<200x128xf32, #tpu.memory_space<vmem>>) offsets(%dma_start3A_124 : memref<200xi32, #tpu.memory_space<vmem>>) semaphore(%arg12 : memref<!tpu.dma_semaphore, #tpu.memory_space<semaphore_mem>>)
    %dma_wait3A_128 = arith.constant 200 : i32
    %dma_wait3A_129 = tpu.memref_slice %arg6[%dma_wait3A_128] : memref<400xi32, #tpu.memory_space<vmem>> -> memref<200xi32, #tpu.memory_space<vmem>>
    %dma_wait3A_130 = arith.constant 0 : i32
    %dma_wait3A_131 = arith.constant 0 : i32
    %dma_wait3A_132 = tpu.memref_slice %arg3[%dma_wait3A_130, %dma_wait3A_131] : memref<500000x128xf32, #tpu.memory_space<hbm>> -> memref<500000x128xf32, #tpu.memory_space<hbm>>
    tpu.wait_indirect_dma semaphore(%arg13 : memref<!tpu.dma_semaphore, #tpu.memory_space<semaphore_mem>>) src(%dma_wait3A_132 : memref<500000x128xf32, #tpu.memory_space<hbm>>) dst(%arg10 : memref<200x128xf32, #tpu.memory_space<vmem>>)
    %add3A_133 = arith.constant 5 : i32
    %add3A_134 = arith.addi %mul3A_11, %add3A_133 : i32
    "tpu.region"() ({
      %run_scoped3A_569 = tpu.sem_alloc : memref<!tpu.dma_semaphore, #tpu.memory_space<semaphore_mem>>
      %dma_start3A_570 = arith.constant 0 : i32
      %dma_start3A_571 = arith.constant 0 : i32
      %dma_start3A_572 = tpu.memref_slice %arg4[%add3A_134, %dma_start3A_570, %dma_start3A_571] : memref<1024x200x128xf32, #tpu.memory_space<hbm>> -> memref<1x200x128xf32, #tpu.memory_space<hbm>>
      %dma_start3A_573 = tpu.memref_squeeze %dma_start3A_572 : memref<1x200x128xf32, #tpu.memory_space<hbm>> -> memref<200x128xf32, #tpu.memory_space<hbm>>
      %dma_start3A_574 = arith.constant 0 : i32
      %dma_start3A_575 = arith.constant 0 : i32
      %dma_start3A_576 = tpu.memref_slice %arg4[%add3A_134, %dma_start3A_574, %dma_start3A_575] : memref<1024x200x128xf32, #tpu.memory_space<hbm>> -> memref<1x200x128xf32, #tpu.memory_space<hbm>>
      %dma_start3A_577 = tpu.memref_squeeze %dma_start3A_576 : memref<1x200x128xf32, #tpu.memory_space<hbm>> -> memref<200x128xf32, #tpu.memory_space<hbm>>
      tpu.enqueue_dma source(%arg10 : memref<200x128xf32, #tpu.memory_space<vmem>>) target(%dma_start3A_577 : memref<200x128xf32, #tpu.memory_space<hbm>>) target_semaphore(%run_scoped3A_569 : memref<!tpu.dma_semaphore, #tpu.memory_space<semaphore_mem>>)
      %dma_wait3A_578 = arith.constant 0 : i32
      %dma_wait3A_579 = arith.constant 0 : i32
      %dma_wait3A_580 = tpu.memref_slice %arg4[%add3A_134, %dma_wait3A_578, %dma_wait3A_579] : memref<1024x200x128xf32, #tpu.memory_space<hbm>> -> memref<1x200x128xf32, #tpu.memory_space<hbm>>
      %dma_wait3A_581 = tpu.memref_squeeze %dma_wait3A_580 : memref<1x200x128xf32, #tpu.memory_space<hbm>> -> memref<200x128xf32, #tpu.memory_space<hbm>>
      %dma_wait3A_582 = arith.constant 0 : i32
      %dma_wait3A_583 = arith.constant 0 : i32
      %dma_wait3A_584 = tpu.memref_slice %arg4[%add3A_134, %dma_wait3A_582, %dma_wait3A_583] : memref<1024x200x128xf32, #tpu.memory_space<hbm>> -> memref<1x200x128xf32, #tpu.memory_space<hbm>>
      %dma_wait3A_585 = tpu.memref_squeeze %dma_wait3A_584 : memref<1x200x128xf32, #tpu.memory_space<hbm>> -> memref<200x128xf32, #tpu.memory_space<hbm>>
      tpu.wait_dma2 semaphore(%run_scoped3A_569 : memref<!tpu.dma_semaphore, #tpu.memory_space<semaphore_mem>>) src(%arg10 : memref<200x128xf32, #tpu.memory_space<vmem>>) dst(%dma_wait3A_585 : memref<200x128xf32, #tpu.memory_space<hbm>>)
      tpu.yield
    }) : () -> ()
    %while3A_135 = arith.constant 0 : i64
    %while3A_136 = arith.constant 0 : i32
    %while3A_137 = arith.constant 25 : i32
    %while3A_138 = arith.subi %while3A_137, %while3A_136 : i32
    %while3A_139 = arith.addi %while3A_136, %while3A_138 : i32
    %while3A_140 = arith.constant 1 : i32
    %while3A_141 = arith.divsi %while3A_138, %while3A_140 : i32
    %while3A_142 = arith.muli %while3A_141, %while3A_140 : i32
    %while3A_143 = arith.addi %while3A_136, %while3A_142 : i32
    %while3A_144 = arith.constant 1 : i32
    scf.for %while3A_569 = %while3A_136 to %while3A_143 step %while3A_144  : i32 {
      %mul3A_570 = arith.constant 16 : i32
      %mul3A_571 = arith.muli %while3A_569, %mul3A_570 : i32
      %add3A_572 = arith.constant 1600 : i32
      %add3A_573 = arith.addi %add3A_572, %mul3A_571 : i32
      %broadcast_in_dim3A = arith.constant -2128831035 : i32
      %broadcast_in_dim3A_574 = vector.broadcast %broadcast_in_dim3A : i32 to vector<16xi32>
      %get3A = arith.constant 0 : i32
      %get3A_575 = arith.index_cast %get3A : i32 to index
      %get3A_576 = arith.index_cast %add3A_573 : i32 to index
      %get3A_577 = tpu.vector_load %arg5[%get3A_575, %get3A_576] {strides = array<i32>} : memref<4x6400xi32, #tpu.memory_space<vmem>>, vector<16xi32>,
      %xor3A = arith.xori %broadcast_in_dim3A_574, %get3A_577 : vector<16xi32>
      %mul3A_578 = arith.constant 16777619 : i32
      %mul3A_579 = vector.broadcast %mul3A_578 : i32 to vector<16xi32>
      %mul3A_580 = arith.muli %xor3A, %mul3A_579 : vector<16xi32>
      %get3A_581 = arith.constant 1 : i32
      %get3A_582 = arith.index_cast %get3A_581 : i32 to index
      %get3A_583 = arith.index_cast %add3A_573 : i32 to index
      %get3A_584 = tpu.vector_load %arg5[%get3A_582, %get3A_583] {strides = array<i32>} : memref<4x6400xi32, #tpu.memory_space<vmem>>, vector<16xi32>,
      %xor3A_585 = arith.xori %mul3A_580, %get3A_584 : vector<16xi32>
      %mul3A_586 = arith.constant 16777619 : i32
      %mul3A_587 = vector.broadcast %mul3A_586 : i32 to vector<16xi32>
      %mul3A_588 = arith.muli %xor3A_585, %mul3A_587 : vector<16xi32>
      %get3A_589 = arith.constant 2 : i32
      %get3A_590 = arith.index_cast %get3A_589 : i32 to index
      %get3A_591 = arith.index_cast %add3A_573 : i32 to index
      %get3A_592 = tpu.vector_load %arg5[%get3A_590, %get3A_591] {strides = array<i32>} : memref<4x6400xi32, #tpu.memory_space<vmem>>, vector<16xi32>,
      %xor3A_593 = arith.xori %mul3A_588, %get3A_592 : vector<16xi32>
      %mul3A_594 = arith.constant 16777619 : i32
      %mul3A_595 = vector.broadcast %mul3A_594 : i32 to vector<16xi32>
      %mul3A_596 = arith.muli %xor3A_593, %mul3A_595 : vector<16xi32>
      %get3A_597 = arith.constant 3 : i32
      %get3A_598 = arith.index_cast %get3A_597 : i32 to index
      %get3A_599 = arith.index_cast %add3A_573 : i32 to index
      %get3A_600 = tpu.vector_load %arg5[%get3A_598, %get3A_599] {strides = array<i32>} : memref<4x6400xi32, #tpu.memory_space<vmem>>, vector<16xi32>,
      %xor3A_601 = arith.xori %mul3A_596, %get3A_600 : vector<16xi32>
      %mul3A_602 = arith.constant 16777619 : i32
      %mul3A_603 = vector.broadcast %mul3A_602 : i32 to vector<16xi32>
      %mul3A_604 = arith.muli %xor3A_601, %mul3A_603 : vector<16xi32>
      %and3A = arith.constant 2147483647 : i32
      %and3A_605 = vector.broadcast %and3A : i32 to vector<16xi32>
      %and3A_606 = arith.andi %mul3A_604, %and3A_605 : vector<16xi32>
      %rem3A = arith.constant 500000 : i32
      %rem3A_607 = vector.broadcast %rem3A : i32 to vector<16xi32>
      %rem3A_608 = arith.remsi %and3A_606, %rem3A_607 : vector<16xi32>
      %lt3A = arith.constant 0 : i32
      %lt3A_609 = vector.broadcast %lt3A : i32 to vector<16xi32>
      %lt3A_610 = arith.cmpi slt, %mul3A_604, %lt3A_609 : vector<16xi32>
      %jit3A = arith.constant 483648 : i32
      %jit3A_611 = arith.constant 0 : i32
      %broadcast_in_dim3A_612 = vector.broadcast %jit3A : i32 to vector<16xi32>
      %broadcast_in_dim3A_613 = vector.broadcast %jit3A_611 : i32 to vector<16xi32>
      %select_n3A = arith.select %lt3A_610, %broadcast_in_dim3A_612, %broadcast_in_dim3A_613 : vector<16xi1>, vector<16xi32>
      %add3A_614 = arith.addi %rem3A_608, %select_n3A : vector<16xi32>
      %rem3A_615 = arith.constant 500000 : i32
      %rem3A_616 = vector.broadcast %rem3A_615 : i32 to vector<16xi32>
      %rem3A_617 = arith.remsi %add3A_614, %rem3A_616 : vector<16xi32>
      %mul3A_618 = arith.constant 16 : i32
      %mul3A_619 = arith.muli %while3A_569, %mul3A_618 : i32
      %swap3A = arith.index_cast %mul3A_619 : i32 to index
      %swap3A_620 = tpu.vector_load %arg6[%swap3A] {strides = array<i32>} : memref<400xi32, #tpu.memory_space<vmem>>, vector<16xi32>,
      tpu.vector_store %arg6[%swap3A], %rem3A_617 {strides = array<i32>} : memref<400xi32, #tpu.memory_space<vmem>>, vector<16xi32>,
    }
    %while3A_145 = arith.constant 1 : i32
    scf.for %while3A_569 = %while3A_143 to %while3A_139 step %while3A_145  : i32 {
      %mul3A_570 = arith.constant 16 : i32
      %mul3A_571 = arith.muli %while3A_569, %mul3A_570 : i32
      %add3A_572 = arith.constant 1600 : i32
      %add3A_573 = arith.addi %add3A_572, %mul3A_571 : i32
      %broadcast_in_dim3A = arith.constant -2128831035 : i32
      %broadcast_in_dim3A_574 = vector.broadcast %broadcast_in_dim3A : i32 to vector<16xi32>
      %get3A = arith.constant 0 : i32
      %get3A_575 = arith.index_cast %get3A : i32 to index
      %get3A_576 = arith.index_cast %add3A_573 : i32 to index
      %get3A_577 = tpu.vector_load %arg5[%get3A_575, %get3A_576] {strides = array<i32>} : memref<4x6400xi32, #tpu.memory_space<vmem>>, vector<16xi32>,
      %xor3A = arith.xori %broadcast_in_dim3A_574, %get3A_577 : vector<16xi32>
      %mul3A_578 = arith.constant 16777619 : i32
      %mul3A_579 = vector.broadcast %mul3A_578 : i32 to vector<16xi32>
      %mul3A_580 = arith.muli %xor3A, %mul3A_579 : vector<16xi32>
      %get3A_581 = arith.constant 1 : i32
      %get3A_582 = arith.index_cast %get3A_581 : i32 to index
      %get3A_583 = arith.index_cast %add3A_573 : i32 to index
      %get3A_584 = tpu.vector_load %arg5[%get3A_582, %get3A_583] {strides = array<i32>} : memref<4x6400xi32, #tpu.memory_space<vmem>>, vector<16xi32>,
      %xor3A_585 = arith.xori %mul3A_580, %get3A_584 : vector<16xi32>
      %mul3A_586 = arith.constant 16777619 : i32
      %mul3A_587 = vector.broadcast %mul3A_586 : i32 to vector<16xi32>
      %mul3A_588 = arith.muli %xor3A_585, %mul3A_587 : vector<16xi32>
      %get3A_589 = arith.constant 2 : i32
      %get3A_590 = arith.index_cast %get3A_589 : i32 to index
      %get3A_591 = arith.index_cast %add3A_573 : i32 to index
      %get3A_592 = tpu.vector_load %arg5[%get3A_590, %get3A_591] {strides = array<i32>} : memref<4x6400xi32, #tpu.memory_space<vmem>>, vector<16xi32>,
      %xor3A_593 = arith.xori %mul3A_588, %get3A_592 : vector<16xi32>
      %mul3A_594 = arith.constant 16777619 : i32
      %mul3A_595 = vector.broadcast %mul3A_594 : i32 to vector<16xi32>
      %mul3A_596 = arith.muli %xor3A_593, %mul3A_595 : vector<16xi32>
      %get3A_597 = arith.constant 3 : i32
      %get3A_598 = arith.index_cast %get3A_597 : i32 to index
      %get3A_599 = arith.index_cast %add3A_573 : i32 to index
      %get3A_600 = tpu.vector_load %arg5[%get3A_598, %get3A_599] {strides = array<i32>} : memref<4x6400xi32, #tpu.memory_space<vmem>>, vector<16xi32>,
      %xor3A_601 = arith.xori %mul3A_596, %get3A_600 : vector<16xi32>
      %mul3A_602 = arith.constant 16777619 : i32
      %mul3A_603 = vector.broadcast %mul3A_602 : i32 to vector<16xi32>
      %mul3A_604 = arith.muli %xor3A_601, %mul3A_603 : vector<16xi32>
      %and3A = arith.constant 2147483647 : i32
      %and3A_605 = vector.broadcast %and3A : i32 to vector<16xi32>
      %and3A_606 = arith.andi %mul3A_604, %and3A_605 : vector<16xi32>
      %rem3A = arith.constant 500000 : i32
      %rem3A_607 = vector.broadcast %rem3A : i32 to vector<16xi32>
      %rem3A_608 = arith.remsi %and3A_606, %rem3A_607 : vector<16xi32>
      %lt3A = arith.constant 0 : i32
      %lt3A_609 = vector.broadcast %lt3A : i32 to vector<16xi32>
      %lt3A_610 = arith.cmpi slt, %mul3A_604, %lt3A_609 : vector<16xi32>
      %jit3A = arith.constant 483648 : i32
      %jit3A_611 = arith.constant 0 : i32
      %broadcast_in_dim3A_612 = vector.broadcast %jit3A : i32 to vector<16xi32>
      %broadcast_in_dim3A_613 = vector.broadcast %jit3A_611 : i32 to vector<16xi32>
      %select_n3A = arith.select %lt3A_610, %broadcast_in_dim3A_612, %broadcast_in_dim3A_613 : vector<16xi1>, vector<16xi32>
      %add3A_614 = arith.addi %rem3A_608, %select_n3A : vector<16xi32>
      %rem3A_615 = arith.constant 500000 : i32
      %rem3A_616 = vector.broadcast %rem3A_615 : i32 to vector<16xi32>
      %rem3A_617 = arith.remsi %add3A_614, %rem3A_616 : vector<16xi32>
      %mul3A_618 = arith.constant 16 : i32
      %mul3A_619 = arith.muli %while3A_569, %mul3A_618 : i32
      %swap3A = arith.index_cast %mul3A_619 : i32 to index
      %swap3A_620 = tpu.vector_load %arg6[%swap3A] {strides = array<i32>} : memref<400xi32, #tpu.memory_space<vmem>>, vector<16xi32>,
      tpu.vector_store %arg6[%swap3A], %rem3A_617 {strides = array<i32>} : memref<400xi32, #tpu.memory_space<vmem>>, vector<16xi32>,
    }
    %dma_start3A_146 = arith.constant 0 : i32
    %dma_start3A_147 = tpu.memref_slice %arg6[%dma_start3A_146] : memref<400xi32, #tpu.memory_space<vmem>> -> memref<200xi32, #tpu.memory_space<vmem>>
    %dma_start3A_148 = arith.constant 0 : i32
    %dma_start3A_149 = arith.constant 0 : i32
    %dma_start3A_150 = tpu.memref_slice %arg3[%dma_start3A_148, %dma_start3A_149] : memref<500000x128xf32, #tpu.memory_space<hbm>> -> memref<500000x128xf32, #tpu.memory_space<hbm>>
    tpu.enqueue_indirect_dma source(%dma_start3A_150 : memref<500000x128xf32, #tpu.memory_space<hbm>>) target(%arg10 : memref<200x128xf32, #tpu.memory_space<vmem>>) offsets(%dma_start3A_147 : memref<200xi32, #tpu.memory_space<vmem>>) semaphore(%arg13 : memref<!tpu.dma_semaphore, #tpu.memory_space<semaphore_mem>>)
    %dma_wait3A_151 = arith.constant 0 : i32
    %dma_wait3A_152 = tpu.memref_slice %arg7[%dma_wait3A_151] : memref<400xi32, #tpu.memory_space<vmem>> -> memref<200xi32, #tpu.memory_space<vmem>>
    %dma_wait3A_153 = arith.constant 0 : i32
    %dma_wait3A_154 = arith.constant 0 : i32
    %dma_wait3A_155 = tpu.memref_slice %arg3[%dma_wait3A_153, %dma_wait3A_154] : memref<500000x128xf32, #tpu.memory_space<hbm>> -> memref<500000x128xf32, #tpu.memory_space<hbm>>
    tpu.wait_indirect_dma semaphore(%arg11 : memref<!tpu.dma_semaphore, #tpu.memory_space<semaphore_mem>>) src(%dma_wait3A_155 : memref<500000x128xf32, #tpu.memory_space<hbm>>) dst(%arg8 : memref<200x128xf32, #tpu.memory_space<vmem>>)
    %add3A_156 = arith.constant 6 : i32
    %add3A_157 = arith.addi %mul3A_11, %add3A_156 : i32
    "tpu.region"() ({
      %run_scoped3A_569 = tpu.sem_alloc : memref<!tpu.dma_semaphore, #tpu.memory_space<semaphore_mem>>
      %dma_start3A_570 = arith.constant 0 : i32
      %dma_start3A_571 = arith.constant 0 : i32
      %dma_start3A_572 = tpu.memref_slice %arg4[%add3A_157, %dma_start3A_570, %dma_start3A_571] : memref<1024x200x128xf32, #tpu.memory_space<hbm>> -> memref<1x200x128xf32, #tpu.memory_space<hbm>>
      %dma_start3A_573 = tpu.memref_squeeze %dma_start3A_572 : memref<1x200x128xf32, #tpu.memory_space<hbm>> -> memref<200x128xf32, #tpu.memory_space<hbm>>
      %dma_start3A_574 = arith.constant 0 : i32
      %dma_start3A_575 = arith.constant 0 : i32
      %dma_start3A_576 = tpu.memref_slice %arg4[%add3A_157, %dma_start3A_574, %dma_start3A_575] : memref<1024x200x128xf32, #tpu.memory_space<hbm>> -> memref<1x200x128xf32, #tpu.memory_space<hbm>>
      %dma_start3A_577 = tpu.memref_squeeze %dma_start3A_576 : memref<1x200x128xf32, #tpu.memory_space<hbm>> -> memref<200x128xf32, #tpu.memory_space<hbm>>
      tpu.enqueue_dma source(%arg8 : memref<200x128xf32, #tpu.memory_space<vmem>>) target(%dma_start3A_577 : memref<200x128xf32, #tpu.memory_space<hbm>>) target_semaphore(%run_scoped3A_569 : memref<!tpu.dma_semaphore, #tpu.memory_space<semaphore_mem>>)
      %dma_wait3A_578 = arith.constant 0 : i32
      %dma_wait3A_579 = arith.constant 0 : i32
      %dma_wait3A_580 = tpu.memref_slice %arg4[%add3A_157, %dma_wait3A_578, %dma_wait3A_579] : memref<1024x200x128xf32, #tpu.memory_space<hbm>> -> memref<1x200x128xf32, #tpu.memory_space<hbm>>
      %dma_wait3A_581 = tpu.memref_squeeze %dma_wait3A_580 : memref<1x200x128xf32, #tpu.memory_space<hbm>> -> memref<200x128xf32, #tpu.memory_space<hbm>>
      %dma_wait3A_582 = arith.constant 0 : i32
      %dma_wait3A_583 = arith.constant 0 : i32
      %dma_wait3A_584 = tpu.memref_slice %arg4[%add3A_157, %dma_wait3A_582, %dma_wait3A_583] : memref<1024x200x128xf32, #tpu.memory_space<hbm>> -> memref<1x200x128xf32, #tpu.memory_space<hbm>>
      %dma_wait3A_585 = tpu.memref_squeeze %dma_wait3A_584 : memref<1x200x128xf32, #tpu.memory_space<hbm>> -> memref<200x128xf32, #tpu.memory_space<hbm>>
      tpu.wait_dma2 semaphore(%run_scoped3A_569 : memref<!tpu.dma_semaphore, #tpu.memory_space<semaphore_mem>>) src(%arg8 : memref<200x128xf32, #tpu.memory_space<vmem>>) dst(%dma_wait3A_585 : memref<200x128xf32, #tpu.memory_space<hbm>>)
      tpu.yield
    }) : () -> ()
    %dma_start3A_158 = arith.constant 200 : i32
    %dma_start3A_159 = tpu.memref_slice %arg6[%dma_start3A_158] : memref<400xi32, #tpu.memory_space<vmem>> -> memref<200xi32, #tpu.memory_space<vmem>>
    %dma_start3A_160 = arith.constant 0 : i32
    %dma_start3A_161 = arith.constant 0 : i32
    %dma_start3A_162 = tpu.memref_slice %arg3[%dma_start3A_160, %dma_start3A_161] : memref<500000x128xf32, #tpu.memory_space<hbm>> -> memref<500000x128xf32, #tpu.memory_space<hbm>>
    tpu.enqueue_indirect_dma source(%dma_start3A_162 : memref<500000x128xf32, #tpu.memory_space<hbm>>) target(%arg8 : memref<200x128xf32, #tpu.memory_space<vmem>>) offsets(%dma_start3A_159 : memref<200xi32, #tpu.memory_space<vmem>>) semaphore(%arg11 : memref<!tpu.dma_semaphore, #tpu.memory_space<semaphore_mem>>)
    %dma_wait3A_163 = arith.constant 200 : i32
    %dma_wait3A_164 = tpu.memref_slice %arg7[%dma_wait3A_163] : memref<400xi32, #tpu.memory_space<vmem>> -> memref<200xi32, #tpu.memory_space<vmem>>
    %dma_wait3A_165 = arith.constant 0 : i32
    %dma_wait3A_166 = arith.constant 0 : i32
    %dma_wait3A_167 = tpu.memref_slice %arg3[%dma_wait3A_165, %dma_wait3A_166] : memref<500000x128xf32, #tpu.memory_space<hbm>> -> memref<500000x128xf32, #tpu.memory_space<hbm>>
    tpu.wait_indirect_dma semaphore(%arg12 : memref<!tpu.dma_semaphore, #tpu.memory_space<semaphore_mem>>) src(%dma_wait3A_167 : memref<500000x128xf32, #tpu.memory_space<hbm>>) dst(%arg9 : memref<200x128xf32, #tpu.memory_space<vmem>>)
    %add3A_168 = arith.constant 7 : i32
    %add3A_169 = arith.addi %mul3A_11, %add3A_168 : i32
    "tpu.region"() ({
      %run_scoped3A_569 = tpu.sem_alloc : memref<!tpu.dma_semaphore, #tpu.memory_space<semaphore_mem>>
      %dma_start3A_570 = arith.constant 0 : i32
      %dma_start3A_571 = arith.constant 0 : i32
      %dma_start3A_572 = tpu.memref_slice %arg4[%add3A_169, %dma_start3A_570, %dma_start3A_571] : memref<1024x200x128xf32, #tpu.memory_space<hbm>> -> memref<1x200x128xf32, #tpu.memory_space<hbm>>
      %dma_start3A_573 = tpu.memref_squeeze %dma_start3A_572 : memref<1x200x128xf32, #tpu.memory_space<hbm>> -> memref<200x128xf32, #tpu.memory_space<hbm>>
      %dma_start3A_574 = arith.constant 0 : i32
      %dma_start3A_575 = arith.constant 0 : i32
      %dma_start3A_576 = tpu.memref_slice %arg4[%add3A_169, %dma_start3A_574, %dma_start3A_575] : memref<1024x200x128xf32, #tpu.memory_space<hbm>> -> memref<1x200x128xf32, #tpu.memory_space<hbm>>
      %dma_start3A_577 = tpu.memref_squeeze %dma_start3A_576 : memref<1x200x128xf32, #tpu.memory_space<hbm>> -> memref<200x128xf32, #tpu.memory_space<hbm>>
      tpu.enqueue_dma source(%arg9 : memref<200x128xf32, #tpu.memory_space<vmem>>) target(%dma_start3A_577 : memref<200x128xf32, #tpu.memory_space<hbm>>) target_semaphore(%run_scoped3A_569 : memref<!tpu.dma_semaphore, #tpu.memory_space<semaphore_mem>>)
      %dma_wait3A_578 = arith.constant 0 : i32
      %dma_wait3A_579 = arith.constant 0 : i32
      %dma_wait3A_580 = tpu.memref_slice %arg4[%add3A_169, %dma_wait3A_578, %dma_wait3A_579] : memref<1024x200x128xf32, #tpu.memory_space<hbm>> -> memref<1x200x128xf32, #tpu.memory_space<hbm>>
      %dma_wait3A_581 = tpu.memref_squeeze %dma_wait3A_580 : memref<1x200x128xf32, #tpu.memory_space<hbm>> -> memref<200x128xf32, #tpu.memory_space<hbm>>
      %dma_wait3A_582 = arith.constant 0 : i32
      %dma_wait3A_583 = arith.constant 0 : i32
      %dma_wait3A_584 = tpu.memref_slice %arg4[%add3A_169, %dma_wait3A_582, %dma_wait3A_583] : memref<1024x200x128xf32, #tpu.memory_space<hbm>> -> memref<1x200x128xf32, #tpu.memory_space<hbm>>
      %dma_wait3A_585 = tpu.memref_squeeze %dma_wait3A_584 : memref<1x200x128xf32, #tpu.memory_space<hbm>> -> memref<200x128xf32, #tpu.memory_space<hbm>>
      tpu.wait_dma2 semaphore(%run_scoped3A_569 : memref<!tpu.dma_semaphore, #tpu.memory_space<semaphore_mem>>) src(%arg9 : memref<200x128xf32, #tpu.memory_space<vmem>>) dst(%dma_wait3A_585 : memref<200x128xf32, #tpu.memory_space<hbm>>)
      tpu.yield
    }) : () -> ()
    %while3A_170 = arith.constant 0 : i64
    %while3A_171 = arith.constant 0 : i32
    %while3A_172 = arith.constant 25 : i32
    %while3A_173 = arith.subi %while3A_172, %while3A_171 : i32
    %while3A_174 = arith.addi %while3A_171, %while3A_173 : i32
    %while3A_175 = arith.constant 1 : i32
    %while3A_176 = arith.divsi %while3A_173, %while3A_175 : i32
    %while3A_177 = arith.muli %while3A_176, %while3A_175 : i32
    %while3A_178 = arith.addi %while3A_171, %while3A_177 : i32
    %while3A_179 = arith.constant 1 : i32
    scf.for %while3A_569 = %while3A_171 to %while3A_178 step %while3A_179  : i32 {
      %mul3A_570 = arith.constant 16 : i32
      %mul3A_571 = arith.muli %while3A_569, %mul3A_570 : i32
      %add3A_572 = arith.constant 2000 : i32
      %add3A_573 = arith.addi %add3A_572, %mul3A_571 : i32
      %broadcast_in_dim3A = arith.constant -2128831035 : i32
      %broadcast_in_dim3A_574 = vector.broadcast %broadcast_in_dim3A : i32 to vector<16xi32>
      %get3A = arith.constant 0 : i32
      %get3A_575 = arith.index_cast %get3A : i32 to index
      %get3A_576 = arith.index_cast %add3A_573 : i32 to index
      %get3A_577 = tpu.vector_load %arg5[%get3A_575, %get3A_576] {strides = array<i32>} : memref<4x6400xi32, #tpu.memory_space<vmem>>, vector<16xi32>,
      %xor3A = arith.xori %broadcast_in_dim3A_574, %get3A_577 : vector<16xi32>
      %mul3A_578 = arith.constant 16777619 : i32
      %mul3A_579 = vector.broadcast %mul3A_578 : i32 to vector<16xi32>
      %mul3A_580 = arith.muli %xor3A, %mul3A_579 : vector<16xi32>
      %get3A_581 = arith.constant 1 : i32
      %get3A_582 = arith.index_cast %get3A_581 : i32 to index
      %get3A_583 = arith.index_cast %add3A_573 : i32 to index
      %get3A_584 = tpu.vector_load %arg5[%get3A_582, %get3A_583] {strides = array<i32>} : memref<4x6400xi32, #tpu.memory_space<vmem>>, vector<16xi32>,
      %xor3A_585 = arith.xori %mul3A_580, %get3A_584 : vector<16xi32>
      %mul3A_586 = arith.constant 16777619 : i32
      %mul3A_587 = vector.broadcast %mul3A_586 : i32 to vector<16xi32>
      %mul3A_588 = arith.muli %xor3A_585, %mul3A_587 : vector<16xi32>
      %get3A_589 = arith.constant 2 : i32
      %get3A_590 = arith.index_cast %get3A_589 : i32 to index
      %get3A_591 = arith.index_cast %add3A_573 : i32 to index
      %get3A_592 = tpu.vector_load %arg5[%get3A_590, %get3A_591] {strides = array<i32>} : memref<4x6400xi32, #tpu.memory_space<vmem>>, vector<16xi32>,
      %xor3A_593 = arith.xori %mul3A_588, %get3A_592 : vector<16xi32>
      %mul3A_594 = arith.constant 16777619 : i32
      %mul3A_595 = vector.broadcast %mul3A_594 : i32 to vector<16xi32>
      %mul3A_596 = arith.muli %xor3A_593, %mul3A_595 : vector<16xi32>
      %get3A_597 = arith.constant 3 : i32
      %get3A_598 = arith.index_cast %get3A_597 : i32 to index
      %get3A_599 = arith.index_cast %add3A_573 : i32 to index
      %get3A_600 = tpu.vector_load %arg5[%get3A_598, %get3A_599] {strides = array<i32>} : memref<4x6400xi32, #tpu.memory_space<vmem>>, vector<16xi32>,
      %xor3A_601 = arith.xori %mul3A_596, %get3A_600 : vector<16xi32>
      %mul3A_602 = arith.constant 16777619 : i32
      %mul3A_603 = vector.broadcast %mul3A_602 : i32 to vector<16xi32>
      %mul3A_604 = arith.muli %xor3A_601, %mul3A_603 : vector<16xi32>
      %and3A = arith.constant 2147483647 : i32
      %and3A_605 = vector.broadcast %and3A : i32 to vector<16xi32>
      %and3A_606 = arith.andi %mul3A_604, %and3A_605 : vector<16xi32>
      %rem3A = arith.constant 500000 : i32
      %rem3A_607 = vector.broadcast %rem3A : i32 to vector<16xi32>
      %rem3A_608 = arith.remsi %and3A_606, %rem3A_607 : vector<16xi32>
      %lt3A = arith.constant 0 : i32
      %lt3A_609 = vector.broadcast %lt3A : i32 to vector<16xi32>
      %lt3A_610 = arith.cmpi slt, %mul3A_604, %lt3A_609 : vector<16xi32>
      %jit3A = arith.constant 483648 : i32
      %jit3A_611 = arith.constant 0 : i32
      %broadcast_in_dim3A_612 = vector.broadcast %jit3A : i32 to vector<16xi32>
      %broadcast_in_dim3A_613 = vector.broadcast %jit3A_611 : i32 to vector<16xi32>
      %select_n3A = arith.select %lt3A_610, %broadcast_in_dim3A_612, %broadcast_in_dim3A_613 : vector<16xi1>, vector<16xi32>
      %add3A_614 = arith.addi %rem3A_608, %select_n3A : vector<16xi32>
      %rem3A_615 = arith.constant 500000 : i32
      %rem3A_616 = vector.broadcast %rem3A_615 : i32 to vector<16xi32>
      %rem3A_617 = arith.remsi %add3A_614, %rem3A_616 : vector<16xi32>
      %mul3A_618 = arith.constant 16 : i32
      %mul3A_619 = arith.muli %while3A_569, %mul3A_618 : i32
      %swap3A = arith.index_cast %mul3A_619 : i32 to index
      %swap3A_620 = tpu.vector_load %arg7[%swap3A] {strides = array<i32>} : memref<400xi32, #tpu.memory_space<vmem>>, vector<16xi32>,
      tpu.vector_store %arg7[%swap3A], %rem3A_617 {strides = array<i32>} : memref<400xi32, #tpu.memory_space<vmem>>, vector<16xi32>,
    }
    %while3A_180 = arith.constant 1 : i32
    scf.for %while3A_569 = %while3A_178 to %while3A_174 step %while3A_180  : i32 {
      %mul3A_570 = arith.constant 16 : i32
      %mul3A_571 = arith.muli %while3A_569, %mul3A_570 : i32
      %add3A_572 = arith.constant 2000 : i32
      %add3A_573 = arith.addi %add3A_572, %mul3A_571 : i32
      %broadcast_in_dim3A = arith.constant -2128831035 : i32
      %broadcast_in_dim3A_574 = vector.broadcast %broadcast_in_dim3A : i32 to vector<16xi32>
      %get3A = arith.constant 0 : i32
      %get3A_575 = arith.index_cast %get3A : i32 to index
      %get3A_576 = arith.index_cast %add3A_573 : i32 to index
      %get3A_577 = tpu.vector_load %arg5[%get3A_575, %get3A_576] {strides = array<i32>} : memref<4x6400xi32, #tpu.memory_space<vmem>>, vector<16xi32>,
      %xor3A = arith.xori %broadcast_in_dim3A_574, %get3A_577 : vector<16xi32>
      %mul3A_578 = arith.constant 16777619 : i32
      %mul3A_579 = vector.broadcast %mul3A_578 : i32 to vector<16xi32>
      %mul3A_580 = arith.muli %xor3A, %mul3A_579 : vector<16xi32>
      %get3A_581 = arith.constant 1 : i32
      %get3A_582 = arith.index_cast %get3A_581 : i32 to index
      %get3A_583 = arith.index_cast %add3A_573 : i32 to index
      %get3A_584 = tpu.vector_load %arg5[%get3A_582, %get3A_583] {strides = array<i32>} : memref<4x6400xi32, #tpu.memory_space<vmem>>, vector<16xi32>,
      %xor3A_585 = arith.xori %mul3A_580, %get3A_584 : vector<16xi32>
      %mul3A_586 = arith.constant 16777619 : i32
      %mul3A_587 = vector.broadcast %mul3A_586 : i32 to vector<16xi32>
      %mul3A_588 = arith.muli %xor3A_585, %mul3A_587 : vector<16xi32>
      %get3A_589 = arith.constant 2 : i32
      %get3A_590 = arith.index_cast %get3A_589 : i32 to index
      %get3A_591 = arith.index_cast %add3A_573 : i32 to index
      %get3A_592 = tpu.vector_load %arg5[%get3A_590, %get3A_591] {strides = array<i32>} : memref<4x6400xi32, #tpu.memory_space<vmem>>, vector<16xi32>,
      %xor3A_593 = arith.xori %mul3A_588, %get3A_592 : vector<16xi32>
      %mul3A_594 = arith.constant 16777619 : i32
      %mul3A_595 = vector.broadcast %mul3A_594 : i32 to vector<16xi32>
      %mul3A_596 = arith.muli %xor3A_593, %mul3A_595 : vector<16xi32>
      %get3A_597 = arith.constant 3 : i32
      %get3A_598 = arith.index_cast %get3A_597 : i32 to index
      %get3A_599 = arith.index_cast %add3A_573 : i32 to index
      %get3A_600 = tpu.vector_load %arg5[%get3A_598, %get3A_599] {strides = array<i32>} : memref<4x6400xi32, #tpu.memory_space<vmem>>, vector<16xi32>,
      %xor3A_601 = arith.xori %mul3A_596, %get3A_600 : vector<16xi32>
      %mul3A_602 = arith.constant 16777619 : i32
      %mul3A_603 = vector.broadcast %mul3A_602 : i32 to vector<16xi32>
      %mul3A_604 = arith.muli %xor3A_601, %mul3A_603 : vector<16xi32>
      %and3A = arith.constant 2147483647 : i32
      %and3A_605 = vector.broadcast %and3A : i32 to vector<16xi32>
      %and3A_606 = arith.andi %mul3A_604, %and3A_605 : vector<16xi32>
      %rem3A = arith.constant 500000 : i32
      %rem3A_607 = vector.broadcast %rem3A : i32 to vector<16xi32>
      %rem3A_608 = arith.remsi %and3A_606, %rem3A_607 : vector<16xi32>
      %lt3A = arith.constant 0 : i32
      %lt3A_609 = vector.broadcast %lt3A : i32 to vector<16xi32>
      %lt3A_610 = arith.cmpi slt, %mul3A_604, %lt3A_609 : vector<16xi32>
      %jit3A = arith.constant 483648 : i32
      %jit3A_611 = arith.constant 0 : i32
      %broadcast_in_dim3A_612 = vector.broadcast %jit3A : i32 to vector<16xi32>
      %broadcast_in_dim3A_613 = vector.broadcast %jit3A_611 : i32 to vector<16xi32>
      %select_n3A = arith.select %lt3A_610, %broadcast_in_dim3A_612, %broadcast_in_dim3A_613 : vector<16xi1>, vector<16xi32>
      %add3A_614 = arith.addi %rem3A_608, %select_n3A : vector<16xi32>
      %rem3A_615 = arith.constant 500000 : i32
      %rem3A_616 = vector.broadcast %rem3A_615 : i32 to vector<16xi32>
      %rem3A_617 = arith.remsi %add3A_614, %rem3A_616 : vector<16xi32>
      %mul3A_618 = arith.constant 16 : i32
      %mul3A_619 = arith.muli %while3A_569, %mul3A_618 : i32
      %swap3A = arith.index_cast %mul3A_619 : i32 to index
      %swap3A_620 = tpu.vector_load %arg7[%swap3A] {strides = array<i32>} : memref<400xi32, #tpu.memory_space<vmem>>, vector<16xi32>,
      tpu.vector_store %arg7[%swap3A], %rem3A_617 {strides = array<i32>} : memref<400xi32, #tpu.memory_space<vmem>>, vector<16xi32>,
    }
    %dma_start3A_181 = arith.constant 0 : i32
    %dma_start3A_182 = tpu.memref_slice %arg7[%dma_start3A_181] : memref<400xi32, #tpu.memory_space<vmem>> -> memref<200xi32, #tpu.memory_space<vmem>>
    %dma_start3A_183 = arith.constant 0 : i32
    %dma_start3A_184 = arith.constant 0 : i32
    %dma_start3A_185 = tpu.memref_slice %arg3[%dma_start3A_183, %dma_start3A_184] : memref<500000x128xf32, #tpu.memory_space<hbm>> -> memref<500000x128xf32, #tpu.memory_space<hbm>>
    tpu.enqueue_indirect_dma source(%dma_start3A_185 : memref<500000x128xf32, #tpu.memory_space<hbm>>) target(%arg9 : memref<200x128xf32, #tpu.memory_space<vmem>>) offsets(%dma_start3A_182 : memref<200xi32, #tpu.memory_space<vmem>>) semaphore(%arg12 : memref<!tpu.dma_semaphore, #tpu.memory_space<semaphore_mem>>)
    %dma_wait3A_186 = arith.constant 0 : i32
    %dma_wait3A_187 = tpu.memref_slice %arg6[%dma_wait3A_186] : memref<400xi32, #tpu.memory_space<vmem>> -> memref<200xi32, #tpu.memory_space<vmem>>
    %dma_wait3A_188 = arith.constant 0 : i32
    %dma_wait3A_189 = arith.constant 0 : i32
    %dma_wait3A_190 = tpu.memref_slice %arg3[%dma_wait3A_188, %dma_wait3A_189] : memref<500000x128xf32, #tpu.memory_space<hbm>> -> memref<500000x128xf32, #tpu.memory_space<hbm>>
    tpu.wait_indirect_dma semaphore(%arg13 : memref<!tpu.dma_semaphore, #tpu.memory_space<semaphore_mem>>) src(%dma_wait3A_190 : memref<500000x128xf32, #tpu.memory_space<hbm>>) dst(%arg10 : memref<200x128xf32, #tpu.memory_space<vmem>>)
    %add3A_191 = arith.constant 8 : i32
    %add3A_192 = arith.addi %mul3A_11, %add3A_191 : i32
    "tpu.region"() ({
      %run_scoped3A_569 = tpu.sem_alloc : memref<!tpu.dma_semaphore, #tpu.memory_space<semaphore_mem>>
      %dma_start3A_570 = arith.constant 0 : i32
      %dma_start3A_571 = arith.constant 0 : i32
      %dma_start3A_572 = tpu.memref_slice %arg4[%add3A_192, %dma_start3A_570, %dma_start3A_571] : memref<1024x200x128xf32, #tpu.memory_space<hbm>> -> memref<1x200x128xf32, #tpu.memory_space<hbm>>
      %dma_start3A_573 = tpu.memref_squeeze %dma_start3A_572 : memref<1x200x128xf32, #tpu.memory_space<hbm>> -> memref<200x128xf32, #tpu.memory_space<hbm>>
      %dma_start3A_574 = arith.constant 0 : i32
      %dma_start3A_575 = arith.constant 0 : i32
      %dma_start3A_576 = tpu.memref_slice %arg4[%add3A_192, %dma_start3A_574, %dma_start3A_575] : memref<1024x200x128xf32, #tpu.memory_space<hbm>> -> memref<1x200x128xf32, #tpu.memory_space<hbm>>
      %dma_start3A_577 = tpu.memref_squeeze %dma_start3A_576 : memref<1x200x128xf32, #tpu.memory_space<hbm>> -> memref<200x128xf32, #tpu.memory_space<hbm>>
      tpu.enqueue_dma source(%arg10 : memref<200x128xf32, #tpu.memory_space<vmem>>) target(%dma_start3A_577 : memref<200x128xf32, #tpu.memory_space<hbm>>) target_semaphore(%run_scoped3A_569 : memref<!tpu.dma_semaphore, #tpu.memory_space<semaphore_mem>>)
      %dma_wait3A_578 = arith.constant 0 : i32
      %dma_wait3A_579 = arith.constant 0 : i32
      %dma_wait3A_580 = tpu.memref_slice %arg4[%add3A_192, %dma_wait3A_578, %dma_wait3A_579] : memref<1024x200x128xf32, #tpu.memory_space<hbm>> -> memref<1x200x128xf32, #tpu.memory_space<hbm>>
      %dma_wait3A_581 = tpu.memref_squeeze %dma_wait3A_580 : memref<1x200x128xf32, #tpu.memory_space<hbm>> -> memref<200x128xf32, #tpu.memory_space<hbm>>
      %dma_wait3A_582 = arith.constant 0 : i32
      %dma_wait3A_583 = arith.constant 0 : i32
      %dma_wait3A_584 = tpu.memref_slice %arg4[%add3A_192, %dma_wait3A_582, %dma_wait3A_583] : memref<1024x200x128xf32, #tpu.memory_space<hbm>> -> memref<1x200x128xf32, #tpu.memory_space<hbm>>
      %dma_wait3A_585 = tpu.memref_squeeze %dma_wait3A_584 : memref<1x200x128xf32, #tpu.memory_space<hbm>> -> memref<200x128xf32, #tpu.memory_space<hbm>>
      tpu.wait_dma2 semaphore(%run_scoped3A_569 : memref<!tpu.dma_semaphore, #tpu.memory_space<semaphore_mem>>) src(%arg10 : memref<200x128xf32, #tpu.memory_space<vmem>>) dst(%dma_wait3A_585 : memref<200x128xf32, #tpu.memory_space<hbm>>)
      tpu.yield
    }) : () -> ()
    %dma_start3A_193 = arith.constant 200 : i32
    %dma_start3A_194 = tpu.memref_slice %arg7[%dma_start3A_193] : memref<400xi32, #tpu.memory_space<vmem>> -> memref<200xi32, #tpu.memory_space<vmem>>
    %dma_start3A_195 = arith.constant 0 : i32
    %dma_start3A_196 = arith.constant 0 : i32
    %dma_start3A_197 = tpu.memref_slice %arg3[%dma_start3A_195, %dma_start3A_196] : memref<500000x128xf32, #tpu.memory_space<hbm>> -> memref<500000x128xf32, #tpu.memory_space<hbm>>
    tpu.enqueue_indirect_dma source(%dma_start3A_197 : memref<500000x128xf32, #tpu.memory_space<hbm>>) target(%arg10 : memref<200x128xf32, #tpu.memory_space<vmem>>) offsets(%dma_start3A_194 : memref<200xi32, #tpu.memory_space<vmem>>) semaphore(%arg13 : memref<!tpu.dma_semaphore, #tpu.memory_space<semaphore_mem>>)
    %dma_wait3A_198 = arith.constant 200 : i32
    %dma_wait3A_199 = tpu.memref_slice %arg6[%dma_wait3A_198] : memref<400xi32, #tpu.memory_space<vmem>> -> memref<200xi32, #tpu.memory_space<vmem>>
    %dma_wait3A_200 = arith.constant 0 : i32
    %dma_wait3A_201 = arith.constant 0 : i32
    %dma_wait3A_202 = tpu.memref_slice %arg3[%dma_wait3A_200, %dma_wait3A_201] : memref<500000x128xf32, #tpu.memory_space<hbm>> -> memref<500000x128xf32, #tpu.memory_space<hbm>>
    tpu.wait_indirect_dma semaphore(%arg11 : memref<!tpu.dma_semaphore, #tpu.memory_space<semaphore_mem>>) src(%dma_wait3A_202 : memref<500000x128xf32, #tpu.memory_space<hbm>>) dst(%arg8 : memref<200x128xf32, #tpu.memory_space<vmem>>)
    %add3A_203 = arith.constant 9 : i32
    %add3A_204 = arith.addi %mul3A_11, %add3A_203 : i32
    "tpu.region"() ({
      %run_scoped3A_569 = tpu.sem_alloc : memref<!tpu.dma_semaphore, #tpu.memory_space<semaphore_mem>>
      %dma_start3A_570 = arith.constant 0 : i32
      %dma_start3A_571 = arith.constant 0 : i32
      %dma_start3A_572 = tpu.memref_slice %arg4[%add3A_204, %dma_start3A_570, %dma_start3A_571] : memref<1024x200x128xf32, #tpu.memory_space<hbm>> -> memref<1x200x128xf32, #tpu.memory_space<hbm>>
      %dma_start3A_573 = tpu.memref_squeeze %dma_start3A_572 : memref<1x200x128xf32, #tpu.memory_space<hbm>> -> memref<200x128xf32, #tpu.memory_space<hbm>>
      %dma_start3A_574 = arith.constant 0 : i32
      %dma_start3A_575 = arith.constant 0 : i32
      %dma_start3A_576 = tpu.memref_slice %arg4[%add3A_204, %dma_start3A_574, %dma_start3A_575] : memref<1024x200x128xf32, #tpu.memory_space<hbm>> -> memref<1x200x128xf32, #tpu.memory_space<hbm>>
      %dma_start3A_577 = tpu.memref_squeeze %dma_start3A_576 : memref<1x200x128xf32, #tpu.memory_space<hbm>> -> memref<200x128xf32, #tpu.memory_space<hbm>>
      tpu.enqueue_dma source(%arg8 : memref<200x128xf32, #tpu.memory_space<vmem>>) target(%dma_start3A_577 : memref<200x128xf32, #tpu.memory_space<hbm>>) target_semaphore(%run_scoped3A_569 : memref<!tpu.dma_semaphore, #tpu.memory_space<semaphore_mem>>)
      %dma_wait3A_578 = arith.constant 0 : i32
      %dma_wait3A_579 = arith.constant 0 : i32
      %dma_wait3A_580 = tpu.memref_slice %arg4[%add3A_204, %dma_wait3A_578, %dma_wait3A_579] : memref<1024x200x128xf32, #tpu.memory_space<hbm>> -> memref<1x200x128xf32, #tpu.memory_space<hbm>>
      %dma_wait3A_581 = tpu.memref_squeeze %dma_wait3A_580 : memref<1x200x128xf32, #tpu.memory_space<hbm>> -> memref<200x128xf32, #tpu.memory_space<hbm>>
      %dma_wait3A_582 = arith.constant 0 : i32
      %dma_wait3A_583 = arith.constant 0 : i32
      %dma_wait3A_584 = tpu.memref_slice %arg4[%add3A_204, %dma_wait3A_582, %dma_wait3A_583] : memref<1024x200x128xf32, #tpu.memory_space<hbm>> -> memref<1x200x128xf32, #tpu.memory_space<hbm>>
      %dma_wait3A_585 = tpu.memref_squeeze %dma_wait3A_584 : memref<1x200x128xf32, #tpu.memory_space<hbm>> -> memref<200x128xf32, #tpu.memory_space<hbm>>
      tpu.wait_dma2 semaphore(%run_scoped3A_569 : memref<!tpu.dma_semaphore, #tpu.memory_space<semaphore_mem>>) src(%arg8 : memref<200x128xf32, #tpu.memory_space<vmem>>) dst(%dma_wait3A_585 : memref<200x128xf32, #tpu.memory_space<hbm>>)
      tpu.yield
    }) : () -> ()
    %while3A_205 = arith.constant 0 : i64
    %while3A_206 = arith.constant 0 : i32
    %while3A_207 = arith.constant 25 : i32
    %while3A_208 = arith.subi %while3A_207, %while3A_206 : i32
    %while3A_209 = arith.addi %while3A_206, %while3A_208 : i32
    %while3A_210 = arith.constant 1 : i32
    %while3A_211 = arith.divsi %while3A_208, %while3A_210 : i32
    %while3A_212 = arith.muli %while3A_211, %while3A_210 : i32
    %while3A_213 = arith.addi %while3A_206, %while3A_212 : i32
    %while3A_214 = arith.constant 1 : i32
    scf.for %while3A_569 = %while3A_206 to %while3A_213 step %while3A_214  : i32 {
      %mul3A_570 = arith.constant 16 : i32
      %mul3A_571 = arith.muli %while3A_569, %mul3A_570 : i32
      %add3A_572 = arith.constant 2400 : i32
      %add3A_573 = arith.addi %add3A_572, %mul3A_571 : i32
      %broadcast_in_dim3A = arith.constant -2128831035 : i32
      %broadcast_in_dim3A_574 = vector.broadcast %broadcast_in_dim3A : i32 to vector<16xi32>
      %get3A = arith.constant 0 : i32
      %get3A_575 = arith.index_cast %get3A : i32 to index
      %get3A_576 = arith.index_cast %add3A_573 : i32 to index
      %get3A_577 = tpu.vector_load %arg5[%get3A_575, %get3A_576] {strides = array<i32>} : memref<4x6400xi32, #tpu.memory_space<vmem>>, vector<16xi32>,
      %xor3A = arith.xori %broadcast_in_dim3A_574, %get3A_577 : vector<16xi32>
      %mul3A_578 = arith.constant 16777619 : i32
      %mul3A_579 = vector.broadcast %mul3A_578 : i32 to vector<16xi32>
      %mul3A_580 = arith.muli %xor3A, %mul3A_579 : vector<16xi32>
      %get3A_581 = arith.constant 1 : i32
      %get3A_582 = arith.index_cast %get3A_581 : i32 to index
      %get3A_583 = arith.index_cast %add3A_573 : i32 to index
      %get3A_584 = tpu.vector_load %arg5[%get3A_582, %get3A_583] {strides = array<i32>} : memref<4x6400xi32, #tpu.memory_space<vmem>>, vector<16xi32>,
      %xor3A_585 = arith.xori %mul3A_580, %get3A_584 : vector<16xi32>
      %mul3A_586 = arith.constant 16777619 : i32
      %mul3A_587 = vector.broadcast %mul3A_586 : i32 to vector<16xi32>
      %mul3A_588 = arith.muli %xor3A_585, %mul3A_587 : vector<16xi32>
      %get3A_589 = arith.constant 2 : i32
      %get3A_590 = arith.index_cast %get3A_589 : i32 to index
      %get3A_591 = arith.index_cast %add3A_573 : i32 to index
      %get3A_592 = tpu.vector_load %arg5[%get3A_590, %get3A_591] {strides = array<i32>} : memref<4x6400xi32, #tpu.memory_space<vmem>>, vector<16xi32>,
      %xor3A_593 = arith.xori %mul3A_588, %get3A_592 : vector<16xi32>
      %mul3A_594 = arith.constant 16777619 : i32
      %mul3A_595 = vector.broadcast %mul3A_594 : i32 to vector<16xi32>
      %mul3A_596 = arith.muli %xor3A_593, %mul3A_595 : vector<16xi32>
      %get3A_597 = arith.constant 3 : i32
      %get3A_598 = arith.index_cast %get3A_597 : i32 to index
      %get3A_599 = arith.index_cast %add3A_573 : i32 to index
      %get3A_600 = tpu.vector_load %arg5[%get3A_598, %get3A_599] {strides = array<i32>} : memref<4x6400xi32, #tpu.memory_space<vmem>>, vector<16xi32>,
      %xor3A_601 = arith.xori %mul3A_596, %get3A_600 : vector<16xi32>
      %mul3A_602 = arith.constant 16777619 : i32
      %mul3A_603 = vector.broadcast %mul3A_602 : i32 to vector<16xi32>
      %mul3A_604 = arith.muli %xor3A_601, %mul3A_603 : vector<16xi32>
      %and3A = arith.constant 2147483647 : i32
      %and3A_605 = vector.broadcast %and3A : i32 to vector<16xi32>
      %and3A_606 = arith.andi %mul3A_604, %and3A_605 : vector<16xi32>
      %rem3A = arith.constant 500000 : i32
      %rem3A_607 = vector.broadcast %rem3A : i32 to vector<16xi32>
      %rem3A_608 = arith.remsi %and3A_606, %rem3A_607 : vector<16xi32>
      %lt3A = arith.constant 0 : i32
      %lt3A_609 = vector.broadcast %lt3A : i32 to vector<16xi32>
      %lt3A_610 = arith.cmpi slt, %mul3A_604, %lt3A_609 : vector<16xi32>
      %jit3A = arith.constant 483648 : i32
      %jit3A_611 = arith.constant 0 : i32
      %broadcast_in_dim3A_612 = vector.broadcast %jit3A : i32 to vector<16xi32>
      %broadcast_in_dim3A_613 = vector.broadcast %jit3A_611 : i32 to vector<16xi32>
      %select_n3A = arith.select %lt3A_610, %broadcast_in_dim3A_612, %broadcast_in_dim3A_613 : vector<16xi1>, vector<16xi32>
      %add3A_614 = arith.addi %rem3A_608, %select_n3A : vector<16xi32>
      %rem3A_615 = arith.constant 500000 : i32
      %rem3A_616 = vector.broadcast %rem3A_615 : i32 to vector<16xi32>
      %rem3A_617 = arith.remsi %add3A_614, %rem3A_616 : vector<16xi32>
      %mul3A_618 = arith.constant 16 : i32
      %mul3A_619 = arith.muli %while3A_569, %mul3A_618 : i32
      %swap3A = arith.index_cast %mul3A_619 : i32 to index
      %swap3A_620 = tpu.vector_load %arg6[%swap3A] {strides = array<i32>} : memref<400xi32, #tpu.memory_space<vmem>>, vector<16xi32>,
      tpu.vector_store %arg6[%swap3A], %rem3A_617 {strides = array<i32>} : memref<400xi32, #tpu.memory_space<vmem>>, vector<16xi32>,
    }
    %while3A_215 = arith.constant 1 : i32
    scf.for %while3A_569 = %while3A_213 to %while3A_209 step %while3A_215  : i32 {
      %mul3A_570 = arith.constant 16 : i32
      %mul3A_571 = arith.muli %while3A_569, %mul3A_570 : i32
      %add3A_572 = arith.constant 2400 : i32
      %add3A_573 = arith.addi %add3A_572, %mul3A_571 : i32
      %broadcast_in_dim3A = arith.constant -2128831035 : i32
      %broadcast_in_dim3A_574 = vector.broadcast %broadcast_in_dim3A : i32 to vector<16xi32>
      %get3A = arith.constant 0 : i32
      %get3A_575 = arith.index_cast %get3A : i32 to index
      %get3A_576 = arith.index_cast %add3A_573 : i32 to index
      %get3A_577 = tpu.vector_load %arg5[%get3A_575, %get3A_576] {strides = array<i32>} : memref<4x6400xi32, #tpu.memory_space<vmem>>, vector<16xi32>,
      %xor3A = arith.xori %broadcast_in_dim3A_574, %get3A_577 : vector<16xi32>
      %mul3A_578 = arith.constant 16777619 : i32
      %mul3A_579 = vector.broadcast %mul3A_578 : i32 to vector<16xi32>
      %mul3A_580 = arith.muli %xor3A, %mul3A_579 : vector<16xi32>
      %get3A_581 = arith.constant 1 : i32
      %get3A_582 = arith.index_cast %get3A_581 : i32 to index
      %get3A_583 = arith.index_cast %add3A_573 : i32 to index
      %get3A_584 = tpu.vector_load %arg5[%get3A_582, %get3A_583] {strides = array<i32>} : memref<4x6400xi32, #tpu.memory_space<vmem>>, vector<16xi32>,
      %xor3A_585 = arith.xori %mul3A_580, %get3A_584 : vector<16xi32>
      %mul3A_586 = arith.constant 16777619 : i32
      %mul3A_587 = vector.broadcast %mul3A_586 : i32 to vector<16xi32>
      %mul3A_588 = arith.muli %xor3A_585, %mul3A_587 : vector<16xi32>
      %get3A_589 = arith.constant 2 : i32
      %get3A_590 = arith.index_cast %get3A_589 : i32 to index
      %get3A_591 = arith.index_cast %add3A_573 : i32 to index
      %get3A_592 = tpu.vector_load %arg5[%get3A_590, %get3A_591] {strides = array<i32>} : memref<4x6400xi32, #tpu.memory_space<vmem>>, vector<16xi32>,
      %xor3A_593 = arith.xori %mul3A_588, %get3A_592 : vector<16xi32>
      %mul3A_594 = arith.constant 16777619 : i32
      %mul3A_595 = vector.broadcast %mul3A_594 : i32 to vector<16xi32>
      %mul3A_596 = arith.muli %xor3A_593, %mul3A_595 : vector<16xi32>
      %get3A_597 = arith.constant 3 : i32
      %get3A_598 = arith.index_cast %get3A_597 : i32 to index
      %get3A_599 = arith.index_cast %add3A_573 : i32 to index
      %get3A_600 = tpu.vector_load %arg5[%get3A_598, %get3A_599] {strides = array<i32>} : memref<4x6400xi32, #tpu.memory_space<vmem>>, vector<16xi32>,
      %xor3A_601 = arith.xori %mul3A_596, %get3A_600 : vector<16xi32>
      %mul3A_602 = arith.constant 16777619 : i32
      %mul3A_603 = vector.broadcast %mul3A_602 : i32 to vector<16xi32>
      %mul3A_604 = arith.muli %xor3A_601, %mul3A_603 : vector<16xi32>
      %and3A = arith.constant 2147483647 : i32
      %and3A_605 = vector.broadcast %and3A : i32 to vector<16xi32>
      %and3A_606 = arith.andi %mul3A_604, %and3A_605 : vector<16xi32>
      %rem3A = arith.constant 500000 : i32
      %rem3A_607 = vector.broadcast %rem3A : i32 to vector<16xi32>
      %rem3A_608 = arith.remsi %and3A_606, %rem3A_607 : vector<16xi32>
      %lt3A = arith.constant 0 : i32
      %lt3A_609 = vector.broadcast %lt3A : i32 to vector<16xi32>
      %lt3A_610 = arith.cmpi slt, %mul3A_604, %lt3A_609 : vector<16xi32>
      %jit3A = arith.constant 483648 : i32
      %jit3A_611 = arith.constant 0 : i32
      %broadcast_in_dim3A_612 = vector.broadcast %jit3A : i32 to vector<16xi32>
      %broadcast_in_dim3A_613 = vector.broadcast %jit3A_611 : i32 to vector<16xi32>
      %select_n3A = arith.select %lt3A_610, %broadcast_in_dim3A_612, %broadcast_in_dim3A_613 : vector<16xi1>, vector<16xi32>
      %add3A_614 = arith.addi %rem3A_608, %select_n3A : vector<16xi32>
      %rem3A_615 = arith.constant 500000 : i32
      %rem3A_616 = vector.broadcast %rem3A_615 : i32 to vector<16xi32>
      %rem3A_617 = arith.remsi %add3A_614, %rem3A_616 : vector<16xi32>
      %mul3A_618 = arith.constant 16 : i32
      %mul3A_619 = arith.muli %while3A_569, %mul3A_618 : i32
      %swap3A = arith.index_cast %mul3A_619 : i32 to index
      %swap3A_620 = tpu.vector_load %arg6[%swap3A] {strides = array<i32>} : memref<400xi32, #tpu.memory_space<vmem>>, vector<16xi32>,
      tpu.vector_store %arg6[%swap3A], %rem3A_617 {strides = array<i32>} : memref<400xi32, #tpu.memory_space<vmem>>, vector<16xi32>,
    }
    %dma_start3A_216 = arith.constant 0 : i32
    %dma_start3A_217 = tpu.memref_slice %arg6[%dma_start3A_216] : memref<400xi32, #tpu.memory_space<vmem>> -> memref<200xi32, #tpu.memory_space<vmem>>
    %dma_start3A_218 = arith.constant 0 : i32
    %dma_start3A_219 = arith.constant 0 : i32
    %dma_start3A_220 = tpu.memref_slice %arg3[%dma_start3A_218, %dma_start3A_219] : memref<500000x128xf32, #tpu.memory_space<hbm>> -> memref<500000x128xf32, #tpu.memory_space<hbm>>
    tpu.enqueue_indirect_dma source(%dma_start3A_220 : memref<500000x128xf32, #tpu.memory_space<hbm>>) target(%arg8 : memref<200x128xf32, #tpu.memory_space<vmem>>) offsets(%dma_start3A_217 : memref<200xi32, #tpu.memory_space<vmem>>) semaphore(%arg11 : memref<!tpu.dma_semaphore, #tpu.memory_space<semaphore_mem>>)
    %dma_wait3A_221 = arith.constant 0 : i32
    %dma_wait3A_222 = tpu.memref_slice %arg7[%dma_wait3A_221] : memref<400xi32, #tpu.memory_space<vmem>> -> memref<200xi32, #tpu.memory_space<vmem>>
    %dma_wait3A_223 = arith.constant 0 : i32
    %dma_wait3A_224 = arith.constant 0 : i32
    %dma_wait3A_225 = tpu.memref_slice %arg3[%dma_wait3A_223, %dma_wait3A_224] : memref<500000x128xf32, #tpu.memory_space<hbm>> -> memref<500000x128xf32, #tpu.memory_space<hbm>>
    tpu.wait_indirect_dma semaphore(%arg12 : memref<!tpu.dma_semaphore, #tpu.memory_space<semaphore_mem>>) src(%dma_wait3A_225 : memref<500000x128xf32, #tpu.memory_space<hbm>>) dst(%arg9 : memref<200x128xf32, #tpu.memory_space<vmem>>)
    %add3A_226 = arith.constant 10 : i32
    %add3A_227 = arith.addi %mul3A_11, %add3A_226 : i32
    "tpu.region"() ({
      %run_scoped3A_569 = tpu.sem_alloc : memref<!tpu.dma_semaphore, #tpu.memory_space<semaphore_mem>>
      %dma_start3A_570 = arith.constant 0 : i32
      %dma_start3A_571 = arith.constant 0 : i32
      %dma_start3A_572 = tpu.memref_slice %arg4[%add3A_227, %dma_start3A_570, %dma_start3A_571] : memref<1024x200x128xf32, #tpu.memory_space<hbm>> -> memref<1x200x128xf32, #tpu.memory_space<hbm>>
      %dma_start3A_573 = tpu.memref_squeeze %dma_start3A_572 : memref<1x200x128xf32, #tpu.memory_space<hbm>> -> memref<200x128xf32, #tpu.memory_space<hbm>>
      %dma_start3A_574 = arith.constant 0 : i32
      %dma_start3A_575 = arith.constant 0 : i32
      %dma_start3A_576 = tpu.memref_slice %arg4[%add3A_227, %dma_start3A_574, %dma_start3A_575] : memref<1024x200x128xf32, #tpu.memory_space<hbm>> -> memref<1x200x128xf32, #tpu.memory_space<hbm>>
      %dma_start3A_577 = tpu.memref_squeeze %dma_start3A_576 : memref<1x200x128xf32, #tpu.memory_space<hbm>> -> memref<200x128xf32, #tpu.memory_space<hbm>>
      tpu.enqueue_dma source(%arg9 : memref<200x128xf32, #tpu.memory_space<vmem>>) target(%dma_start3A_577 : memref<200x128xf32, #tpu.memory_space<hbm>>) target_semaphore(%run_scoped3A_569 : memref<!tpu.dma_semaphore, #tpu.memory_space<semaphore_mem>>)
      %dma_wait3A_578 = arith.constant 0 : i32
      %dma_wait3A_579 = arith.constant 0 : i32
      %dma_wait3A_580 = tpu.memref_slice %arg4[%add3A_227, %dma_wait3A_578, %dma_wait3A_579] : memref<1024x200x128xf32, #tpu.memory_space<hbm>> -> memref<1x200x128xf32, #tpu.memory_space<hbm>>
      %dma_wait3A_581 = tpu.memref_squeeze %dma_wait3A_580 : memref<1x200x128xf32, #tpu.memory_space<hbm>> -> memref<200x128xf32, #tpu.memory_space<hbm>>
      %dma_wait3A_582 = arith.constant 0 : i32
      %dma_wait3A_583 = arith.constant 0 : i32
      %dma_wait3A_584 = tpu.memref_slice %arg4[%add3A_227, %dma_wait3A_582, %dma_wait3A_583] : memref<1024x200x128xf32, #tpu.memory_space<hbm>> -> memref<1x200x128xf32, #tpu.memory_space<hbm>>
      %dma_wait3A_585 = tpu.memref_squeeze %dma_wait3A_584 : memref<1x200x128xf32, #tpu.memory_space<hbm>> -> memref<200x128xf32, #tpu.memory_space<hbm>>
      tpu.wait_dma2 semaphore(%run_scoped3A_569 : memref<!tpu.dma_semaphore, #tpu.memory_space<semaphore_mem>>) src(%arg9 : memref<200x128xf32, #tpu.memory_space<vmem>>) dst(%dma_wait3A_585 : memref<200x128xf32, #tpu.memory_space<hbm>>)
      tpu.yield
    }) : () -> ()
    %dma_start3A_228 = arith.constant 200 : i32
    %dma_start3A_229 = tpu.memref_slice %arg6[%dma_start3A_228] : memref<400xi32, #tpu.memory_space<vmem>> -> memref<200xi32, #tpu.memory_space<vmem>>
    %dma_start3A_230 = arith.constant 0 : i32
    %dma_start3A_231 = arith.constant 0 : i32
    %dma_start3A_232 = tpu.memref_slice %arg3[%dma_start3A_230, %dma_start3A_231] : memref<500000x128xf32, #tpu.memory_space<hbm>> -> memref<500000x128xf32, #tpu.memory_space<hbm>>
    tpu.enqueue_indirect_dma source(%dma_start3A_232 : memref<500000x128xf32, #tpu.memory_space<hbm>>) target(%arg9 : memref<200x128xf32, #tpu.memory_space<vmem>>) offsets(%dma_start3A_229 : memref<200xi32, #tpu.memory_space<vmem>>) semaphore(%arg12 : memref<!tpu.dma_semaphore, #tpu.memory_space<semaphore_mem>>)
    %dma_wait3A_233 = arith.constant 200 : i32
    %dma_wait3A_234 = tpu.memref_slice %arg7[%dma_wait3A_233] : memref<400xi32, #tpu.memory_space<vmem>> -> memref<200xi32, #tpu.memory_space<vmem>>
    %dma_wait3A_235 = arith.constant 0 : i32
    %dma_wait3A_236 = arith.constant 0 : i32
    %dma_wait3A_237 = tpu.memref_slice %arg3[%dma_wait3A_235, %dma_wait3A_236] : memref<500000x128xf32, #tpu.memory_space<hbm>> -> memref<500000x128xf32, #tpu.memory_space<hbm>>
    tpu.wait_indirect_dma semaphore(%arg13 : memref<!tpu.dma_semaphore, #tpu.memory_space<semaphore_mem>>) src(%dma_wait3A_237 : memref<500000x128xf32, #tpu.memory_space<hbm>>) dst(%arg10 : memref<200x128xf32, #tpu.memory_space<vmem>>)
    %add3A_238 = arith.constant 11 : i32
    %add3A_239 = arith.addi %mul3A_11, %add3A_238 : i32
    "tpu.region"() ({
      %run_scoped3A_569 = tpu.sem_alloc : memref<!tpu.dma_semaphore, #tpu.memory_space<semaphore_mem>>
      %dma_start3A_570 = arith.constant 0 : i32
      %dma_start3A_571 = arith.constant 0 : i32
      %dma_start3A_572 = tpu.memref_slice %arg4[%add3A_239, %dma_start3A_570, %dma_start3A_571] : memref<1024x200x128xf32, #tpu.memory_space<hbm>> -> memref<1x200x128xf32, #tpu.memory_space<hbm>>
      %dma_start3A_573 = tpu.memref_squeeze %dma_start3A_572 : memref<1x200x128xf32, #tpu.memory_space<hbm>> -> memref<200x128xf32, #tpu.memory_space<hbm>>
      %dma_start3A_574 = arith.constant 0 : i32
      %dma_start3A_575 = arith.constant 0 : i32
      %dma_start3A_576 = tpu.memref_slice %arg4[%add3A_239, %dma_start3A_574, %dma_start3A_575] : memref<1024x200x128xf32, #tpu.memory_space<hbm>> -> memref<1x200x128xf32, #tpu.memory_space<hbm>>
      %dma_start3A_577 = tpu.memref_squeeze %dma_start3A_576 : memref<1x200x128xf32, #tpu.memory_space<hbm>> -> memref<200x128xf32, #tpu.memory_space<hbm>>
      tpu.enqueue_dma source(%arg10 : memref<200x128xf32, #tpu.memory_space<vmem>>) target(%dma_start3A_577 : memref<200x128xf32, #tpu.memory_space<hbm>>) target_semaphore(%run_scoped3A_569 : memref<!tpu.dma_semaphore, #tpu.memory_space<semaphore_mem>>)
      %dma_wait3A_578 = arith.constant 0 : i32
      %dma_wait3A_579 = arith.constant 0 : i32
      %dma_wait3A_580 = tpu.memref_slice %arg4[%add3A_239, %dma_wait3A_578, %dma_wait3A_579] : memref<1024x200x128xf32, #tpu.memory_space<hbm>> -> memref<1x200x128xf32, #tpu.memory_space<hbm>>
      %dma_wait3A_581 = tpu.memref_squeeze %dma_wait3A_580 : memref<1x200x128xf32, #tpu.memory_space<hbm>> -> memref<200x128xf32, #tpu.memory_space<hbm>>
      %dma_wait3A_582 = arith.constant 0 : i32
      %dma_wait3A_583 = arith.constant 0 : i32
      %dma_wait3A_584 = tpu.memref_slice %arg4[%add3A_239, %dma_wait3A_582, %dma_wait3A_583] : memref<1024x200x128xf32, #tpu.memory_space<hbm>> -> memref<1x200x128xf32, #tpu.memory_space<hbm>>
      %dma_wait3A_585 = tpu.memref_squeeze %dma_wait3A_584 : memref<1x200x128xf32, #tpu.memory_space<hbm>> -> memref<200x128xf32, #tpu.memory_space<hbm>>
      tpu.wait_dma2 semaphore(%run_scoped3A_569 : memref<!tpu.dma_semaphore, #tpu.memory_space<semaphore_mem>>) src(%arg10 : memref<200x128xf32, #tpu.memory_space<vmem>>) dst(%dma_wait3A_585 : memref<200x128xf32, #tpu.memory_space<hbm>>)
      tpu.yield
    }) : () -> ()
    %while3A_240 = arith.constant 0 : i64
    %while3A_241 = arith.constant 0 : i32
    %while3A_242 = arith.constant 25 : i32
    %while3A_243 = arith.subi %while3A_242, %while3A_241 : i32
    %while3A_244 = arith.addi %while3A_241, %while3A_243 : i32
    %while3A_245 = arith.constant 1 : i32
    %while3A_246 = arith.divsi %while3A_243, %while3A_245 : i32
    %while3A_247 = arith.muli %while3A_246, %while3A_245 : i32
    %while3A_248 = arith.addi %while3A_241, %while3A_247 : i32
    %while3A_249 = arith.constant 1 : i32
    scf.for %while3A_569 = %while3A_241 to %while3A_248 step %while3A_249  : i32 {
      %mul3A_570 = arith.constant 16 : i32
      %mul3A_571 = arith.muli %while3A_569, %mul3A_570 : i32
      %add3A_572 = arith.constant 2800 : i32
      %add3A_573 = arith.addi %add3A_572, %mul3A_571 : i32
      %broadcast_in_dim3A = arith.constant -2128831035 : i32
      %broadcast_in_dim3A_574 = vector.broadcast %broadcast_in_dim3A : i32 to vector<16xi32>
      %get3A = arith.constant 0 : i32
      %get3A_575 = arith.index_cast %get3A : i32 to index
      %get3A_576 = arith.index_cast %add3A_573 : i32 to index
      %get3A_577 = tpu.vector_load %arg5[%get3A_575, %get3A_576] {strides = array<i32>} : memref<4x6400xi32, #tpu.memory_space<vmem>>, vector<16xi32>,
      %xor3A = arith.xori %broadcast_in_dim3A_574, %get3A_577 : vector<16xi32>
      %mul3A_578 = arith.constant 16777619 : i32
      %mul3A_579 = vector.broadcast %mul3A_578 : i32 to vector<16xi32>
      %mul3A_580 = arith.muli %xor3A, %mul3A_579 : vector<16xi32>
      %get3A_581 = arith.constant 1 : i32
      %get3A_582 = arith.index_cast %get3A_581 : i32 to index
      %get3A_583 = arith.index_cast %add3A_573 : i32 to index
      %get3A_584 = tpu.vector_load %arg5[%get3A_582, %get3A_583] {strides = array<i32>} : memref<4x6400xi32, #tpu.memory_space<vmem>>, vector<16xi32>,
      %xor3A_585 = arith.xori %mul3A_580, %get3A_584 : vector<16xi32>
      %mul3A_586 = arith.constant 16777619 : i32
      %mul3A_587 = vector.broadcast %mul3A_586 : i32 to vector<16xi32>
      %mul3A_588 = arith.muli %xor3A_585, %mul3A_587 : vector<16xi32>
      %get3A_589 = arith.constant 2 : i32
      %get3A_590 = arith.index_cast %get3A_589 : i32 to index
      %get3A_591 = arith.index_cast %add3A_573 : i32 to index
      %get3A_592 = tpu.vector_load %arg5[%get3A_590, %get3A_591] {strides = array<i32>} : memref<4x6400xi32, #tpu.memory_space<vmem>>, vector<16xi32>,
      %xor3A_593 = arith.xori %mul3A_588, %get3A_592 : vector<16xi32>
      %mul3A_594 = arith.constant 16777619 : i32
      %mul3A_595 = vector.broadcast %mul3A_594 : i32 to vector<16xi32>
      %mul3A_596 = arith.muli %xor3A_593, %mul3A_595 : vector<16xi32>
      %get3A_597 = arith.constant 3 : i32
      %get3A_598 = arith.index_cast %get3A_597 : i32 to index
      %get3A_599 = arith.index_cast %add3A_573 : i32 to index
      %get3A_600 = tpu.vector_load %arg5[%get3A_598, %get3A_599] {strides = array<i32>} : memref<4x6400xi32, #tpu.memory_space<vmem>>, vector<16xi32>,
      %xor3A_601 = arith.xori %mul3A_596, %get3A_600 : vector<16xi32>
      %mul3A_602 = arith.constant 16777619 : i32
      %mul3A_603 = vector.broadcast %mul3A_602 : i32 to vector<16xi32>
      %mul3A_604 = arith.muli %xor3A_601, %mul3A_603 : vector<16xi32>
      %and3A = arith.constant 2147483647 : i32
      %and3A_605 = vector.broadcast %and3A : i32 to vector<16xi32>
      %and3A_606 = arith.andi %mul3A_604, %and3A_605 : vector<16xi32>
      %rem3A = arith.constant 500000 : i32
      %rem3A_607 = vector.broadcast %rem3A : i32 to vector<16xi32>
      %rem3A_608 = arith.remsi %and3A_606, %rem3A_607 : vector<16xi32>
      %lt3A = arith.constant 0 : i32
      %lt3A_609 = vector.broadcast %lt3A : i32 to vector<16xi32>
      %lt3A_610 = arith.cmpi slt, %mul3A_604, %lt3A_609 : vector<16xi32>
      %jit3A = arith.constant 483648 : i32
      %jit3A_611 = arith.constant 0 : i32
      %broadcast_in_dim3A_612 = vector.broadcast %jit3A : i32 to vector<16xi32>
      %broadcast_in_dim3A_613 = vector.broadcast %jit3A_611 : i32 to vector<16xi32>
      %select_n3A = arith.select %lt3A_610, %broadcast_in_dim3A_612, %broadcast_in_dim3A_613 : vector<16xi1>, vector<16xi32>
      %add3A_614 = arith.addi %rem3A_608, %select_n3A : vector<16xi32>
      %rem3A_615 = arith.constant 500000 : i32
      %rem3A_616 = vector.broadcast %rem3A_615 : i32 to vector<16xi32>
      %rem3A_617 = arith.remsi %add3A_614, %rem3A_616 : vector<16xi32>
      %mul3A_618 = arith.constant 16 : i32
      %mul3A_619 = arith.muli %while3A_569, %mul3A_618 : i32
      %swap3A = arith.index_cast %mul3A_619 : i32 to index
      %swap3A_620 = tpu.vector_load %arg7[%swap3A] {strides = array<i32>} : memref<400xi32, #tpu.memory_space<vmem>>, vector<16xi32>,
      tpu.vector_store %arg7[%swap3A], %rem3A_617 {strides = array<i32>} : memref<400xi32, #tpu.memory_space<vmem>>, vector<16xi32>,
    }
    %while3A_250 = arith.constant 1 : i32
    scf.for %while3A_569 = %while3A_248 to %while3A_244 step %while3A_250  : i32 {
      %mul3A_570 = arith.constant 16 : i32
      %mul3A_571 = arith.muli %while3A_569, %mul3A_570 : i32
      %add3A_572 = arith.constant 2800 : i32
      %add3A_573 = arith.addi %add3A_572, %mul3A_571 : i32
      %broadcast_in_dim3A = arith.constant -2128831035 : i32
      %broadcast_in_dim3A_574 = vector.broadcast %broadcast_in_dim3A : i32 to vector<16xi32>
      %get3A = arith.constant 0 : i32
      %get3A_575 = arith.index_cast %get3A : i32 to index
      %get3A_576 = arith.index_cast %add3A_573 : i32 to index
      %get3A_577 = tpu.vector_load %arg5[%get3A_575, %get3A_576] {strides = array<i32>} : memref<4x6400xi32, #tpu.memory_space<vmem>>, vector<16xi32>,
      %xor3A = arith.xori %broadcast_in_dim3A_574, %get3A_577 : vector<16xi32>
      %mul3A_578 = arith.constant 16777619 : i32
      %mul3A_579 = vector.broadcast %mul3A_578 : i32 to vector<16xi32>
      %mul3A_580 = arith.muli %xor3A, %mul3A_579 : vector<16xi32>
      %get3A_581 = arith.constant 1 : i32
      %get3A_582 = arith.index_cast %get3A_581 : i32 to index
      %get3A_583 = arith.index_cast %add3A_573 : i32 to index
      %get3A_584 = tpu.vector_load %arg5[%get3A_582, %get3A_583] {strides = array<i32>} : memref<4x6400xi32, #tpu.memory_space<vmem>>, vector<16xi32>,
      %xor3A_585 = arith.xori %mul3A_580, %get3A_584 : vector<16xi32>
      %mul3A_586 = arith.constant 16777619 : i32
      %mul3A_587 = vector.broadcast %mul3A_586 : i32 to vector<16xi32>
      %mul3A_588 = arith.muli %xor3A_585, %mul3A_587 : vector<16xi32>
      %get3A_589 = arith.constant 2 : i32
      %get3A_590 = arith.index_cast %get3A_589 : i32 to index
      %get3A_591 = arith.index_cast %add3A_573 : i32 to index
      %get3A_592 = tpu.vector_load %arg5[%get3A_590, %get3A_591] {strides = array<i32>} : memref<4x6400xi32, #tpu.memory_space<vmem>>, vector<16xi32>,
      %xor3A_593 = arith.xori %mul3A_588, %get3A_592 : vector<16xi32>
      %mul3A_594 = arith.constant 16777619 : i32
      %mul3A_595 = vector.broadcast %mul3A_594 : i32 to vector<16xi32>
      %mul3A_596 = arith.muli %xor3A_593, %mul3A_595 : vector<16xi32>
      %get3A_597 = arith.constant 3 : i32
      %get3A_598 = arith.index_cast %get3A_597 : i32 to index
      %get3A_599 = arith.index_cast %add3A_573 : i32 to index
      %get3A_600 = tpu.vector_load %arg5[%get3A_598, %get3A_599] {strides = array<i32>} : memref<4x6400xi32, #tpu.memory_space<vmem>>, vector<16xi32>,
      %xor3A_601 = arith.xori %mul3A_596, %get3A_600 : vector<16xi32>
      %mul3A_602 = arith.constant 16777619 : i32
      %mul3A_603 = vector.broadcast %mul3A_602 : i32 to vector<16xi32>
      %mul3A_604 = arith.muli %xor3A_601, %mul3A_603 : vector<16xi32>
      %and3A = arith.constant 2147483647 : i32
      %and3A_605 = vector.broadcast %and3A : i32 to vector<16xi32>
      %and3A_606 = arith.andi %mul3A_604, %and3A_605 : vector<16xi32>
      %rem3A = arith.constant 500000 : i32
      %rem3A_607 = vector.broadcast %rem3A : i32 to vector<16xi32>
      %rem3A_608 = arith.remsi %and3A_606, %rem3A_607 : vector<16xi32>
      %lt3A = arith.constant 0 : i32
      %lt3A_609 = vector.broadcast %lt3A : i32 to vector<16xi32>
      %lt3A_610 = arith.cmpi slt, %mul3A_604, %lt3A_609 : vector<16xi32>
      %jit3A = arith.constant 483648 : i32
      %jit3A_611 = arith.constant 0 : i32
      %broadcast_in_dim3A_612 = vector.broadcast %jit3A : i32 to vector<16xi32>
      %broadcast_in_dim3A_613 = vector.broadcast %jit3A_611 : i32 to vector<16xi32>
      %select_n3A = arith.select %lt3A_610, %broadcast_in_dim3A_612, %broadcast_in_dim3A_613 : vector<16xi1>, vector<16xi32>
      %add3A_614 = arith.addi %rem3A_608, %select_n3A : vector<16xi32>
      %rem3A_615 = arith.constant 500000 : i32
      %rem3A_616 = vector.broadcast %rem3A_615 : i32 to vector<16xi32>
      %rem3A_617 = arith.remsi %add3A_614, %rem3A_616 : vector<16xi32>
      %mul3A_618 = arith.constant 16 : i32
      %mul3A_619 = arith.muli %while3A_569, %mul3A_618 : i32
      %swap3A = arith.index_cast %mul3A_619 : i32 to index
      %swap3A_620 = tpu.vector_load %arg7[%swap3A] {strides = array<i32>} : memref<400xi32, #tpu.memory_space<vmem>>, vector<16xi32>,
      tpu.vector_store %arg7[%swap3A], %rem3A_617 {strides = array<i32>} : memref<400xi32, #tpu.memory_space<vmem>>, vector<16xi32>,
    }
    %dma_start3A_251 = arith.constant 0 : i32
    %dma_start3A_252 = tpu.memref_slice %arg7[%dma_start3A_251] : memref<400xi32, #tpu.memory_space<vmem>> -> memref<200xi32, #tpu.memory_space<vmem>>
    %dma_start3A_253 = arith.constant 0 : i32
    %dma_start3A_254 = arith.constant 0 : i32
    %dma_start3A_255 = tpu.memref_slice %arg3[%dma_start3A_253, %dma_start3A_254] : memref<500000x128xf32, #tpu.memory_space<hbm>> -> memref<500000x128xf32, #tpu.memory_space<hbm>>
    tpu.enqueue_indirect_dma source(%dma_start3A_255 : memref<500000x128xf32, #tpu.memory_space<hbm>>) target(%arg10 : memref<200x128xf32, #tpu.memory_space<vmem>>) offsets(%dma_start3A_252 : memref<200xi32, #tpu.memory_space<vmem>>) semaphore(%arg13 : memref<!tpu.dma_semaphore, #tpu.memory_space<semaphore_mem>>)
    %dma_wait3A_256 = arith.constant 0 : i32
    %dma_wait3A_257 = tpu.memref_slice %arg6[%dma_wait3A_256] : memref<400xi32, #tpu.memory_space<vmem>> -> memref<200xi32, #tpu.memory_space<vmem>>
    %dma_wait3A_258 = arith.constant 0 : i32
    %dma_wait3A_259 = arith.constant 0 : i32
    %dma_wait3A_260 = tpu.memref_slice %arg3[%dma_wait3A_258, %dma_wait3A_259] : memref<500000x128xf32, #tpu.memory_space<hbm>> -> memref<500000x128xf32, #tpu.memory_space<hbm>>
    tpu.wait_indirect_dma semaphore(%arg11 : memref<!tpu.dma_semaphore, #tpu.memory_space<semaphore_mem>>) src(%dma_wait3A_260 : memref<500000x128xf32, #tpu.memory_space<hbm>>) dst(%arg8 : memref<200x128xf32, #tpu.memory_space<vmem>>)
    %add3A_261 = arith.constant 12 : i32
    %add3A_262 = arith.addi %mul3A_11, %add3A_261 : i32
    "tpu.region"() ({
      %run_scoped3A_569 = tpu.sem_alloc : memref<!tpu.dma_semaphore, #tpu.memory_space<semaphore_mem>>
      %dma_start3A_570 = arith.constant 0 : i32
      %dma_start3A_571 = arith.constant 0 : i32
      %dma_start3A_572 = tpu.memref_slice %arg4[%add3A_262, %dma_start3A_570, %dma_start3A_571] : memref<1024x200x128xf32, #tpu.memory_space<hbm>> -> memref<1x200x128xf32, #tpu.memory_space<hbm>>
      %dma_start3A_573 = tpu.memref_squeeze %dma_start3A_572 : memref<1x200x128xf32, #tpu.memory_space<hbm>> -> memref<200x128xf32, #tpu.memory_space<hbm>>
      %dma_start3A_574 = arith.constant 0 : i32
      %dma_start3A_575 = arith.constant 0 : i32
      %dma_start3A_576 = tpu.memref_slice %arg4[%add3A_262, %dma_start3A_574, %dma_start3A_575] : memref<1024x200x128xf32, #tpu.memory_space<hbm>> -> memref<1x200x128xf32, #tpu.memory_space<hbm>>
      %dma_start3A_577 = tpu.memref_squeeze %dma_start3A_576 : memref<1x200x128xf32, #tpu.memory_space<hbm>> -> memref<200x128xf32, #tpu.memory_space<hbm>>
      tpu.enqueue_dma source(%arg8 : memref<200x128xf32, #tpu.memory_space<vmem>>) target(%dma_start3A_577 : memref<200x128xf32, #tpu.memory_space<hbm>>) target_semaphore(%run_scoped3A_569 : memref<!tpu.dma_semaphore, #tpu.memory_space<semaphore_mem>>)
      %dma_wait3A_578 = arith.constant 0 : i32
      %dma_wait3A_579 = arith.constant 0 : i32
      %dma_wait3A_580 = tpu.memref_slice %arg4[%add3A_262, %dma_wait3A_578, %dma_wait3A_579] : memref<1024x200x128xf32, #tpu.memory_space<hbm>> -> memref<1x200x128xf32, #tpu.memory_space<hbm>>
      %dma_wait3A_581 = tpu.memref_squeeze %dma_wait3A_580 : memref<1x200x128xf32, #tpu.memory_space<hbm>> -> memref<200x128xf32, #tpu.memory_space<hbm>>
      %dma_wait3A_582 = arith.constant 0 : i32
      %dma_wait3A_583 = arith.constant 0 : i32
      %dma_wait3A_584 = tpu.memref_slice %arg4[%add3A_262, %dma_wait3A_582, %dma_wait3A_583] : memref<1024x200x128xf32, #tpu.memory_space<hbm>> -> memref<1x200x128xf32, #tpu.memory_space<hbm>>
      %dma_wait3A_585 = tpu.memref_squeeze %dma_wait3A_584 : memref<1x200x128xf32, #tpu.memory_space<hbm>> -> memref<200x128xf32, #tpu.memory_space<hbm>>
      tpu.wait_dma2 semaphore(%run_scoped3A_569 : memref<!tpu.dma_semaphore, #tpu.memory_space<semaphore_mem>>) src(%arg8 : memref<200x128xf32, #tpu.memory_space<vmem>>) dst(%dma_wait3A_585 : memref<200x128xf32, #tpu.memory_space<hbm>>)
      tpu.yield
    }) : () -> ()
    %dma_start3A_263 = arith.constant 200 : i32
    %dma_start3A_264 = tpu.memref_slice %arg7[%dma_start3A_263] : memref<400xi32, #tpu.memory_space<vmem>> -> memref<200xi32, #tpu.memory_space<vmem>>
    %dma_start3A_265 = arith.constant 0 : i32
    %dma_start3A_266 = arith.constant 0 : i32
    %dma_start3A_267 = tpu.memref_slice %arg3[%dma_start3A_265, %dma_start3A_266] : memref<500000x128xf32, #tpu.memory_space<hbm>> -> memref<500000x128xf32, #tpu.memory_space<hbm>>
    tpu.enqueue_indirect_dma source(%dma_start3A_267 : memref<500000x128xf32, #tpu.memory_space<hbm>>) target(%arg8 : memref<200x128xf32, #tpu.memory_space<vmem>>) offsets(%dma_start3A_264 : memref<200xi32, #tpu.memory_space<vmem>>) semaphore(%arg11 : memref<!tpu.dma_semaphore, #tpu.memory_space<semaphore_mem>>)
    %dma_wait3A_268 = arith.constant 200 : i32
    %dma_wait3A_269 = tpu.memref_slice %arg6[%dma_wait3A_268] : memref<400xi32, #tpu.memory_space<vmem>> -> memref<200xi32, #tpu.memory_space<vmem>>
    %dma_wait3A_270 = arith.constant 0 : i32
    %dma_wait3A_271 = arith.constant 0 : i32
    %dma_wait3A_272 = tpu.memref_slice %arg3[%dma_wait3A_270, %dma_wait3A_271] : memref<500000x128xf32, #tpu.memory_space<hbm>> -> memref<500000x128xf32, #tpu.memory_space<hbm>>
    tpu.wait_indirect_dma semaphore(%arg12 : memref<!tpu.dma_semaphore, #tpu.memory_space<semaphore_mem>>) src(%dma_wait3A_272 : memref<500000x128xf32, #tpu.memory_space<hbm>>) dst(%arg9 : memref<200x128xf32, #tpu.memory_space<vmem>>)
    %add3A_273 = arith.constant 13 : i32
    %add3A_274 = arith.addi %mul3A_11, %add3A_273 : i32
    "tpu.region"() ({
      %run_scoped3A_569 = tpu.sem_alloc : memref<!tpu.dma_semaphore, #tpu.memory_space<semaphore_mem>>
      %dma_start3A_570 = arith.constant 0 : i32
      %dma_start3A_571 = arith.constant 0 : i32
      %dma_start3A_572 = tpu.memref_slice %arg4[%add3A_274, %dma_start3A_570, %dma_start3A_571] : memref<1024x200x128xf32, #tpu.memory_space<hbm>> -> memref<1x200x128xf32, #tpu.memory_space<hbm>>
      %dma_start3A_573 = tpu.memref_squeeze %dma_start3A_572 : memref<1x200x128xf32, #tpu.memory_space<hbm>> -> memref<200x128xf32, #tpu.memory_space<hbm>>
      %dma_start3A_574 = arith.constant 0 : i32
      %dma_start3A_575 = arith.constant 0 : i32
      %dma_start3A_576 = tpu.memref_slice %arg4[%add3A_274, %dma_start3A_574, %dma_start3A_575] : memref<1024x200x128xf32, #tpu.memory_space<hbm>> -> memref<1x200x128xf32, #tpu.memory_space<hbm>>
      %dma_start3A_577 = tpu.memref_squeeze %dma_start3A_576 : memref<1x200x128xf32, #tpu.memory_space<hbm>> -> memref<200x128xf32, #tpu.memory_space<hbm>>
      tpu.enqueue_dma source(%arg9 : memref<200x128xf32, #tpu.memory_space<vmem>>) target(%dma_start3A_577 : memref<200x128xf32, #tpu.memory_space<hbm>>) target_semaphore(%run_scoped3A_569 : memref<!tpu.dma_semaphore, #tpu.memory_space<semaphore_mem>>)
      %dma_wait3A_578 = arith.constant 0 : i32
      %dma_wait3A_579 = arith.constant 0 : i32
      %dma_wait3A_580 = tpu.memref_slice %arg4[%add3A_274, %dma_wait3A_578, %dma_wait3A_579] : memref<1024x200x128xf32, #tpu.memory_space<hbm>> -> memref<1x200x128xf32, #tpu.memory_space<hbm>>
      %dma_wait3A_581 = tpu.memref_squeeze %dma_wait3A_580 : memref<1x200x128xf32, #tpu.memory_space<hbm>> -> memref<200x128xf32, #tpu.memory_space<hbm>>
      %dma_wait3A_582 = arith.constant 0 : i32
      %dma_wait3A_583 = arith.constant 0 : i32
      %dma_wait3A_584 = tpu.memref_slice %arg4[%add3A_274, %dma_wait3A_582, %dma_wait3A_583] : memref<1024x200x128xf32, #tpu.memory_space<hbm>> -> memref<1x200x128xf32, #tpu.memory_space<hbm>>
      %dma_wait3A_585 = tpu.memref_squeeze %dma_wait3A_584 : memref<1x200x128xf32, #tpu.memory_space<hbm>> -> memref<200x128xf32, #tpu.memory_space<hbm>>
      tpu.wait_dma2 semaphore(%run_scoped3A_569 : memref<!tpu.dma_semaphore, #tpu.memory_space<semaphore_mem>>) src(%arg9 : memref<200x128xf32, #tpu.memory_space<vmem>>) dst(%dma_wait3A_585 : memref<200x128xf32, #tpu.memory_space<hbm>>)
      tpu.yield
    }) : () -> ()
    %while3A_275 = arith.constant 0 : i64
    %while3A_276 = arith.constant 0 : i32
    %while3A_277 = arith.constant 25 : i32
    %while3A_278 = arith.subi %while3A_277, %while3A_276 : i32
    %while3A_279 = arith.addi %while3A_276, %while3A_278 : i32
    %while3A_280 = arith.constant 1 : i32
    %while3A_281 = arith.divsi %while3A_278, %while3A_280 : i32
    %while3A_282 = arith.muli %while3A_281, %while3A_280 : i32
    %while3A_283 = arith.addi %while3A_276, %while3A_282 : i32
    %while3A_284 = arith.constant 1 : i32
    scf.for %while3A_569 = %while3A_276 to %while3A_283 step %while3A_284  : i32 {
      %mul3A_570 = arith.constant 16 : i32
      %mul3A_571 = arith.muli %while3A_569, %mul3A_570 : i32
      %add3A_572 = arith.constant 3200 : i32
      %add3A_573 = arith.addi %add3A_572, %mul3A_571 : i32
      %broadcast_in_dim3A = arith.constant -2128831035 : i32
      %broadcast_in_dim3A_574 = vector.broadcast %broadcast_in_dim3A : i32 to vector<16xi32>
      %get3A = arith.constant 0 : i32
      %get3A_575 = arith.index_cast %get3A : i32 to index
      %get3A_576 = arith.index_cast %add3A_573 : i32 to index
      %get3A_577 = tpu.vector_load %arg5[%get3A_575, %get3A_576] {strides = array<i32>} : memref<4x6400xi32, #tpu.memory_space<vmem>>, vector<16xi32>,
      %xor3A = arith.xori %broadcast_in_dim3A_574, %get3A_577 : vector<16xi32>
      %mul3A_578 = arith.constant 16777619 : i32
      %mul3A_579 = vector.broadcast %mul3A_578 : i32 to vector<16xi32>
      %mul3A_580 = arith.muli %xor3A, %mul3A_579 : vector<16xi32>
      %get3A_581 = arith.constant 1 : i32
      %get3A_582 = arith.index_cast %get3A_581 : i32 to index
      %get3A_583 = arith.index_cast %add3A_573 : i32 to index
      %get3A_584 = tpu.vector_load %arg5[%get3A_582, %get3A_583] {strides = array<i32>} : memref<4x6400xi32, #tpu.memory_space<vmem>>, vector<16xi32>,
      %xor3A_585 = arith.xori %mul3A_580, %get3A_584 : vector<16xi32>
      %mul3A_586 = arith.constant 16777619 : i32
      %mul3A_587 = vector.broadcast %mul3A_586 : i32 to vector<16xi32>
      %mul3A_588 = arith.muli %xor3A_585, %mul3A_587 : vector<16xi32>
      %get3A_589 = arith.constant 2 : i32
      %get3A_590 = arith.index_cast %get3A_589 : i32 to index
      %get3A_591 = arith.index_cast %add3A_573 : i32 to index
      %get3A_592 = tpu.vector_load %arg5[%get3A_590, %get3A_591] {strides = array<i32>} : memref<4x6400xi32, #tpu.memory_space<vmem>>, vector<16xi32>,
      %xor3A_593 = arith.xori %mul3A_588, %get3A_592 : vector<16xi32>
      %mul3A_594 = arith.constant 16777619 : i32
      %mul3A_595 = vector.broadcast %mul3A_594 : i32 to vector<16xi32>
      %mul3A_596 = arith.muli %xor3A_593, %mul3A_595 : vector<16xi32>
      %get3A_597 = arith.constant 3 : i32
      %get3A_598 = arith.index_cast %get3A_597 : i32 to index
      %get3A_599 = arith.index_cast %add3A_573 : i32 to index
      %get3A_600 = tpu.vector_load %arg5[%get3A_598, %get3A_599] {strides = array<i32>} : memref<4x6400xi32, #tpu.memory_space<vmem>>, vector<16xi32>,
      %xor3A_601 = arith.xori %mul3A_596, %get3A_600 : vector<16xi32>
      %mul3A_602 = arith.constant 16777619 : i32
      %mul3A_603 = vector.broadcast %mul3A_602 : i32 to vector<16xi32>
      %mul3A_604 = arith.muli %xor3A_601, %mul3A_603 : vector<16xi32>
      %and3A = arith.constant 2147483647 : i32
      %and3A_605 = vector.broadcast %and3A : i32 to vector<16xi32>
      %and3A_606 = arith.andi %mul3A_604, %and3A_605 : vector<16xi32>
      %rem3A = arith.constant 500000 : i32
      %rem3A_607 = vector.broadcast %rem3A : i32 to vector<16xi32>
      %rem3A_608 = arith.remsi %and3A_606, %rem3A_607 : vector<16xi32>
      %lt3A = arith.constant 0 : i32
      %lt3A_609 = vector.broadcast %lt3A : i32 to vector<16xi32>
      %lt3A_610 = arith.cmpi slt, %mul3A_604, %lt3A_609 : vector<16xi32>
      %jit3A = arith.constant 483648 : i32
      %jit3A_611 = arith.constant 0 : i32
      %broadcast_in_dim3A_612 = vector.broadcast %jit3A : i32 to vector<16xi32>
      %broadcast_in_dim3A_613 = vector.broadcast %jit3A_611 : i32 to vector<16xi32>
      %select_n3A = arith.select %lt3A_610, %broadcast_in_dim3A_612, %broadcast_in_dim3A_613 : vector<16xi1>, vector<16xi32>
      %add3A_614 = arith.addi %rem3A_608, %select_n3A : vector<16xi32>
      %rem3A_615 = arith.constant 500000 : i32
      %rem3A_616 = vector.broadcast %rem3A_615 : i32 to vector<16xi32>
      %rem3A_617 = arith.remsi %add3A_614, %rem3A_616 : vector<16xi32>
      %mul3A_618 = arith.constant 16 : i32
      %mul3A_619 = arith.muli %while3A_569, %mul3A_618 : i32
      %swap3A = arith.index_cast %mul3A_619 : i32 to index
      %swap3A_620 = tpu.vector_load %arg6[%swap3A] {strides = array<i32>} : memref<400xi32, #tpu.memory_space<vmem>>, vector<16xi32>,
      tpu.vector_store %arg6[%swap3A], %rem3A_617 {strides = array<i32>} : memref<400xi32, #tpu.memory_space<vmem>>, vector<16xi32>,
    }
    %while3A_285 = arith.constant 1 : i32
    scf.for %while3A_569 = %while3A_283 to %while3A_279 step %while3A_285  : i32 {
      %mul3A_570 = arith.constant 16 : i32
      %mul3A_571 = arith.muli %while3A_569, %mul3A_570 : i32
      %add3A_572 = arith.constant 3200 : i32
      %add3A_573 = arith.addi %add3A_572, %mul3A_571 : i32
      %broadcast_in_dim3A = arith.constant -2128831035 : i32
      %broadcast_in_dim3A_574 = vector.broadcast %broadcast_in_dim3A : i32 to vector<16xi32>
      %get3A = arith.constant 0 : i32
      %get3A_575 = arith.index_cast %get3A : i32 to index
      %get3A_576 = arith.index_cast %add3A_573 : i32 to index
      %get3A_577 = tpu.vector_load %arg5[%get3A_575, %get3A_576] {strides = array<i32>} : memref<4x6400xi32, #tpu.memory_space<vmem>>, vector<16xi32>,
      %xor3A = arith.xori %broadcast_in_dim3A_574, %get3A_577 : vector<16xi32>
      %mul3A_578 = arith.constant 16777619 : i32
      %mul3A_579 = vector.broadcast %mul3A_578 : i32 to vector<16xi32>
      %mul3A_580 = arith.muli %xor3A, %mul3A_579 : vector<16xi32>
      %get3A_581 = arith.constant 1 : i32
      %get3A_582 = arith.index_cast %get3A_581 : i32 to index
      %get3A_583 = arith.index_cast %add3A_573 : i32 to index
      %get3A_584 = tpu.vector_load %arg5[%get3A_582, %get3A_583] {strides = array<i32>} : memref<4x6400xi32, #tpu.memory_space<vmem>>, vector<16xi32>,
      %xor3A_585 = arith.xori %mul3A_580, %get3A_584 : vector<16xi32>
      %mul3A_586 = arith.constant 16777619 : i32
      %mul3A_587 = vector.broadcast %mul3A_586 : i32 to vector<16xi32>
      %mul3A_588 = arith.muli %xor3A_585, %mul3A_587 : vector<16xi32>
      %get3A_589 = arith.constant 2 : i32
      %get3A_590 = arith.index_cast %get3A_589 : i32 to index
      %get3A_591 = arith.index_cast %add3A_573 : i32 to index
      %get3A_592 = tpu.vector_load %arg5[%get3A_590, %get3A_591] {strides = array<i32>} : memref<4x6400xi32, #tpu.memory_space<vmem>>, vector<16xi32>,
      %xor3A_593 = arith.xori %mul3A_588, %get3A_592 : vector<16xi32>
      %mul3A_594 = arith.constant 16777619 : i32
      %mul3A_595 = vector.broadcast %mul3A_594 : i32 to vector<16xi32>
      %mul3A_596 = arith.muli %xor3A_593, %mul3A_595 : vector<16xi32>
      %get3A_597 = arith.constant 3 : i32
      %get3A_598 = arith.index_cast %get3A_597 : i32 to index
      %get3A_599 = arith.index_cast %add3A_573 : i32 to index
      %get3A_600 = tpu.vector_load %arg5[%get3A_598, %get3A_599] {strides = array<i32>} : memref<4x6400xi32, #tpu.memory_space<vmem>>, vector<16xi32>,
      %xor3A_601 = arith.xori %mul3A_596, %get3A_600 : vector<16xi32>
      %mul3A_602 = arith.constant 16777619 : i32
      %mul3A_603 = vector.broadcast %mul3A_602 : i32 to vector<16xi32>
      %mul3A_604 = arith.muli %xor3A_601, %mul3A_603 : vector<16xi32>
      %and3A = arith.constant 2147483647 : i32
      %and3A_605 = vector.broadcast %and3A : i32 to vector<16xi32>
      %and3A_606 = arith.andi %mul3A_604, %and3A_605 : vector<16xi32>
      %rem3A = arith.constant 500000 : i32
      %rem3A_607 = vector.broadcast %rem3A : i32 to vector<16xi32>
      %rem3A_608 = arith.remsi %and3A_606, %rem3A_607 : vector<16xi32>
      %lt3A = arith.constant 0 : i32
      %lt3A_609 = vector.broadcast %lt3A : i32 to vector<16xi32>
      %lt3A_610 = arith.cmpi slt, %mul3A_604, %lt3A_609 : vector<16xi32>
      %jit3A = arith.constant 483648 : i32
      %jit3A_611 = arith.constant 0 : i32
      %broadcast_in_dim3A_612 = vector.broadcast %jit3A : i32 to vector<16xi32>
      %broadcast_in_dim3A_613 = vector.broadcast %jit3A_611 : i32 to vector<16xi32>
      %select_n3A = arith.select %lt3A_610, %broadcast_in_dim3A_612, %broadcast_in_dim3A_613 : vector<16xi1>, vector<16xi32>
      %add3A_614 = arith.addi %rem3A_608, %select_n3A : vector<16xi32>
      %rem3A_615 = arith.constant 500000 : i32
      %rem3A_616 = vector.broadcast %rem3A_615 : i32 to vector<16xi32>
      %rem3A_617 = arith.remsi %add3A_614, %rem3A_616 : vector<16xi32>
      %mul3A_618 = arith.constant 16 : i32
      %mul3A_619 = arith.muli %while3A_569, %mul3A_618 : i32
      %swap3A = arith.index_cast %mul3A_619 : i32 to index
      %swap3A_620 = tpu.vector_load %arg6[%swap3A] {strides = array<i32>} : memref<400xi32, #tpu.memory_space<vmem>>, vector<16xi32>,
      tpu.vector_store %arg6[%swap3A], %rem3A_617 {strides = array<i32>} : memref<400xi32, #tpu.memory_space<vmem>>, vector<16xi32>,
    }
    %dma_start3A_286 = arith.constant 0 : i32
    %dma_start3A_287 = tpu.memref_slice %arg6[%dma_start3A_286] : memref<400xi32, #tpu.memory_space<vmem>> -> memref<200xi32, #tpu.memory_space<vmem>>
    %dma_start3A_288 = arith.constant 0 : i32
    %dma_start3A_289 = arith.constant 0 : i32
    %dma_start3A_290 = tpu.memref_slice %arg3[%dma_start3A_288, %dma_start3A_289] : memref<500000x128xf32, #tpu.memory_space<hbm>> -> memref<500000x128xf32, #tpu.memory_space<hbm>>
    tpu.enqueue_indirect_dma source(%dma_start3A_290 : memref<500000x128xf32, #tpu.memory_space<hbm>>) target(%arg9 : memref<200x128xf32, #tpu.memory_space<vmem>>) offsets(%dma_start3A_287 : memref<200xi32, #tpu.memory_space<vmem>>) semaphore(%arg12 : memref<!tpu.dma_semaphore, #tpu.memory_space<semaphore_mem>>)
    %dma_wait3A_291 = arith.constant 0 : i32
    %dma_wait3A_292 = tpu.memref_slice %arg7[%dma_wait3A_291] : memref<400xi32, #tpu.memory_space<vmem>> -> memref<200xi32, #tpu.memory_space<vmem>>
    %dma_wait3A_293 = arith.constant 0 : i32
    %dma_wait3A_294 = arith.constant 0 : i32
    %dma_wait3A_295 = tpu.memref_slice %arg3[%dma_wait3A_293, %dma_wait3A_294] : memref<500000x128xf32, #tpu.memory_space<hbm>> -> memref<500000x128xf32, #tpu.memory_space<hbm>>
    tpu.wait_indirect_dma semaphore(%arg13 : memref<!tpu.dma_semaphore, #tpu.memory_space<semaphore_mem>>) src(%dma_wait3A_295 : memref<500000x128xf32, #tpu.memory_space<hbm>>) dst(%arg10 : memref<200x128xf32, #tpu.memory_space<vmem>>)
    %add3A_296 = arith.constant 14 : i32
    %add3A_297 = arith.addi %mul3A_11, %add3A_296 : i32
    "tpu.region"() ({
      %run_scoped3A_569 = tpu.sem_alloc : memref<!tpu.dma_semaphore, #tpu.memory_space<semaphore_mem>>
      %dma_start3A_570 = arith.constant 0 : i32
      %dma_start3A_571 = arith.constant 0 : i32
      %dma_start3A_572 = tpu.memref_slice %arg4[%add3A_297, %dma_start3A_570, %dma_start3A_571] : memref<1024x200x128xf32, #tpu.memory_space<hbm>> -> memref<1x200x128xf32, #tpu.memory_space<hbm>>
      %dma_start3A_573 = tpu.memref_squeeze %dma_start3A_572 : memref<1x200x128xf32, #tpu.memory_space<hbm>> -> memref<200x128xf32, #tpu.memory_space<hbm>>
      %dma_start3A_574 = arith.constant 0 : i32
      %dma_start3A_575 = arith.constant 0 : i32
      %dma_start3A_576 = tpu.memref_slice %arg4[%add3A_297, %dma_start3A_574, %dma_start3A_575] : memref<1024x200x128xf32, #tpu.memory_space<hbm>> -> memref<1x200x128xf32, #tpu.memory_space<hbm>>
      %dma_start3A_577 = tpu.memref_squeeze %dma_start3A_576 : memref<1x200x128xf32, #tpu.memory_space<hbm>> -> memref<200x128xf32, #tpu.memory_space<hbm>>
      tpu.enqueue_dma source(%arg10 : memref<200x128xf32, #tpu.memory_space<vmem>>) target(%dma_start3A_577 : memref<200x128xf32, #tpu.memory_space<hbm>>) target_semaphore(%run_scoped3A_569 : memref<!tpu.dma_semaphore, #tpu.memory_space<semaphore_mem>>)
      %dma_wait3A_578 = arith.constant 0 : i32
      %dma_wait3A_579 = arith.constant 0 : i32
      %dma_wait3A_580 = tpu.memref_slice %arg4[%add3A_297, %dma_wait3A_578, %dma_wait3A_579] : memref<1024x200x128xf32, #tpu.memory_space<hbm>> -> memref<1x200x128xf32, #tpu.memory_space<hbm>>
      %dma_wait3A_581 = tpu.memref_squeeze %dma_wait3A_580 : memref<1x200x128xf32, #tpu.memory_space<hbm>> -> memref<200x128xf32, #tpu.memory_space<hbm>>
      %dma_wait3A_582 = arith.constant 0 : i32
      %dma_wait3A_583 = arith.constant 0 : i32
      %dma_wait3A_584 = tpu.memref_slice %arg4[%add3A_297, %dma_wait3A_582, %dma_wait3A_583] : memref<1024x200x128xf32, #tpu.memory_space<hbm>> -> memref<1x200x128xf32, #tpu.memory_space<hbm>>
      %dma_wait3A_585 = tpu.memref_squeeze %dma_wait3A_584 : memref<1x200x128xf32, #tpu.memory_space<hbm>> -> memref<200x128xf32, #tpu.memory_space<hbm>>
      tpu.wait_dma2 semaphore(%run_scoped3A_569 : memref<!tpu.dma_semaphore, #tpu.memory_space<semaphore_mem>>) src(%arg10 : memref<200x128xf32, #tpu.memory_space<vmem>>) dst(%dma_wait3A_585 : memref<200x128xf32, #tpu.memory_space<hbm>>)
      tpu.yield
    }) : () -> ()
    %dma_start3A_298 = arith.constant 200 : i32
    %dma_start3A_299 = tpu.memref_slice %arg6[%dma_start3A_298] : memref<400xi32, #tpu.memory_space<vmem>> -> memref<200xi32, #tpu.memory_space<vmem>>
    %dma_start3A_300 = arith.constant 0 : i32
    %dma_start3A_301 = arith.constant 0 : i32
    %dma_start3A_302 = tpu.memref_slice %arg3[%dma_start3A_300, %dma_start3A_301] : memref<500000x128xf32, #tpu.memory_space<hbm>> -> memref<500000x128xf32, #tpu.memory_space<hbm>>
    tpu.enqueue_indirect_dma source(%dma_start3A_302 : memref<500000x128xf32, #tpu.memory_space<hbm>>) target(%arg10 : memref<200x128xf32, #tpu.memory_space<vmem>>) offsets(%dma_start3A_299 : memref<200xi32, #tpu.memory_space<vmem>>) semaphore(%arg13 : memref<!tpu.dma_semaphore, #tpu.memory_space<semaphore_mem>>)
    %dma_wait3A_303 = arith.constant 200 : i32
    %dma_wait3A_304 = tpu.memref_slice %arg7[%dma_wait3A_303] : memref<400xi32, #tpu.memory_space<vmem>> -> memref<200xi32, #tpu.memory_space<vmem>>
    %dma_wait3A_305 = arith.constant 0 : i32
    %dma_wait3A_306 = arith.constant 0 : i32
    %dma_wait3A_307 = tpu.memref_slice %arg3[%dma_wait3A_305, %dma_wait3A_306] : memref<500000x128xf32, #tpu.memory_space<hbm>> -> memref<500000x128xf32, #tpu.memory_space<hbm>>
    tpu.wait_indirect_dma semaphore(%arg11 : memref<!tpu.dma_semaphore, #tpu.memory_space<semaphore_mem>>) src(%dma_wait3A_307 : memref<500000x128xf32, #tpu.memory_space<hbm>>) dst(%arg8 : memref<200x128xf32, #tpu.memory_space<vmem>>)
    %add3A_308 = arith.constant 15 : i32
    %add3A_309 = arith.addi %mul3A_11, %add3A_308 : i32
    "tpu.region"() ({
      %run_scoped3A_569 = tpu.sem_alloc : memref<!tpu.dma_semaphore, #tpu.memory_space<semaphore_mem>>
      %dma_start3A_570 = arith.constant 0 : i32
      %dma_start3A_571 = arith.constant 0 : i32
      %dma_start3A_572 = tpu.memref_slice %arg4[%add3A_309, %dma_start3A_570, %dma_start3A_571] : memref<1024x200x128xf32, #tpu.memory_space<hbm>> -> memref<1x200x128xf32, #tpu.memory_space<hbm>>
      %dma_start3A_573 = tpu.memref_squeeze %dma_start3A_572 : memref<1x200x128xf32, #tpu.memory_space<hbm>> -> memref<200x128xf32, #tpu.memory_space<hbm>>
      %dma_start3A_574 = arith.constant 0 : i32
      %dma_start3A_575 = arith.constant 0 : i32
      %dma_start3A_576 = tpu.memref_slice %arg4[%add3A_309, %dma_start3A_574, %dma_start3A_575] : memref<1024x200x128xf32, #tpu.memory_space<hbm>> -> memref<1x200x128xf32, #tpu.memory_space<hbm>>
      %dma_start3A_577 = tpu.memref_squeeze %dma_start3A_576 : memref<1x200x128xf32, #tpu.memory_space<hbm>> -> memref<200x128xf32, #tpu.memory_space<hbm>>
      tpu.enqueue_dma source(%arg8 : memref<200x128xf32, #tpu.memory_space<vmem>>) target(%dma_start3A_577 : memref<200x128xf32, #tpu.memory_space<hbm>>) target_semaphore(%run_scoped3A_569 : memref<!tpu.dma_semaphore, #tpu.memory_space<semaphore_mem>>)
      %dma_wait3A_578 = arith.constant 0 : i32
      %dma_wait3A_579 = arith.constant 0 : i32
      %dma_wait3A_580 = tpu.memref_slice %arg4[%add3A_309, %dma_wait3A_578, %dma_wait3A_579] : memref<1024x200x128xf32, #tpu.memory_space<hbm>> -> memref<1x200x128xf32, #tpu.memory_space<hbm>>
      %dma_wait3A_581 = tpu.memref_squeeze %dma_wait3A_580 : memref<1x200x128xf32, #tpu.memory_space<hbm>> -> memref<200x128xf32, #tpu.memory_space<hbm>>
      %dma_wait3A_582 = arith.constant 0 : i32
      %dma_wait3A_583 = arith.constant 0 : i32
      %dma_wait3A_584 = tpu.memref_slice %arg4[%add3A_309, %dma_wait3A_582, %dma_wait3A_583] : memref<1024x200x128xf32, #tpu.memory_space<hbm>> -> memref<1x200x128xf32, #tpu.memory_space<hbm>>
      %dma_wait3A_585 = tpu.memref_squeeze %dma_wait3A_584 : memref<1x200x128xf32, #tpu.memory_space<hbm>> -> memref<200x128xf32, #tpu.memory_space<hbm>>
      tpu.wait_dma2 semaphore(%run_scoped3A_569 : memref<!tpu.dma_semaphore, #tpu.memory_space<semaphore_mem>>) src(%arg8 : memref<200x128xf32, #tpu.memory_space<vmem>>) dst(%dma_wait3A_585 : memref<200x128xf32, #tpu.memory_space<hbm>>)
      tpu.yield
    }) : () -> ()
    %while3A_310 = arith.constant 0 : i64
    %while3A_311 = arith.constant 0 : i32
    %while3A_312 = arith.constant 25 : i32
    %while3A_313 = arith.subi %while3A_312, %while3A_311 : i32
    %while3A_314 = arith.addi %while3A_311, %while3A_313 : i32
    %while3A_315 = arith.constant 1 : i32
    %while3A_316 = arith.divsi %while3A_313, %while3A_315 : i32
    %while3A_317 = arith.muli %while3A_316, %while3A_315 : i32
    %while3A_318 = arith.addi %while3A_311, %while3A_317 : i32
    %while3A_319 = arith.constant 1 : i32
    scf.for %while3A_569 = %while3A_311 to %while3A_318 step %while3A_319  : i32 {
      %mul3A_570 = arith.constant 16 : i32
      %mul3A_571 = arith.muli %while3A_569, %mul3A_570 : i32
      %add3A_572 = arith.constant 3600 : i32
      %add3A_573 = arith.addi %add3A_572, %mul3A_571 : i32
      %broadcast_in_dim3A = arith.constant -2128831035 : i32
      %broadcast_in_dim3A_574 = vector.broadcast %broadcast_in_dim3A : i32 to vector<16xi32>
      %get3A = arith.constant 0 : i32
      %get3A_575 = arith.index_cast %get3A : i32 to index
      %get3A_576 = arith.index_cast %add3A_573 : i32 to index
      %get3A_577 = tpu.vector_load %arg5[%get3A_575, %get3A_576] {strides = array<i32>} : memref<4x6400xi32, #tpu.memory_space<vmem>>, vector<16xi32>,
      %xor3A = arith.xori %broadcast_in_dim3A_574, %get3A_577 : vector<16xi32>
      %mul3A_578 = arith.constant 16777619 : i32
      %mul3A_579 = vector.broadcast %mul3A_578 : i32 to vector<16xi32>
      %mul3A_580 = arith.muli %xor3A, %mul3A_579 : vector<16xi32>
      %get3A_581 = arith.constant 1 : i32
      %get3A_582 = arith.index_cast %get3A_581 : i32 to index
      %get3A_583 = arith.index_cast %add3A_573 : i32 to index
      %get3A_584 = tpu.vector_load %arg5[%get3A_582, %get3A_583] {strides = array<i32>} : memref<4x6400xi32, #tpu.memory_space<vmem>>, vector<16xi32>,
      %xor3A_585 = arith.xori %mul3A_580, %get3A_584 : vector<16xi32>
      %mul3A_586 = arith.constant 16777619 : i32
      %mul3A_587 = vector.broadcast %mul3A_586 : i32 to vector<16xi32>
      %mul3A_588 = arith.muli %xor3A_585, %mul3A_587 : vector<16xi32>
      %get3A_589 = arith.constant 2 : i32
      %get3A_590 = arith.index_cast %get3A_589 : i32 to index
      %get3A_591 = arith.index_cast %add3A_573 : i32 to index
      %get3A_592 = tpu.vector_load %arg5[%get3A_590, %get3A_591] {strides = array<i32>} : memref<4x6400xi32, #tpu.memory_space<vmem>>, vector<16xi32>,
      %xor3A_593 = arith.xori %mul3A_588, %get3A_592 : vector<16xi32>
      %mul3A_594 = arith.constant 16777619 : i32
      %mul3A_595 = vector.broadcast %mul3A_594 : i32 to vector<16xi32>
      %mul3A_596 = arith.muli %xor3A_593, %mul3A_595 : vector<16xi32>
      %get3A_597 = arith.constant 3 : i32
      %get3A_598 = arith.index_cast %get3A_597 : i32 to index
      %get3A_599 = arith.index_cast %add3A_573 : i32 to index
      %get3A_600 = tpu.vector_load %arg5[%get3A_598, %get3A_599] {strides = array<i32>} : memref<4x6400xi32, #tpu.memory_space<vmem>>, vector<16xi32>,
      %xor3A_601 = arith.xori %mul3A_596, %get3A_600 : vector<16xi32>
      %mul3A_602 = arith.constant 16777619 : i32
      %mul3A_603 = vector.broadcast %mul3A_602 : i32 to vector<16xi32>
      %mul3A_604 = arith.muli %xor3A_601, %mul3A_603 : vector<16xi32>
      %and3A = arith.constant 2147483647 : i32
      %and3A_605 = vector.broadcast %and3A : i32 to vector<16xi32>
      %and3A_606 = arith.andi %mul3A_604, %and3A_605 : vector<16xi32>
      %rem3A = arith.constant 500000 : i32
      %rem3A_607 = vector.broadcast %rem3A : i32 to vector<16xi32>
      %rem3A_608 = arith.remsi %and3A_606, %rem3A_607 : vector<16xi32>
      %lt3A = arith.constant 0 : i32
      %lt3A_609 = vector.broadcast %lt3A : i32 to vector<16xi32>
      %lt3A_610 = arith.cmpi slt, %mul3A_604, %lt3A_609 : vector<16xi32>
      %jit3A = arith.constant 483648 : i32
      %jit3A_611 = arith.constant 0 : i32
      %broadcast_in_dim3A_612 = vector.broadcast %jit3A : i32 to vector<16xi32>
      %broadcast_in_dim3A_613 = vector.broadcast %jit3A_611 : i32 to vector<16xi32>
      %select_n3A = arith.select %lt3A_610, %broadcast_in_dim3A_612, %broadcast_in_dim3A_613 : vector<16xi1>, vector<16xi32>
      %add3A_614 = arith.addi %rem3A_608, %select_n3A : vector<16xi32>
      %rem3A_615 = arith.constant 500000 : i32
      %rem3A_616 = vector.broadcast %rem3A_615 : i32 to vector<16xi32>
      %rem3A_617 = arith.remsi %add3A_614, %rem3A_616 : vector<16xi32>
      %mul3A_618 = arith.constant 16 : i32
      %mul3A_619 = arith.muli %while3A_569, %mul3A_618 : i32
      %swap3A = arith.index_cast %mul3A_619 : i32 to index
      %swap3A_620 = tpu.vector_load %arg7[%swap3A] {strides = array<i32>} : memref<400xi32, #tpu.memory_space<vmem>>, vector<16xi32>,
      tpu.vector_store %arg7[%swap3A], %rem3A_617 {strides = array<i32>} : memref<400xi32, #tpu.memory_space<vmem>>, vector<16xi32>,
    }
    %while3A_320 = arith.constant 1 : i32
    scf.for %while3A_569 = %while3A_318 to %while3A_314 step %while3A_320  : i32 {
      %mul3A_570 = arith.constant 16 : i32
      %mul3A_571 = arith.muli %while3A_569, %mul3A_570 : i32
      %add3A_572 = arith.constant 3600 : i32
      %add3A_573 = arith.addi %add3A_572, %mul3A_571 : i32
      %broadcast_in_dim3A = arith.constant -2128831035 : i32
      %broadcast_in_dim3A_574 = vector.broadcast %broadcast_in_dim3A : i32 to vector<16xi32>
      %get3A = arith.constant 0 : i32
      %get3A_575 = arith.index_cast %get3A : i32 to index
      %get3A_576 = arith.index_cast %add3A_573 : i32 to index
      %get3A_577 = tpu.vector_load %arg5[%get3A_575, %get3A_576] {strides = array<i32>} : memref<4x6400xi32, #tpu.memory_space<vmem>>, vector<16xi32>,
      %xor3A = arith.xori %broadcast_in_dim3A_574, %get3A_577 : vector<16xi32>
      %mul3A_578 = arith.constant 16777619 : i32
      %mul3A_579 = vector.broadcast %mul3A_578 : i32 to vector<16xi32>
      %mul3A_580 = arith.muli %xor3A, %mul3A_579 : vector<16xi32>
      %get3A_581 = arith.constant 1 : i32
      %get3A_582 = arith.index_cast %get3A_581 : i32 to index
      %get3A_583 = arith.index_cast %add3A_573 : i32 to index
      %get3A_584 = tpu.vector_load %arg5[%get3A_582, %get3A_583] {strides = array<i32>} : memref<4x6400xi32, #tpu.memory_space<vmem>>, vector<16xi32>,
      %xor3A_585 = arith.xori %mul3A_580, %get3A_584 : vector<16xi32>
      %mul3A_586 = arith.constant 16777619 : i32
      %mul3A_587 = vector.broadcast %mul3A_586 : i32 to vector<16xi32>
      %mul3A_588 = arith.muli %xor3A_585, %mul3A_587 : vector<16xi32>
      %get3A_589 = arith.constant 2 : i32
      %get3A_590 = arith.index_cast %get3A_589 : i32 to index
      %get3A_591 = arith.index_cast %add3A_573 : i32 to index
      %get3A_592 = tpu.vector_load %arg5[%get3A_590, %get3A_591] {strides = array<i32>} : memref<4x6400xi32, #tpu.memory_space<vmem>>, vector<16xi32>,
      %xor3A_593 = arith.xori %mul3A_588, %get3A_592 : vector<16xi32>
      %mul3A_594 = arith.constant 16777619 : i32
      %mul3A_595 = vector.broadcast %mul3A_594 : i32 to vector<16xi32>
      %mul3A_596 = arith.muli %xor3A_593, %mul3A_595 : vector<16xi32>
      %get3A_597 = arith.constant 3 : i32
      %get3A_598 = arith.index_cast %get3A_597 : i32 to index
      %get3A_599 = arith.index_cast %add3A_573 : i32 to index
      %get3A_600 = tpu.vector_load %arg5[%get3A_598, %get3A_599] {strides = array<i32>} : memref<4x6400xi32, #tpu.memory_space<vmem>>, vector<16xi32>,
      %xor3A_601 = arith.xori %mul3A_596, %get3A_600 : vector<16xi32>
      %mul3A_602 = arith.constant 16777619 : i32
      %mul3A_603 = vector.broadcast %mul3A_602 : i32 to vector<16xi32>
      %mul3A_604 = arith.muli %xor3A_601, %mul3A_603 : vector<16xi32>
      %and3A = arith.constant 2147483647 : i32
      %and3A_605 = vector.broadcast %and3A : i32 to vector<16xi32>
      %and3A_606 = arith.andi %mul3A_604, %and3A_605 : vector<16xi32>
      %rem3A = arith.constant 500000 : i32
      %rem3A_607 = vector.broadcast %rem3A : i32 to vector<16xi32>
      %rem3A_608 = arith.remsi %and3A_606, %rem3A_607 : vector<16xi32>
      %lt3A = arith.constant 0 : i32
      %lt3A_609 = vector.broadcast %lt3A : i32 to vector<16xi32>
      %lt3A_610 = arith.cmpi slt, %mul3A_604, %lt3A_609 : vector<16xi32>
      %jit3A = arith.constant 483648 : i32
      %jit3A_611 = arith.constant 0 : i32
      %broadcast_in_dim3A_612 = vector.broadcast %jit3A : i32 to vector<16xi32>
      %broadcast_in_dim3A_613 = vector.broadcast %jit3A_611 : i32 to vector<16xi32>
      %select_n3A = arith.select %lt3A_610, %broadcast_in_dim3A_612, %broadcast_in_dim3A_613 : vector<16xi1>, vector<16xi32>
      %add3A_614 = arith.addi %rem3A_608, %select_n3A : vector<16xi32>
      %rem3A_615 = arith.constant 500000 : i32
      %rem3A_616 = vector.broadcast %rem3A_615 : i32 to vector<16xi32>
      %rem3A_617 = arith.remsi %add3A_614, %rem3A_616 : vector<16xi32>
      %mul3A_618 = arith.constant 16 : i32
      %mul3A_619 = arith.muli %while3A_569, %mul3A_618 : i32
      %swap3A = arith.index_cast %mul3A_619 : i32 to index
      %swap3A_620 = tpu.vector_load %arg7[%swap3A] {strides = array<i32>} : memref<400xi32, #tpu.memory_space<vmem>>, vector<16xi32>,
      tpu.vector_store %arg7[%swap3A], %rem3A_617 {strides = array<i32>} : memref<400xi32, #tpu.memory_space<vmem>>, vector<16xi32>,
    }
    %dma_start3A_321 = arith.constant 0 : i32
    %dma_start3A_322 = tpu.memref_slice %arg7[%dma_start3A_321] : memref<400xi32, #tpu.memory_space<vmem>> -> memref<200xi32, #tpu.memory_space<vmem>>
    %dma_start3A_323 = arith.constant 0 : i32
    %dma_start3A_324 = arith.constant 0 : i32
    %dma_start3A_325 = tpu.memref_slice %arg3[%dma_start3A_323, %dma_start3A_324] : memref<500000x128xf32, #tpu.memory_space<hbm>> -> memref<500000x128xf32, #tpu.memory_space<hbm>>
    tpu.enqueue_indirect_dma source(%dma_start3A_325 : memref<500000x128xf32, #tpu.memory_space<hbm>>) target(%arg8 : memref<200x128xf32, #tpu.memory_space<vmem>>) offsets(%dma_start3A_322 : memref<200xi32, #tpu.memory_space<vmem>>) semaphore(%arg11 : memref<!tpu.dma_semaphore, #tpu.memory_space<semaphore_mem>>)
    %dma_wait3A_326 = arith.constant 0 : i32
    %dma_wait3A_327 = tpu.memref_slice %arg6[%dma_wait3A_326] : memref<400xi32, #tpu.memory_space<vmem>> -> memref<200xi32, #tpu.memory_space<vmem>>
    %dma_wait3A_328 = arith.constant 0 : i32
    %dma_wait3A_329 = arith.constant 0 : i32
    %dma_wait3A_330 = tpu.memref_slice %arg3[%dma_wait3A_328, %dma_wait3A_329] : memref<500000x128xf32, #tpu.memory_space<hbm>> -> memref<500000x128xf32, #tpu.memory_space<hbm>>
    tpu.wait_indirect_dma semaphore(%arg12 : memref<!tpu.dma_semaphore, #tpu.memory_space<semaphore_mem>>) src(%dma_wait3A_330 : memref<500000x128xf32, #tpu.memory_space<hbm>>) dst(%arg9 : memref<200x128xf32, #tpu.memory_space<vmem>>)
    %add3A_331 = arith.constant 16 : i32
    %add3A_332 = arith.addi %mul3A_11, %add3A_331 : i32
    "tpu.region"() ({
      %run_scoped3A_569 = tpu.sem_alloc : memref<!tpu.dma_semaphore, #tpu.memory_space<semaphore_mem>>
      %dma_start3A_570 = arith.constant 0 : i32
      %dma_start3A_571 = arith.constant 0 : i32
      %dma_start3A_572 = tpu.memref_slice %arg4[%add3A_332, %dma_start3A_570, %dma_start3A_571] : memref<1024x200x128xf32, #tpu.memory_space<hbm>> -> memref<1x200x128xf32, #tpu.memory_space<hbm>>
      %dma_start3A_573 = tpu.memref_squeeze %dma_start3A_572 : memref<1x200x128xf32, #tpu.memory_space<hbm>> -> memref<200x128xf32, #tpu.memory_space<hbm>>
      %dma_start3A_574 = arith.constant 0 : i32
      %dma_start3A_575 = arith.constant 0 : i32
      %dma_start3A_576 = tpu.memref_slice %arg4[%add3A_332, %dma_start3A_574, %dma_start3A_575] : memref<1024x200x128xf32, #tpu.memory_space<hbm>> -> memref<1x200x128xf32, #tpu.memory_space<hbm>>
      %dma_start3A_577 = tpu.memref_squeeze %dma_start3A_576 : memref<1x200x128xf32, #tpu.memory_space<hbm>> -> memref<200x128xf32, #tpu.memory_space<hbm>>
      tpu.enqueue_dma source(%arg9 : memref<200x128xf32, #tpu.memory_space<vmem>>) target(%dma_start3A_577 : memref<200x128xf32, #tpu.memory_space<hbm>>) target_semaphore(%run_scoped3A_569 : memref<!tpu.dma_semaphore, #tpu.memory_space<semaphore_mem>>)
      %dma_wait3A_578 = arith.constant 0 : i32
      %dma_wait3A_579 = arith.constant 0 : i32
      %dma_wait3A_580 = tpu.memref_slice %arg4[%add3A_332, %dma_wait3A_578, %dma_wait3A_579] : memref<1024x200x128xf32, #tpu.memory_space<hbm>> -> memref<1x200x128xf32, #tpu.memory_space<hbm>>
      %dma_wait3A_581 = tpu.memref_squeeze %dma_wait3A_580 : memref<1x200x128xf32, #tpu.memory_space<hbm>> -> memref<200x128xf32, #tpu.memory_space<hbm>>
      %dma_wait3A_582 = arith.constant 0 : i32
      %dma_wait3A_583 = arith.constant 0 : i32
      %dma_wait3A_584 = tpu.memref_slice %arg4[%add3A_332, %dma_wait3A_582, %dma_wait3A_583] : memref<1024x200x128xf32, #tpu.memory_space<hbm>> -> memref<1x200x128xf32, #tpu.memory_space<hbm>>
      %dma_wait3A_585 = tpu.memref_squeeze %dma_wait3A_584 : memref<1x200x128xf32, #tpu.memory_space<hbm>> -> memref<200x128xf32, #tpu.memory_space<hbm>>
      tpu.wait_dma2 semaphore(%run_scoped3A_569 : memref<!tpu.dma_semaphore, #tpu.memory_space<semaphore_mem>>) src(%arg9 : memref<200x128xf32, #tpu.memory_space<vmem>>) dst(%dma_wait3A_585 : memref<200x128xf32, #tpu.memory_space<hbm>>)
      tpu.yield
    }) : () -> ()
    %dma_start3A_333 = arith.constant 200 : i32
    %dma_start3A_334 = tpu.memref_slice %arg7[%dma_start3A_333] : memref<400xi32, #tpu.memory_space<vmem>> -> memref<200xi32, #tpu.memory_space<vmem>>
    %dma_start3A_335 = arith.constant 0 : i32
    %dma_start3A_336 = arith.constant 0 : i32
    %dma_start3A_337 = tpu.memref_slice %arg3[%dma_start3A_335, %dma_start3A_336] : memref<500000x128xf32, #tpu.memory_space<hbm>> -> memref<500000x128xf32, #tpu.memory_space<hbm>>
    tpu.enqueue_indirect_dma source(%dma_start3A_337 : memref<500000x128xf32, #tpu.memory_space<hbm>>) target(%arg9 : memref<200x128xf32, #tpu.memory_space<vmem>>) offsets(%dma_start3A_334 : memref<200xi32, #tpu.memory_space<vmem>>) semaphore(%arg12 : memref<!tpu.dma_semaphore, #tpu.memory_space<semaphore_mem>>)
    %dma_wait3A_338 = arith.constant 200 : i32
    %dma_wait3A_339 = tpu.memref_slice %arg6[%dma_wait3A_338] : memref<400xi32, #tpu.memory_space<vmem>> -> memref<200xi32, #tpu.memory_space<vmem>>
    %dma_wait3A_340 = arith.constant 0 : i32
    %dma_wait3A_341 = arith.constant 0 : i32
    %dma_wait3A_342 = tpu.memref_slice %arg3[%dma_wait3A_340, %dma_wait3A_341] : memref<500000x128xf32, #tpu.memory_space<hbm>> -> memref<500000x128xf32, #tpu.memory_space<hbm>>
    tpu.wait_indirect_dma semaphore(%arg13 : memref<!tpu.dma_semaphore, #tpu.memory_space<semaphore_mem>>) src(%dma_wait3A_342 : memref<500000x128xf32, #tpu.memory_space<hbm>>) dst(%arg10 : memref<200x128xf32, #tpu.memory_space<vmem>>)
    %add3A_343 = arith.constant 17 : i32
    %add3A_344 = arith.addi %mul3A_11, %add3A_343 : i32
    "tpu.region"() ({
      %run_scoped3A_569 = tpu.sem_alloc : memref<!tpu.dma_semaphore, #tpu.memory_space<semaphore_mem>>
      %dma_start3A_570 = arith.constant 0 : i32
      %dma_start3A_571 = arith.constant 0 : i32
      %dma_start3A_572 = tpu.memref_slice %arg4[%add3A_344, %dma_start3A_570, %dma_start3A_571] : memref<1024x200x128xf32, #tpu.memory_space<hbm>> -> memref<1x200x128xf32, #tpu.memory_space<hbm>>
      %dma_start3A_573 = tpu.memref_squeeze %dma_start3A_572 : memref<1x200x128xf32, #tpu.memory_space<hbm>> -> memref<200x128xf32, #tpu.memory_space<hbm>>
      %dma_start3A_574 = arith.constant 0 : i32
      %dma_start3A_575 = arith.constant 0 : i32
      %dma_start3A_576 = tpu.memref_slice %arg4[%add3A_344, %dma_start3A_574, %dma_start3A_575] : memref<1024x200x128xf32, #tpu.memory_space<hbm>> -> memref<1x200x128xf32, #tpu.memory_space<hbm>>
      %dma_start3A_577 = tpu.memref_squeeze %dma_start3A_576 : memref<1x200x128xf32, #tpu.memory_space<hbm>> -> memref<200x128xf32, #tpu.memory_space<hbm>>
      tpu.enqueue_dma source(%arg10 : memref<200x128xf32, #tpu.memory_space<vmem>>) target(%dma_start3A_577 : memref<200x128xf32, #tpu.memory_space<hbm>>) target_semaphore(%run_scoped3A_569 : memref<!tpu.dma_semaphore, #tpu.memory_space<semaphore_mem>>)
      %dma_wait3A_578 = arith.constant 0 : i32
      %dma_wait3A_579 = arith.constant 0 : i32
      %dma_wait3A_580 = tpu.memref_slice %arg4[%add3A_344, %dma_wait3A_578, %dma_wait3A_579] : memref<1024x200x128xf32, #tpu.memory_space<hbm>> -> memref<1x200x128xf32, #tpu.memory_space<hbm>>
      %dma_wait3A_581 = tpu.memref_squeeze %dma_wait3A_580 : memref<1x200x128xf32, #tpu.memory_space<hbm>> -> memref<200x128xf32, #tpu.memory_space<hbm>>
      %dma_wait3A_582 = arith.constant 0 : i32
      %dma_wait3A_583 = arith.constant 0 : i32
      %dma_wait3A_584 = tpu.memref_slice %arg4[%add3A_344, %dma_wait3A_582, %dma_wait3A_583] : memref<1024x200x128xf32, #tpu.memory_space<hbm>> -> memref<1x200x128xf32, #tpu.memory_space<hbm>>
      %dma_wait3A_585 = tpu.memref_squeeze %dma_wait3A_584 : memref<1x200x128xf32, #tpu.memory_space<hbm>> -> memref<200x128xf32, #tpu.memory_space<hbm>>
      tpu.wait_dma2 semaphore(%run_scoped3A_569 : memref<!tpu.dma_semaphore, #tpu.memory_space<semaphore_mem>>) src(%arg10 : memref<200x128xf32, #tpu.memory_space<vmem>>) dst(%dma_wait3A_585 : memref<200x128xf32, #tpu.memory_space<hbm>>)
      tpu.yield
    }) : () -> ()
    %while3A_345 = arith.constant 0 : i64
    %while3A_346 = arith.constant 0 : i32
    %while3A_347 = arith.constant 25 : i32
    %while3A_348 = arith.subi %while3A_347, %while3A_346 : i32
    %while3A_349 = arith.addi %while3A_346, %while3A_348 : i32
    %while3A_350 = arith.constant 1 : i32
    %while3A_351 = arith.divsi %while3A_348, %while3A_350 : i32
    %while3A_352 = arith.muli %while3A_351, %while3A_350 : i32
    %while3A_353 = arith.addi %while3A_346, %while3A_352 : i32
    %while3A_354 = arith.constant 1 : i32
    scf.for %while3A_569 = %while3A_346 to %while3A_353 step %while3A_354  : i32 {
      %mul3A_570 = arith.constant 16 : i32
      %mul3A_571 = arith.muli %while3A_569, %mul3A_570 : i32
      %add3A_572 = arith.constant 4000 : i32
      %add3A_573 = arith.addi %add3A_572, %mul3A_571 : i32
      %broadcast_in_dim3A = arith.constant -2128831035 : i32
      %broadcast_in_dim3A_574 = vector.broadcast %broadcast_in_dim3A : i32 to vector<16xi32>
      %get3A = arith.constant 0 : i32
      %get3A_575 = arith.index_cast %get3A : i32 to index
      %get3A_576 = arith.index_cast %add3A_573 : i32 to index
      %get3A_577 = tpu.vector_load %arg5[%get3A_575, %get3A_576] {strides = array<i32>} : memref<4x6400xi32, #tpu.memory_space<vmem>>, vector<16xi32>,
      %xor3A = arith.xori %broadcast_in_dim3A_574, %get3A_577 : vector<16xi32>
      %mul3A_578 = arith.constant 16777619 : i32
      %mul3A_579 = vector.broadcast %mul3A_578 : i32 to vector<16xi32>
      %mul3A_580 = arith.muli %xor3A, %mul3A_579 : vector<16xi32>
      %get3A_581 = arith.constant 1 : i32
      %get3A_582 = arith.index_cast %get3A_581 : i32 to index
      %get3A_583 = arith.index_cast %add3A_573 : i32 to index
      %get3A_584 = tpu.vector_load %arg5[%get3A_582, %get3A_583] {strides = array<i32>} : memref<4x6400xi32, #tpu.memory_space<vmem>>, vector<16xi32>,
      %xor3A_585 = arith.xori %mul3A_580, %get3A_584 : vector<16xi32>
      %mul3A_586 = arith.constant 16777619 : i32
      %mul3A_587 = vector.broadcast %mul3A_586 : i32 to vector<16xi32>
      %mul3A_588 = arith.muli %xor3A_585, %mul3A_587 : vector<16xi32>
      %get3A_589 = arith.constant 2 : i32
      %get3A_590 = arith.index_cast %get3A_589 : i32 to index
      %get3A_591 = arith.index_cast %add3A_573 : i32 to index
      %get3A_592 = tpu.vector_load %arg5[%get3A_590, %get3A_591] {strides = array<i32>} : memref<4x6400xi32, #tpu.memory_space<vmem>>, vector<16xi32>,
      %xor3A_593 = arith.xori %mul3A_588, %get3A_592 : vector<16xi32>
      %mul3A_594 = arith.constant 16777619 : i32
      %mul3A_595 = vector.broadcast %mul3A_594 : i32 to vector<16xi32>
      %mul3A_596 = arith.muli %xor3A_593, %mul3A_595 : vector<16xi32>
      %get3A_597 = arith.constant 3 : i32
      %get3A_598 = arith.index_cast %get3A_597 : i32 to index
      %get3A_599 = arith.index_cast %add3A_573 : i32 to index
      %get3A_600 = tpu.vector_load %arg5[%get3A_598, %get3A_599] {strides = array<i32>} : memref<4x6400xi32, #tpu.memory_space<vmem>>, vector<16xi32>,
      %xor3A_601 = arith.xori %mul3A_596, %get3A_600 : vector<16xi32>
      %mul3A_602 = arith.constant 16777619 : i32
      %mul3A_603 = vector.broadcast %mul3A_602 : i32 to vector<16xi32>
      %mul3A_604 = arith.muli %xor3A_601, %mul3A_603 : vector<16xi32>
      %and3A = arith.constant 2147483647 : i32
      %and3A_605 = vector.broadcast %and3A : i32 to vector<16xi32>
      %and3A_606 = arith.andi %mul3A_604, %and3A_605 : vector<16xi32>
      %rem3A = arith.constant 500000 : i32
      %rem3A_607 = vector.broadcast %rem3A : i32 to vector<16xi32>
      %rem3A_608 = arith.remsi %and3A_606, %rem3A_607 : vector<16xi32>
      %lt3A = arith.constant 0 : i32
      %lt3A_609 = vector.broadcast %lt3A : i32 to vector<16xi32>
      %lt3A_610 = arith.cmpi slt, %mul3A_604, %lt3A_609 : vector<16xi32>
      %jit3A = arith.constant 483648 : i32
      %jit3A_611 = arith.constant 0 : i32
      %broadcast_in_dim3A_612 = vector.broadcast %jit3A : i32 to vector<16xi32>
      %broadcast_in_dim3A_613 = vector.broadcast %jit3A_611 : i32 to vector<16xi32>
      %select_n3A = arith.select %lt3A_610, %broadcast_in_dim3A_612, %broadcast_in_dim3A_613 : vector<16xi1>, vector<16xi32>
      %add3A_614 = arith.addi %rem3A_608, %select_n3A : vector<16xi32>
      %rem3A_615 = arith.constant 500000 : i32
      %rem3A_616 = vector.broadcast %rem3A_615 : i32 to vector<16xi32>
      %rem3A_617 = arith.remsi %add3A_614, %rem3A_616 : vector<16xi32>
      %mul3A_618 = arith.constant 16 : i32
      %mul3A_619 = arith.muli %while3A_569, %mul3A_618 : i32
      %swap3A = arith.index_cast %mul3A_619 : i32 to index
      %swap3A_620 = tpu.vector_load %arg6[%swap3A] {strides = array<i32>} : memref<400xi32, #tpu.memory_space<vmem>>, vector<16xi32>,
      tpu.vector_store %arg6[%swap3A], %rem3A_617 {strides = array<i32>} : memref<400xi32, #tpu.memory_space<vmem>>, vector<16xi32>,
    }
    %while3A_355 = arith.constant 1 : i32
    scf.for %while3A_569 = %while3A_353 to %while3A_349 step %while3A_355  : i32 {
      %mul3A_570 = arith.constant 16 : i32
      %mul3A_571 = arith.muli %while3A_569, %mul3A_570 : i32
      %add3A_572 = arith.constant 4000 : i32
      %add3A_573 = arith.addi %add3A_572, %mul3A_571 : i32
      %broadcast_in_dim3A = arith.constant -2128831035 : i32
      %broadcast_in_dim3A_574 = vector.broadcast %broadcast_in_dim3A : i32 to vector<16xi32>
      %get3A = arith.constant 0 : i32
      %get3A_575 = arith.index_cast %get3A : i32 to index
      %get3A_576 = arith.index_cast %add3A_573 : i32 to index
      %get3A_577 = tpu.vector_load %arg5[%get3A_575, %get3A_576] {strides = array<i32>} : memref<4x6400xi32, #tpu.memory_space<vmem>>, vector<16xi32>,
      %xor3A = arith.xori %broadcast_in_dim3A_574, %get3A_577 : vector<16xi32>
      %mul3A_578 = arith.constant 16777619 : i32
      %mul3A_579 = vector.broadcast %mul3A_578 : i32 to vector<16xi32>
      %mul3A_580 = arith.muli %xor3A, %mul3A_579 : vector<16xi32>
      %get3A_581 = arith.constant 1 : i32
      %get3A_582 = arith.index_cast %get3A_581 : i32 to index
      %get3A_583 = arith.index_cast %add3A_573 : i32 to index
      %get3A_584 = tpu.vector_load %arg5[%get3A_582, %get3A_583] {strides = array<i32>} : memref<4x6400xi32, #tpu.memory_space<vmem>>, vector<16xi32>,
      %xor3A_585 = arith.xori %mul3A_580, %get3A_584 : vector<16xi32>
      %mul3A_586 = arith.constant 16777619 : i32
      %mul3A_587 = vector.broadcast %mul3A_586 : i32 to vector<16xi32>
      %mul3A_588 = arith.muli %xor3A_585, %mul3A_587 : vector<16xi32>
      %get3A_589 = arith.constant 2 : i32
      %get3A_590 = arith.index_cast %get3A_589 : i32 to index
      %get3A_591 = arith.index_cast %add3A_573 : i32 to index
      %get3A_592 = tpu.vector_load %arg5[%get3A_590, %get3A_591] {strides = array<i32>} : memref<4x6400xi32, #tpu.memory_space<vmem>>, vector<16xi32>,
      %xor3A_593 = arith.xori %mul3A_588, %get3A_592 : vector<16xi32>
      %mul3A_594 = arith.constant 16777619 : i32
      %mul3A_595 = vector.broadcast %mul3A_594 : i32 to vector<16xi32>
      %mul3A_596 = arith.muli %xor3A_593, %mul3A_595 : vector<16xi32>
      %get3A_597 = arith.constant 3 : i32
      %get3A_598 = arith.index_cast %get3A_597 : i32 to index
      %get3A_599 = arith.index_cast %add3A_573 : i32 to index
      %get3A_600 = tpu.vector_load %arg5[%get3A_598, %get3A_599] {strides = array<i32>} : memref<4x6400xi32, #tpu.memory_space<vmem>>, vector<16xi32>,
      %xor3A_601 = arith.xori %mul3A_596, %get3A_600 : vector<16xi32>
      %mul3A_602 = arith.constant 16777619 : i32
      %mul3A_603 = vector.broadcast %mul3A_602 : i32 to vector<16xi32>
      %mul3A_604 = arith.muli %xor3A_601, %mul3A_603 : vector<16xi32>
      %and3A = arith.constant 2147483647 : i32
      %and3A_605 = vector.broadcast %and3A : i32 to vector<16xi32>
      %and3A_606 = arith.andi %mul3A_604, %and3A_605 : vector<16xi32>
      %rem3A = arith.constant 500000 : i32
      %rem3A_607 = vector.broadcast %rem3A : i32 to vector<16xi32>
      %rem3A_608 = arith.remsi %and3A_606, %rem3A_607 : vector<16xi32>
      %lt3A = arith.constant 0 : i32
      %lt3A_609 = vector.broadcast %lt3A : i32 to vector<16xi32>
      %lt3A_610 = arith.cmpi slt, %mul3A_604, %lt3A_609 : vector<16xi32>
      %jit3A = arith.constant 483648 : i32
      %jit3A_611 = arith.constant 0 : i32
      %broadcast_in_dim3A_612 = vector.broadcast %jit3A : i32 to vector<16xi32>
      %broadcast_in_dim3A_613 = vector.broadcast %jit3A_611 : i32 to vector<16xi32>
      %select_n3A = arith.select %lt3A_610, %broadcast_in_dim3A_612, %broadcast_in_dim3A_613 : vector<16xi1>, vector<16xi32>
      %add3A_614 = arith.addi %rem3A_608, %select_n3A : vector<16xi32>
      %rem3A_615 = arith.constant 500000 : i32
      %rem3A_616 = vector.broadcast %rem3A_615 : i32 to vector<16xi32>
      %rem3A_617 = arith.remsi %add3A_614, %rem3A_616 : vector<16xi32>
      %mul3A_618 = arith.constant 16 : i32
      %mul3A_619 = arith.muli %while3A_569, %mul3A_618 : i32
      %swap3A = arith.index_cast %mul3A_619 : i32 to index
      %swap3A_620 = tpu.vector_load %arg6[%swap3A] {strides = array<i32>} : memref<400xi32, #tpu.memory_space<vmem>>, vector<16xi32>,
      tpu.vector_store %arg6[%swap3A], %rem3A_617 {strides = array<i32>} : memref<400xi32, #tpu.memory_space<vmem>>, vector<16xi32>,
    }
    %dma_start3A_356 = arith.constant 0 : i32
    %dma_start3A_357 = tpu.memref_slice %arg6[%dma_start3A_356] : memref<400xi32, #tpu.memory_space<vmem>> -> memref<200xi32, #tpu.memory_space<vmem>>
    %dma_start3A_358 = arith.constant 0 : i32
    %dma_start3A_359 = arith.constant 0 : i32
    %dma_start3A_360 = tpu.memref_slice %arg3[%dma_start3A_358, %dma_start3A_359] : memref<500000x128xf32, #tpu.memory_space<hbm>> -> memref<500000x128xf32, #tpu.memory_space<hbm>>
    tpu.enqueue_indirect_dma source(%dma_start3A_360 : memref<500000x128xf32, #tpu.memory_space<hbm>>) target(%arg10 : memref<200x128xf32, #tpu.memory_space<vmem>>) offsets(%dma_start3A_357 : memref<200xi32, #tpu.memory_space<vmem>>) semaphore(%arg13 : memref<!tpu.dma_semaphore, #tpu.memory_space<semaphore_mem>>)
    %dma_wait3A_361 = arith.constant 0 : i32
    %dma_wait3A_362 = tpu.memref_slice %arg7[%dma_wait3A_361] : memref<400xi32, #tpu.memory_space<vmem>> -> memref<200xi32, #tpu.memory_space<vmem>>
    %dma_wait3A_363 = arith.constant 0 : i32
    %dma_wait3A_364 = arith.constant 0 : i32
    %dma_wait3A_365 = tpu.memref_slice %arg3[%dma_wait3A_363, %dma_wait3A_364] : memref<500000x128xf32, #tpu.memory_space<hbm>> -> memref<500000x128xf32, #tpu.memory_space<hbm>>
    tpu.wait_indirect_dma semaphore(%arg11 : memref<!tpu.dma_semaphore, #tpu.memory_space<semaphore_mem>>) src(%dma_wait3A_365 : memref<500000x128xf32, #tpu.memory_space<hbm>>) dst(%arg8 : memref<200x128xf32, #tpu.memory_space<vmem>>)
    %add3A_366 = arith.constant 18 : i32
    %add3A_367 = arith.addi %mul3A_11, %add3A_366 : i32
    "tpu.region"() ({
      %run_scoped3A_569 = tpu.sem_alloc : memref<!tpu.dma_semaphore, #tpu.memory_space<semaphore_mem>>
      %dma_start3A_570 = arith.constant 0 : i32
      %dma_start3A_571 = arith.constant 0 : i32
      %dma_start3A_572 = tpu.memref_slice %arg4[%add3A_367, %dma_start3A_570, %dma_start3A_571] : memref<1024x200x128xf32, #tpu.memory_space<hbm>> -> memref<1x200x128xf32, #tpu.memory_space<hbm>>
      %dma_start3A_573 = tpu.memref_squeeze %dma_start3A_572 : memref<1x200x128xf32, #tpu.memory_space<hbm>> -> memref<200x128xf32, #tpu.memory_space<hbm>>
      %dma_start3A_574 = arith.constant 0 : i32
      %dma_start3A_575 = arith.constant 0 : i32
      %dma_start3A_576 = tpu.memref_slice %arg4[%add3A_367, %dma_start3A_574, %dma_start3A_575] : memref<1024x200x128xf32, #tpu.memory_space<hbm>> -> memref<1x200x128xf32, #tpu.memory_space<hbm>>
      %dma_start3A_577 = tpu.memref_squeeze %dma_start3A_576 : memref<1x200x128xf32, #tpu.memory_space<hbm>> -> memref<200x128xf32, #tpu.memory_space<hbm>>
      tpu.enqueue_dma source(%arg8 : memref<200x128xf32, #tpu.memory_space<vmem>>) target(%dma_start3A_577 : memref<200x128xf32, #tpu.memory_space<hbm>>) target_semaphore(%run_scoped3A_569 : memref<!tpu.dma_semaphore, #tpu.memory_space<semaphore_mem>>)
      %dma_wait3A_578 = arith.constant 0 : i32
      %dma_wait3A_579 = arith.constant 0 : i32
      %dma_wait3A_580 = tpu.memref_slice %arg4[%add3A_367, %dma_wait3A_578, %dma_wait3A_579] : memref<1024x200x128xf32, #tpu.memory_space<hbm>> -> memref<1x200x128xf32, #tpu.memory_space<hbm>>
      %dma_wait3A_581 = tpu.memref_squeeze %dma_wait3A_580 : memref<1x200x128xf32, #tpu.memory_space<hbm>> -> memref<200x128xf32, #tpu.memory_space<hbm>>
      %dma_wait3A_582 = arith.constant 0 : i32
      %dma_wait3A_583 = arith.constant 0 : i32
      %dma_wait3A_584 = tpu.memref_slice %arg4[%add3A_367, %dma_wait3A_582, %dma_wait3A_583] : memref<1024x200x128xf32, #tpu.memory_space<hbm>> -> memref<1x200x128xf32, #tpu.memory_space<hbm>>
      %dma_wait3A_585 = tpu.memref_squeeze %dma_wait3A_584 : memref<1x200x128xf32, #tpu.memory_space<hbm>> -> memref<200x128xf32, #tpu.memory_space<hbm>>
      tpu.wait_dma2 semaphore(%run_scoped3A_569 : memref<!tpu.dma_semaphore, #tpu.memory_space<semaphore_mem>>) src(%arg8 : memref<200x128xf32, #tpu.memory_space<vmem>>) dst(%dma_wait3A_585 : memref<200x128xf32, #tpu.memory_space<hbm>>)
      tpu.yield
    }) : () -> ()
    %dma_start3A_368 = arith.constant 200 : i32
    %dma_start3A_369 = tpu.memref_slice %arg6[%dma_start3A_368] : memref<400xi32, #tpu.memory_space<vmem>> -> memref<200xi32, #tpu.memory_space<vmem>>
    %dma_start3A_370 = arith.constant 0 : i32
    %dma_start3A_371 = arith.constant 0 : i32
    %dma_start3A_372 = tpu.memref_slice %arg3[%dma_start3A_370, %dma_start3A_371] : memref<500000x128xf32, #tpu.memory_space<hbm>> -> memref<500000x128xf32, #tpu.memory_space<hbm>>
    tpu.enqueue_indirect_dma source(%dma_start3A_372 : memref<500000x128xf32, #tpu.memory_space<hbm>>) target(%arg8 : memref<200x128xf32, #tpu.memory_space<vmem>>) offsets(%dma_start3A_369 : memref<200xi32, #tpu.memory_space<vmem>>) semaphore(%arg11 : memref<!tpu.dma_semaphore, #tpu.memory_space<semaphore_mem>>)
    %dma_wait3A_373 = arith.constant 200 : i32
    %dma_wait3A_374 = tpu.memref_slice %arg7[%dma_wait3A_373] : memref<400xi32, #tpu.memory_space<vmem>> -> memref<200xi32, #tpu.memory_space<vmem>>
    %dma_wait3A_375 = arith.constant 0 : i32
    %dma_wait3A_376 = arith.constant 0 : i32
    %dma_wait3A_377 = tpu.memref_slice %arg3[%dma_wait3A_375, %dma_wait3A_376] : memref<500000x128xf32, #tpu.memory_space<hbm>> -> memref<500000x128xf32, #tpu.memory_space<hbm>>
    tpu.wait_indirect_dma semaphore(%arg12 : memref<!tpu.dma_semaphore, #tpu.memory_space<semaphore_mem>>) src(%dma_wait3A_377 : memref<500000x128xf32, #tpu.memory_space<hbm>>) dst(%arg9 : memref<200x128xf32, #tpu.memory_space<vmem>>)
    %add3A_378 = arith.constant 19 : i32
    %add3A_379 = arith.addi %mul3A_11, %add3A_378 : i32
    "tpu.region"() ({
      %run_scoped3A_569 = tpu.sem_alloc : memref<!tpu.dma_semaphore, #tpu.memory_space<semaphore_mem>>
      %dma_start3A_570 = arith.constant 0 : i32
      %dma_start3A_571 = arith.constant 0 : i32
      %dma_start3A_572 = tpu.memref_slice %arg4[%add3A_379, %dma_start3A_570, %dma_start3A_571] : memref<1024x200x128xf32, #tpu.memory_space<hbm>> -> memref<1x200x128xf32, #tpu.memory_space<hbm>>
      %dma_start3A_573 = tpu.memref_squeeze %dma_start3A_572 : memref<1x200x128xf32, #tpu.memory_space<hbm>> -> memref<200x128xf32, #tpu.memory_space<hbm>>
      %dma_start3A_574 = arith.constant 0 : i32
      %dma_start3A_575 = arith.constant 0 : i32
      %dma_start3A_576 = tpu.memref_slice %arg4[%add3A_379, %dma_start3A_574, %dma_start3A_575] : memref<1024x200x128xf32, #tpu.memory_space<hbm>> -> memref<1x200x128xf32, #tpu.memory_space<hbm>>
      %dma_start3A_577 = tpu.memref_squeeze %dma_start3A_576 : memref<1x200x128xf32, #tpu.memory_space<hbm>> -> memref<200x128xf32, #tpu.memory_space<hbm>>
      tpu.enqueue_dma source(%arg9 : memref<200x128xf32, #tpu.memory_space<vmem>>) target(%dma_start3A_577 : memref<200x128xf32, #tpu.memory_space<hbm>>) target_semaphore(%run_scoped3A_569 : memref<!tpu.dma_semaphore, #tpu.memory_space<semaphore_mem>>)
      %dma_wait3A_578 = arith.constant 0 : i32
      %dma_wait3A_579 = arith.constant 0 : i32
      %dma_wait3A_580 = tpu.memref_slice %arg4[%add3A_379, %dma_wait3A_578, %dma_wait3A_579] : memref<1024x200x128xf32, #tpu.memory_space<hbm>> -> memref<1x200x128xf32, #tpu.memory_space<hbm>>
      %dma_wait3A_581 = tpu.memref_squeeze %dma_wait3A_580 : memref<1x200x128xf32, #tpu.memory_space<hbm>> -> memref<200x128xf32, #tpu.memory_space<hbm>>
      %dma_wait3A_582 = arith.constant 0 : i32
      %dma_wait3A_583 = arith.constant 0 : i32
      %dma_wait3A_584 = tpu.memref_slice %arg4[%add3A_379, %dma_wait3A_582, %dma_wait3A_583] : memref<1024x200x128xf32, #tpu.memory_space<hbm>> -> memref<1x200x128xf32, #tpu.memory_space<hbm>>
      %dma_wait3A_585 = tpu.memref_squeeze %dma_wait3A_584 : memref<1x200x128xf32, #tpu.memory_space<hbm>> -> memref<200x128xf32, #tpu.memory_space<hbm>>
      tpu.wait_dma2 semaphore(%run_scoped3A_569 : memref<!tpu.dma_semaphore, #tpu.memory_space<semaphore_mem>>) src(%arg9 : memref<200x128xf32, #tpu.memory_space<vmem>>) dst(%dma_wait3A_585 : memref<200x128xf32, #tpu.memory_space<hbm>>)
      tpu.yield
    }) : () -> ()
    %while3A_380 = arith.constant 0 : i64
    %while3A_381 = arith.constant 0 : i32
    %while3A_382 = arith.constant 25 : i32
    %while3A_383 = arith.subi %while3A_382, %while3A_381 : i32
    %while3A_384 = arith.addi %while3A_381, %while3A_383 : i32
    %while3A_385 = arith.constant 1 : i32
    %while3A_386 = arith.divsi %while3A_383, %while3A_385 : i32
    %while3A_387 = arith.muli %while3A_386, %while3A_385 : i32
    %while3A_388 = arith.addi %while3A_381, %while3A_387 : i32
    %while3A_389 = arith.constant 1 : i32
    scf.for %while3A_569 = %while3A_381 to %while3A_388 step %while3A_389  : i32 {
      %mul3A_570 = arith.constant 16 : i32
      %mul3A_571 = arith.muli %while3A_569, %mul3A_570 : i32
      %add3A_572 = arith.constant 4400 : i32
      %add3A_573 = arith.addi %add3A_572, %mul3A_571 : i32
      %broadcast_in_dim3A = arith.constant -2128831035 : i32
      %broadcast_in_dim3A_574 = vector.broadcast %broadcast_in_dim3A : i32 to vector<16xi32>
      %get3A = arith.constant 0 : i32
      %get3A_575 = arith.index_cast %get3A : i32 to index
      %get3A_576 = arith.index_cast %add3A_573 : i32 to index
      %get3A_577 = tpu.vector_load %arg5[%get3A_575, %get3A_576] {strides = array<i32>} : memref<4x6400xi32, #tpu.memory_space<vmem>>, vector<16xi32>,
      %xor3A = arith.xori %broadcast_in_dim3A_574, %get3A_577 : vector<16xi32>
      %mul3A_578 = arith.constant 16777619 : i32
      %mul3A_579 = vector.broadcast %mul3A_578 : i32 to vector<16xi32>
      %mul3A_580 = arith.muli %xor3A, %mul3A_579 : vector<16xi32>
      %get3A_581 = arith.constant 1 : i32
      %get3A_582 = arith.index_cast %get3A_581 : i32 to index
      %get3A_583 = arith.index_cast %add3A_573 : i32 to index
      %get3A_584 = tpu.vector_load %arg5[%get3A_582, %get3A_583] {strides = array<i32>} : memref<4x6400xi32, #tpu.memory_space<vmem>>, vector<16xi32>,
      %xor3A_585 = arith.xori %mul3A_580, %get3A_584 : vector<16xi32>
      %mul3A_586 = arith.constant 16777619 : i32
      %mul3A_587 = vector.broadcast %mul3A_586 : i32 to vector<16xi32>
      %mul3A_588 = arith.muli %xor3A_585, %mul3A_587 : vector<16xi32>
      %get3A_589 = arith.constant 2 : i32
      %get3A_590 = arith.index_cast %get3A_589 : i32 to index
      %get3A_591 = arith.index_cast %add3A_573 : i32 to index
      %get3A_592 = tpu.vector_load %arg5[%get3A_590, %get3A_591] {strides = array<i32>} : memref<4x6400xi32, #tpu.memory_space<vmem>>, vector<16xi32>,
      %xor3A_593 = arith.xori %mul3A_588, %get3A_592 : vector<16xi32>
      %mul3A_594 = arith.constant 16777619 : i32
      %mul3A_595 = vector.broadcast %mul3A_594 : i32 to vector<16xi32>
      %mul3A_596 = arith.muli %xor3A_593, %mul3A_595 : vector<16xi32>
      %get3A_597 = arith.constant 3 : i32
      %get3A_598 = arith.index_cast %get3A_597 : i32 to index
      %get3A_599 = arith.index_cast %add3A_573 : i32 to index
      %get3A_600 = tpu.vector_load %arg5[%get3A_598, %get3A_599] {strides = array<i32>} : memref<4x6400xi32, #tpu.memory_space<vmem>>, vector<16xi32>,
      %xor3A_601 = arith.xori %mul3A_596, %get3A_600 : vector<16xi32>
      %mul3A_602 = arith.constant 16777619 : i32
      %mul3A_603 = vector.broadcast %mul3A_602 : i32 to vector<16xi32>
      %mul3A_604 = arith.muli %xor3A_601, %mul3A_603 : vector<16xi32>
      %and3A = arith.constant 2147483647 : i32
      %and3A_605 = vector.broadcast %and3A : i32 to vector<16xi32>
      %and3A_606 = arith.andi %mul3A_604, %and3A_605 : vector<16xi32>
      %rem3A = arith.constant 500000 : i32
      %rem3A_607 = vector.broadcast %rem3A : i32 to vector<16xi32>
      %rem3A_608 = arith.remsi %and3A_606, %rem3A_607 : vector<16xi32>
      %lt3A = arith.constant 0 : i32
      %lt3A_609 = vector.broadcast %lt3A : i32 to vector<16xi32>
      %lt3A_610 = arith.cmpi slt, %mul3A_604, %lt3A_609 : vector<16xi32>
      %jit3A = arith.constant 483648 : i32
      %jit3A_611 = arith.constant 0 : i32
      %broadcast_in_dim3A_612 = vector.broadcast %jit3A : i32 to vector<16xi32>
      %broadcast_in_dim3A_613 = vector.broadcast %jit3A_611 : i32 to vector<16xi32>
      %select_n3A = arith.select %lt3A_610, %broadcast_in_dim3A_612, %broadcast_in_dim3A_613 : vector<16xi1>, vector<16xi32>
      %add3A_614 = arith.addi %rem3A_608, %select_n3A : vector<16xi32>
      %rem3A_615 = arith.constant 500000 : i32
      %rem3A_616 = vector.broadcast %rem3A_615 : i32 to vector<16xi32>
      %rem3A_617 = arith.remsi %add3A_614, %rem3A_616 : vector<16xi32>
      %mul3A_618 = arith.constant 16 : i32
      %mul3A_619 = arith.muli %while3A_569, %mul3A_618 : i32
      %swap3A = arith.index_cast %mul3A_619 : i32 to index
      %swap3A_620 = tpu.vector_load %arg7[%swap3A] {strides = array<i32>} : memref<400xi32, #tpu.memory_space<vmem>>, vector<16xi32>,
      tpu.vector_store %arg7[%swap3A], %rem3A_617 {strides = array<i32>} : memref<400xi32, #tpu.memory_space<vmem>>, vector<16xi32>,
    }
    %while3A_390 = arith.constant 1 : i32
    scf.for %while3A_569 = %while3A_388 to %while3A_384 step %while3A_390  : i32 {
      %mul3A_570 = arith.constant 16 : i32
      %mul3A_571 = arith.muli %while3A_569, %mul3A_570 : i32
      %add3A_572 = arith.constant 4400 : i32
      %add3A_573 = arith.addi %add3A_572, %mul3A_571 : i32
      %broadcast_in_dim3A = arith.constant -2128831035 : i32
      %broadcast_in_dim3A_574 = vector.broadcast %broadcast_in_dim3A : i32 to vector<16xi32>
      %get3A = arith.constant 0 : i32
      %get3A_575 = arith.index_cast %get3A : i32 to index
      %get3A_576 = arith.index_cast %add3A_573 : i32 to index
      %get3A_577 = tpu.vector_load %arg5[%get3A_575, %get3A_576] {strides = array<i32>} : memref<4x6400xi32, #tpu.memory_space<vmem>>, vector<16xi32>,
      %xor3A = arith.xori %broadcast_in_dim3A_574, %get3A_577 : vector<16xi32>
      %mul3A_578 = arith.constant 16777619 : i32
      %mul3A_579 = vector.broadcast %mul3A_578 : i32 to vector<16xi32>
      %mul3A_580 = arith.muli %xor3A, %mul3A_579 : vector<16xi32>
      %get3A_581 = arith.constant 1 : i32
      %get3A_582 = arith.index_cast %get3A_581 : i32 to index
      %get3A_583 = arith.index_cast %add3A_573 : i32 to index
      %get3A_584 = tpu.vector_load %arg5[%get3A_582, %get3A_583] {strides = array<i32>} : memref<4x6400xi32, #tpu.memory_space<vmem>>, vector<16xi32>,
      %xor3A_585 = arith.xori %mul3A_580, %get3A_584 : vector<16xi32>
      %mul3A_586 = arith.constant 16777619 : i32
      %mul3A_587 = vector.broadcast %mul3A_586 : i32 to vector<16xi32>
      %mul3A_588 = arith.muli %xor3A_585, %mul3A_587 : vector<16xi32>
      %get3A_589 = arith.constant 2 : i32
      %get3A_590 = arith.index_cast %get3A_589 : i32 to index
      %get3A_591 = arith.index_cast %add3A_573 : i32 to index
      %get3A_592 = tpu.vector_load %arg5[%get3A_590, %get3A_591] {strides = array<i32>} : memref<4x6400xi32, #tpu.memory_space<vmem>>, vector<16xi32>,
      %xor3A_593 = arith.xori %mul3A_588, %get3A_592 : vector<16xi32>
      %mul3A_594 = arith.constant 16777619 : i32
      %mul3A_595 = vector.broadcast %mul3A_594 : i32 to vector<16xi32>
      %mul3A_596 = arith.muli %xor3A_593, %mul3A_595 : vector<16xi32>
      %get3A_597 = arith.constant 3 : i32
      %get3A_598 = arith.index_cast %get3A_597 : i32 to index
      %get3A_599 = arith.index_cast %add3A_573 : i32 to index
      %get3A_600 = tpu.vector_load %arg5[%get3A_598, %get3A_599] {strides = array<i32>} : memref<4x6400xi32, #tpu.memory_space<vmem>>, vector<16xi32>,
      %xor3A_601 = arith.xori %mul3A_596, %get3A_600 : vector<16xi32>
      %mul3A_602 = arith.constant 16777619 : i32
      %mul3A_603 = vector.broadcast %mul3A_602 : i32 to vector<16xi32>
      %mul3A_604 = arith.muli %xor3A_601, %mul3A_603 : vector<16xi32>
      %and3A = arith.constant 2147483647 : i32
      %and3A_605 = vector.broadcast %and3A : i32 to vector<16xi32>
      %and3A_606 = arith.andi %mul3A_604, %and3A_605 : vector<16xi32>
      %rem3A = arith.constant 500000 : i32
      %rem3A_607 = vector.broadcast %rem3A : i32 to vector<16xi32>
      %rem3A_608 = arith.remsi %and3A_606, %rem3A_607 : vector<16xi32>
      %lt3A = arith.constant 0 : i32
      %lt3A_609 = vector.broadcast %lt3A : i32 to vector<16xi32>
      %lt3A_610 = arith.cmpi slt, %mul3A_604, %lt3A_609 : vector<16xi32>
      %jit3A = arith.constant 483648 : i32
      %jit3A_611 = arith.constant 0 : i32
      %broadcast_in_dim3A_612 = vector.broadcast %jit3A : i32 to vector<16xi32>
      %broadcast_in_dim3A_613 = vector.broadcast %jit3A_611 : i32 to vector<16xi32>
      %select_n3A = arith.select %lt3A_610, %broadcast_in_dim3A_612, %broadcast_in_dim3A_613 : vector<16xi1>, vector<16xi32>
      %add3A_614 = arith.addi %rem3A_608, %select_n3A : vector<16xi32>
      %rem3A_615 = arith.constant 500000 : i32
      %rem3A_616 = vector.broadcast %rem3A_615 : i32 to vector<16xi32>
      %rem3A_617 = arith.remsi %add3A_614, %rem3A_616 : vector<16xi32>
      %mul3A_618 = arith.constant 16 : i32
      %mul3A_619 = arith.muli %while3A_569, %mul3A_618 : i32
      %swap3A = arith.index_cast %mul3A_619 : i32 to index
      %swap3A_620 = tpu.vector_load %arg7[%swap3A] {strides = array<i32>} : memref<400xi32, #tpu.memory_space<vmem>>, vector<16xi32>,
      tpu.vector_store %arg7[%swap3A], %rem3A_617 {strides = array<i32>} : memref<400xi32, #tpu.memory_space<vmem>>, vector<16xi32>,
    }
    %dma_start3A_391 = arith.constant 0 : i32
    %dma_start3A_392 = tpu.memref_slice %arg7[%dma_start3A_391] : memref<400xi32, #tpu.memory_space<vmem>> -> memref<200xi32, #tpu.memory_space<vmem>>
    %dma_start3A_393 = arith.constant 0 : i32
    %dma_start3A_394 = arith.constant 0 : i32
    %dma_start3A_395 = tpu.memref_slice %arg3[%dma_start3A_393, %dma_start3A_394] : memref<500000x128xf32, #tpu.memory_space<hbm>> -> memref<500000x128xf32, #tpu.memory_space<hbm>>
    tpu.enqueue_indirect_dma source(%dma_start3A_395 : memref<500000x128xf32, #tpu.memory_space<hbm>>) target(%arg9 : memref<200x128xf32, #tpu.memory_space<vmem>>) offsets(%dma_start3A_392 : memref<200xi32, #tpu.memory_space<vmem>>) semaphore(%arg12 : memref<!tpu.dma_semaphore, #tpu.memory_space<semaphore_mem>>)
    %dma_wait3A_396 = arith.constant 0 : i32
    %dma_wait3A_397 = tpu.memref_slice %arg6[%dma_wait3A_396] : memref<400xi32, #tpu.memory_space<vmem>> -> memref<200xi32, #tpu.memory_space<vmem>>
    %dma_wait3A_398 = arith.constant 0 : i32
    %dma_wait3A_399 = arith.constant 0 : i32
    %dma_wait3A_400 = tpu.memref_slice %arg3[%dma_wait3A_398, %dma_wait3A_399] : memref<500000x128xf32, #tpu.memory_space<hbm>> -> memref<500000x128xf32, #tpu.memory_space<hbm>>
    tpu.wait_indirect_dma semaphore(%arg13 : memref<!tpu.dma_semaphore, #tpu.memory_space<semaphore_mem>>) src(%dma_wait3A_400 : memref<500000x128xf32, #tpu.memory_space<hbm>>) dst(%arg10 : memref<200x128xf32, #tpu.memory_space<vmem>>)
    %add3A_401 = arith.constant 20 : i32
    %add3A_402 = arith.addi %mul3A_11, %add3A_401 : i32
    "tpu.region"() ({
      %run_scoped3A_569 = tpu.sem_alloc : memref<!tpu.dma_semaphore, #tpu.memory_space<semaphore_mem>>
      %dma_start3A_570 = arith.constant 0 : i32
      %dma_start3A_571 = arith.constant 0 : i32
      %dma_start3A_572 = tpu.memref_slice %arg4[%add3A_402, %dma_start3A_570, %dma_start3A_571] : memref<1024x200x128xf32, #tpu.memory_space<hbm>> -> memref<1x200x128xf32, #tpu.memory_space<hbm>>
      %dma_start3A_573 = tpu.memref_squeeze %dma_start3A_572 : memref<1x200x128xf32, #tpu.memory_space<hbm>> -> memref<200x128xf32, #tpu.memory_space<hbm>>
      %dma_start3A_574 = arith.constant 0 : i32
      %dma_start3A_575 = arith.constant 0 : i32
      %dma_start3A_576 = tpu.memref_slice %arg4[%add3A_402, %dma_start3A_574, %dma_start3A_575] : memref<1024x200x128xf32, #tpu.memory_space<hbm>> -> memref<1x200x128xf32, #tpu.memory_space<hbm>>
      %dma_start3A_577 = tpu.memref_squeeze %dma_start3A_576 : memref<1x200x128xf32, #tpu.memory_space<hbm>> -> memref<200x128xf32, #tpu.memory_space<hbm>>
      tpu.enqueue_dma source(%arg10 : memref<200x128xf32, #tpu.memory_space<vmem>>) target(%dma_start3A_577 : memref<200x128xf32, #tpu.memory_space<hbm>>) target_semaphore(%run_scoped3A_569 : memref<!tpu.dma_semaphore, #tpu.memory_space<semaphore_mem>>)
      %dma_wait3A_578 = arith.constant 0 : i32
      %dma_wait3A_579 = arith.constant 0 : i32
      %dma_wait3A_580 = tpu.memref_slice %arg4[%add3A_402, %dma_wait3A_578, %dma_wait3A_579] : memref<1024x200x128xf32, #tpu.memory_space<hbm>> -> memref<1x200x128xf32, #tpu.memory_space<hbm>>
      %dma_wait3A_581 = tpu.memref_squeeze %dma_wait3A_580 : memref<1x200x128xf32, #tpu.memory_space<hbm>> -> memref<200x128xf32, #tpu.memory_space<hbm>>
      %dma_wait3A_582 = arith.constant 0 : i32
      %dma_wait3A_583 = arith.constant 0 : i32
      %dma_wait3A_584 = tpu.memref_slice %arg4[%add3A_402, %dma_wait3A_582, %dma_wait3A_583] : memref<1024x200x128xf32, #tpu.memory_space<hbm>> -> memref<1x200x128xf32, #tpu.memory_space<hbm>>
      %dma_wait3A_585 = tpu.memref_squeeze %dma_wait3A_584 : memref<1x200x128xf32, #tpu.memory_space<hbm>> -> memref<200x128xf32, #tpu.memory_space<hbm>>
      tpu.wait_dma2 semaphore(%run_scoped3A_569 : memref<!tpu.dma_semaphore, #tpu.memory_space<semaphore_mem>>) src(%arg10 : memref<200x128xf32, #tpu.memory_space<vmem>>) dst(%dma_wait3A_585 : memref<200x128xf32, #tpu.memory_space<hbm>>)
      tpu.yield
    }) : () -> ()
    %dma_start3A_403 = arith.constant 200 : i32
    %dma_start3A_404 = tpu.memref_slice %arg7[%dma_start3A_403] : memref<400xi32, #tpu.memory_space<vmem>> -> memref<200xi32, #tpu.memory_space<vmem>>
    %dma_start3A_405 = arith.constant 0 : i32
    %dma_start3A_406 = arith.constant 0 : i32
    %dma_start3A_407 = tpu.memref_slice %arg3[%dma_start3A_405, %dma_start3A_406] : memref<500000x128xf32, #tpu.memory_space<hbm>> -> memref<500000x128xf32, #tpu.memory_space<hbm>>
    tpu.enqueue_indirect_dma source(%dma_start3A_407 : memref<500000x128xf32, #tpu.memory_space<hbm>>) target(%arg10 : memref<200x128xf32, #tpu.memory_space<vmem>>) offsets(%dma_start3A_404 : memref<200xi32, #tpu.memory_space<vmem>>) semaphore(%arg13 : memref<!tpu.dma_semaphore, #tpu.memory_space<semaphore_mem>>)
    %dma_wait3A_408 = arith.constant 200 : i32
    %dma_wait3A_409 = tpu.memref_slice %arg6[%dma_wait3A_408] : memref<400xi32, #tpu.memory_space<vmem>> -> memref<200xi32, #tpu.memory_space<vmem>>
    %dma_wait3A_410 = arith.constant 0 : i32
    %dma_wait3A_411 = arith.constant 0 : i32
    %dma_wait3A_412 = tpu.memref_slice %arg3[%dma_wait3A_410, %dma_wait3A_411] : memref<500000x128xf32, #tpu.memory_space<hbm>> -> memref<500000x128xf32, #tpu.memory_space<hbm>>
    tpu.wait_indirect_dma semaphore(%arg11 : memref<!tpu.dma_semaphore, #tpu.memory_space<semaphore_mem>>) src(%dma_wait3A_412 : memref<500000x128xf32, #tpu.memory_space<hbm>>) dst(%arg8 : memref<200x128xf32, #tpu.memory_space<vmem>>)
    %add3A_413 = arith.constant 21 : i32
    %add3A_414 = arith.addi %mul3A_11, %add3A_413 : i32
    "tpu.region"() ({
      %run_scoped3A_569 = tpu.sem_alloc : memref<!tpu.dma_semaphore, #tpu.memory_space<semaphore_mem>>
      %dma_start3A_570 = arith.constant 0 : i32
      %dma_start3A_571 = arith.constant 0 : i32
      %dma_start3A_572 = tpu.memref_slice %arg4[%add3A_414, %dma_start3A_570, %dma_start3A_571] : memref<1024x200x128xf32, #tpu.memory_space<hbm>> -> memref<1x200x128xf32, #tpu.memory_space<hbm>>
      %dma_start3A_573 = tpu.memref_squeeze %dma_start3A_572 : memref<1x200x128xf32, #tpu.memory_space<hbm>> -> memref<200x128xf32, #tpu.memory_space<hbm>>
      %dma_start3A_574 = arith.constant 0 : i32
      %dma_start3A_575 = arith.constant 0 : i32
      %dma_start3A_576 = tpu.memref_slice %arg4[%add3A_414, %dma_start3A_574, %dma_start3A_575] : memref<1024x200x128xf32, #tpu.memory_space<hbm>> -> memref<1x200x128xf32, #tpu.memory_space<hbm>>
      %dma_start3A_577 = tpu.memref_squeeze %dma_start3A_576 : memref<1x200x128xf32, #tpu.memory_space<hbm>> -> memref<200x128xf32, #tpu.memory_space<hbm>>
      tpu.enqueue_dma source(%arg8 : memref<200x128xf32, #tpu.memory_space<vmem>>) target(%dma_start3A_577 : memref<200x128xf32, #tpu.memory_space<hbm>>) target_semaphore(%run_scoped3A_569 : memref<!tpu.dma_semaphore, #tpu.memory_space<semaphore_mem>>)
      %dma_wait3A_578 = arith.constant 0 : i32
      %dma_wait3A_579 = arith.constant 0 : i32
      %dma_wait3A_580 = tpu.memref_slice %arg4[%add3A_414, %dma_wait3A_578, %dma_wait3A_579] : memref<1024x200x128xf32, #tpu.memory_space<hbm>> -> memref<1x200x128xf32, #tpu.memory_space<hbm>>
      %dma_wait3A_581 = tpu.memref_squeeze %dma_wait3A_580 : memref<1x200x128xf32, #tpu.memory_space<hbm>> -> memref<200x128xf32, #tpu.memory_space<hbm>>
      %dma_wait3A_582 = arith.constant 0 : i32
      %dma_wait3A_583 = arith.constant 0 : i32
      %dma_wait3A_584 = tpu.memref_slice %arg4[%add3A_414, %dma_wait3A_582, %dma_wait3A_583] : memref<1024x200x128xf32, #tpu.memory_space<hbm>> -> memref<1x200x128xf32, #tpu.memory_space<hbm>>
      %dma_wait3A_585 = tpu.memref_squeeze %dma_wait3A_584 : memref<1x200x128xf32, #tpu.memory_space<hbm>> -> memref<200x128xf32, #tpu.memory_space<hbm>>
      tpu.wait_dma2 semaphore(%run_scoped3A_569 : memref<!tpu.dma_semaphore, #tpu.memory_space<semaphore_mem>>) src(%arg8 : memref<200x128xf32, #tpu.memory_space<vmem>>) dst(%dma_wait3A_585 : memref<200x128xf32, #tpu.memory_space<hbm>>)
      tpu.yield
    }) : () -> ()
    %while3A_415 = arith.constant 0 : i64
    %while3A_416 = arith.constant 0 : i32
    %while3A_417 = arith.constant 25 : i32
    %while3A_418 = arith.subi %while3A_417, %while3A_416 : i32
    %while3A_419 = arith.addi %while3A_416, %while3A_418 : i32
    %while3A_420 = arith.constant 1 : i32
    %while3A_421 = arith.divsi %while3A_418, %while3A_420 : i32
    %while3A_422 = arith.muli %while3A_421, %while3A_420 : i32
    %while3A_423 = arith.addi %while3A_416, %while3A_422 : i32
    %while3A_424 = arith.constant 1 : i32
    scf.for %while3A_569 = %while3A_416 to %while3A_423 step %while3A_424  : i32 {
      %mul3A_570 = arith.constant 16 : i32
      %mul3A_571 = arith.muli %while3A_569, %mul3A_570 : i32
      %add3A_572 = arith.constant 4800 : i32
      %add3A_573 = arith.addi %add3A_572, %mul3A_571 : i32
      %broadcast_in_dim3A = arith.constant -2128831035 : i32
      %broadcast_in_dim3A_574 = vector.broadcast %broadcast_in_dim3A : i32 to vector<16xi32>
      %get3A = arith.constant 0 : i32
      %get3A_575 = arith.index_cast %get3A : i32 to index
      %get3A_576 = arith.index_cast %add3A_573 : i32 to index
      %get3A_577 = tpu.vector_load %arg5[%get3A_575, %get3A_576] {strides = array<i32>} : memref<4x6400xi32, #tpu.memory_space<vmem>>, vector<16xi32>,
      %xor3A = arith.xori %broadcast_in_dim3A_574, %get3A_577 : vector<16xi32>
      %mul3A_578 = arith.constant 16777619 : i32
      %mul3A_579 = vector.broadcast %mul3A_578 : i32 to vector<16xi32>
      %mul3A_580 = arith.muli %xor3A, %mul3A_579 : vector<16xi32>
      %get3A_581 = arith.constant 1 : i32
      %get3A_582 = arith.index_cast %get3A_581 : i32 to index
      %get3A_583 = arith.index_cast %add3A_573 : i32 to index
      %get3A_584 = tpu.vector_load %arg5[%get3A_582, %get3A_583] {strides = array<i32>} : memref<4x6400xi32, #tpu.memory_space<vmem>>, vector<16xi32>,
      %xor3A_585 = arith.xori %mul3A_580, %get3A_584 : vector<16xi32>
      %mul3A_586 = arith.constant 16777619 : i32
      %mul3A_587 = vector.broadcast %mul3A_586 : i32 to vector<16xi32>
      %mul3A_588 = arith.muli %xor3A_585, %mul3A_587 : vector<16xi32>
      %get3A_589 = arith.constant 2 : i32
      %get3A_590 = arith.index_cast %get3A_589 : i32 to index
      %get3A_591 = arith.index_cast %add3A_573 : i32 to index
      %get3A_592 = tpu.vector_load %arg5[%get3A_590, %get3A_591] {strides = array<i32>} : memref<4x6400xi32, #tpu.memory_space<vmem>>, vector<16xi32>,
      %xor3A_593 = arith.xori %mul3A_588, %get3A_592 : vector<16xi32>
      %mul3A_594 = arith.constant 16777619 : i32
      %mul3A_595 = vector.broadcast %mul3A_594 : i32 to vector<16xi32>
      %mul3A_596 = arith.muli %xor3A_593, %mul3A_595 : vector<16xi32>
      %get3A_597 = arith.constant 3 : i32
      %get3A_598 = arith.index_cast %get3A_597 : i32 to index
      %get3A_599 = arith.index_cast %add3A_573 : i32 to index
      %get3A_600 = tpu.vector_load %arg5[%get3A_598, %get3A_599] {strides = array<i32>} : memref<4x6400xi32, #tpu.memory_space<vmem>>, vector<16xi32>,
      %xor3A_601 = arith.xori %mul3A_596, %get3A_600 : vector<16xi32>
      %mul3A_602 = arith.constant 16777619 : i32
      %mul3A_603 = vector.broadcast %mul3A_602 : i32 to vector<16xi32>
      %mul3A_604 = arith.muli %xor3A_601, %mul3A_603 : vector<16xi32>
      %and3A = arith.constant 2147483647 : i32
      %and3A_605 = vector.broadcast %and3A : i32 to vector<16xi32>
      %and3A_606 = arith.andi %mul3A_604, %and3A_605 : vector<16xi32>
      %rem3A = arith.constant 500000 : i32
      %rem3A_607 = vector.broadcast %rem3A : i32 to vector<16xi32>
      %rem3A_608 = arith.remsi %and3A_606, %rem3A_607 : vector<16xi32>
      %lt3A = arith.constant 0 : i32
      %lt3A_609 = vector.broadcast %lt3A : i32 to vector<16xi32>
      %lt3A_610 = arith.cmpi slt, %mul3A_604, %lt3A_609 : vector<16xi32>
      %jit3A = arith.constant 483648 : i32
      %jit3A_611 = arith.constant 0 : i32
      %broadcast_in_dim3A_612 = vector.broadcast %jit3A : i32 to vector<16xi32>
      %broadcast_in_dim3A_613 = vector.broadcast %jit3A_611 : i32 to vector<16xi32>
      %select_n3A = arith.select %lt3A_610, %broadcast_in_dim3A_612, %broadcast_in_dim3A_613 : vector<16xi1>, vector<16xi32>
      %add3A_614 = arith.addi %rem3A_608, %select_n3A : vector<16xi32>
      %rem3A_615 = arith.constant 500000 : i32
      %rem3A_616 = vector.broadcast %rem3A_615 : i32 to vector<16xi32>
      %rem3A_617 = arith.remsi %add3A_614, %rem3A_616 : vector<16xi32>
      %mul3A_618 = arith.constant 16 : i32
      %mul3A_619 = arith.muli %while3A_569, %mul3A_618 : i32
      %swap3A = arith.index_cast %mul3A_619 : i32 to index
      %swap3A_620 = tpu.vector_load %arg6[%swap3A] {strides = array<i32>} : memref<400xi32, #tpu.memory_space<vmem>>, vector<16xi32>,
      tpu.vector_store %arg6[%swap3A], %rem3A_617 {strides = array<i32>} : memref<400xi32, #tpu.memory_space<vmem>>, vector<16xi32>,
    }
    %while3A_425 = arith.constant 1 : i32
    scf.for %while3A_569 = %while3A_423 to %while3A_419 step %while3A_425  : i32 {
      %mul3A_570 = arith.constant 16 : i32
      %mul3A_571 = arith.muli %while3A_569, %mul3A_570 : i32
      %add3A_572 = arith.constant 4800 : i32
      %add3A_573 = arith.addi %add3A_572, %mul3A_571 : i32
      %broadcast_in_dim3A = arith.constant -2128831035 : i32
      %broadcast_in_dim3A_574 = vector.broadcast %broadcast_in_dim3A : i32 to vector<16xi32>
      %get3A = arith.constant 0 : i32
      %get3A_575 = arith.index_cast %get3A : i32 to index
      %get3A_576 = arith.index_cast %add3A_573 : i32 to index
      %get3A_577 = tpu.vector_load %arg5[%get3A_575, %get3A_576] {strides = array<i32>} : memref<4x6400xi32, #tpu.memory_space<vmem>>, vector<16xi32>,
      %xor3A = arith.xori %broadcast_in_dim3A_574, %get3A_577 : vector<16xi32>
      %mul3A_578 = arith.constant 16777619 : i32
      %mul3A_579 = vector.broadcast %mul3A_578 : i32 to vector<16xi32>
      %mul3A_580 = arith.muli %xor3A, %mul3A_579 : vector<16xi32>
      %get3A_581 = arith.constant 1 : i32
      %get3A_582 = arith.index_cast %get3A_581 : i32 to index
      %get3A_583 = arith.index_cast %add3A_573 : i32 to index
      %get3A_584 = tpu.vector_load %arg5[%get3A_582, %get3A_583] {strides = array<i32>} : memref<4x6400xi32, #tpu.memory_space<vmem>>, vector<16xi32>,
      %xor3A_585 = arith.xori %mul3A_580, %get3A_584 : vector<16xi32>
      %mul3A_586 = arith.constant 16777619 : i32
      %mul3A_587 = vector.broadcast %mul3A_586 : i32 to vector<16xi32>
      %mul3A_588 = arith.muli %xor3A_585, %mul3A_587 : vector<16xi32>
      %get3A_589 = arith.constant 2 : i32
      %get3A_590 = arith.index_cast %get3A_589 : i32 to index
      %get3A_591 = arith.index_cast %add3A_573 : i32 to index
      %get3A_592 = tpu.vector_load %arg5[%get3A_590, %get3A_591] {strides = array<i32>} : memref<4x6400xi32, #tpu.memory_space<vmem>>, vector<16xi32>,
      %xor3A_593 = arith.xori %mul3A_588, %get3A_592 : vector<16xi32>
      %mul3A_594 = arith.constant 16777619 : i32
      %mul3A_595 = vector.broadcast %mul3A_594 : i32 to vector<16xi32>
      %mul3A_596 = arith.muli %xor3A_593, %mul3A_595 : vector<16xi32>
      %get3A_597 = arith.constant 3 : i32
      %get3A_598 = arith.index_cast %get3A_597 : i32 to index
      %get3A_599 = arith.index_cast %add3A_573 : i32 to index
      %get3A_600 = tpu.vector_load %arg5[%get3A_598, %get3A_599] {strides = array<i32>} : memref<4x6400xi32, #tpu.memory_space<vmem>>, vector<16xi32>,
      %xor3A_601 = arith.xori %mul3A_596, %get3A_600 : vector<16xi32>
      %mul3A_602 = arith.constant 16777619 : i32
      %mul3A_603 = vector.broadcast %mul3A_602 : i32 to vector<16xi32>
      %mul3A_604 = arith.muli %xor3A_601, %mul3A_603 : vector<16xi32>
      %and3A = arith.constant 2147483647 : i32
      %and3A_605 = vector.broadcast %and3A : i32 to vector<16xi32>
      %and3A_606 = arith.andi %mul3A_604, %and3A_605 : vector<16xi32>
      %rem3A = arith.constant 500000 : i32
      %rem3A_607 = vector.broadcast %rem3A : i32 to vector<16xi32>
      %rem3A_608 = arith.remsi %and3A_606, %rem3A_607 : vector<16xi32>
      %lt3A = arith.constant 0 : i32
      %lt3A_609 = vector.broadcast %lt3A : i32 to vector<16xi32>
      %lt3A_610 = arith.cmpi slt, %mul3A_604, %lt3A_609 : vector<16xi32>
      %jit3A = arith.constant 483648 : i32
      %jit3A_611 = arith.constant 0 : i32
      %broadcast_in_dim3A_612 = vector.broadcast %jit3A : i32 to vector<16xi32>
      %broadcast_in_dim3A_613 = vector.broadcast %jit3A_611 : i32 to vector<16xi32>
      %select_n3A = arith.select %lt3A_610, %broadcast_in_dim3A_612, %broadcast_in_dim3A_613 : vector<16xi1>, vector<16xi32>
      %add3A_614 = arith.addi %rem3A_608, %select_n3A : vector<16xi32>
      %rem3A_615 = arith.constant 500000 : i32
      %rem3A_616 = vector.broadcast %rem3A_615 : i32 to vector<16xi32>
      %rem3A_617 = arith.remsi %add3A_614, %rem3A_616 : vector<16xi32>
      %mul3A_618 = arith.constant 16 : i32
      %mul3A_619 = arith.muli %while3A_569, %mul3A_618 : i32
      %swap3A = arith.index_cast %mul3A_619 : i32 to index
      %swap3A_620 = tpu.vector_load %arg6[%swap3A] {strides = array<i32>} : memref<400xi32, #tpu.memory_space<vmem>>, vector<16xi32>,
      tpu.vector_store %arg6[%swap3A], %rem3A_617 {strides = array<i32>} : memref<400xi32, #tpu.memory_space<vmem>>, vector<16xi32>,
    }
    %dma_start3A_426 = arith.constant 0 : i32
    %dma_start3A_427 = tpu.memref_slice %arg6[%dma_start3A_426] : memref<400xi32, #tpu.memory_space<vmem>> -> memref<200xi32, #tpu.memory_space<vmem>>
    %dma_start3A_428 = arith.constant 0 : i32
    %dma_start3A_429 = arith.constant 0 : i32
    %dma_start3A_430 = tpu.memref_slice %arg3[%dma_start3A_428, %dma_start3A_429] : memref<500000x128xf32, #tpu.memory_space<hbm>> -> memref<500000x128xf32, #tpu.memory_space<hbm>>
    tpu.enqueue_indirect_dma source(%dma_start3A_430 : memref<500000x128xf32, #tpu.memory_space<hbm>>) target(%arg8 : memref<200x128xf32, #tpu.memory_space<vmem>>) offsets(%dma_start3A_427 : memref<200xi32, #tpu.memory_space<vmem>>) semaphore(%arg11 : memref<!tpu.dma_semaphore, #tpu.memory_space<semaphore_mem>>)
    %dma_wait3A_431 = arith.constant 0 : i32
    %dma_wait3A_432 = tpu.memref_slice %arg7[%dma_wait3A_431] : memref<400xi32, #tpu.memory_space<vmem>> -> memref<200xi32, #tpu.memory_space<vmem>>
    %dma_wait3A_433 = arith.constant 0 : i32
    %dma_wait3A_434 = arith.constant 0 : i32
    %dma_wait3A_435 = tpu.memref_slice %arg3[%dma_wait3A_433, %dma_wait3A_434] : memref<500000x128xf32, #tpu.memory_space<hbm>> -> memref<500000x128xf32, #tpu.memory_space<hbm>>
    tpu.wait_indirect_dma semaphore(%arg12 : memref<!tpu.dma_semaphore, #tpu.memory_space<semaphore_mem>>) src(%dma_wait3A_435 : memref<500000x128xf32, #tpu.memory_space<hbm>>) dst(%arg9 : memref<200x128xf32, #tpu.memory_space<vmem>>)
    %add3A_436 = arith.constant 22 : i32
    %add3A_437 = arith.addi %mul3A_11, %add3A_436 : i32
    "tpu.region"() ({
      %run_scoped3A_569 = tpu.sem_alloc : memref<!tpu.dma_semaphore, #tpu.memory_space<semaphore_mem>>
      %dma_start3A_570 = arith.constant 0 : i32
      %dma_start3A_571 = arith.constant 0 : i32
      %dma_start3A_572 = tpu.memref_slice %arg4[%add3A_437, %dma_start3A_570, %dma_start3A_571] : memref<1024x200x128xf32, #tpu.memory_space<hbm>> -> memref<1x200x128xf32, #tpu.memory_space<hbm>>
      %dma_start3A_573 = tpu.memref_squeeze %dma_start3A_572 : memref<1x200x128xf32, #tpu.memory_space<hbm>> -> memref<200x128xf32, #tpu.memory_space<hbm>>
      %dma_start3A_574 = arith.constant 0 : i32
      %dma_start3A_575 = arith.constant 0 : i32
      %dma_start3A_576 = tpu.memref_slice %arg4[%add3A_437, %dma_start3A_574, %dma_start3A_575] : memref<1024x200x128xf32, #tpu.memory_space<hbm>> -> memref<1x200x128xf32, #tpu.memory_space<hbm>>
      %dma_start3A_577 = tpu.memref_squeeze %dma_start3A_576 : memref<1x200x128xf32, #tpu.memory_space<hbm>> -> memref<200x128xf32, #tpu.memory_space<hbm>>
      tpu.enqueue_dma source(%arg9 : memref<200x128xf32, #tpu.memory_space<vmem>>) target(%dma_start3A_577 : memref<200x128xf32, #tpu.memory_space<hbm>>) target_semaphore(%run_scoped3A_569 : memref<!tpu.dma_semaphore, #tpu.memory_space<semaphore_mem>>)
      %dma_wait3A_578 = arith.constant 0 : i32
      %dma_wait3A_579 = arith.constant 0 : i32
      %dma_wait3A_580 = tpu.memref_slice %arg4[%add3A_437, %dma_wait3A_578, %dma_wait3A_579] : memref<1024x200x128xf32, #tpu.memory_space<hbm>> -> memref<1x200x128xf32, #tpu.memory_space<hbm>>
      %dma_wait3A_581 = tpu.memref_squeeze %dma_wait3A_580 : memref<1x200x128xf32, #tpu.memory_space<hbm>> -> memref<200x128xf32, #tpu.memory_space<hbm>>
      %dma_wait3A_582 = arith.constant 0 : i32
      %dma_wait3A_583 = arith.constant 0 : i32
      %dma_wait3A_584 = tpu.memref_slice %arg4[%add3A_437, %dma_wait3A_582, %dma_wait3A_583] : memref<1024x200x128xf32, #tpu.memory_space<hbm>> -> memref<1x200x128xf32, #tpu.memory_space<hbm>>
      %dma_wait3A_585 = tpu.memref_squeeze %dma_wait3A_584 : memref<1x200x128xf32, #tpu.memory_space<hbm>> -> memref<200x128xf32, #tpu.memory_space<hbm>>
      tpu.wait_dma2 semaphore(%run_scoped3A_569 : memref<!tpu.dma_semaphore, #tpu.memory_space<semaphore_mem>>) src(%arg9 : memref<200x128xf32, #tpu.memory_space<vmem>>) dst(%dma_wait3A_585 : memref<200x128xf32, #tpu.memory_space<hbm>>)
      tpu.yield
    }) : () -> ()
    %dma_start3A_438 = arith.constant 200 : i32
    %dma_start3A_439 = tpu.memref_slice %arg6[%dma_start3A_438] : memref<400xi32, #tpu.memory_space<vmem>> -> memref<200xi32, #tpu.memory_space<vmem>>
    %dma_start3A_440 = arith.constant 0 : i32
    %dma_start3A_441 = arith.constant 0 : i32
    %dma_start3A_442 = tpu.memref_slice %arg3[%dma_start3A_440, %dma_start3A_441] : memref<500000x128xf32, #tpu.memory_space<hbm>> -> memref<500000x128xf32, #tpu.memory_space<hbm>>
    tpu.enqueue_indirect_dma source(%dma_start3A_442 : memref<500000x128xf32, #tpu.memory_space<hbm>>) target(%arg9 : memref<200x128xf32, #tpu.memory_space<vmem>>) offsets(%dma_start3A_439 : memref<200xi32, #tpu.memory_space<vmem>>) semaphore(%arg12 : memref<!tpu.dma_semaphore, #tpu.memory_space<semaphore_mem>>)
    %dma_wait3A_443 = arith.constant 200 : i32
    %dma_wait3A_444 = tpu.memref_slice %arg7[%dma_wait3A_443] : memref<400xi32, #tpu.memory_space<vmem>> -> memref<200xi32, #tpu.memory_space<vmem>>
    %dma_wait3A_445 = arith.constant 0 : i32
    %dma_wait3A_446 = arith.constant 0 : i32
    %dma_wait3A_447 = tpu.memref_slice %arg3[%dma_wait3A_445, %dma_wait3A_446] : memref<500000x128xf32, #tpu.memory_space<hbm>> -> memref<500000x128xf32, #tpu.memory_space<hbm>>
    tpu.wait_indirect_dma semaphore(%arg13 : memref<!tpu.dma_semaphore, #tpu.memory_space<semaphore_mem>>) src(%dma_wait3A_447 : memref<500000x128xf32, #tpu.memory_space<hbm>>) dst(%arg10 : memref<200x128xf32, #tpu.memory_space<vmem>>)
    %add3A_448 = arith.constant 23 : i32
    %add3A_449 = arith.addi %mul3A_11, %add3A_448 : i32
    "tpu.region"() ({
      %run_scoped3A_569 = tpu.sem_alloc : memref<!tpu.dma_semaphore, #tpu.memory_space<semaphore_mem>>
      %dma_start3A_570 = arith.constant 0 : i32
      %dma_start3A_571 = arith.constant 0 : i32
      %dma_start3A_572 = tpu.memref_slice %arg4[%add3A_449, %dma_start3A_570, %dma_start3A_571] : memref<1024x200x128xf32, #tpu.memory_space<hbm>> -> memref<1x200x128xf32, #tpu.memory_space<hbm>>
      %dma_start3A_573 = tpu.memref_squeeze %dma_start3A_572 : memref<1x200x128xf32, #tpu.memory_space<hbm>> -> memref<200x128xf32, #tpu.memory_space<hbm>>
      %dma_start3A_574 = arith.constant 0 : i32
      %dma_start3A_575 = arith.constant 0 : i32
      %dma_start3A_576 = tpu.memref_slice %arg4[%add3A_449, %dma_start3A_574, %dma_start3A_575] : memref<1024x200x128xf32, #tpu.memory_space<hbm>> -> memref<1x200x128xf32, #tpu.memory_space<hbm>>
      %dma_start3A_577 = tpu.memref_squeeze %dma_start3A_576 : memref<1x200x128xf32, #tpu.memory_space<hbm>> -> memref<200x128xf32, #tpu.memory_space<hbm>>
      tpu.enqueue_dma source(%arg10 : memref<200x128xf32, #tpu.memory_space<vmem>>) target(%dma_start3A_577 : memref<200x128xf32, #tpu.memory_space<hbm>>) target_semaphore(%run_scoped3A_569 : memref<!tpu.dma_semaphore, #tpu.memory_space<semaphore_mem>>)
      %dma_wait3A_578 = arith.constant 0 : i32
      %dma_wait3A_579 = arith.constant 0 : i32
      %dma_wait3A_580 = tpu.memref_slice %arg4[%add3A_449, %dma_wait3A_578, %dma_wait3A_579] : memref<1024x200x128xf32, #tpu.memory_space<hbm>> -> memref<1x200x128xf32, #tpu.memory_space<hbm>>
      %dma_wait3A_581 = tpu.memref_squeeze %dma_wait3A_580 : memref<1x200x128xf32, #tpu.memory_space<hbm>> -> memref<200x128xf32, #tpu.memory_space<hbm>>
      %dma_wait3A_582 = arith.constant 0 : i32
      %dma_wait3A_583 = arith.constant 0 : i32
      %dma_wait3A_584 = tpu.memref_slice %arg4[%add3A_449, %dma_wait3A_582, %dma_wait3A_583] : memref<1024x200x128xf32, #tpu.memory_space<hbm>> -> memref<1x200x128xf32, #tpu.memory_space<hbm>>
      %dma_wait3A_585 = tpu.memref_squeeze %dma_wait3A_584 : memref<1x200x128xf32, #tpu.memory_space<hbm>> -> memref<200x128xf32, #tpu.memory_space<hbm>>
      tpu.wait_dma2 semaphore(%run_scoped3A_569 : memref<!tpu.dma_semaphore, #tpu.memory_space<semaphore_mem>>) src(%arg10 : memref<200x128xf32, #tpu.memory_space<vmem>>) dst(%dma_wait3A_585 : memref<200x128xf32, #tpu.memory_space<hbm>>)
      tpu.yield
    }) : () -> ()
    %while3A_450 = arith.constant 0 : i64
    %while3A_451 = arith.constant 0 : i32
    %while3A_452 = arith.constant 25 : i32
    %while3A_453 = arith.subi %while3A_452, %while3A_451 : i32
    %while3A_454 = arith.addi %while3A_451, %while3A_453 : i32
    %while3A_455 = arith.constant 1 : i32
    %while3A_456 = arith.divsi %while3A_453, %while3A_455 : i32
    %while3A_457 = arith.muli %while3A_456, %while3A_455 : i32
    %while3A_458 = arith.addi %while3A_451, %while3A_457 : i32
    %while3A_459 = arith.constant 1 : i32
    scf.for %while3A_569 = %while3A_451 to %while3A_458 step %while3A_459  : i32 {
      %mul3A_570 = arith.constant 16 : i32
      %mul3A_571 = arith.muli %while3A_569, %mul3A_570 : i32
      %add3A_572 = arith.constant 5200 : i32
      %add3A_573 = arith.addi %add3A_572, %mul3A_571 : i32
      %broadcast_in_dim3A = arith.constant -2128831035 : i32
      %broadcast_in_dim3A_574 = vector.broadcast %broadcast_in_dim3A : i32 to vector<16xi32>
      %get3A = arith.constant 0 : i32
      %get3A_575 = arith.index_cast %get3A : i32 to index
      %get3A_576 = arith.index_cast %add3A_573 : i32 to index
      %get3A_577 = tpu.vector_load %arg5[%get3A_575, %get3A_576] {strides = array<i32>} : memref<4x6400xi32, #tpu.memory_space<vmem>>, vector<16xi32>,
      %xor3A = arith.xori %broadcast_in_dim3A_574, %get3A_577 : vector<16xi32>
      %mul3A_578 = arith.constant 16777619 : i32
      %mul3A_579 = vector.broadcast %mul3A_578 : i32 to vector<16xi32>
      %mul3A_580 = arith.muli %xor3A, %mul3A_579 : vector<16xi32>
      %get3A_581 = arith.constant 1 : i32
      %get3A_582 = arith.index_cast %get3A_581 : i32 to index
      %get3A_583 = arith.index_cast %add3A_573 : i32 to index
      %get3A_584 = tpu.vector_load %arg5[%get3A_582, %get3A_583] {strides = array<i32>} : memref<4x6400xi32, #tpu.memory_space<vmem>>, vector<16xi32>,
      %xor3A_585 = arith.xori %mul3A_580, %get3A_584 : vector<16xi32>
      %mul3A_586 = arith.constant 16777619 : i32
      %mul3A_587 = vector.broadcast %mul3A_586 : i32 to vector<16xi32>
      %mul3A_588 = arith.muli %xor3A_585, %mul3A_587 : vector<16xi32>
      %get3A_589 = arith.constant 2 : i32
      %get3A_590 = arith.index_cast %get3A_589 : i32 to index
      %get3A_591 = arith.index_cast %add3A_573 : i32 to index
      %get3A_592 = tpu.vector_load %arg5[%get3A_590, %get3A_591] {strides = array<i32>} : memref<4x6400xi32, #tpu.memory_space<vmem>>, vector<16xi32>,
      %xor3A_593 = arith.xori %mul3A_588, %get3A_592 : vector<16xi32>
      %mul3A_594 = arith.constant 16777619 : i32
      %mul3A_595 = vector.broadcast %mul3A_594 : i32 to vector<16xi32>
      %mul3A_596 = arith.muli %xor3A_593, %mul3A_595 : vector<16xi32>
      %get3A_597 = arith.constant 3 : i32
      %get3A_598 = arith.index_cast %get3A_597 : i32 to index
      %get3A_599 = arith.index_cast %add3A_573 : i32 to index
      %get3A_600 = tpu.vector_load %arg5[%get3A_598, %get3A_599] {strides = array<i32>} : memref<4x6400xi32, #tpu.memory_space<vmem>>, vector<16xi32>,
      %xor3A_601 = arith.xori %mul3A_596, %get3A_600 : vector<16xi32>
      %mul3A_602 = arith.constant 16777619 : i32
      %mul3A_603 = vector.broadcast %mul3A_602 : i32 to vector<16xi32>
      %mul3A_604 = arith.muli %xor3A_601, %mul3A_603 : vector<16xi32>
      %and3A = arith.constant 2147483647 : i32
      %and3A_605 = vector.broadcast %and3A : i32 to vector<16xi32>
      %and3A_606 = arith.andi %mul3A_604, %and3A_605 : vector<16xi32>
      %rem3A = arith.constant 500000 : i32
      %rem3A_607 = vector.broadcast %rem3A : i32 to vector<16xi32>
      %rem3A_608 = arith.remsi %and3A_606, %rem3A_607 : vector<16xi32>
      %lt3A = arith.constant 0 : i32
      %lt3A_609 = vector.broadcast %lt3A : i32 to vector<16xi32>
      %lt3A_610 = arith.cmpi slt, %mul3A_604, %lt3A_609 : vector<16xi32>
      %jit3A = arith.constant 483648 : i32
      %jit3A_611 = arith.constant 0 : i32
      %broadcast_in_dim3A_612 = vector.broadcast %jit3A : i32 to vector<16xi32>
      %broadcast_in_dim3A_613 = vector.broadcast %jit3A_611 : i32 to vector<16xi32>
      %select_n3A = arith.select %lt3A_610, %broadcast_in_dim3A_612, %broadcast_in_dim3A_613 : vector<16xi1>, vector<16xi32>
      %add3A_614 = arith.addi %rem3A_608, %select_n3A : vector<16xi32>
      %rem3A_615 = arith.constant 500000 : i32
      %rem3A_616 = vector.broadcast %rem3A_615 : i32 to vector<16xi32>
      %rem3A_617 = arith.remsi %add3A_614, %rem3A_616 : vector<16xi32>
      %mul3A_618 = arith.constant 16 : i32
      %mul3A_619 = arith.muli %while3A_569, %mul3A_618 : i32
      %swap3A = arith.index_cast %mul3A_619 : i32 to index
      %swap3A_620 = tpu.vector_load %arg7[%swap3A] {strides = array<i32>} : memref<400xi32, #tpu.memory_space<vmem>>, vector<16xi32>,
      tpu.vector_store %arg7[%swap3A], %rem3A_617 {strides = array<i32>} : memref<400xi32, #tpu.memory_space<vmem>>, vector<16xi32>,
    }
    %while3A_460 = arith.constant 1 : i32
    scf.for %while3A_569 = %while3A_458 to %while3A_454 step %while3A_460  : i32 {
      %mul3A_570 = arith.constant 16 : i32
      %mul3A_571 = arith.muli %while3A_569, %mul3A_570 : i32
      %add3A_572 = arith.constant 5200 : i32
      %add3A_573 = arith.addi %add3A_572, %mul3A_571 : i32
      %broadcast_in_dim3A = arith.constant -2128831035 : i32
      %broadcast_in_dim3A_574 = vector.broadcast %broadcast_in_dim3A : i32 to vector<16xi32>
      %get3A = arith.constant 0 : i32
      %get3A_575 = arith.index_cast %get3A : i32 to index
      %get3A_576 = arith.index_cast %add3A_573 : i32 to index
      %get3A_577 = tpu.vector_load %arg5[%get3A_575, %get3A_576] {strides = array<i32>} : memref<4x6400xi32, #tpu.memory_space<vmem>>, vector<16xi32>,
      %xor3A = arith.xori %broadcast_in_dim3A_574, %get3A_577 : vector<16xi32>
      %mul3A_578 = arith.constant 16777619 : i32
      %mul3A_579 = vector.broadcast %mul3A_578 : i32 to vector<16xi32>
      %mul3A_580 = arith.muli %xor3A, %mul3A_579 : vector<16xi32>
      %get3A_581 = arith.constant 1 : i32
      %get3A_582 = arith.index_cast %get3A_581 : i32 to index
      %get3A_583 = arith.index_cast %add3A_573 : i32 to index
      %get3A_584 = tpu.vector_load %arg5[%get3A_582, %get3A_583] {strides = array<i32>} : memref<4x6400xi32, #tpu.memory_space<vmem>>, vector<16xi32>,
      %xor3A_585 = arith.xori %mul3A_580, %get3A_584 : vector<16xi32>
      %mul3A_586 = arith.constant 16777619 : i32
      %mul3A_587 = vector.broadcast %mul3A_586 : i32 to vector<16xi32>
      %mul3A_588 = arith.muli %xor3A_585, %mul3A_587 : vector<16xi32>
      %get3A_589 = arith.constant 2 : i32
      %get3A_590 = arith.index_cast %get3A_589 : i32 to index
      %get3A_591 = arith.index_cast %add3A_573 : i32 to index
      %get3A_592 = tpu.vector_load %arg5[%get3A_590, %get3A_591] {strides = array<i32>} : memref<4x6400xi32, #tpu.memory_space<vmem>>, vector<16xi32>,
      %xor3A_593 = arith.xori %mul3A_588, %get3A_592 : vector<16xi32>
      %mul3A_594 = arith.constant 16777619 : i32
      %mul3A_595 = vector.broadcast %mul3A_594 : i32 to vector<16xi32>
      %mul3A_596 = arith.muli %xor3A_593, %mul3A_595 : vector<16xi32>
      %get3A_597 = arith.constant 3 : i32
      %get3A_598 = arith.index_cast %get3A_597 : i32 to index
      %get3A_599 = arith.index_cast %add3A_573 : i32 to index
      %get3A_600 = tpu.vector_load %arg5[%get3A_598, %get3A_599] {strides = array<i32>} : memref<4x6400xi32, #tpu.memory_space<vmem>>, vector<16xi32>,
      %xor3A_601 = arith.xori %mul3A_596, %get3A_600 : vector<16xi32>
      %mul3A_602 = arith.constant 16777619 : i32
      %mul3A_603 = vector.broadcast %mul3A_602 : i32 to vector<16xi32>
      %mul3A_604 = arith.muli %xor3A_601, %mul3A_603 : vector<16xi32>
      %and3A = arith.constant 2147483647 : i32
      %and3A_605 = vector.broadcast %and3A : i32 to vector<16xi32>
      %and3A_606 = arith.andi %mul3A_604, %and3A_605 : vector<16xi32>
      %rem3A = arith.constant 500000 : i32
      %rem3A_607 = vector.broadcast %rem3A : i32 to vector<16xi32>
      %rem3A_608 = arith.remsi %and3A_606, %rem3A_607 : vector<16xi32>
      %lt3A = arith.constant 0 : i32
      %lt3A_609 = vector.broadcast %lt3A : i32 to vector<16xi32>
      %lt3A_610 = arith.cmpi slt, %mul3A_604, %lt3A_609 : vector<16xi32>
      %jit3A = arith.constant 483648 : i32
      %jit3A_611 = arith.constant 0 : i32
      %broadcast_in_dim3A_612 = vector.broadcast %jit3A : i32 to vector<16xi32>
      %broadcast_in_dim3A_613 = vector.broadcast %jit3A_611 : i32 to vector<16xi32>
      %select_n3A = arith.select %lt3A_610, %broadcast_in_dim3A_612, %broadcast_in_dim3A_613 : vector<16xi1>, vector<16xi32>
      %add3A_614 = arith.addi %rem3A_608, %select_n3A : vector<16xi32>
      %rem3A_615 = arith.constant 500000 : i32
      %rem3A_616 = vector.broadcast %rem3A_615 : i32 to vector<16xi32>
      %rem3A_617 = arith.remsi %add3A_614, %rem3A_616 : vector<16xi32>
      %mul3A_618 = arith.constant 16 : i32
      %mul3A_619 = arith.muli %while3A_569, %mul3A_618 : i32
      %swap3A = arith.index_cast %mul3A_619 : i32 to index
      %swap3A_620 = tpu.vector_load %arg7[%swap3A] {strides = array<i32>} : memref<400xi32, #tpu.memory_space<vmem>>, vector<16xi32>,
      tpu.vector_store %arg7[%swap3A], %rem3A_617 {strides = array<i32>} : memref<400xi32, #tpu.memory_space<vmem>>, vector<16xi32>,
    }
    %dma_start3A_461 = arith.constant 0 : i32
    %dma_start3A_462 = tpu.memref_slice %arg7[%dma_start3A_461] : memref<400xi32, #tpu.memory_space<vmem>> -> memref<200xi32, #tpu.memory_space<vmem>>
    %dma_start3A_463 = arith.constant 0 : i32
    %dma_start3A_464 = arith.constant 0 : i32
    %dma_start3A_465 = tpu.memref_slice %arg3[%dma_start3A_463, %dma_start3A_464] : memref<500000x128xf32, #tpu.memory_space<hbm>> -> memref<500000x128xf32, #tpu.memory_space<hbm>>
    tpu.enqueue_indirect_dma source(%dma_start3A_465 : memref<500000x128xf32, #tpu.memory_space<hbm>>) target(%arg10 : memref<200x128xf32, #tpu.memory_space<vmem>>) offsets(%dma_start3A_462 : memref<200xi32, #tpu.memory_space<vmem>>) semaphore(%arg13 : memref<!tpu.dma_semaphore, #tpu.memory_space<semaphore_mem>>)
    %dma_wait3A_466 = arith.constant 0 : i32
    %dma_wait3A_467 = tpu.memref_slice %arg6[%dma_wait3A_466] : memref<400xi32, #tpu.memory_space<vmem>> -> memref<200xi32, #tpu.memory_space<vmem>>
    %dma_wait3A_468 = arith.constant 0 : i32
    %dma_wait3A_469 = arith.constant 0 : i32
    %dma_wait3A_470 = tpu.memref_slice %arg3[%dma_wait3A_468, %dma_wait3A_469] : memref<500000x128xf32, #tpu.memory_space<hbm>> -> memref<500000x128xf32, #tpu.memory_space<hbm>>
    tpu.wait_indirect_dma semaphore(%arg11 : memref<!tpu.dma_semaphore, #tpu.memory_space<semaphore_mem>>) src(%dma_wait3A_470 : memref<500000x128xf32, #tpu.memory_space<hbm>>) dst(%arg8 : memref<200x128xf32, #tpu.memory_space<vmem>>)
    %add3A_471 = arith.constant 24 : i32
    %add3A_472 = arith.addi %mul3A_11, %add3A_471 : i32
    "tpu.region"() ({
      %run_scoped3A_569 = tpu.sem_alloc : memref<!tpu.dma_semaphore, #tpu.memory_space<semaphore_mem>>
      %dma_start3A_570 = arith.constant 0 : i32
      %dma_start3A_571 = arith.constant 0 : i32
      %dma_start3A_572 = tpu.memref_slice %arg4[%add3A_472, %dma_start3A_570, %dma_start3A_571] : memref<1024x200x128xf32, #tpu.memory_space<hbm>> -> memref<1x200x128xf32, #tpu.memory_space<hbm>>
      %dma_start3A_573 = tpu.memref_squeeze %dma_start3A_572 : memref<1x200x128xf32, #tpu.memory_space<hbm>> -> memref<200x128xf32, #tpu.memory_space<hbm>>
      %dma_start3A_574 = arith.constant 0 : i32
      %dma_start3A_575 = arith.constant 0 : i32
      %dma_start3A_576 = tpu.memref_slice %arg4[%add3A_472, %dma_start3A_574, %dma_start3A_575] : memref<1024x200x128xf32, #tpu.memory_space<hbm>> -> memref<1x200x128xf32, #tpu.memory_space<hbm>>
      %dma_start3A_577 = tpu.memref_squeeze %dma_start3A_576 : memref<1x200x128xf32, #tpu.memory_space<hbm>> -> memref<200x128xf32, #tpu.memory_space<hbm>>
      tpu.enqueue_dma source(%arg8 : memref<200x128xf32, #tpu.memory_space<vmem>>) target(%dma_start3A_577 : memref<200x128xf32, #tpu.memory_space<hbm>>) target_semaphore(%run_scoped3A_569 : memref<!tpu.dma_semaphore, #tpu.memory_space<semaphore_mem>>)
      %dma_wait3A_578 = arith.constant 0 : i32
      %dma_wait3A_579 = arith.constant 0 : i32
      %dma_wait3A_580 = tpu.memref_slice %arg4[%add3A_472, %dma_wait3A_578, %dma_wait3A_579] : memref<1024x200x128xf32, #tpu.memory_space<hbm>> -> memref<1x200x128xf32, #tpu.memory_space<hbm>>
      %dma_wait3A_581 = tpu.memref_squeeze %dma_wait3A_580 : memref<1x200x128xf32, #tpu.memory_space<hbm>> -> memref<200x128xf32, #tpu.memory_space<hbm>>
      %dma_wait3A_582 = arith.constant 0 : i32
      %dma_wait3A_583 = arith.constant 0 : i32
      %dma_wait3A_584 = tpu.memref_slice %arg4[%add3A_472, %dma_wait3A_582, %dma_wait3A_583] : memref<1024x200x128xf32, #tpu.memory_space<hbm>> -> memref<1x200x128xf32, #tpu.memory_space<hbm>>
      %dma_wait3A_585 = tpu.memref_squeeze %dma_wait3A_584 : memref<1x200x128xf32, #tpu.memory_space<hbm>> -> memref<200x128xf32, #tpu.memory_space<hbm>>
      tpu.wait_dma2 semaphore(%run_scoped3A_569 : memref<!tpu.dma_semaphore, #tpu.memory_space<semaphore_mem>>) src(%arg8 : memref<200x128xf32, #tpu.memory_space<vmem>>) dst(%dma_wait3A_585 : memref<200x128xf32, #tpu.memory_space<hbm>>)
      tpu.yield
    }) : () -> ()
    %dma_start3A_473 = arith.constant 200 : i32
    %dma_start3A_474 = tpu.memref_slice %arg7[%dma_start3A_473] : memref<400xi32, #tpu.memory_space<vmem>> -> memref<200xi32, #tpu.memory_space<vmem>>
    %dma_start3A_475 = arith.constant 0 : i32
    %dma_start3A_476 = arith.constant 0 : i32
    %dma_start3A_477 = tpu.memref_slice %arg3[%dma_start3A_475, %dma_start3A_476] : memref<500000x128xf32, #tpu.memory_space<hbm>> -> memref<500000x128xf32, #tpu.memory_space<hbm>>
    tpu.enqueue_indirect_dma source(%dma_start3A_477 : memref<500000x128xf32, #tpu.memory_space<hbm>>) target(%arg8 : memref<200x128xf32, #tpu.memory_space<vmem>>) offsets(%dma_start3A_474 : memref<200xi32, #tpu.memory_space<vmem>>) semaphore(%arg11 : memref<!tpu.dma_semaphore, #tpu.memory_space<semaphore_mem>>)
    %dma_wait3A_478 = arith.constant 200 : i32
    %dma_wait3A_479 = tpu.memref_slice %arg6[%dma_wait3A_478] : memref<400xi32, #tpu.memory_space<vmem>> -> memref<200xi32, #tpu.memory_space<vmem>>
    %dma_wait3A_480 = arith.constant 0 : i32
    %dma_wait3A_481 = arith.constant 0 : i32
    %dma_wait3A_482 = tpu.memref_slice %arg3[%dma_wait3A_480, %dma_wait3A_481] : memref<500000x128xf32, #tpu.memory_space<hbm>> -> memref<500000x128xf32, #tpu.memory_space<hbm>>
    tpu.wait_indirect_dma semaphore(%arg12 : memref<!tpu.dma_semaphore, #tpu.memory_space<semaphore_mem>>) src(%dma_wait3A_482 : memref<500000x128xf32, #tpu.memory_space<hbm>>) dst(%arg9 : memref<200x128xf32, #tpu.memory_space<vmem>>)
    %add3A_483 = arith.constant 25 : i32
    %add3A_484 = arith.addi %mul3A_11, %add3A_483 : i32
    "tpu.region"() ({
      %run_scoped3A_569 = tpu.sem_alloc : memref<!tpu.dma_semaphore, #tpu.memory_space<semaphore_mem>>
      %dma_start3A_570 = arith.constant 0 : i32
      %dma_start3A_571 = arith.constant 0 : i32
      %dma_start3A_572 = tpu.memref_slice %arg4[%add3A_484, %dma_start3A_570, %dma_start3A_571] : memref<1024x200x128xf32, #tpu.memory_space<hbm>> -> memref<1x200x128xf32, #tpu.memory_space<hbm>>
      %dma_start3A_573 = tpu.memref_squeeze %dma_start3A_572 : memref<1x200x128xf32, #tpu.memory_space<hbm>> -> memref<200x128xf32, #tpu.memory_space<hbm>>
      %dma_start3A_574 = arith.constant 0 : i32
      %dma_start3A_575 = arith.constant 0 : i32
      %dma_start3A_576 = tpu.memref_slice %arg4[%add3A_484, %dma_start3A_574, %dma_start3A_575] : memref<1024x200x128xf32, #tpu.memory_space<hbm>> -> memref<1x200x128xf32, #tpu.memory_space<hbm>>
      %dma_start3A_577 = tpu.memref_squeeze %dma_start3A_576 : memref<1x200x128xf32, #tpu.memory_space<hbm>> -> memref<200x128xf32, #tpu.memory_space<hbm>>
      tpu.enqueue_dma source(%arg9 : memref<200x128xf32, #tpu.memory_space<vmem>>) target(%dma_start3A_577 : memref<200x128xf32, #tpu.memory_space<hbm>>) target_semaphore(%run_scoped3A_569 : memref<!tpu.dma_semaphore, #tpu.memory_space<semaphore_mem>>)
      %dma_wait3A_578 = arith.constant 0 : i32
      %dma_wait3A_579 = arith.constant 0 : i32
      %dma_wait3A_580 = tpu.memref_slice %arg4[%add3A_484, %dma_wait3A_578, %dma_wait3A_579] : memref<1024x200x128xf32, #tpu.memory_space<hbm>> -> memref<1x200x128xf32, #tpu.memory_space<hbm>>
      %dma_wait3A_581 = tpu.memref_squeeze %dma_wait3A_580 : memref<1x200x128xf32, #tpu.memory_space<hbm>> -> memref<200x128xf32, #tpu.memory_space<hbm>>
      %dma_wait3A_582 = arith.constant 0 : i32
      %dma_wait3A_583 = arith.constant 0 : i32
      %dma_wait3A_584 = tpu.memref_slice %arg4[%add3A_484, %dma_wait3A_582, %dma_wait3A_583] : memref<1024x200x128xf32, #tpu.memory_space<hbm>> -> memref<1x200x128xf32, #tpu.memory_space<hbm>>
      %dma_wait3A_585 = tpu.memref_squeeze %dma_wait3A_584 : memref<1x200x128xf32, #tpu.memory_space<hbm>> -> memref<200x128xf32, #tpu.memory_space<hbm>>
      tpu.wait_dma2 semaphore(%run_scoped3A_569 : memref<!tpu.dma_semaphore, #tpu.memory_space<semaphore_mem>>) src(%arg9 : memref<200x128xf32, #tpu.memory_space<vmem>>) dst(%dma_wait3A_585 : memref<200x128xf32, #tpu.memory_space<hbm>>)
      tpu.yield
    }) : () -> ()
    %while3A_485 = arith.constant 0 : i64
    %while3A_486 = arith.constant 0 : i32
    %while3A_487 = arith.constant 25 : i32
    %while3A_488 = arith.subi %while3A_487, %while3A_486 : i32
    %while3A_489 = arith.addi %while3A_486, %while3A_488 : i32
    %while3A_490 = arith.constant 1 : i32
    %while3A_491 = arith.divsi %while3A_488, %while3A_490 : i32
    %while3A_492 = arith.muli %while3A_491, %while3A_490 : i32
    %while3A_493 = arith.addi %while3A_486, %while3A_492 : i32
    %while3A_494 = arith.constant 1 : i32
    scf.for %while3A_569 = %while3A_486 to %while3A_493 step %while3A_494  : i32 {
      %mul3A_570 = arith.constant 16 : i32
      %mul3A_571 = arith.muli %while3A_569, %mul3A_570 : i32
      %add3A_572 = arith.constant 5600 : i32
      %add3A_573 = arith.addi %add3A_572, %mul3A_571 : i32
      %broadcast_in_dim3A = arith.constant -2128831035 : i32
      %broadcast_in_dim3A_574 = vector.broadcast %broadcast_in_dim3A : i32 to vector<16xi32>
      %get3A = arith.constant 0 : i32
      %get3A_575 = arith.index_cast %get3A : i32 to index
      %get3A_576 = arith.index_cast %add3A_573 : i32 to index
      %get3A_577 = tpu.vector_load %arg5[%get3A_575, %get3A_576] {strides = array<i32>} : memref<4x6400xi32, #tpu.memory_space<vmem>>, vector<16xi32>,
      %xor3A = arith.xori %broadcast_in_dim3A_574, %get3A_577 : vector<16xi32>
      %mul3A_578 = arith.constant 16777619 : i32
      %mul3A_579 = vector.broadcast %mul3A_578 : i32 to vector<16xi32>
      %mul3A_580 = arith.muli %xor3A, %mul3A_579 : vector<16xi32>
      %get3A_581 = arith.constant 1 : i32
      %get3A_582 = arith.index_cast %get3A_581 : i32 to index
      %get3A_583 = arith.index_cast %add3A_573 : i32 to index
      %get3A_584 = tpu.vector_load %arg5[%get3A_582, %get3A_583] {strides = array<i32>} : memref<4x6400xi32, #tpu.memory_space<vmem>>, vector<16xi32>,
      %xor3A_585 = arith.xori %mul3A_580, %get3A_584 : vector<16xi32>
      %mul3A_586 = arith.constant 16777619 : i32
      %mul3A_587 = vector.broadcast %mul3A_586 : i32 to vector<16xi32>
      %mul3A_588 = arith.muli %xor3A_585, %mul3A_587 : vector<16xi32>
      %get3A_589 = arith.constant 2 : i32
      %get3A_590 = arith.index_cast %get3A_589 : i32 to index
      %get3A_591 = arith.index_cast %add3A_573 : i32 to index
      %get3A_592 = tpu.vector_load %arg5[%get3A_590, %get3A_591] {strides = array<i32>} : memref<4x6400xi32, #tpu.memory_space<vmem>>, vector<16xi32>,
      %xor3A_593 = arith.xori %mul3A_588, %get3A_592 : vector<16xi32>
      %mul3A_594 = arith.constant 16777619 : i32
      %mul3A_595 = vector.broadcast %mul3A_594 : i32 to vector<16xi32>
      %mul3A_596 = arith.muli %xor3A_593, %mul3A_595 : vector<16xi32>
      %get3A_597 = arith.constant 3 : i32
      %get3A_598 = arith.index_cast %get3A_597 : i32 to index
      %get3A_599 = arith.index_cast %add3A_573 : i32 to index
      %get3A_600 = tpu.vector_load %arg5[%get3A_598, %get3A_599] {strides = array<i32>} : memref<4x6400xi32, #tpu.memory_space<vmem>>, vector<16xi32>,
      %xor3A_601 = arith.xori %mul3A_596, %get3A_600 : vector<16xi32>
      %mul3A_602 = arith.constant 16777619 : i32
      %mul3A_603 = vector.broadcast %mul3A_602 : i32 to vector<16xi32>
      %mul3A_604 = arith.muli %xor3A_601, %mul3A_603 : vector<16xi32>
      %and3A = arith.constant 2147483647 : i32
      %and3A_605 = vector.broadcast %and3A : i32 to vector<16xi32>
      %and3A_606 = arith.andi %mul3A_604, %and3A_605 : vector<16xi32>
      %rem3A = arith.constant 500000 : i32
      %rem3A_607 = vector.broadcast %rem3A : i32 to vector<16xi32>
      %rem3A_608 = arith.remsi %and3A_606, %rem3A_607 : vector<16xi32>
      %lt3A = arith.constant 0 : i32
      %lt3A_609 = vector.broadcast %lt3A : i32 to vector<16xi32>
      %lt3A_610 = arith.cmpi slt, %mul3A_604, %lt3A_609 : vector<16xi32>
      %jit3A = arith.constant 483648 : i32
      %jit3A_611 = arith.constant 0 : i32
      %broadcast_in_dim3A_612 = vector.broadcast %jit3A : i32 to vector<16xi32>
      %broadcast_in_dim3A_613 = vector.broadcast %jit3A_611 : i32 to vector<16xi32>
      %select_n3A = arith.select %lt3A_610, %broadcast_in_dim3A_612, %broadcast_in_dim3A_613 : vector<16xi1>, vector<16xi32>
      %add3A_614 = arith.addi %rem3A_608, %select_n3A : vector<16xi32>
      %rem3A_615 = arith.constant 500000 : i32
      %rem3A_616 = vector.broadcast %rem3A_615 : i32 to vector<16xi32>
      %rem3A_617 = arith.remsi %add3A_614, %rem3A_616 : vector<16xi32>
      %mul3A_618 = arith.constant 16 : i32
      %mul3A_619 = arith.muli %while3A_569, %mul3A_618 : i32
      %swap3A = arith.index_cast %mul3A_619 : i32 to index
      %swap3A_620 = tpu.vector_load %arg6[%swap3A] {strides = array<i32>} : memref<400xi32, #tpu.memory_space<vmem>>, vector<16xi32>,
      tpu.vector_store %arg6[%swap3A], %rem3A_617 {strides = array<i32>} : memref<400xi32, #tpu.memory_space<vmem>>, vector<16xi32>,
    }
    %while3A_495 = arith.constant 1 : i32
    scf.for %while3A_569 = %while3A_493 to %while3A_489 step %while3A_495  : i32 {
      %mul3A_570 = arith.constant 16 : i32
      %mul3A_571 = arith.muli %while3A_569, %mul3A_570 : i32
      %add3A_572 = arith.constant 5600 : i32
      %add3A_573 = arith.addi %add3A_572, %mul3A_571 : i32
      %broadcast_in_dim3A = arith.constant -2128831035 : i32
      %broadcast_in_dim3A_574 = vector.broadcast %broadcast_in_dim3A : i32 to vector<16xi32>
      %get3A = arith.constant 0 : i32
      %get3A_575 = arith.index_cast %get3A : i32 to index
      %get3A_576 = arith.index_cast %add3A_573 : i32 to index
      %get3A_577 = tpu.vector_load %arg5[%get3A_575, %get3A_576] {strides = array<i32>} : memref<4x6400xi32, #tpu.memory_space<vmem>>, vector<16xi32>,
      %xor3A = arith.xori %broadcast_in_dim3A_574, %get3A_577 : vector<16xi32>
      %mul3A_578 = arith.constant 16777619 : i32
      %mul3A_579 = vector.broadcast %mul3A_578 : i32 to vector<16xi32>
      %mul3A_580 = arith.muli %xor3A, %mul3A_579 : vector<16xi32>
      %get3A_581 = arith.constant 1 : i32
      %get3A_582 = arith.index_cast %get3A_581 : i32 to index
      %get3A_583 = arith.index_cast %add3A_573 : i32 to index
      %get3A_584 = tpu.vector_load %arg5[%get3A_582, %get3A_583] {strides = array<i32>} : memref<4x6400xi32, #tpu.memory_space<vmem>>, vector<16xi32>,
      %xor3A_585 = arith.xori %mul3A_580, %get3A_584 : vector<16xi32>
      %mul3A_586 = arith.constant 16777619 : i32
      %mul3A_587 = vector.broadcast %mul3A_586 : i32 to vector<16xi32>
      %mul3A_588 = arith.muli %xor3A_585, %mul3A_587 : vector<16xi32>
      %get3A_589 = arith.constant 2 : i32
      %get3A_590 = arith.index_cast %get3A_589 : i32 to index
      %get3A_591 = arith.index_cast %add3A_573 : i32 to index
      %get3A_592 = tpu.vector_load %arg5[%get3A_590, %get3A_591] {strides = array<i32>} : memref<4x6400xi32, #tpu.memory_space<vmem>>, vector<16xi32>,
      %xor3A_593 = arith.xori %mul3A_588, %get3A_592 : vector<16xi32>
      %mul3A_594 = arith.constant 16777619 : i32
      %mul3A_595 = vector.broadcast %mul3A_594 : i32 to vector<16xi32>
      %mul3A_596 = arith.muli %xor3A_593, %mul3A_595 : vector<16xi32>
      %get3A_597 = arith.constant 3 : i32
      %get3A_598 = arith.index_cast %get3A_597 : i32 to index
      %get3A_599 = arith.index_cast %add3A_573 : i32 to index
      %get3A_600 = tpu.vector_load %arg5[%get3A_598, %get3A_599] {strides = array<i32>} : memref<4x6400xi32, #tpu.memory_space<vmem>>, vector<16xi32>,
      %xor3A_601 = arith.xori %mul3A_596, %get3A_600 : vector<16xi32>
      %mul3A_602 = arith.constant 16777619 : i32
      %mul3A_603 = vector.broadcast %mul3A_602 : i32 to vector<16xi32>
      %mul3A_604 = arith.muli %xor3A_601, %mul3A_603 : vector<16xi32>
      %and3A = arith.constant 2147483647 : i32
      %and3A_605 = vector.broadcast %and3A : i32 to vector<16xi32>
      %and3A_606 = arith.andi %mul3A_604, %and3A_605 : vector<16xi32>
      %rem3A = arith.constant 500000 : i32
      %rem3A_607 = vector.broadcast %rem3A : i32 to vector<16xi32>
      %rem3A_608 = arith.remsi %and3A_606, %rem3A_607 : vector<16xi32>
      %lt3A = arith.constant 0 : i32
      %lt3A_609 = vector.broadcast %lt3A : i32 to vector<16xi32>
      %lt3A_610 = arith.cmpi slt, %mul3A_604, %lt3A_609 : vector<16xi32>
      %jit3A = arith.constant 483648 : i32
      %jit3A_611 = arith.constant 0 : i32
      %broadcast_in_dim3A_612 = vector.broadcast %jit3A : i32 to vector<16xi32>
      %broadcast_in_dim3A_613 = vector.broadcast %jit3A_611 : i32 to vector<16xi32>
      %select_n3A = arith.select %lt3A_610, %broadcast_in_dim3A_612, %broadcast_in_dim3A_613 : vector<16xi1>, vector<16xi32>
      %add3A_614 = arith.addi %rem3A_608, %select_n3A : vector<16xi32>
      %rem3A_615 = arith.constant 500000 : i32
      %rem3A_616 = vector.broadcast %rem3A_615 : i32 to vector<16xi32>
      %rem3A_617 = arith.remsi %add3A_614, %rem3A_616 : vector<16xi32>
      %mul3A_618 = arith.constant 16 : i32
      %mul3A_619 = arith.muli %while3A_569, %mul3A_618 : i32
      %swap3A = arith.index_cast %mul3A_619 : i32 to index
      %swap3A_620 = tpu.vector_load %arg6[%swap3A] {strides = array<i32>} : memref<400xi32, #tpu.memory_space<vmem>>, vector<16xi32>,
      tpu.vector_store %arg6[%swap3A], %rem3A_617 {strides = array<i32>} : memref<400xi32, #tpu.memory_space<vmem>>, vector<16xi32>,
    }
    %dma_start3A_496 = arith.constant 0 : i32
    %dma_start3A_497 = tpu.memref_slice %arg6[%dma_start3A_496] : memref<400xi32, #tpu.memory_space<vmem>> -> memref<200xi32, #tpu.memory_space<vmem>>
    %dma_start3A_498 = arith.constant 0 : i32
    %dma_start3A_499 = arith.constant 0 : i32
    %dma_start3A_500 = tpu.memref_slice %arg3[%dma_start3A_498, %dma_start3A_499] : memref<500000x128xf32, #tpu.memory_space<hbm>> -> memref<500000x128xf32, #tpu.memory_space<hbm>>
    tpu.enqueue_indirect_dma source(%dma_start3A_500 : memref<500000x128xf32, #tpu.memory_space<hbm>>) target(%arg9 : memref<200x128xf32, #tpu.memory_space<vmem>>) offsets(%dma_start3A_497 : memref<200xi32, #tpu.memory_space<vmem>>) semaphore(%arg12 : memref<!tpu.dma_semaphore, #tpu.memory_space<semaphore_mem>>)
    %dma_wait3A_501 = arith.constant 0 : i32
    %dma_wait3A_502 = tpu.memref_slice %arg7[%dma_wait3A_501] : memref<400xi32, #tpu.memory_space<vmem>> -> memref<200xi32, #tpu.memory_space<vmem>>
    %dma_wait3A_503 = arith.constant 0 : i32
    %dma_wait3A_504 = arith.constant 0 : i32
    %dma_wait3A_505 = tpu.memref_slice %arg3[%dma_wait3A_503, %dma_wait3A_504] : memref<500000x128xf32, #tpu.memory_space<hbm>> -> memref<500000x128xf32, #tpu.memory_space<hbm>>
    tpu.wait_indirect_dma semaphore(%arg13 : memref<!tpu.dma_semaphore, #tpu.memory_space<semaphore_mem>>) src(%dma_wait3A_505 : memref<500000x128xf32, #tpu.memory_space<hbm>>) dst(%arg10 : memref<200x128xf32, #tpu.memory_space<vmem>>)
    %add3A_506 = arith.constant 26 : i32
    %add3A_507 = arith.addi %mul3A_11, %add3A_506 : i32
    "tpu.region"() ({
      %run_scoped3A_569 = tpu.sem_alloc : memref<!tpu.dma_semaphore, #tpu.memory_space<semaphore_mem>>
      %dma_start3A_570 = arith.constant 0 : i32
      %dma_start3A_571 = arith.constant 0 : i32
      %dma_start3A_572 = tpu.memref_slice %arg4[%add3A_507, %dma_start3A_570, %dma_start3A_571] : memref<1024x200x128xf32, #tpu.memory_space<hbm>> -> memref<1x200x128xf32, #tpu.memory_space<hbm>>
      %dma_start3A_573 = tpu.memref_squeeze %dma_start3A_572 : memref<1x200x128xf32, #tpu.memory_space<hbm>> -> memref<200x128xf32, #tpu.memory_space<hbm>>
      %dma_start3A_574 = arith.constant 0 : i32
      %dma_start3A_575 = arith.constant 0 : i32
      %dma_start3A_576 = tpu.memref_slice %arg4[%add3A_507, %dma_start3A_574, %dma_start3A_575] : memref<1024x200x128xf32, #tpu.memory_space<hbm>> -> memref<1x200x128xf32, #tpu.memory_space<hbm>>
      %dma_start3A_577 = tpu.memref_squeeze %dma_start3A_576 : memref<1x200x128xf32, #tpu.memory_space<hbm>> -> memref<200x128xf32, #tpu.memory_space<hbm>>
      tpu.enqueue_dma source(%arg10 : memref<200x128xf32, #tpu.memory_space<vmem>>) target(%dma_start3A_577 : memref<200x128xf32, #tpu.memory_space<hbm>>) target_semaphore(%run_scoped3A_569 : memref<!tpu.dma_semaphore, #tpu.memory_space<semaphore_mem>>)
      %dma_wait3A_578 = arith.constant 0 : i32
      %dma_wait3A_579 = arith.constant 0 : i32
      %dma_wait3A_580 = tpu.memref_slice %arg4[%add3A_507, %dma_wait3A_578, %dma_wait3A_579] : memref<1024x200x128xf32, #tpu.memory_space<hbm>> -> memref<1x200x128xf32, #tpu.memory_space<hbm>>
      %dma_wait3A_581 = tpu.memref_squeeze %dma_wait3A_580 : memref<1x200x128xf32, #tpu.memory_space<hbm>> -> memref<200x128xf32, #tpu.memory_space<hbm>>
      %dma_wait3A_582 = arith.constant 0 : i32
      %dma_wait3A_583 = arith.constant 0 : i32
      %dma_wait3A_584 = tpu.memref_slice %arg4[%add3A_507, %dma_wait3A_582, %dma_wait3A_583] : memref<1024x200x128xf32, #tpu.memory_space<hbm>> -> memref<1x200x128xf32, #tpu.memory_space<hbm>>
      %dma_wait3A_585 = tpu.memref_squeeze %dma_wait3A_584 : memref<1x200x128xf32, #tpu.memory_space<hbm>> -> memref<200x128xf32, #tpu.memory_space<hbm>>
      tpu.wait_dma2 semaphore(%run_scoped3A_569 : memref<!tpu.dma_semaphore, #tpu.memory_space<semaphore_mem>>) src(%arg10 : memref<200x128xf32, #tpu.memory_space<vmem>>) dst(%dma_wait3A_585 : memref<200x128xf32, #tpu.memory_space<hbm>>)
      tpu.yield
    }) : () -> ()
    %dma_start3A_508 = arith.constant 200 : i32
    %dma_start3A_509 = tpu.memref_slice %arg6[%dma_start3A_508] : memref<400xi32, #tpu.memory_space<vmem>> -> memref<200xi32, #tpu.memory_space<vmem>>
    %dma_start3A_510 = arith.constant 0 : i32
    %dma_start3A_511 = arith.constant 0 : i32
    %dma_start3A_512 = tpu.memref_slice %arg3[%dma_start3A_510, %dma_start3A_511] : memref<500000x128xf32, #tpu.memory_space<hbm>> -> memref<500000x128xf32, #tpu.memory_space<hbm>>
    tpu.enqueue_indirect_dma source(%dma_start3A_512 : memref<500000x128xf32, #tpu.memory_space<hbm>>) target(%arg10 : memref<200x128xf32, #tpu.memory_space<vmem>>) offsets(%dma_start3A_509 : memref<200xi32, #tpu.memory_space<vmem>>) semaphore(%arg13 : memref<!tpu.dma_semaphore, #tpu.memory_space<semaphore_mem>>)
    %dma_wait3A_513 = arith.constant 200 : i32
    %dma_wait3A_514 = tpu.memref_slice %arg7[%dma_wait3A_513] : memref<400xi32, #tpu.memory_space<vmem>> -> memref<200xi32, #tpu.memory_space<vmem>>
    %dma_wait3A_515 = arith.constant 0 : i32
    %dma_wait3A_516 = arith.constant 0 : i32
    %dma_wait3A_517 = tpu.memref_slice %arg3[%dma_wait3A_515, %dma_wait3A_516] : memref<500000x128xf32, #tpu.memory_space<hbm>> -> memref<500000x128xf32, #tpu.memory_space<hbm>>
    tpu.wait_indirect_dma semaphore(%arg11 : memref<!tpu.dma_semaphore, #tpu.memory_space<semaphore_mem>>) src(%dma_wait3A_517 : memref<500000x128xf32, #tpu.memory_space<hbm>>) dst(%arg8 : memref<200x128xf32, #tpu.memory_space<vmem>>)
    %add3A_518 = arith.constant 27 : i32
    %add3A_519 = arith.addi %mul3A_11, %add3A_518 : i32
    "tpu.region"() ({
      %run_scoped3A_569 = tpu.sem_alloc : memref<!tpu.dma_semaphore, #tpu.memory_space<semaphore_mem>>
      %dma_start3A_570 = arith.constant 0 : i32
      %dma_start3A_571 = arith.constant 0 : i32
      %dma_start3A_572 = tpu.memref_slice %arg4[%add3A_519, %dma_start3A_570, %dma_start3A_571] : memref<1024x200x128xf32, #tpu.memory_space<hbm>> -> memref<1x200x128xf32, #tpu.memory_space<hbm>>
      %dma_start3A_573 = tpu.memref_squeeze %dma_start3A_572 : memref<1x200x128xf32, #tpu.memory_space<hbm>> -> memref<200x128xf32, #tpu.memory_space<hbm>>
      %dma_start3A_574 = arith.constant 0 : i32
      %dma_start3A_575 = arith.constant 0 : i32
      %dma_start3A_576 = tpu.memref_slice %arg4[%add3A_519, %dma_start3A_574, %dma_start3A_575] : memref<1024x200x128xf32, #tpu.memory_space<hbm>> -> memref<1x200x128xf32, #tpu.memory_space<hbm>>
      %dma_start3A_577 = tpu.memref_squeeze %dma_start3A_576 : memref<1x200x128xf32, #tpu.memory_space<hbm>> -> memref<200x128xf32, #tpu.memory_space<hbm>>
      tpu.enqueue_dma source(%arg8 : memref<200x128xf32, #tpu.memory_space<vmem>>) target(%dma_start3A_577 : memref<200x128xf32, #tpu.memory_space<hbm>>) target_semaphore(%run_scoped3A_569 : memref<!tpu.dma_semaphore, #tpu.memory_space<semaphore_mem>>)
      %dma_wait3A_578 = arith.constant 0 : i32
      %dma_wait3A_579 = arith.constant 0 : i32
      %dma_wait3A_580 = tpu.memref_slice %arg4[%add3A_519, %dma_wait3A_578, %dma_wait3A_579] : memref<1024x200x128xf32, #tpu.memory_space<hbm>> -> memref<1x200x128xf32, #tpu.memory_space<hbm>>
      %dma_wait3A_581 = tpu.memref_squeeze %dma_wait3A_580 : memref<1x200x128xf32, #tpu.memory_space<hbm>> -> memref<200x128xf32, #tpu.memory_space<hbm>>
      %dma_wait3A_582 = arith.constant 0 : i32
      %dma_wait3A_583 = arith.constant 0 : i32
      %dma_wait3A_584 = tpu.memref_slice %arg4[%add3A_519, %dma_wait3A_582, %dma_wait3A_583] : memref<1024x200x128xf32, #tpu.memory_space<hbm>> -> memref<1x200x128xf32, #tpu.memory_space<hbm>>
      %dma_wait3A_585 = tpu.memref_squeeze %dma_wait3A_584 : memref<1x200x128xf32, #tpu.memory_space<hbm>> -> memref<200x128xf32, #tpu.memory_space<hbm>>
      tpu.wait_dma2 semaphore(%run_scoped3A_569 : memref<!tpu.dma_semaphore, #tpu.memory_space<semaphore_mem>>) src(%arg8 : memref<200x128xf32, #tpu.memory_space<vmem>>) dst(%dma_wait3A_585 : memref<200x128xf32, #tpu.memory_space<hbm>>)
      tpu.yield
    }) : () -> ()
    %while3A_520 = arith.constant 0 : i64
    %while3A_521 = arith.constant 0 : i32
    %while3A_522 = arith.constant 25 : i32
    %while3A_523 = arith.subi %while3A_522, %while3A_521 : i32
    %while3A_524 = arith.addi %while3A_521, %while3A_523 : i32
    %while3A_525 = arith.constant 1 : i32
    %while3A_526 = arith.divsi %while3A_523, %while3A_525 : i32
    %while3A_527 = arith.muli %while3A_526, %while3A_525 : i32
    %while3A_528 = arith.addi %while3A_521, %while3A_527 : i32
    %while3A_529 = arith.constant 1 : i32
    scf.for %while3A_569 = %while3A_521 to %while3A_528 step %while3A_529  : i32 {
      %mul3A_570 = arith.constant 16 : i32
      %mul3A_571 = arith.muli %while3A_569, %mul3A_570 : i32
      %add3A_572 = arith.constant 6000 : i32
      %add3A_573 = arith.addi %add3A_572, %mul3A_571 : i32
      %broadcast_in_dim3A = arith.constant -2128831035 : i32
      %broadcast_in_dim3A_574 = vector.broadcast %broadcast_in_dim3A : i32 to vector<16xi32>
      %get3A = arith.constant 0 : i32
      %get3A_575 = arith.index_cast %get3A : i32 to index
      %get3A_576 = arith.index_cast %add3A_573 : i32 to index
      %get3A_577 = tpu.vector_load %arg5[%get3A_575, %get3A_576] {strides = array<i32>} : memref<4x6400xi32, #tpu.memory_space<vmem>>, vector<16xi32>,
      %xor3A = arith.xori %broadcast_in_dim3A_574, %get3A_577 : vector<16xi32>
      %mul3A_578 = arith.constant 16777619 : i32
      %mul3A_579 = vector.broadcast %mul3A_578 : i32 to vector<16xi32>
      %mul3A_580 = arith.muli %xor3A, %mul3A_579 : vector<16xi32>
      %get3A_581 = arith.constant 1 : i32
      %get3A_582 = arith.index_cast %get3A_581 : i32 to index
      %get3A_583 = arith.index_cast %add3A_573 : i32 to index
      %get3A_584 = tpu.vector_load %arg5[%get3A_582, %get3A_583] {strides = array<i32>} : memref<4x6400xi32, #tpu.memory_space<vmem>>, vector<16xi32>,
      %xor3A_585 = arith.xori %mul3A_580, %get3A_584 : vector<16xi32>
      %mul3A_586 = arith.constant 16777619 : i32
      %mul3A_587 = vector.broadcast %mul3A_586 : i32 to vector<16xi32>
      %mul3A_588 = arith.muli %xor3A_585, %mul3A_587 : vector<16xi32>
      %get3A_589 = arith.constant 2 : i32
      %get3A_590 = arith.index_cast %get3A_589 : i32 to index
      %get3A_591 = arith.index_cast %add3A_573 : i32 to index
      %get3A_592 = tpu.vector_load %arg5[%get3A_590, %get3A_591] {strides = array<i32>} : memref<4x6400xi32, #tpu.memory_space<vmem>>, vector<16xi32>,
      %xor3A_593 = arith.xori %mul3A_588, %get3A_592 : vector<16xi32>
      %mul3A_594 = arith.constant 16777619 : i32
      %mul3A_595 = vector.broadcast %mul3A_594 : i32 to vector<16xi32>
      %mul3A_596 = arith.muli %xor3A_593, %mul3A_595 : vector<16xi32>
      %get3A_597 = arith.constant 3 : i32
      %get3A_598 = arith.index_cast %get3A_597 : i32 to index
      %get3A_599 = arith.index_cast %add3A_573 : i32 to index
      %get3A_600 = tpu.vector_load %arg5[%get3A_598, %get3A_599] {strides = array<i32>} : memref<4x6400xi32, #tpu.memory_space<vmem>>, vector<16xi32>,
      %xor3A_601 = arith.xori %mul3A_596, %get3A_600 : vector<16xi32>
      %mul3A_602 = arith.constant 16777619 : i32
      %mul3A_603 = vector.broadcast %mul3A_602 : i32 to vector<16xi32>
      %mul3A_604 = arith.muli %xor3A_601, %mul3A_603 : vector<16xi32>
      %and3A = arith.constant 2147483647 : i32
      %and3A_605 = vector.broadcast %and3A : i32 to vector<16xi32>
      %and3A_606 = arith.andi %mul3A_604, %and3A_605 : vector<16xi32>
      %rem3A = arith.constant 500000 : i32
      %rem3A_607 = vector.broadcast %rem3A : i32 to vector<16xi32>
      %rem3A_608 = arith.remsi %and3A_606, %rem3A_607 : vector<16xi32>
      %lt3A = arith.constant 0 : i32
      %lt3A_609 = vector.broadcast %lt3A : i32 to vector<16xi32>
      %lt3A_610 = arith.cmpi slt, %mul3A_604, %lt3A_609 : vector<16xi32>
      %jit3A = arith.constant 483648 : i32
      %jit3A_611 = arith.constant 0 : i32
      %broadcast_in_dim3A_612 = vector.broadcast %jit3A : i32 to vector<16xi32>
      %broadcast_in_dim3A_613 = vector.broadcast %jit3A_611 : i32 to vector<16xi32>
      %select_n3A = arith.select %lt3A_610, %broadcast_in_dim3A_612, %broadcast_in_dim3A_613 : vector<16xi1>, vector<16xi32>
      %add3A_614 = arith.addi %rem3A_608, %select_n3A : vector<16xi32>
      %rem3A_615 = arith.constant 500000 : i32
      %rem3A_616 = vector.broadcast %rem3A_615 : i32 to vector<16xi32>
      %rem3A_617 = arith.remsi %add3A_614, %rem3A_616 : vector<16xi32>
      %mul3A_618 = arith.constant 16 : i32
      %mul3A_619 = arith.muli %while3A_569, %mul3A_618 : i32
      %swap3A = arith.index_cast %mul3A_619 : i32 to index
      %swap3A_620 = tpu.vector_load %arg7[%swap3A] {strides = array<i32>} : memref<400xi32, #tpu.memory_space<vmem>>, vector<16xi32>,
      tpu.vector_store %arg7[%swap3A], %rem3A_617 {strides = array<i32>} : memref<400xi32, #tpu.memory_space<vmem>>, vector<16xi32>,
    }
    %while3A_530 = arith.constant 1 : i32
    scf.for %while3A_569 = %while3A_528 to %while3A_524 step %while3A_530  : i32 {
      %mul3A_570 = arith.constant 16 : i32
      %mul3A_571 = arith.muli %while3A_569, %mul3A_570 : i32
      %add3A_572 = arith.constant 6000 : i32
      %add3A_573 = arith.addi %add3A_572, %mul3A_571 : i32
      %broadcast_in_dim3A = arith.constant -2128831035 : i32
      %broadcast_in_dim3A_574 = vector.broadcast %broadcast_in_dim3A : i32 to vector<16xi32>
      %get3A = arith.constant 0 : i32
      %get3A_575 = arith.index_cast %get3A : i32 to index
      %get3A_576 = arith.index_cast %add3A_573 : i32 to index
      %get3A_577 = tpu.vector_load %arg5[%get3A_575, %get3A_576] {strides = array<i32>} : memref<4x6400xi32, #tpu.memory_space<vmem>>, vector<16xi32>,
      %xor3A = arith.xori %broadcast_in_dim3A_574, %get3A_577 : vector<16xi32>
      %mul3A_578 = arith.constant 16777619 : i32
      %mul3A_579 = vector.broadcast %mul3A_578 : i32 to vector<16xi32>
      %mul3A_580 = arith.muli %xor3A, %mul3A_579 : vector<16xi32>
      %get3A_581 = arith.constant 1 : i32
      %get3A_582 = arith.index_cast %get3A_581 : i32 to index
      %get3A_583 = arith.index_cast %add3A_573 : i32 to index
      %get3A_584 = tpu.vector_load %arg5[%get3A_582, %get3A_583] {strides = array<i32>} : memref<4x6400xi32, #tpu.memory_space<vmem>>, vector<16xi32>,
      %xor3A_585 = arith.xori %mul3A_580, %get3A_584 : vector<16xi32>
      %mul3A_586 = arith.constant 16777619 : i32
      %mul3A_587 = vector.broadcast %mul3A_586 : i32 to vector<16xi32>
      %mul3A_588 = arith.muli %xor3A_585, %mul3A_587 : vector<16xi32>
      %get3A_589 = arith.constant 2 : i32
      %get3A_590 = arith.index_cast %get3A_589 : i32 to index
      %get3A_591 = arith.index_cast %add3A_573 : i32 to index
      %get3A_592 = tpu.vector_load %arg5[%get3A_590, %get3A_591] {strides = array<i32>} : memref<4x6400xi32, #tpu.memory_space<vmem>>, vector<16xi32>,
      %xor3A_593 = arith.xori %mul3A_588, %get3A_592 : vector<16xi32>
      %mul3A_594 = arith.constant 16777619 : i32
      %mul3A_595 = vector.broadcast %mul3A_594 : i32 to vector<16xi32>
      %mul3A_596 = arith.muli %xor3A_593, %mul3A_595 : vector<16xi32>
      %get3A_597 = arith.constant 3 : i32
      %get3A_598 = arith.index_cast %get3A_597 : i32 to index
      %get3A_599 = arith.index_cast %add3A_573 : i32 to index
      %get3A_600 = tpu.vector_load %arg5[%get3A_598, %get3A_599] {strides = array<i32>} : memref<4x6400xi32, #tpu.memory_space<vmem>>, vector<16xi32>,
      %xor3A_601 = arith.xori %mul3A_596, %get3A_600 : vector<16xi32>
      %mul3A_602 = arith.constant 16777619 : i32
      %mul3A_603 = vector.broadcast %mul3A_602 : i32 to vector<16xi32>
      %mul3A_604 = arith.muli %xor3A_601, %mul3A_603 : vector<16xi32>
      %and3A = arith.constant 2147483647 : i32
      %and3A_605 = vector.broadcast %and3A : i32 to vector<16xi32>
      %and3A_606 = arith.andi %mul3A_604, %and3A_605 : vector<16xi32>
      %rem3A = arith.constant 500000 : i32
      %rem3A_607 = vector.broadcast %rem3A : i32 to vector<16xi32>
      %rem3A_608 = arith.remsi %and3A_606, %rem3A_607 : vector<16xi32>
      %lt3A = arith.constant 0 : i32
      %lt3A_609 = vector.broadcast %lt3A : i32 to vector<16xi32>
      %lt3A_610 = arith.cmpi slt, %mul3A_604, %lt3A_609 : vector<16xi32>
      %jit3A = arith.constant 483648 : i32
      %jit3A_611 = arith.constant 0 : i32
      %broadcast_in_dim3A_612 = vector.broadcast %jit3A : i32 to vector<16xi32>
      %broadcast_in_dim3A_613 = vector.broadcast %jit3A_611 : i32 to vector<16xi32>
      %select_n3A = arith.select %lt3A_610, %broadcast_in_dim3A_612, %broadcast_in_dim3A_613 : vector<16xi1>, vector<16xi32>
      %add3A_614 = arith.addi %rem3A_608, %select_n3A : vector<16xi32>
      %rem3A_615 = arith.constant 500000 : i32
      %rem3A_616 = vector.broadcast %rem3A_615 : i32 to vector<16xi32>
      %rem3A_617 = arith.remsi %add3A_614, %rem3A_616 : vector<16xi32>
      %mul3A_618 = arith.constant 16 : i32
      %mul3A_619 = arith.muli %while3A_569, %mul3A_618 : i32
      %swap3A = arith.index_cast %mul3A_619 : i32 to index
      %swap3A_620 = tpu.vector_load %arg7[%swap3A] {strides = array<i32>} : memref<400xi32, #tpu.memory_space<vmem>>, vector<16xi32>,
      tpu.vector_store %arg7[%swap3A], %rem3A_617 {strides = array<i32>} : memref<400xi32, #tpu.memory_space<vmem>>, vector<16xi32>,
    }
    %dma_start3A_531 = arith.constant 0 : i32
    %dma_start3A_532 = tpu.memref_slice %arg7[%dma_start3A_531] : memref<400xi32, #tpu.memory_space<vmem>> -> memref<200xi32, #tpu.memory_space<vmem>>
    %dma_start3A_533 = arith.constant 0 : i32
    %dma_start3A_534 = arith.constant 0 : i32
    %dma_start3A_535 = tpu.memref_slice %arg3[%dma_start3A_533, %dma_start3A_534] : memref<500000x128xf32, #tpu.memory_space<hbm>> -> memref<500000x128xf32, #tpu.memory_space<hbm>>
    tpu.enqueue_indirect_dma source(%dma_start3A_535 : memref<500000x128xf32, #tpu.memory_space<hbm>>) target(%arg8 : memref<200x128xf32, #tpu.memory_space<vmem>>) offsets(%dma_start3A_532 : memref<200xi32, #tpu.memory_space<vmem>>) semaphore(%arg11 : memref<!tpu.dma_semaphore, #tpu.memory_space<semaphore_mem>>)
    %dma_wait3A_536 = arith.constant 0 : i32
    %dma_wait3A_537 = tpu.memref_slice %arg6[%dma_wait3A_536] : memref<400xi32, #tpu.memory_space<vmem>> -> memref<200xi32, #tpu.memory_space<vmem>>
    %dma_wait3A_538 = arith.constant 0 : i32
    %dma_wait3A_539 = arith.constant 0 : i32
    %dma_wait3A_540 = tpu.memref_slice %arg3[%dma_wait3A_538, %dma_wait3A_539] : memref<500000x128xf32, #tpu.memory_space<hbm>> -> memref<500000x128xf32, #tpu.memory_space<hbm>>
    tpu.wait_indirect_dma semaphore(%arg12 : memref<!tpu.dma_semaphore, #tpu.memory_space<semaphore_mem>>) src(%dma_wait3A_540 : memref<500000x128xf32, #tpu.memory_space<hbm>>) dst(%arg9 : memref<200x128xf32, #tpu.memory_space<vmem>>)
    %add3A_541 = arith.constant 28 : i32
    %add3A_542 = arith.addi %mul3A_11, %add3A_541 : i32
    "tpu.region"() ({
      %run_scoped3A_569 = tpu.sem_alloc : memref<!tpu.dma_semaphore, #tpu.memory_space<semaphore_mem>>
      %dma_start3A_570 = arith.constant 0 : i32
      %dma_start3A_571 = arith.constant 0 : i32
      %dma_start3A_572 = tpu.memref_slice %arg4[%add3A_542, %dma_start3A_570, %dma_start3A_571] : memref<1024x200x128xf32, #tpu.memory_space<hbm>> -> memref<1x200x128xf32, #tpu.memory_space<hbm>>
      %dma_start3A_573 = tpu.memref_squeeze %dma_start3A_572 : memref<1x200x128xf32, #tpu.memory_space<hbm>> -> memref<200x128xf32, #tpu.memory_space<hbm>>
      %dma_start3A_574 = arith.constant 0 : i32
      %dma_start3A_575 = arith.constant 0 : i32
      %dma_start3A_576 = tpu.memref_slice %arg4[%add3A_542, %dma_start3A_574, %dma_start3A_575] : memref<1024x200x128xf32, #tpu.memory_space<hbm>> -> memref<1x200x128xf32, #tpu.memory_space<hbm>>
      %dma_start3A_577 = tpu.memref_squeeze %dma_start3A_576 : memref<1x200x128xf32, #tpu.memory_space<hbm>> -> memref<200x128xf32, #tpu.memory_space<hbm>>
      tpu.enqueue_dma source(%arg9 : memref<200x128xf32, #tpu.memory_space<vmem>>) target(%dma_start3A_577 : memref<200x128xf32, #tpu.memory_space<hbm>>) target_semaphore(%run_scoped3A_569 : memref<!tpu.dma_semaphore, #tpu.memory_space<semaphore_mem>>)
      %dma_wait3A_578 = arith.constant 0 : i32
      %dma_wait3A_579 = arith.constant 0 : i32
      %dma_wait3A_580 = tpu.memref_slice %arg4[%add3A_542, %dma_wait3A_578, %dma_wait3A_579] : memref<1024x200x128xf32, #tpu.memory_space<hbm>> -> memref<1x200x128xf32, #tpu.memory_space<hbm>>
      %dma_wait3A_581 = tpu.memref_squeeze %dma_wait3A_580 : memref<1x200x128xf32, #tpu.memory_space<hbm>> -> memref<200x128xf32, #tpu.memory_space<hbm>>
      %dma_wait3A_582 = arith.constant 0 : i32
      %dma_wait3A_583 = arith.constant 0 : i32
      %dma_wait3A_584 = tpu.memref_slice %arg4[%add3A_542, %dma_wait3A_582, %dma_wait3A_583] : memref<1024x200x128xf32, #tpu.memory_space<hbm>> -> memref<1x200x128xf32, #tpu.memory_space<hbm>>
      %dma_wait3A_585 = tpu.memref_squeeze %dma_wait3A_584 : memref<1x200x128xf32, #tpu.memory_space<hbm>> -> memref<200x128xf32, #tpu.memory_space<hbm>>
      tpu.wait_dma2 semaphore(%run_scoped3A_569 : memref<!tpu.dma_semaphore, #tpu.memory_space<semaphore_mem>>) src(%arg9 : memref<200x128xf32, #tpu.memory_space<vmem>>) dst(%dma_wait3A_585 : memref<200x128xf32, #tpu.memory_space<hbm>>)
      tpu.yield
    }) : () -> ()
    %dma_start3A_543 = arith.constant 200 : i32
    %dma_start3A_544 = tpu.memref_slice %arg7[%dma_start3A_543] : memref<400xi32, #tpu.memory_space<vmem>> -> memref<200xi32, #tpu.memory_space<vmem>>
    %dma_start3A_545 = arith.constant 0 : i32
    %dma_start3A_546 = arith.constant 0 : i32
    %dma_start3A_547 = tpu.memref_slice %arg3[%dma_start3A_545, %dma_start3A_546] : memref<500000x128xf32, #tpu.memory_space<hbm>> -> memref<500000x128xf32, #tpu.memory_space<hbm>>
    tpu.enqueue_indirect_dma source(%dma_start3A_547 : memref<500000x128xf32, #tpu.memory_space<hbm>>) target(%arg9 : memref<200x128xf32, #tpu.memory_space<vmem>>) offsets(%dma_start3A_544 : memref<200xi32, #tpu.memory_space<vmem>>) semaphore(%arg12 : memref<!tpu.dma_semaphore, #tpu.memory_space<semaphore_mem>>)
    %dma_wait3A_548 = arith.constant 200 : i32
    %dma_wait3A_549 = tpu.memref_slice %arg6[%dma_wait3A_548] : memref<400xi32, #tpu.memory_space<vmem>> -> memref<200xi32, #tpu.memory_space<vmem>>
    %dma_wait3A_550 = arith.constant 0 : i32
    %dma_wait3A_551 = arith.constant 0 : i32
    %dma_wait3A_552 = tpu.memref_slice %arg3[%dma_wait3A_550, %dma_wait3A_551] : memref<500000x128xf32, #tpu.memory_space<hbm>> -> memref<500000x128xf32, #tpu.memory_space<hbm>>
    tpu.wait_indirect_dma semaphore(%arg13 : memref<!tpu.dma_semaphore, #tpu.memory_space<semaphore_mem>>) src(%dma_wait3A_552 : memref<500000x128xf32, #tpu.memory_space<hbm>>) dst(%arg10 : memref<200x128xf32, #tpu.memory_space<vmem>>)
    %add3A_553 = arith.constant 29 : i32
    %add3A_554 = arith.addi %mul3A_11, %add3A_553 : i32
    "tpu.region"() ({
      %run_scoped3A_569 = tpu.sem_alloc : memref<!tpu.dma_semaphore, #tpu.memory_space<semaphore_mem>>
      %dma_start3A_570 = arith.constant 0 : i32
      %dma_start3A_571 = arith.constant 0 : i32
      %dma_start3A_572 = tpu.memref_slice %arg4[%add3A_554, %dma_start3A_570, %dma_start3A_571] : memref<1024x200x128xf32, #tpu.memory_space<hbm>> -> memref<1x200x128xf32, #tpu.memory_space<hbm>>
      %dma_start3A_573 = tpu.memref_squeeze %dma_start3A_572 : memref<1x200x128xf32, #tpu.memory_space<hbm>> -> memref<200x128xf32, #tpu.memory_space<hbm>>
      %dma_start3A_574 = arith.constant 0 : i32
      %dma_start3A_575 = arith.constant 0 : i32
      %dma_start3A_576 = tpu.memref_slice %arg4[%add3A_554, %dma_start3A_574, %dma_start3A_575] : memref<1024x200x128xf32, #tpu.memory_space<hbm>> -> memref<1x200x128xf32, #tpu.memory_space<hbm>>
      %dma_start3A_577 = tpu.memref_squeeze %dma_start3A_576 : memref<1x200x128xf32, #tpu.memory_space<hbm>> -> memref<200x128xf32, #tpu.memory_space<hbm>>
      tpu.enqueue_dma source(%arg10 : memref<200x128xf32, #tpu.memory_space<vmem>>) target(%dma_start3A_577 : memref<200x128xf32, #tpu.memory_space<hbm>>) target_semaphore(%run_scoped3A_569 : memref<!tpu.dma_semaphore, #tpu.memory_space<semaphore_mem>>)
      %dma_wait3A_578 = arith.constant 0 : i32
      %dma_wait3A_579 = arith.constant 0 : i32
      %dma_wait3A_580 = tpu.memref_slice %arg4[%add3A_554, %dma_wait3A_578, %dma_wait3A_579] : memref<1024x200x128xf32, #tpu.memory_space<hbm>> -> memref<1x200x128xf32, #tpu.memory_space<hbm>>
      %dma_wait3A_581 = tpu.memref_squeeze %dma_wait3A_580 : memref<1x200x128xf32, #tpu.memory_space<hbm>> -> memref<200x128xf32, #tpu.memory_space<hbm>>
      %dma_wait3A_582 = arith.constant 0 : i32
      %dma_wait3A_583 = arith.constant 0 : i32
      %dma_wait3A_584 = tpu.memref_slice %arg4[%add3A_554, %dma_wait3A_582, %dma_wait3A_583] : memref<1024x200x128xf32, #tpu.memory_space<hbm>> -> memref<1x200x128xf32, #tpu.memory_space<hbm>>
      %dma_wait3A_585 = tpu.memref_squeeze %dma_wait3A_584 : memref<1x200x128xf32, #tpu.memory_space<hbm>> -> memref<200x128xf32, #tpu.memory_space<hbm>>
      tpu.wait_dma2 semaphore(%run_scoped3A_569 : memref<!tpu.dma_semaphore, #tpu.memory_space<semaphore_mem>>) src(%arg10 : memref<200x128xf32, #tpu.memory_space<vmem>>) dst(%dma_wait3A_585 : memref<200x128xf32, #tpu.memory_space<hbm>>)
      tpu.yield
    }) : () -> ()
    %dma_wait3A_555 = arith.constant 0 : i32
    %dma_wait3A_556 = tpu.memref_slice %arg7[%dma_wait3A_555] : memref<400xi32, #tpu.memory_space<vmem>> -> memref<200xi32, #tpu.memory_space<vmem>>
    %dma_wait3A_557 = arith.constant 0 : i32
    %dma_wait3A_558 = arith.constant 0 : i32
    %dma_wait3A_559 = tpu.memref_slice %arg3[%dma_wait3A_557, %dma_wait3A_558] : memref<500000x128xf32, #tpu.memory_space<hbm>> -> memref<500000x128xf32, #tpu.memory_space<hbm>>
    tpu.wait_indirect_dma semaphore(%arg11 : memref<!tpu.dma_semaphore, #tpu.memory_space<semaphore_mem>>) src(%dma_wait3A_559 : memref<500000x128xf32, #tpu.memory_space<hbm>>) dst(%arg8 : memref<200x128xf32, #tpu.memory_space<vmem>>)
    %add3A_560 = arith.constant 30 : i32
    %add3A_561 = arith.addi %mul3A_11, %add3A_560 : i32
    "tpu.region"() ({
      %run_scoped3A_569 = tpu.sem_alloc : memref<!tpu.dma_semaphore, #tpu.memory_space<semaphore_mem>>
      %dma_start3A_570 = arith.constant 0 : i32
      %dma_start3A_571 = arith.constant 0 : i32
      %dma_start3A_572 = tpu.memref_slice %arg4[%add3A_561, %dma_start3A_570, %dma_start3A_571] : memref<1024x200x128xf32, #tpu.memory_space<hbm>> -> memref<1x200x128xf32, #tpu.memory_space<hbm>>
      %dma_start3A_573 = tpu.memref_squeeze %dma_start3A_572 : memref<1x200x128xf32, #tpu.memory_space<hbm>> -> memref<200x128xf32, #tpu.memory_space<hbm>>
      %dma_start3A_574 = arith.constant 0 : i32
      %dma_start3A_575 = arith.constant 0 : i32
      %dma_start3A_576 = tpu.memref_slice %arg4[%add3A_561, %dma_start3A_574, %dma_start3A_575] : memref<1024x200x128xf32, #tpu.memory_space<hbm>> -> memref<1x200x128xf32, #tpu.memory_space<hbm>>
      %dma_start3A_577 = tpu.memref_squeeze %dma_start3A_576 : memref<1x200x128xf32, #tpu.memory_space<hbm>> -> memref<200x128xf32, #tpu.memory_space<hbm>>
      tpu.enqueue_dma source(%arg8 : memref<200x128xf32, #tpu.memory_space<vmem>>) target(%dma_start3A_577 : memref<200x128xf32, #tpu.memory_space<hbm>>) target_semaphore(%run_scoped3A_569 : memref<!tpu.dma_semaphore, #tpu.memory_space<semaphore_mem>>)
      %dma_wait3A_578 = arith.constant 0 : i32
      %dma_wait3A_579 = arith.constant 0 : i32
      %dma_wait3A_580 = tpu.memref_slice %arg4[%add3A_561, %dma_wait3A_578, %dma_wait3A_579] : memref<1024x200x128xf32, #tpu.memory_space<hbm>> -> memref<1x200x128xf32, #tpu.memory_space<hbm>>
      %dma_wait3A_581 = tpu.memref_squeeze %dma_wait3A_580 : memref<1x200x128xf32, #tpu.memory_space<hbm>> -> memref<200x128xf32, #tpu.memory_space<hbm>>
      %dma_wait3A_582 = arith.constant 0 : i32
      %dma_wait3A_583 = arith.constant 0 : i32
      %dma_wait3A_584 = tpu.memref_slice %arg4[%add3A_561, %dma_wait3A_582, %dma_wait3A_583] : memref<1024x200x128xf32, #tpu.memory_space<hbm>> -> memref<1x200x128xf32, #tpu.memory_space<hbm>>
      %dma_wait3A_585 = tpu.memref_squeeze %dma_wait3A_584 : memref<1x200x128xf32, #tpu.memory_space<hbm>> -> memref<200x128xf32, #tpu.memory_space<hbm>>
      tpu.wait_dma2 semaphore(%run_scoped3A_569 : memref<!tpu.dma_semaphore, #tpu.memory_space<semaphore_mem>>) src(%arg8 : memref<200x128xf32, #tpu.memory_space<vmem>>) dst(%dma_wait3A_585 : memref<200x128xf32, #tpu.memory_space<hbm>>)
      tpu.yield
    }) : () -> ()
    %dma_wait3A_562 = arith.constant 200 : i32
    %dma_wait3A_563 = tpu.memref_slice %arg7[%dma_wait3A_562] : memref<400xi32, #tpu.memory_space<vmem>> -> memref<200xi32, #tpu.memory_space<vmem>>
    %dma_wait3A_564 = arith.constant 0 : i32
    %dma_wait3A_565 = arith.constant 0 : i32
    %dma_wait3A_566 = tpu.memref_slice %arg3[%dma_wait3A_564, %dma_wait3A_565] : memref<500000x128xf32, #tpu.memory_space<hbm>> -> memref<500000x128xf32, #tpu.memory_space<hbm>>
    tpu.wait_indirect_dma semaphore(%arg12 : memref<!tpu.dma_semaphore, #tpu.memory_space<semaphore_mem>>) src(%dma_wait3A_566 : memref<500000x128xf32, #tpu.memory_space<hbm>>) dst(%arg9 : memref<200x128xf32, #tpu.memory_space<vmem>>)
    %add3A_567 = arith.constant 31 : i32
    %add3A_568 = arith.addi %mul3A_11, %add3A_567 : i32
    "tpu.region"() ({
      %run_scoped3A_569 = tpu.sem_alloc : memref<!tpu.dma_semaphore, #tpu.memory_space<semaphore_mem>>
      %dma_start3A_570 = arith.constant 0 : i32
      %dma_start3A_571 = arith.constant 0 : i32
      %dma_start3A_572 = tpu.memref_slice %arg4[%add3A_568, %dma_start3A_570, %dma_start3A_571] : memref<1024x200x128xf32, #tpu.memory_space<hbm>> -> memref<1x200x128xf32, #tpu.memory_space<hbm>>
      %dma_start3A_573 = tpu.memref_squeeze %dma_start3A_572 : memref<1x200x128xf32, #tpu.memory_space<hbm>> -> memref<200x128xf32, #tpu.memory_space<hbm>>
      %dma_start3A_574 = arith.constant 0 : i32
      %dma_start3A_575 = arith.constant 0 : i32
      %dma_start3A_576 = tpu.memref_slice %arg4[%add3A_568, %dma_start3A_574, %dma_start3A_575] : memref<1024x200x128xf32, #tpu.memory_space<hbm>> -> memref<1x200x128xf32, #tpu.memory_space<hbm>>
      %dma_start3A_577 = tpu.memref_squeeze %dma_start3A_576 : memref<1x200x128xf32, #tpu.memory_space<hbm>> -> memref<200x128xf32, #tpu.memory_space<hbm>>
      tpu.enqueue_dma source(%arg9 : memref<200x128xf32, #tpu.memory_space<vmem>>) target(%dma_start3A_577 : memref<200x128xf32, #tpu.memory_space<hbm>>) target_semaphore(%run_scoped3A_569 : memref<!tpu.dma_semaphore, #tpu.memory_space<semaphore_mem>>)
      %dma_wait3A_578 = arith.constant 0 : i32
      %dma_wait3A_579 = arith.constant 0 : i32
      %dma_wait3A_580 = tpu.memref_slice %arg4[%add3A_568, %dma_wait3A_578, %dma_wait3A_579] : memref<1024x200x128xf32, #tpu.memory_space<hbm>> -> memref<1x200x128xf32, #tpu.memory_space<hbm>>
      %dma_wait3A_581 = tpu.memref_squeeze %dma_wait3A_580 : memref<1x200x128xf32, #tpu.memory_space<hbm>> -> memref<200x128xf32, #tpu.memory_space<hbm>>
      %dma_wait3A_582 = arith.constant 0 : i32
      %dma_wait3A_583 = arith.constant 0 : i32
      %dma_wait3A_584 = tpu.memref_slice %arg4[%add3A_568, %dma_wait3A_582, %dma_wait3A_583] : memref<1024x200x128xf32, #tpu.memory_space<hbm>> -> memref<1x200x128xf32, #tpu.memory_space<hbm>>
      %dma_wait3A_585 = tpu.memref_squeeze %dma_wait3A_584 : memref<1x200x128xf32, #tpu.memory_space<hbm>> -> memref<200x128xf32, #tpu.memory_space<hbm>>
      tpu.wait_dma2 semaphore(%run_scoped3A_569 : memref<!tpu.dma_semaphore, #tpu.memory_space<semaphore_mem>>) src(%arg9 : memref<200x128xf32, #tpu.memory_space<vmem>>) dst(%dma_wait3A_585 : memref<200x128xf32, #tpu.memory_space<hbm>>)
      tpu.yield
    }) : () -> ()
    return
  }
}

</mosaic_0001>

<sc_bundles>
// kernel: kernel.3.cloned.1.call-start
scs
__scs_entry_jumppad:
0x0: {  	(pc) =	sbr.rel $0x88, $3  }
0x1: {  	(tag) =	ssettag $0x0;
	lr =	simm.s32 $0x1  }
0x2: {  	[smem:$0x3F9F] =	sst lr;
	_ =	strace $0xD0000000  }
0x3: {  	_ = 	snop  }
0x4: {  	_ = 	snop  }
0x5: {  	_ = 	snop  }
0x6: {  	_ = 	snop  }
0x7: {  	_ = 	snop  }
__scs_overlays_trampoline_lowered:
0x8: {  	[smem:$0x3FAE] =	sst s0  }
0x9: {  	[smem:$0x3FAF] =	sst s1  }
0xa: {  	[smem:$0x3FB0] =	sst s2  }
0xb: {  	[smem:$0x3FB1] =	sst s3  }
0xc: {  	[smem:$0x3FB2] =	sst s4  }
0xd: {  	[smem:$0x3FB3] =	sst s5  }
0xe: {  	[smem:$0x3FB4] =	sst s6  }
0xf: {  	[smem:$0x3FB5] =	sst s7  }
0x10: {  	[smem:$0x3FB6] =	sst s8  }
0x11: {  	[smem:$0x3FB7] =	sst s9;
	s0 =	simm.s32 @!p0 $0x0  }
0x12: {  	s1 =	sld [smem:$0x3F9D];
	s0 =	simm.s32 @p0 $0x1  }
0x13: {  	[smem:$0x3FB8] =	sst s0;
	s0 =	simm.s32 @!p1 $0x0  }
0x14: {  	s2 =	sld [smem:$0x3F9C];
	s0 =	simm.s32 @p1 $0x1  }
0x15: {  	[smem:$0x3FB9] =	sst s0;
	s0 =	simm.s32 @!p2 $0x0  }
0x16: {  	s3 =	sld [smem:$0x3FDB];
	s0 =	simm.s32 @p2 $0x1  }
0x17: {  	s4 =	simm.s32 $0x1BF5;
	[smem:$0x3FBB] =	sst s0  }
0x18: {  	s0 =	sld [smem:$0x3F9E];
	_ =	swait.ge [sflag:s4], $0x0  }
0x19: {  	s7 =	sld [smem:$0x3F9F]  }
0x1a: {  	s8 =	sadd.s32 $0xFFFFE003, lr  }
0x1b: {  	s9 =	sadd.s32 $0xFFFFFEF7, lr;
	s5 =	simm.s32 $0xFFFFFFFF;
	p2 =	slt.u32 s8, $0xFFFFF086  }
0x1c: {  	p1 =	slt.u32 s9, $0xF7A;
	s5 =	simm.s32 @!p2 $0x0  }
0x1d: {  	s5 =	simm.s32 @p1 $0x1;
	p0 =	seq.s32 s7, s2  }
0x1e: {  	s7 =	smul.u32 @!p0 $0xF7A, s2;
	p2 =	seq.s32 @!p0 s5, $0x0  }
0x1f: {  	s9 =	smul.u32 $0xF7A, s1;
	s8 =	simm.s32 @!p0 $0x1BF5;
	p2 =	por !p2, p0  }
0x20: {  	[sflag:s8] =	ssyncset.s32 @!p0 $0xFFFFF086;
	s6 =	sadd.s32 @!p0 s3, s7;
	s7 =	simm.s32 @!p0 $0x108  }
0x21: {  	s3 =	sadd.s32 s3, s9;
	s6 =	sadd.s32 @!p0 $0x88, s6;
	s7 =	simm.s32 @p2 $0x1082  }
0x22: {  	[simem:s7], [sflag:s8] =	dma.local @!p0 [hbm:s6], $0xF7A  }
0x23: {  	s9 =	sor.u32 $0xD0000000, s2;
	s6 =	simm.s32 $0x108;
	_ =	swait.ge @!p0 [sflag:s8], $0x0  }
0x24: {  	s3 =	sadd.s32 $0x88, s3;
	s6 =	simm.s32 @!p1 $0x1082;
	[sflag:s4] =	ssyncset.s32 $0xFFFFF086  }
0x25: {  	[simem:s6], [sflag:s4] =	dma.local [hbm:s3], $0xF7A  }
0x26: {  	[smem:$0x3F9F] =	sst s1;
	(tag) =	ssettag s2;
	_ =	strace s9  }
0x27: {  	s1 =	sld [smem:$0x3FAF]  }
0x28: {  	s2 =	sld [smem:$0x3FB0]  }
0x29: {  	s4 =	sld [smem:$0x3FB2]  }
0x2a: {  	p0 =	seq.s32 s5, $0x0;
	s5 =	sld [smem:$0x3FB3]  }
0x2b: {  	s6 =	sld [smem:$0x3FB4]  }
0x2c: {  	s7 =	sld [smem:$0x3FB5]  }
0x2d: {  	s3 =	simm.s32 $0x108;
	s8 =	sld [smem:$0x3FB6]  }
0x2e: {  	s3 =	simm.s32 @!p0 $0x1082;
	s9 =	sld [smem:$0x3FB7]  }
0x2f: {  	lr =	sadd.s32 s0, s3;
	s0 =	sld [smem:$0x3FAE]  }
0x30: {  	s3 =	sld [smem:$0x3FB1]  }
0x31: {  	[smem:$0x3FBA] =	sst s10  }
0x32: {  	s10 =	sld [smem:$0x3FB8];
	_ =	sdelay $0x3  }
0x33: {  	p0 =	seq.s32 s10, $0x1;
	s10 =	sld [smem:$0x3FBA];
	_ =	sdelay $0x3  }
0x34: {  	[smem:$0x3FBA] =	sst s10  }
0x35: {  	s10 =	sld [smem:$0x3FB9];
	_ =	sdelay $0x3  }
0x36: {  	p1 =	seq.s32 s10, $0x1;
	s10 =	sld [smem:$0x3FBA];
	_ =	sdelay $0x3  }
0x37: {  	[smem:$0x3FBA] =	sst s10  }
0x38: {  	s10 =	sld [smem:$0x3FBB]  }
0x39: {  	_ = 	snop;
	(pc) =	sbr.ind lr, $3  }
0x3a: {  	_ = 	snop  }
0x3b: {  	_ = 	snop  }
0x3c: {  	p2 =	seq.s32 s10, $0x1;
	s10 =	sld [smem:$0x3FBA]  }
0x3d: {  	_ =	shalt  }
0x3e: {  	_ =	shalt  }
0x3f: {  	_ =	shalt  }
0x40: {  	_ =	shalt  }
0x41: {  	_ =	shalt  }
0x42: {  	_ =	shalt  }
0x43: {  	_ =	shalt  }
0x44: {  	_ =	shalt  }
0x45: {  	_ =	shalt  }
0x46: {  	_ =	shalt  }
0x47: {  	_ =	shalt  }
0x48: {  	_ =	shalt  }
0x49: {  	_ =	shalt  }
0x4a: {  	_ =	shalt  }
0x4b: {  	_ =	shalt  }
0x4c: {  	_ =	shalt  }
0x4d: {  	_ =	shalt  }
0x4e: {  	_ =	shalt  }
0x4f: {  	_ =	shalt  }
0x50: {  	_ =	shalt  }
0x51: {  	_ =	shalt  }
0x52: {  	_ =	shalt  }
0x53: {  	_ =	shalt  }
0x54: {  	_ =	shalt  }
0x55: {  	_ =	shalt  }
0x56: {  	_ =	shalt  }
0x57: {  	_ =	shalt  }
0x58: {  	_ =	shalt  }
0x59: {  	_ =	shalt  }
0x5a: {  	_ =	shalt  }
0x5b: {  	_ =	shalt  }
0x5c: {  	_ =	shalt  }
0x5d: {  	_ =	shalt  }
0x5e: {  	_ =	shalt  }
0x5f: {  	_ =	shalt  }
0x60: {  	_ =	shalt  }
0x61: {  	_ =	shalt  }
0x62: {  	_ =	shalt  }
0x63: {  	_ =	shalt  }
0x64: {  	_ =	shalt  }
0x65: {  	_ =	shalt  }
0x66: {  	_ =	shalt  }
0x67: {  	_ =	shalt  }
0x68: {  	_ =	shalt  }
0x69: {  	_ =	shalt  }
0x6a: {  	_ =	shalt  }
0x6b: {  	_ =	shalt  }
0x6c: {  	_ =	shalt  }
0x6d: {  	_ =	shalt  }
0x6e: {  	_ =	shalt  }
0x6f: {  	_ =	shalt  }
0x70: {  	_ =	shalt  }
0x71: {  	_ =	shalt  }
0x72: {  	_ =	shalt  }
0x73: {  	_ =	shalt  }
0x74: {  	_ =	shalt  }
0x75: {  	_ =	shalt  }
0x76: {  	_ =	shalt  }
0x77: {  	_ =	shalt  }
0x78: {  	_ =	shalt  }
0x79: {  	_ =	shalt  }
0x7a: {  	_ =	shalt  }
0x7b: {  	_ =	shalt  }
0x7c: {  	_ =	shalt  }
0x7d: {  	_ =	shalt  }
0x7e: {  	_ =	shalt  }
0x7f: {  	_ =	shalt  }
0x80: {  	_ =	shalt  }
0x81: {  	_ =	shalt  }
0x82: {  	_ =	shalt  }
0x83: {  	_ =	shalt  }
0x84: {  	_ =	shalt  }
0x85: {  	_ =	shalt  }
0x86: {  	_ =	shalt  }
0x87: {  	_ =	shalt  }
.Lfunc_end0:
.L_simem_size_0:
called_computation_lowered:
.L_overlay_start_0:
0x88: {  	s2 =	sld [smem:$0x3FD9]  }
0x89: {  	s3 =	sld [smem:$0x3FFE];
	_ =	sdelay $0x1  }
0x8a: {  	s1 =	srdreg.scid  }
0x8b: {  	s0 =	sand.u32 $0x1, s1  }
0x8c: {  	s17 =	sshll.u32 s0, $0xA;
	s2 =	sadd.s32 s3, s2  }
0x8d: {  	s2 =	sadd.s32 s2, s17  }
0x8e: {  	[smem:$0x3FC6] =	sst s2  }
0x8f: {  	_ = 	snop  }
0x90: {  	s2 =	sld [smem:$0x3FD0];
	(tm) =	ssettm $0x1  }
0x91: {  	s18 =	sld [smem:$0x3FFB];
	_ =	sdelay $0x3  }
0x92: {  	_ =	strace s18  }
0x93: {  	s3 =	sld [smem:$0x3FFC];
	_ =	sdelay $0x3  }
0x94: {  	_ =	strace s3  }
0x95: {  	s3 =	sld [smem:$0x3FFD];
	_ =	sdelay $0x3  }
0x96: {  	_ =	strace s3  }
0x97: {  	_ =	strace $0x8FFFFFFF  }
0x98: {  	s19 =	sld [smem:$0x3FDB];
	_ =	sdelay $0x1  }
0x99: {  	s4 =	simm.s32 $_scs_section_size  }
0x9a: {  	s5 =	simm.s32 $_size__tile_overlayer_lowered;
	s6 =	simm.s32 $_tile_overlayer_lowered  }
0x9b: {  	s22 =	simm.s32 $0x1BFF;
	s21 =	sshll.u32 s6, $0x1;
	s3 =	sadd.s32 s4, s19  }
0x9c: {  	s7 =	simm.s32 $0x0;
	s20 =	sshll.u32 s5, $0x1;
	s5 =	sadd.s32 s21, s3  }
0x9d: {  	[timem:s7], [sflag:s22] =	dma.local [hbm:s5], s20  }
0x9e: {  	_ =	swait.ge [sflag:s22], s20  }
0x9f: {  	s4 =	ssub.s32 $0x0, s20;
	[sflag:s22] =	ssyncset.done $0x0  }
0xa0: {  	[sflag:s22] =	ssyncadd.s32 s4;
	_ =	sdelay $0x1  }
0xa1: {  	s23 =	simm.s32 $0x1B8B  }
0xa2: {  	_ =	swait.ge [sflag:s23], $0x1  }
0xa3: {  	[sflag:s23] =	ssyncset.done $0x0  }
0xa4: {  	s25 =	simm.s32 $0x1B8E;
	s24 =	sld [smem:$0x3FFE];
	[sflag:s23] =	ssyncadd.s32 $0xFFFFFFFF  }
0xa5: {  	s26 =	simm.s32 $execute0_lowered;
	[smem:$0x3FD2] =	sst s25  }
0xa6: {  	s5 =	sshll.u32 s26, $0x1;
	_ =	strace $0x80000046;
	[dreg:$0x1] =	wrdreg $0xFFFFFFFF  }
0xa7: {  	s28 =	simm.s32 $_size_execute0_lowered;
	s3 =	sadd.s32 s3, s5;
	[dreg:$0x0] =	wrdreg $0x0  }
0xa8: {  	s5 =	sshll.u32 s28, $0x1;
	[dreg:$0x2] =	wrdreg s3  }
0xa9: {  	[dreg:$0x3] =	wrdreg s5  }
0xaa: {  	[dreg:$0x4] =	wrdreg $0xC0  }
0xab: {  	_ =	task [dreg:s7], $0x5FFFF  }
0xac: {  	[dreg:$0x1] =	wrdreg $0xFFFFFFFF  }
0xad: {  	[dreg:$0x0] =	wrdreg $0x60  }
0xae: {  	[dreg:$0x2] =	wrdreg s2  }
0xaf: {  	[dreg:$0x3] =	wrdreg s24  }
0xb0: {  	[dreg:$0x4] =	wrdreg $0x9  }
0xb1: {  	_ =	task.clear_ibuf [dreg:s7], $0x5FFFF;
	_ =	strace $0x90000046  }
0xb2: {  	s29 =	simm.s32 $0x9;
	_ =	strace $0x80000048  }
0xb3: {  	_ =	swait.ge [sflag:s29], $0x1  }
0xb4: {  	[sflag:s29] =	ssyncadd.s32 $0xFFFFFFFF  }
0xb5: {  	_ =	strace $0x90000048  }
0xb6: {  	_ =	sfence  }
0xb7: {  	s30 =	sld [smem:$0x0];
	_ =	sdelay $0x2  }
0xb8: {  	s31 =	sshll.u32 s1, $0xD;
	s1 =	sshrl.u32 s1, $0x2  }
0xb9: {  	s3 =	sand.u32 $0x4000, s31;
	s1 =	sadd.s32 s1, s30  }
0xba: {  	s0 =	sor.u32 s3, s0;
	s1 =	sshll.u32 s1, $0x11  }
0xbb: {  	s0 =	sor.u32 s1, s0  }
0xbc: {  	s0 =	sadd.s32 $0x8F2B, s0  }
0xbd: {  	[sflag:s0] =	ssyncadd.remote.s32 $0x1  }
0xbe: {  	_ =	sfence.sel $0xFFFF  }
0xbf: {  	[dreg:$0x0] =	wrdreg $0xFFFFFFFF;
	(pc) =	sbr.abs _section_cstart, $3  }
0xc0: {  	[dreg:$0x1] =	wrdreg $0xFFFFFFFF  }
0xc1: {  	_ =	task.clear_ibuf [dreg:s7], $0x2FFFF;
	_ =	strace $0x9FFFFFFF  }
0xc2: {  	(tm) =	ssettm $0x7FFFFFFF  }
0xc3: {  	_ =	shalt  }
tec
execute0_lowered:
.L_overlay_start_1:
0x0: {  	(tag) =	ssettag $0x1  }
0x1: {  	s1 =	srdreg.scid;
	s2 =	stileid.u32  }
0x2: {  	s1 =	sand.u32 $0x1, s1;
	s3 =	sshll.u32 s2, $0x1  }
0x3: {  	s0 =	rddreg [dreg:$0x0];
	s5 =	sor.u32 s1, s3  }
0x4: {  	s4 =	rddreg [dreg:$0x1];
	s7 =	smul.u32 $0xC8000, s5  }
0x5: {  	s2 =	simm.s32 $0x0;
	s9 =	sadd.s32 $0x7A1600, s4;
	s1 =	ssub.s32 $0x2, s1  }
0x6: {  	[smem:$0x7FF] =	sst s2;
	s8 =	sshrl.u32 s1, $0x1;
	s7 =	sshrl.u32 s7, $0x3  }
0x7: {  	s3 =	sadd.s32 $0x400, s4;
	s1 =	ssub.s32 s1, s8;
	s8 =	sadd.s32 s9, s7  }
0x8: {  	s6 =	smul.u32 $0xC80, s5;
	_ =	strace $0x80000047;
	s30 =	sadd.s32 $0x1900, s8  }
0x9: {  	s5 =	smul.u32 $0x19000, s5;
	s31 =	sadd.s32 $0x2580, s8;
	[dreg:$0x3] =	wrdreg s30  }
0xa: {  	s4 =	sadd.s32 s0, s6;
	s6 =	sadd.s32 $0x3200, s8;
	[dreg:$0x4] =	wrdreg s31  }
0xb: {  	s7 =	sadd.s32 $0x3E80, s8;
	[dreg:$0x5] =	wrdreg s6  }
0xc: {  	s5 =	sadd.s32 s9, s5;
	s9 =	sadd.s32 $0x4B00, s8;
	[dreg:$0x6] =	wrdreg s7  }
0xd: {  	s10 =	sadd.s32 $0x5780, s8;
	[dreg:$0x7] =	wrdreg s9  }
0xe: {  	s11 =	sadd.s32 $0x6400, s8;
	[dreg:$0x8] =	wrdreg s10  }
0xf: {  	s12 =	sadd.s32 $0x7080, s8;
	[dreg:$0x9] =	wrdreg s11  }
0x10: {  	s13 =	sadd.s32 $0x7D00, s8;
	[dreg:$0xa] =	wrdreg s12  }
0x11: {  	s14 =	sadd.s32 $0x8980, s8;
	[dreg:$0xb] =	wrdreg s13  }
0x12: {  	s15 =	sadd.s32 $0x9600, s8;
	[dreg:$0xc] =	wrdreg s14  }
0x13: {  	s16 =	sadd.s32 $0xA280, s8;
	[dreg:$0xd] =	wrdreg s15  }
0x14: {  	s17 =	sadd.s32 $0xAF00, s8;
	[dreg:$0xe] =	wrdreg s16  }
0x15: {  	s18 =	sadd.s32 $0xBB80, s8;
	[dreg:$0xf] =	wrdreg s17  }
0x16: {  	s19 =	sadd.s32 $0xC800, s8;
	[dreg:$0x10] =	wrdreg s18  }
0x17: {  	s20 =	sadd.s32 $0xD480, s8;
	[dreg:$0x11] =	wrdreg s19  }
0x18: {  	s21 =	sadd.s32 $0xE100, s8;
	[dreg:$0x12] =	wrdreg s20  }
0x19: {  	s22 =	sadd.s32 $0xED80, s8;
	[dreg:$0x13] =	wrdreg s21  }
0x1a: {  	s23 =	sadd.s32 $0xFA00, s8;
	[dreg:$0x14] =	wrdreg s22  }
0x1b: {  	s24 =	sadd.s32 $0x10680, s8;
	[dreg:$0x15] =	wrdreg s23  }
0x1c: {  	s25 =	sadd.s32 $0x11300, s8;
	[dreg:$0x16] =	wrdreg s24  }
0x1d: {  	s26 =	sadd.s32 $0x11F80, s8;
	[dreg:$0x17] =	wrdreg s25  }
0x1e: {  	s28 =	sadd.s32 $0x12C00, s8;
	[dreg:$0x18] =	wrdreg s26  }
0x1f: {  	s29 =	sadd.s32 $0x13880, s8;
	[dreg:$0x19] =	wrdreg s28  }
0x20: {  	s0 =	sadd.s32 $0x15E00, s8;
	[dreg:$0x1a] =	wrdreg s29;
	s30 =	sadd.s32 $0x14500, s8  }
0x21: {  	s31 =	sadd.s32 $0x15180, s8;
	s6 =	sadd.s32 $0x16A80, s8;
	s7 =	sadd.s32 $0x17700, s8  }
0x22: {  	s8 =	sadd.s32 $0x18380, s8;
	s9 =	smax.u32 s1, $0x1;
	s10 =	sadd.s32 $0x10, s4  }
0x23: {  	s11 =	sadd.s32 $0x20, s4;
	s12 =	sadd.s32 $0x30, s4;
	s13 =	sadd.s32 $0xC80, s5  }
0x24: {  	s14 =	simm.s32 $0x4;
	s15 =	simm.s32 $0xC8;
	s16 =	simm.s32 $0x6400  }
0x25: {  	s17 =	simm.s32 $0x6800;
	s18 =	simm.s32 $0x64C8;
	s19 =	simm.s32 $0xCC00  }
0x26: {  	s20 =	simm.s32 $0x6600;
	s21 =	simm.s32 $0x13000;
	s22 =	simm.s32 $0x1  }
0x27: {  	s23 =	simm.s32 $0x66C8;
	s24 =	simm.s32 $0x2;
	[dreg:$0x1b] =	wrdreg s30  }
0x28: {  	s25 =	simm.s32 $0x3;
	s26 =	simm.s32 $0x0;
	[dreg:$0x1c] =	wrdreg s31  }
.LBB2_1:
0x29: {  	s28 =	simm.s32 $0x40  }
0x2a: {  	s1 =	sadd.s32 $0x0, s4;
	s29 =	simm.s32 $0x200;
	s30 =	simm.s32 $0x0  }
.LBB2_2:
0x2b: {  	[tilespmem:s30], [sflag:$0x4] =	stream.linear.gather [hbm4b:s1+s2], $0x80, $0x38;
	[tilespmem:$0x19400] =	vst v63  }
0x2c: {  	s1 =	smov.u32 s28;
	s30 =	smov.u32 s29;
	p0 =	sne.s32 s28, $0xC40  }
.Ltmp0:
0x2d: {  	s28 =	sadd.s32 $0x40, s28;
	(pc) =	sbr.rel @p0 .LBB2_2-.Ltmp0, $2  }
0x2e: {  	_ =	sdelay $0x2  }
0x2f: {  	s29 =	sadd.s32 $0x200, s29;
	s1 =	sadd.s32 s1, s4  }
0x30: {  	[tilespmem:s30], [sflag:$0x4] =	stream.linear.gather [hbm4b:s1+s2], $0x80, $0x38;
	[tilespmem:$0x19400] =	vst v63  }
0x31: {  	_ =	swait.ge [sflag:s14], $0x1900  }
0x32: {  	s28 =	simm.s32 $0x80;
	s29 =	simm.s32 $0x40;
	[sflag:s14] =	ssyncset.done $0x0  }
0x33: {  	s1 =	sadd.s32 $0x0, s10;
	s30 =	simm.s32 $0x280;
	[sflag:s14] =	ssyncadd.s32 $0xFFFFE700  }
.LBB2_4:
0x34: {  	[tilespmem:s28], [sflag:$0x4] =	stream.linear.gather [hbm4b:s1+s2], $0x80, $0x38;
	[tilespmem:$0x19400] =	vst v63  }
0x35: {  	s1 =	smov.u32 s29;
	s28 =	smov.u32 s30;
	p0 =	sne.s32 s29, $0xC40  }
.Ltmp1:
0x36: {  	s29 =	sadd.s32 $0x40, s29;
	(pc) =	sbr.rel @p0 .LBB2_4-.Ltmp1, $2  }
0x37: {  	_ =	sdelay $0x2  }
0x38: {  	s30 =	sadd.s32 $0x200, s30;
	s1 =	sadd.s32 s1, s10  }
0x39: {  	[tilespmem:s28], [sflag:$0x4] =	stream.linear.gather [hbm4b:s1+s2], $0x80, $0x38;
	[tilespmem:$0x19400] =	vst v63  }
0x3a: {  	_ =	swait.ge [sflag:s14], $0x1900  }
0x3b: {  	s28 =	simm.s32 $0x100;
	s29 =	simm.s32 $0x40;
	[sflag:s14] =	ssyncset.done $0x0  }
0x3c: {  	s1 =	sadd.s32 $0x0, s11;
	s30 =	simm.s32 $0x300;
	[sflag:s14] =	ssyncadd.s32 $0xFFFFE700  }
.LBB2_6:
0x3d: {  	[tilespmem:s28], [sflag:$0x4] =	stream.linear.gather [hbm4b:s1+s2], $0x80, $0x38;
	[tilespmem:$0x19400] =	vst v63  }
0x3e: {  	s1 =	smov.u32 s29;
	s28 =	smov.u32 s30;
	p0 =	sne.s32 s29, $0xC40  }
.Ltmp2:
0x3f: {  	s29 =	sadd.s32 $0x40, s29;
	(pc) =	sbr.rel @p0 .LBB2_6-.Ltmp2, $2  }
0x40: {  	_ =	sdelay $0x2  }
0x41: {  	s30 =	sadd.s32 $0x200, s30;
	s1 =	sadd.s32 s1, s11  }
0x42: {  	[tilespmem:s28], [sflag:$0x4] =	stream.linear.gather [hbm4b:s1+s2], $0x80, $0x38;
	[tilespmem:$0x19400] =	vst v63  }
0x43: {  	_ =	swait.ge [sflag:s14], $0x1900  }
0x44: {  	s28 =	simm.s32 $0x180;
	s29 =	simm.s32 $0x40;
	[sflag:s14] =	ssyncset.done $0x0  }
0x45: {  	s1 =	sadd.s32 $0x0, s12;
	s30 =	simm.s32 $0x380;
	[sflag:s14] =	ssyncadd.s32 $0xFFFFE700  }
.LBB2_8:
0x46: {  	[tilespmem:s28], [sflag:$0x4] =	stream.linear.gather [hbm4b:s1+s2], $0x80, $0x38;
	[tilespmem:$0x19400] =	vst v63  }
0x47: {  	s1 =	smov.u32 s29;
	s28 =	smov.u32 s30;
	p0 =	sne.s32 s29, $0xC40  }
.Ltmp3:
0x48: {  	s29 =	sadd.s32 $0x40, s29;
	(pc) =	sbr.rel @p0 .LBB2_8-.Ltmp3, $2  }
0x49: {  	_ =	sdelay $0x2  }
0x4a: {  	s30 =	sadd.s32 $0x200, s30;
	s1 =	sadd.s32 s1, s12  }
0x4b: {  	[tilespmem:s28], [sflag:$0x4] =	stream.linear.gather [hbm4b:s1+s2], $0x80, $0x38;
	[tilespmem:$0x19400] =	vst v63  }
0x4c: {  	s1 =	simm.s32 $0x0;
	_ =	swait.ge [sflag:s14], $0x1900  }
0x4d: {  	s28 =	sand.u32 $0x70, s1;
	s1 =	sand.u32 $0x600, s1;
	[sflag:s14] =	ssyncset.done $0x0  }
0x4e: {  	s1 =	sor.u32 s28, s1;
	[sflag:s14] =	ssyncadd.s32 $0xFFFFE700  }
0x4f: {  	v0 =	vld [tilespmem:s1+$0x0];
	_ =	sdelay $0x2  }
0x50: {  	v1 =	vld [tilespmem:s1+$0x80];
	_ =	sdelay $0x1  }
0x51: {  	v0 =	vxor.u32 $0x811C9DC5, v0  }
0x52: {  	v2 =	vld [tilespmem:s1+$0x100];
	v0 =	vmul.u32 $0x1000193, v0;
	_ =	sdelay $0x1  }
0x53: {  	v0 =	vxor.u32 v1, v0  }
0x54: {  	v1 =	vld [tilespmem:s1+$0x180];
	v0 =	vmul.u32 $0x1000193, v0;
	_ =	sdelay $0x1  }
0x55: {  	v0 =	vxor.u32 v2, v0  }
0x56: {  	v0 =	vmul.u32 $0x1000193, v0;
	_ =	sdelay $0x1  }
0x57: {  	v0 =	vxor.u32 v1, v0  }
0x58: {  	v0 =	vmul.u32 $0x1000193, v0;
	_ =	sdelay $0x1  }
0x59: {  	v1 =	vand.u32 $0x7FFFFFFF, v0  }
0x5a: {  	v2 =	vmulhi.u32 $0x431BDE83, v1;
	_ =	sdelay $0x1  }
0x5b: {  	v2 =	vshrl.u32 v2, $0x11  }
0x5c: {  	v2 =	vmul.u32 $0x7A120, v2  }
0x5d: {  	v0 =	vshra.s32 v0, $0x1F  }
0x5e: {  	v0 =	vand.u32 $0x76140, v0;
	v1 =	vsub.s32 v1, v2  }
0x5f: {  	v0 =	vadd.s32 v0, v1  }
0x60: {  	s29 =	simm.s32 $0x20;
	s28 =	simm.s32 $0x40;
	s1 =	simm.s32 $0x10;
	v1 =	vadd.s32 $0xFFF85EE0, v0  }
0x61: {  	s31 =	sand.u32 $0x600, s28;
	s30 =	sand.u32 $0x70, s1;
	s1 =	simm.s32 $0x0;
	v0 =	vmin.u32 v0, v1  }
.LBB2_10:
0x62: {  	p0 =	sne.s32 s29, $0x180;
	s30 =	sor.u32 s30, s31;
	[tilespmem:s1+$0x6400] =	vst v0;
	s1 =	smov.u32 s28  }
0x63: {  	v0 =	vld [tilespmem:s30+$0x0];
	_ =	sdelay $0x2  }
0x64: {  	v1 =	vld [tilespmem:s30+$0x80];
	_ =	sdelay $0x1  }
0x65: {  	v0 =	vxor.u32 $0x811C9DC5, v0  }
0x66: {  	v0 =	vmul.u32 $0x1000193, v0;
	v2 =	vld [tilespmem:s30+$0x100];
	_ =	sdelay $0x1  }
0x67: {  	v0 =	vxor.u32 v1, v0  }
0x68: {  	v0 =	vmul.u32 $0x1000193, v0;
	v1 =	vld [tilespmem:s30+$0x180];
	_ =	sdelay $0x1  }
0x69: {  	v0 =	vxor.u32 v2, v0  }
0x6a: {  	v0 =	vmul.u32 $0x1000193, v0;
	_ =	sdelay $0x1  }
0x6b: {  	v0 =	vxor.u32 v1, v0  }
0x6c: {  	v0 =	vmul.u32 $0x1000193, v0;
	_ =	sdelay $0x1  }
0x6d: {  	v1 =	vand.u32 $0x7FFFFFFF, v0  }
0x6e: {  	v2 =	vmulhi.u32 $0x431BDE83, v1;
	_ =	sdelay $0x1  }
0x6f: {  	v2 =	vshrl.u32 v2, $0x11  }
0x70: {  	v2 =	vmul.u32 $0x7A120, v2  }
.Ltmp4:
0x71: {  	v0 =	vshra.s32 v0, $0x1F;
	(pc) =	sbr.rel @p0 .LBB2_10-.Ltmp4, $4  }
0x72: {  	v0 =	vand.u32 $0x76140, v0;
	v1 =	vsub.s32 v1, v2  }
0x73: {  	v0 =	vadd.s32 v0, v1  }
0x74: {  	s28 =	sadd.s32 $0x40, s28;
	s30 =	sand.u32 $0x70, s29;
	v1 =	vadd.s32 $0xFFF85EE0, v0  }
0x75: {  	s31 =	sand.u32 $0x600, s28;
	s1 =	sshra.s32 s1, $0x2;
	s29 =	sadd.s32 $0x10, s29;
	v0 =	vmin.u32 v0, v1  }
0x76: {  	s29 =	sor.u32 s30, s31;
	[tilespmem:s1+$0x6400] =	vst v0  }
0x77: {  	v0 =	vld [tilespmem:s29+$0x0];
	_ =	sdelay $0x2  }
0x78: {  	v1 =	vld [tilespmem:s29+$0x80];
	_ =	sdelay $0x1  }
0x79: {  	v0 =	vxor.u32 $0x811C9DC5, v0  }
0x7a: {  	v2 =	vld [tilespmem:s29+$0x100];
	v0 =	vmul.u32 $0x1000193, v0;
	_ =	sdelay $0x1  }
0x7b: {  	v0 =	vxor.u32 v1, v0  }
0x7c: {  	v1 =	vld [tilespmem:s29+$0x180];
	v0 =	vmul.u32 $0x1000193, v0;
	_ =	sdelay $0x1  }
0x7d: {  	v0 =	vxor.u32 v2, v0  }
0x7e: {  	v0 =	vmul.u32 $0x1000193, v0;
	_ =	sdelay $0x1  }
0x7f: {  	v0 =	vxor.u32 v1, v0  }
0x80: {  	v0 =	vmul.u32 $0x1000193, v0;
	_ =	sdelay $0x1  }
0x81: {  	v1 =	vand.u32 $0x7FFFFFFF, v0  }
0x82: {  	v2 =	vmulhi.u32 $0x431BDE83, v1;
	_ =	sdelay $0x1  }
0x83: {  	v2 =	vshrl.u32 v2, $0x11  }
0x84: {  	v2 =	vmul.u32 $0x7A120, v2  }
0x85: {  	v0 =	vshra.s32 v0, $0x1F  }
0x86: {  	v0 =	vand.u32 $0x76140, v0;
	v1 =	vsub.s32 v1, v2  }
0x87: {  	v0 =	vadd.s32 v0, v1  }
0x88: {  	v1 =	vadd.s32 $0xFFF85EE0, v0  }
0x89: {  	s1 =	sshra.s32 s28, $0x2;
	v0 =	vmin.u32 v0, v1  }
0x8a: {  	s28 =	simm.s32 $0x640;
	[tilespmem:s1+$0x6400] =	vst v0;
	s1 =	simm.s32 $0x190  }
0x8b: {  	[tilespmem:s17], [sflag:$0x1] =	stream.indirect.gather [hbm4b:s3+s15], $0x80, s16, s15, $0xb8;
	[tilespmem:$0x19400] =	vst v63  }
0x8c: {  	s28 =	sand.u32 $0xE00, s28;
	s1 =	sand.u32 $0x70, s1  }
0x8d: {  	s1 =	sor.u32 s1, s28  }
0x8e: {  	[tilespmem:s19], [sflag:$0x2] =	stream.indirect.gather [hbm4b:s3+s15], $0x80, s18, s15, $0xb8;
	[tilespmem:$0x19400] =	vst v63  }
0x8f: {  	v0 =	vld [tilespmem:s1+$0x0];
	_ =	sdelay $0x2  }
0x90: {  	v1 =	vld [tilespmem:s1+$0x80];
	_ =	sdelay $0x1  }
0x91: {  	v0 =	vxor.u32 $0x811C9DC5, v0  }
0x92: {  	v2 =	vld [tilespmem:s1+$0x100];
	v0 =	vmul.u32 $0x1000193, v0;
	_ =	sdelay $0x1  }
0x93: {  	v0 =	vxor.u32 v1, v0  }
0x94: {  	v1 =	vld [tilespmem:s1+$0x180];
	v0 =	vmul.u32 $0x1000193, v0;
	_ =	sdelay $0x1  }
0x95: {  	v0 =	vxor.u32 v2, v0  }
0x96: {  	v0 =	vmul.u32 $0x1000193, v0;
	_ =	sdelay $0x1  }
0x97: {  	v0 =	vxor.u32 v1, v0  }
0x98: {  	v0 =	vmul.u32 $0x1000193, v0;
	_ =	sdelay $0x1  }
0x99: {  	v1 =	vand.u32 $0x7FFFFFFF, v0  }
0x9a: {  	v2 =	vmulhi.u32 $0x431BDE83, v1;
	_ =	sdelay $0x1  }
0x9b: {  	v2 =	vshrl.u32 v2, $0x11  }
0x9c: {  	v2 =	vmul.u32 $0x7A120, v2  }
0x9d: {  	v0 =	vshra.s32 v0, $0x1F  }
0x9e: {  	v0 =	vand.u32 $0x76140, v0;
	v1 =	vsub.s32 v1, v2  }
0x9f: {  	s30 =	simm.s32 $0x1B0;
	s29 =	simm.s32 $0x0;
	s1 =	simm.s32 $0x1A0;
	v0 =	vadd.s32 v0, v1  }
0xa0: {  	s28 =	simm.s32 $0x40;
	s31 =	sand.u32 $0x70, s1;
	s1 =	simm.s32 $0x680;
	v1 =	vadd.s32 $0xFFF85EE0, v0  }
.LBB2_12:
0xa1: {  	p0 =	sne.s32 s30, $0x310;
	s1 =	sand.u32 $0xE00, s1;
	v0 =	vmin.u32 v0, v1;
	s29 =	sshra.s32 s29, $0x2  }
0xa2: {  	s1 =	sor.u32 s31, s1;
	[tilespmem:s29+$0x6600] =	vst v0;
	s29 =	smov.u32 s28  }
0xa3: {  	v0 =	vld [tilespmem:s1+$0x0];
	_ =	sdelay $0x2  }
0xa4: {  	v1 =	vld [tilespmem:s1+$0x80];
	_ =	sdelay $0x1  }
0xa5: {  	v0 =	vxor.u32 $0x811C9DC5, v0  }
0xa6: {  	v0 =	vmul.u32 $0x1000193, v0;
	v2 =	vld [tilespmem:s1+$0x100];
	_ =	sdelay $0x1  }
0xa7: {  	v0 =	vxor.u32 v1, v0  }
0xa8: {  	v0 =	vmul.u32 $0x1000193, v0;
	v1 =	vld [tilespmem:s1+$0x180];
	_ =	sdelay $0x1  }
0xa9: {  	v0 =	vxor.u32 v2, v0  }
0xaa: {  	v0 =	vmul.u32 $0x1000193, v0;
	_ =	sdelay $0x1  }
0xab: {  	v0 =	vxor.u32 v1, v0  }
0xac: {  	v0 =	vmul.u32 $0x1000193, v0;
	_ =	sdelay $0x1  }
0xad: {  	v1 =	vand.u32 $0x7FFFFFFF, v0  }
0xae: {  	v2 =	vmulhi.u32 $0x431BDE83, v1;
	_ =	sdelay $0x1  }
0xaf: {  	v2 =	vshrl.u32 v2, $0x11  }
.Ltmp5:
0xb0: {  	v2 =	vmul.u32 $0x7A120, v2;
	(pc) =	sbr.rel @p0 .LBB2_12-.Ltmp5, $4  }
0xb1: {  	v0 =	vshra.s32 v0, $0x1F  }
0xb2: {  	v0 =	vand.u32 $0x76140, v0;
	v1 =	vsub.s32 v1, v2  }
0xb3: {  	s28 =	sadd.s32 $0x40, s28;
	v0 =	vadd.s32 v0, v1  }
0xb4: {  	s31 =	sand.u32 $0x70, s30;
	s30 =	sadd.s32 $0x10, s30;
	s1 =	sadd.s32 $0x640, s28;
	v1 =	vadd.s32 $0xFFF85EE0, v0  }
0xb5: {  	s1 =	sand.u32 $0xE00, s1;
	v0 =	vmin.u32 v0, v1;
	s29 =	sshra.s32 s29, $0x2  }
0xb6: {  	s1 =	sor.u32 s31, s1;
	[tilespmem:s29+$0x6600] =	vst v0  }
0xb7: {  	v0 =	vld [tilespmem:s1+$0x0];
	_ =	sdelay $0x2  }
0xb8: {  	v1 =	vld [tilespmem:s1+$0x80];
	_ =	sdelay $0x1  }
0xb9: {  	v0 =	vxor.u32 $0x811C9DC5, v0  }
0xba: {  	v2 =	vld [tilespmem:s1+$0x100];
	v0 =	vmul.u32 $0x1000193, v0;
	_ =	sdelay $0x1  }
0xbb: {  	v0 =	vxor.u32 v1, v0  }
0xbc: {  	v1 =	vld [tilespmem:s1+$0x180];
	v0 =	vmul.u32 $0x1000193, v0;
	_ =	sdelay $0x1  }
0xbd: {  	v0 =	vxor.u32 v2, v0  }
0xbe: {  	v0 =	vmul.u32 $0x1000193, v0;
	_ =	sdelay $0x1  }
0xbf: {  	v0 =	vxor.u32 v1, v0  }
0xc0: {  	v0 =	vmul.u32 $0x1000193, v0;
	_ =	sdelay $0x1  }
0xc1: {  	v1 =	vand.u32 $0x7FFFFFFF, v0  }
0xc2: {  	v2 =	vmulhi.u32 $0x431BDE83, v1;
	_ =	sdelay $0x1  }
0xc3: {  	v2 =	vshrl.u32 v2, $0x11  }
0xc4: {  	v2 =	vmul.u32 $0x7A120, v2  }
0xc5: {  	v0 =	vshra.s32 v0, $0x1F  }
0xc6: {  	v0 =	vand.u32 $0x76140, v0;
	v1 =	vsub.s32 v1, v2  }
0xc7: {  	v0 =	vadd.s32 v0, v1  }
0xc8: {  	v1 =	vadd.s32 $0xFFF85EE0, v0  }
0xc9: {  	s1 =	sshra.s32 s28, $0x2;
	v0 =	vmin.u32 v0, v1  }
0xca: {  	[tilespmem:s1+$0x6600] =	vst v0  }
0xcb: {  	[tilespmem:s21], [sflag:$0x3] =	stream.indirect.gather [hbm4b:s3+s15], $0x80, s20, s15, $0xb8;
	[tilespmem:$0x19400] =	vst v63  }
0xcc: {  	_ =	swait.ge [sflag:s22], $0x6400  }
0xcd: {  	[sflag:s22] =	ssyncset.done $0x0  }
0xce: {  	s28 =	simm.s32 $0x0;
	[sflag:s22] =	ssyncadd.s32 $0xFFFF9C00  }
0xcf: {  	[hbm4b:s5+s28] =	stream.linear.scatter [tilespmem:s17], [sflag:$0x4], $0x6400, $0x38;
	[tilespmem:$0x19400] =	vst v63  }
0xd0: {  	_ =	swait.ge [sflag:s14], $0x6400  }
0xd1: {  	[sflag:s14] =	ssyncset.done $0x0  }
0xd2: {  	[sflag:s14] =	ssyncadd.s32 $0xFFFF9C00  }
0xd3: {  	[tilespmem:s17], [sflag:$0x1] =	stream.indirect.gather [hbm4b:s3+s15], $0x80, s23, s15, $0xb8;
	[tilespmem:$0x19400] =	vst v63  }
0xd4: {  	_ =	swait.ge [sflag:s24], $0x6400  }
0xd5: {  	[sflag:s24] =	ssyncset.done $0x0  }
0xd6: {  	[sflag:s24] =	ssyncadd.s32 $0xFFFF9C00  }
0xd7: {  	[hbm4b:s13+s28] =	stream.linear.scatter [tilespmem:s19], [sflag:$0x4], $0x6400, $0x38;
	[tilespmem:$0x19400] =	vst v63  }
0xd8: {  	s29 =	simm.s32 $0xC80;
	s1 =	simm.s32 $0x320;
	_ =	swait.ge [sflag:s14], $0x6400  }
0xd9: {  	s29 =	sand.u32 $0x1E00, s29;
	s1 =	sand.u32 $0x70, s1;
	[sflag:s14] =	ssyncset.done $0x0  }
0xda: {  	s1 =	sor.u32 s1, s29;
	[sflag:s14] =	ssyncadd.s32 $0xFFFF9C00  }
0xdb: {  	v0 =	vld [tilespmem:s1+$0x0];
	_ =	sdelay $0x2  }
0xdc: {  	v1 =	vld [tilespmem:s1+$0x80];
	_ =	sdelay $0x1  }
0xdd: {  	v0 =	vxor.u32 $0x811C9DC5, v0  }
0xde: {  	v2 =	vld [tilespmem:s1+$0x100];
	v0 =	vmul.u32 $0x1000193, v0;
	_ =	sdelay $0x1  }
0xdf: {  	v0 =	vxor.u32 v1, v0  }
0xe0: {  	v1 =	vld [tilespmem:s1+$0x180];
	v0 =	vmul.u32 $0x1000193, v0;
	_ =	sdelay $0x1  }
0xe1: {  	v0 =	vxor.u32 v2, v0  }
0xe2: {  	v0 =	vmul.u32 $0x1000193, v0;
	_ =	sdelay $0x1  }
0xe3: {  	v0 =	vxor.u32 v1, v0  }
0xe4: {  	v0 =	vmul.u32 $0x1000193, v0;
	_ =	sdelay $0x1  }
0xe5: {  	v1 =	vand.u32 $0x7FFFFFFF, v0  }
0xe6: {  	v2 =	vmulhi.u32 $0x431BDE83, v1;
	_ =	sdelay $0x1  }
0xe7: {  	v2 =	vshrl.u32 v2, $0x11  }
0xe8: {  	v2 =	vmul.u32 $0x7A120, v2  }
0xe9: {  	v0 =	vshra.s32 v0, $0x1F  }
0xea: {  	v0 =	vand.u32 $0x76140, v0;
	v1 =	vsub.s32 v1, v2  }
0xeb: {  	s30 =	simm.s32 $0x340;
	s1 =	simm.s32 $0x330;
	v0 =	vadd.s32 v0, v1  }
0xec: {  	s29 =	simm.s32 $0x40;
	s31 =	sand.u32 $0x70, s1;
	s1 =	simm.s32 $0xCC0;
	v1 =	vadd.s32 $0xFFF85EE0, v0  }
.LBB2_14:
0xed: {  	p0 =	sne.s32 s30, $0x4A0;
	s1 =	sand.u32 $0x1E00, s1;
	v0 =	vmin.u32 v0, v1;
	s28 =	sshra.s32 s28, $0x2  }
0xee: {  	s1 =	sor.u32 s31, s1;
	[tilespmem:s28+$0x6400] =	vst v0;
	s28 =	smov.u32 s29  }
0xef: {  	v0 =	vld [tilespmem:s1+$0x0];
	_ =	sdelay $0x2  }
0xf0: {  	v1 =	vld [tilespmem:s1+$0x80];
	_ =	sdelay $0x1  }
0xf1: {  	v0 =	vxor.u32 $0x811C9DC5, v0  }
0xf2: {  	v0 =	vmul.u32 $0x1000193, v0;
	v2 =	vld [tilespmem:s1+$0x100];
	_ =	sdelay $0x1  }
0xf3: {  	v0 =	vxor.u32 v1, v0  }
0xf4: {  	v0 =	vmul.u32 $0x1000193, v0;
	v1 =	vld [tilespmem:s1+$0x180];
	_ =	sdelay $0x1  }
0xf5: {  	v0 =	vxor.u32 v2, v0  }
0xf6: {  	v0 =	vmul.u32 $0x1000193, v0;
	_ =	sdelay $0x1  }
0xf7: {  	v0 =	vxor.u32 v1, v0  }
0xf8: {  	v0 =	vmul.u32 $0x1000193, v0;
	_ =	sdelay $0x1  }
0xf9: {  	v1 =	vand.u32 $0x7FFFFFFF, v0  }
0xfa: {  	v2 =	vmulhi.u32 $0x431BDE83, v1;
	_ =	sdelay $0x1  }
0xfb: {  	v2 =	vshrl.u32 v2, $0x11  }
.Ltmp6:
0xfc: {  	v2 =	vmul.u32 $0x7A120, v2;
	(pc) =	sbr.rel @p0 .LBB2_14-.Ltmp6, $4  }
0xfd: {  	v0 =	vshra.s32 v0, $0x1F  }
0xfe: {  	v0 =	vand.u32 $0x76140, v0;
	v1 =	vsub.s32 v1, v2  }
0xff: {  	s29 =	sadd.s32 $0x40, s29;
	v0 =	vadd.s32 v0, v1  }
0x100: {  	s31 =	sand.u32 $0x70, s30;
	s30 =	sadd.s32 $0x10, s30;
	s1 =	sadd.s32 $0xC80, s29;
	v1 =	vadd.s32 $0xFFF85EE0, v0  }
0x101: {  	s1 =	sand.u32 $0x1E00, s1;
	v0 =	vmin.u32 v0, v1;
	s28 =	sshra.s32 s28, $0x2  }
0x102: {  	s1 =	sor.u32 s31, s1;
	[tilespmem:s28+$0x6400] =	vst v0  }
0x103: {  	v0 =	vld [tilespmem:s1+$0x0];
	_ =	sdelay $0x2  }
0x104: {  	v1 =	vld [tilespmem:s1+$0x80];
	_ =	sdelay $0x1  }
0x105: {  	v0 =	vxor.u32 $0x811C9DC5, v0  }
0x106: {  	v2 =	vld [tilespmem:s1+$0x100];
	v0 =	vmul.u32 $0x1000193, v0;
	_ =	sdelay $0x1  }
0x107: {  	v0 =	vxor.u32 v1, v0  }
0x108: {  	v1 =	vld [tilespmem:s1+$0x180];
	v0 =	vmul.u32 $0x1000193, v0;
	_ =	sdelay $0x1  }
0x109: {  	v0 =	vxor.u32 v2, v0  }
0x10a: {  	v0 =	vmul.u32 $0x1000193, v0;
	_ =	sdelay $0x1  }
0x10b: {  	v0 =	vxor.u32 v1, v0  }
0x10c: {  	v0 =	vmul.u32 $0x1000193, v0;
	_ =	sdelay $0x1  }
0x10d: {  	v1 =	vand.u32 $0x7FFFFFFF, v0  }
0x10e: {  	v2 =	vmulhi.u32 $0x431BDE83, v1;
	_ =	sdelay $0x1  }
0x10f: {  	v2 =	vshrl.u32 v2, $0x11  }
0x110: {  	v2 =	vmul.u32 $0x7A120, v2  }
0x111: {  	v0 =	vshra.s32 v0, $0x1F  }
0x112: {  	v0 =	vand.u32 $0x76140, v0;
	v1 =	vsub.s32 v1, v2  }
0x113: {  	v0 =	vadd.s32 v0, v1  }
0x114: {  	v1 =	vadd.s32 $0xFFF85EE0, v0  }
0x115: {  	s1 =	sshra.s32 s29, $0x2;
	v0 =	vmin.u32 v0, v1  }
0x116: {  	[tilespmem:s1+$0x6400] =	vst v0  }
0x117: {  	[tilespmem:s19], [sflag:$0x2] =	stream.indirect.gather [hbm4b:s3+s15], $0x80, s16, s15, $0xb8;
	[tilespmem:$0x19400] =	vst v63  }
0x118: {  	_ =	swait.ge [sflag:s25], $0x6400  }
0x119: {  	[sflag:s25] =	ssyncset.done $0x0  }
0x11a: {  	s28 =	simm.s32 $0x0;
	s1 =	rddreg [dreg:$0x3];
	[sflag:s25] =	ssyncadd.s32 $0xFFFF9C00  }
0x11b: {  	[hbm4b:s1+s28] =	stream.linear.scatter [tilespmem:s21], [sflag:$0x4], $0x6400, $0x38;
	[tilespmem:$0x19400] =	vst v63  }
0x11c: {  	_ =	swait.ge [sflag:s14], $0x6400  }
0x11d: {  	[sflag:s14] =	ssyncset.done $0x0  }
0x11e: {  	[sflag:s14] =	ssyncadd.s32 $0xFFFF9C00  }
0x11f: {  	[tilespmem:s21], [sflag:$0x3] =	stream.indirect.gather [hbm4b:s3+s15], $0x80, s18, s15, $0xb8;
	[tilespmem:$0x19400] =	vst v63  }
0x120: {  	_ =	swait.ge [sflag:s22], $0x6400  }
0x121: {  	[sflag:s22] =	ssyncset.done $0x0  }
0x122: {  	s1 =	rddreg [dreg:$0x4];
	[sflag:s22] =	ssyncadd.s32 $0xFFFF9C00  }
0x123: {  	[hbm4b:s1+s28] =	stream.linear.scatter [tilespmem:s17], [sflag:$0x4], $0x6400, $0x38;
	[tilespmem:$0x19400] =	vst v63  }
0x124: {  	s29 =	simm.s32 $0x12C0;
	s1 =	simm.s32 $0x4B0;
	_ =	swait.ge [sflag:s14], $0x6400  }
0x125: {  	s29 =	sand.u32 $0x1E00, s29;
	s1 =	sand.u32 $0x70, s1;
	[sflag:s14] =	ssyncset.done $0x0  }
0x126: {  	s1 =	sor.u32 s1, s29;
	[sflag:s14] =	ssyncadd.s32 $0xFFFF9C00  }
0x127: {  	v0 =	vld [tilespmem:s1+$0x0];
	_ =	sdelay $0x2  }
0x128: {  	v1 =	vld [tilespmem:s1+$0x80];
	_ =	sdelay $0x1  }
0x129: {  	v0 =	vxor.u32 $0x811C9DC5, v0  }
0x12a: {  	v2 =	vld [tilespmem:s1+$0x100];
	v0 =	vmul.u32 $0x1000193, v0;
	_ =	sdelay $0x1  }
0x12b: {  	v0 =	vxor.u32 v1, v0  }
0x12c: {  	v1 =	vld [tilespmem:s1+$0x180];
	v0 =	vmul.u32 $0x1000193, v0;
	_ =	sdelay $0x1  }
0x12d: {  	v0 =	vxor.u32 v2, v0  }
0x12e: {  	v0 =	vmul.u32 $0x1000193, v0;
	_ =	sdelay $0x1  }
0x12f: {  	v0 =	vxor.u32 v1, v0  }
0x130: {  	v0 =	vmul.u32 $0x1000193, v0;
	_ =	sdelay $0x1  }
0x131: {  	v1 =	vand.u32 $0x7FFFFFFF, v0  }
0x132: {  	v2 =	vmulhi.u32 $0x431BDE83, v1;
	_ =	sdelay $0x1  }
0x133: {  	v2 =	vshrl.u32 v2, $0x11  }
0x134: {  	v2 =	vmul.u32 $0x7A120, v2  }
0x135: {  	v0 =	vshra.s32 v0, $0x1F  }
0x136: {  	v0 =	vand.u32 $0x76140, v0;
	v1 =	vsub.s32 v1, v2  }
0x137: {  	s30 =	simm.s32 $0x4D0;
	s1 =	simm.s32 $0x4C0;
	v0 =	vadd.s32 v0, v1  }
0x138: {  	s29 =	simm.s32 $0x40;
	s31 =	sand.u32 $0x70, s1;
	s1 =	simm.s32 $0x1300;
	v1 =	vadd.s32 $0xFFF85EE0, v0  }
.LBB2_16:
0x139: {  	p0 =	sne.s32 s30, $0x630;
	s1 =	sand.u32 $0x1E00, s1;
	v0 =	vmin.u32 v0, v1;
	s28 =	sshra.s32 s28, $0x2  }
0x13a: {  	s1 =	sor.u32 s31, s1;
	[tilespmem:s28+$0x6600] =	vst v0;
	s28 =	smov.u32 s29  }
0x13b: {  	v0 =	vld [tilespmem:s1+$0x0];
	_ =	sdelay $0x2  }
0x13c: {  	v1 =	vld [tilespmem:s1+$0x80];
	_ =	sdelay $0x1  }
0x13d: {  	v0 =	vxor.u32 $0x811C9DC5, v0  }
0x13e: {  	v0 =	vmul.u32 $0x1000193, v0;
	v2 =	vld [tilespmem:s1+$0x100];
	_ =	sdelay $0x1  }
0x13f: {  	v0 =	vxor.u32 v1, v0  }
0x140: {  	v0 =	vmul.u32 $0x1000193, v0;
	v1 =	vld [tilespmem:s1+$0x180];
	_ =	sdelay $0x1  }
0x141: {  	v0 =	vxor.u32 v2, v0  }
0x142: {  	v0 =	vmul.u32 $0x1000193, v0;
	_ =	sdelay $0x1  }
0x143: {  	v0 =	vxor.u32 v1, v0  }
0x144: {  	v0 =	vmul.u32 $0x1000193, v0;
	_ =	sdelay $0x1  }
0x145: {  	v1 =	vand.u32 $0x7FFFFFFF, v0  }
0x146: {  	v2 =	vmulhi.u32 $0x431BDE83, v1;
	_ =	sdelay $0x1  }
0x147: {  	v2 =	vshrl.u32 v2, $0x11  }
.Ltmp7:
0x148: {  	v2 =	vmul.u32 $0x7A120, v2;
	(pc) =	sbr.rel @p0 .LBB2_16-.Ltmp7, $4  }
0x149: {  	v0 =	vshra.s32 v0, $0x1F  }
0x14a: {  	v0 =	vand.u32 $0x76140, v0;
	v1 =	vsub.s32 v1, v2  }
0x14b: {  	s29 =	sadd.s32 $0x40, s29;
	v0 =	vadd.s32 v0, v1  }
0x14c: {  	s31 =	sand.u32 $0x70, s30;
	s30 =	sadd.s32 $0x10, s30;
	s1 =	sadd.s32 $0x12C0, s29;
	v1 =	vadd.s32 $0xFFF85EE0, v0  }
0x14d: {  	s1 =	sand.u32 $0x1E00, s1;
	v0 =	vmin.u32 v0, v1;
	s28 =	sshra.s32 s28, $0x2  }
0x14e: {  	s1 =	sor.u32 s31, s1;
	[tilespmem:s28+$0x6600] =	vst v0  }
0x14f: {  	v0 =	vld [tilespmem:s1+$0x0];
	_ =	sdelay $0x2  }
0x150: {  	v1 =	vld [tilespmem:s1+$0x80];
	_ =	sdelay $0x1  }
0x151: {  	v0 =	vxor.u32 $0x811C9DC5, v0  }
0x152: {  	v2 =	vld [tilespmem:s1+$0x100];
	v0 =	vmul.u32 $0x1000193, v0;
	_ =	sdelay $0x1  }
0x153: {  	v0 =	vxor.u32 v1, v0  }
0x154: {  	v1 =	vld [tilespmem:s1+$0x180];
	v0 =	vmul.u32 $0x1000193, v0;
	_ =	sdelay $0x1  }
0x155: {  	v0 =	vxor.u32 v2, v0  }
0x156: {  	v0 =	vmul.u32 $0x1000193, v0;
	_ =	sdelay $0x1  }
0x157: {  	v0 =	vxor.u32 v1, v0  }
0x158: {  	v0 =	vmul.u32 $0x1000193, v0;
	_ =	sdelay $0x1  }
0x159: {  	v1 =	vand.u32 $0x7FFFFFFF, v0  }
0x15a: {  	v2 =	vmulhi.u32 $0x431BDE83, v1;
	_ =	sdelay $0x1  }
0x15b: {  	v2 =	vshrl.u32 v2, $0x11  }
0x15c: {  	v2 =	vmul.u32 $0x7A120, v2  }
0x15d: {  	v0 =	vshra.s32 v0, $0x1F  }
0x15e: {  	v0 =	vand.u32 $0x76140, v0;
	v1 =	vsub.s32 v1, v2  }
0x15f: {  	v0 =	vadd.s32 v0, v1  }
0x160: {  	v1 =	vadd.s32 $0xFFF85EE0, v0  }
0x161: {  	s1 =	sshra.s32 s29, $0x2;
	v0 =	vmin.u32 v0, v1  }
0x162: {  	[tilespmem:s1+$0x6600] =	vst v0  }
0x163: {  	[tilespmem:s17], [sflag:$0x1] =	stream.indirect.gather [hbm4b:s3+s15], $0x80, s20, s15, $0xb8;
	[tilespmem:$0x19400] =	vst v63  }
0x164: {  	_ =	swait.ge [sflag:s24], $0x6400  }
0x165: {  	[sflag:s24] =	ssyncset.done $0x0  }
0x166: {  	s28 =	simm.s32 $0x0;
	s1 =	rddreg [dreg:$0x5];
	[sflag:s24] =	ssyncadd.s32 $0xFFFF9C00  }
0x167: {  	[hbm4b:s1+s28] =	stream.linear.scatter [tilespmem:s19], [sflag:$0x4], $0x6400, $0x38;
	[tilespmem:$0x19400] =	vst v63  }
0x168: {  	_ =	swait.ge [sflag:s14], $0x6400  }
0x169: {  	[sflag:s14] =	ssyncset.done $0x0  }
0x16a: {  	[sflag:s14] =	ssyncadd.s32 $0xFFFF9C00  }
0x16b: {  	[tilespmem:s19], [sflag:$0x2] =	stream.indirect.gather [hbm4b:s3+s15], $0x80, s23, s15, $0xb8;
	[tilespmem:$0x19400] =	vst v63  }
0x16c: {  	_ =	swait.ge [sflag:s25], $0x6400  }
0x16d: {  	[sflag:s25] =	ssyncset.done $0x0  }
0x16e: {  	s1 =	rddreg [dreg:$0x6];
	[sflag:s25] =	ssyncadd.s32 $0xFFFF9C00  }
0x16f: {  	[hbm4b:s1+s28] =	stream.linear.scatter [tilespmem:s21], [sflag:$0x4], $0x6400, $0x38;
	[tilespmem:$0x19400] =	vst v63  }
0x170: {  	s29 =	simm.s32 $0x1900;
	s1 =	simm.s32 $0x640;
	_ =	swait.ge [sflag:s14], $0x6400  }
0x171: {  	s29 =	sand.u32 $0x3E00, s29;
	s1 =	sand.u32 $0x70, s1;
	[sflag:s14] =	ssyncset.done $0x0  }
0x172: {  	s1 =	sor.u32 s1, s29;
	[sflag:s14] =	ssyncadd.s32 $0xFFFF9C00  }
0x173: {  	v0 =	vld [tilespmem:s1+$0x0];
	_ =	sdelay $0x2  }
0x174: {  	v1 =	vld [tilespmem:s1+$0x80];
	_ =	sdelay $0x1  }
0x175: {  	v0 =	vxor.u32 $0x811C9DC5, v0  }
0x176: {  	v2 =	vld [tilespmem:s1+$0x100];
	v0 =	vmul.u32 $0x1000193, v0;
	_ =	sdelay $0x1  }
0x177: {  	v0 =	vxor.u32 v1, v0  }
0x178: {  	v1 =	vld [tilespmem:s1+$0x180];
	v0 =	vmul.u32 $0x1000193, v0;
	_ =	sdelay $0x1  }
0x179: {  	v0 =	vxor.u32 v2, v0  }
0x17a: {  	v0 =	vmul.u32 $0x1000193, v0;
	_ =	sdelay $0x1  }
0x17b: {  	v0 =	vxor.u32 v1, v0  }
0x17c: {  	v0 =	vmul.u32 $0x1000193, v0;
	_ =	sdelay $0x1  }
0x17d: {  	v1 =	vand.u32 $0x7FFFFFFF, v0  }
0x17e: {  	v2 =	vmulhi.u32 $0x431BDE83, v1;
	_ =	sdelay $0x1  }
0x17f: {  	v2 =	vshrl.u32 v2, $0x11  }
0x180: {  	v2 =	vmul.u32 $0x7A120, v2  }
0x181: {  	v0 =	vshra.s32 v0, $0x1F  }
0x182: {  	v0 =	vand.u32 $0x76140, v0;
	v1 =	vsub.s32 v1, v2  }
0x183: {  	s30 =	simm.s32 $0x660;
	s1 =	simm.s32 $0x650;
	v0 =	vadd.s32 v0, v1  }
0x184: {  	s29 =	simm.s32 $0x40;
	s31 =	sand.u32 $0x70, s1;
	s1 =	simm.s32 $0x1940;
	v1 =	vadd.s32 $0xFFF85EE0, v0  }
.LBB2_18:
0x185: {  	p0 =	sne.s32 s30, $0x7C0;
	s1 =	sand.u32 $0x3E00, s1;
	v0 =	vmin.u32 v0, v1;
	s28 =	sshra.s32 s28, $0x2  }
0x186: {  	s1 =	sor.u32 s31, s1;
	[tilespmem:s28+$0x6400] =	vst v0;
	s28 =	smov.u32 s29  }
0x187: {  	v0 =	vld [tilespmem:s1+$0x0];
	_ =	sdelay $0x2  }
0x188: {  	v1 =	vld [tilespmem:s1+$0x80];
	_ =	sdelay $0x1  }
0x189: {  	v0 =	vxor.u32 $0x811C9DC5, v0  }
0x18a: {  	v0 =	vmul.u32 $0x1000193, v0;
	v2 =	vld [tilespmem:s1+$0x100];
	_ =	sdelay $0x1  }
0x18b: {  	v0 =	vxor.u32 v1, v0  }
0x18c: {  	v0 =	vmul.u32 $0x1000193, v0;
	v1 =	vld [tilespmem:s1+$0x180];
	_ =	sdelay $0x1  }
0x18d: {  	v0 =	vxor.u32 v2, v0  }
0x18e: {  	v0 =	vmul.u32 $0x1000193, v0;
	_ =	sdelay $0x1  }
0x18f: {  	v0 =	vxor.u32 v1, v0  }
0x190: {  	v0 =	vmul.u32 $0x1000193, v0;
	_ =	sdelay $0x1  }
0x191: {  	v1 =	vand.u32 $0x7FFFFFFF, v0  }
0x192: {  	v2 =	vmulhi.u32 $0x431BDE83, v1;
	_ =	sdelay $0x1  }
0x193: {  	v2 =	vshrl.u32 v2, $0x11  }
.Ltmp8:
0x194: {  	v2 =	vmul.u32 $0x7A120, v2;
	(pc) =	sbr.rel @p0 .LBB2_18-.Ltmp8, $4  }
0x195: {  	v0 =	vshra.s32 v0, $0x1F  }
0x196: {  	v0 =	vand.u32 $0x76140, v0;
	v1 =	vsub.s32 v1, v2  }
0x197: {  	s29 =	sadd.s32 $0x40, s29;
	v0 =	vadd.s32 v0, v1  }
0x198: {  	s31 =	sand.u32 $0x70, s30;
	s30 =	sadd.s32 $0x10, s30;
	s1 =	sadd.s32 $0x1900, s29;
	v1 =	vadd.s32 $0xFFF85EE0, v0  }
0x199: {  	s1 =	sand.u32 $0x3E00, s1;
	v0 =	vmin.u32 v0, v1;
	s28 =	sshra.s32 s28, $0x2  }
0x19a: {  	s1 =	sor.u32 s31, s1;
	[tilespmem:s28+$0x6400] =	vst v0  }
0x19b: {  	v0 =	vld [tilespmem:s1+$0x0];
	_ =	sdelay $0x2  }
0x19c: {  	v1 =	vld [tilespmem:s1+$0x80];
	_ =	sdelay $0x1  }
0x19d: {  	v0 =	vxor.u32 $0x811C9DC5, v0  }
0x19e: {  	v2 =	vld [tilespmem:s1+$0x100];
	v0 =	vmul.u32 $0x1000193, v0;
	_ =	sdelay $0x1  }
0x19f: {  	v0 =	vxor.u32 v1, v0  }
0x1a0: {  	v1 =	vld [tilespmem:s1+$0x180];
	v0 =	vmul.u32 $0x1000193, v0;
	_ =	sdelay $0x1  }
0x1a1: {  	v0 =	vxor.u32 v2, v0  }
0x1a2: {  	v0 =	vmul.u32 $0x1000193, v0;
	_ =	sdelay $0x1  }
0x1a3: {  	v0 =	vxor.u32 v1, v0  }
0x1a4: {  	v0 =	vmul.u32 $0x1000193, v0;
	_ =	sdelay $0x1  }
0x1a5: {  	v1 =	vand.u32 $0x7FFFFFFF, v0  }
0x1a6: {  	v2 =	vmulhi.u32 $0x431BDE83, v1;
	_ =	sdelay $0x1  }
0x1a7: {  	v2 =	vshrl.u32 v2, $0x11  }
0x1a8: {  	v2 =	vmul.u32 $0x7A120, v2  }
0x1a9: {  	v0 =	vshra.s32 v0, $0x1F  }
0x1aa: {  	v0 =	vand.u32 $0x76140, v0;
	v1 =	vsub.s32 v1, v2  }
0x1ab: {  	v0 =	vadd.s32 v0, v1  }
0x1ac: {  	v1 =	vadd.s32 $0xFFF85EE0, v0  }
0x1ad: {  	s1 =	sshra.s32 s29, $0x2;
	v0 =	vmin.u32 v0, v1  }
0x1ae: {  	[tilespmem:s1+$0x6400] =	vst v0  }
0x1af: {  	[tilespmem:s21], [sflag:$0x3] =	stream.indirect.gather [hbm4b:s3+s15], $0x80, s16, s15, $0xb8;
	[tilespmem:$0x19400] =	vst v63  }
0x1b0: {  	_ =	swait.ge [sflag:s22], $0x6400  }
0x1b1: {  	[sflag:s22] =	ssyncset.done $0x0  }
0x1b2: {  	s28 =	simm.s32 $0x0;
	s1 =	rddreg [dreg:$0x7];
	[sflag:s22] =	ssyncadd.s32 $0xFFFF9C00  }
0x1b3: {  	[hbm4b:s1+s28] =	stream.linear.scatter [tilespmem:s17], [sflag:$0x4], $0x6400, $0x38;
	[tilespmem:$0x19400] =	vst v63  }
0x1b4: {  	_ =	swait.ge [sflag:s14], $0x6400  }
0x1b5: {  	[sflag:s14] =	ssyncset.done $0x0  }
0x1b6: {  	[sflag:s14] =	ssyncadd.s32 $0xFFFF9C00  }
0x1b7: {  	[tilespmem:s17], [sflag:$0x1] =	stream.indirect.gather [hbm4b:s3+s15], $0x80, s18, s15, $0xb8;
	[tilespmem:$0x19400] =	vst v63  }
0x1b8: {  	_ =	swait.ge [sflag:s24], $0x6400  }
0x1b9: {  	[sflag:s24] =	ssyncset.done $0x0  }
0x1ba: {  	s1 =	rddreg [dreg:$0x8];
	[sflag:s24] =	ssyncadd.s32 $0xFFFF9C00  }
0x1bb: {  	[hbm4b:s1+s28] =	stream.linear.scatter [tilespmem:s19], [sflag:$0x4], $0x6400, $0x38;
	[tilespmem:$0x19400] =	vst v63  }
0x1bc: {  	s29 =	simm.s32 $0x1F40;
	s1 =	simm.s32 $0x7D0;
	_ =	swait.ge [sflag:s14], $0x6400  }
0x1bd: {  	s29 =	sand.u32 $0x3E00, s29;
	s1 =	sand.u32 $0x70, s1;
	[sflag:s14] =	ssyncset.done $0x0  }
0x1be: {  	s1 =	sor.u32 s1, s29;
	[sflag:s14] =	ssyncadd.s32 $0xFFFF9C00  }
0x1bf: {  	v0 =	vld [tilespmem:s1+$0x0];
	_ =	sdelay $0x2  }
0x1c0: {  	v1 =	vld [tilespmem:s1+$0x80];
	_ =	sdelay $0x1  }
0x1c1: {  	v0 =	vxor.u32 $0x811C9DC5, v0  }
0x1c2: {  	v2 =	vld [tilespmem:s1+$0x100];
	v0 =	vmul.u32 $0x1000193, v0;
	_ =	sdelay $0x1  }
0x1c3: {  	v0 =	vxor.u32 v1, v0  }
0x1c4: {  	v1 =	vld [tilespmem:s1+$0x180];
	v0 =	vmul.u32 $0x1000193, v0;
	_ =	sdelay $0x1  }
0x1c5: {  	v0 =	vxor.u32 v2, v0  }
0x1c6: {  	v0 =	vmul.u32 $0x1000193, v0;
	_ =	sdelay $0x1  }
0x1c7: {  	v0 =	vxor.u32 v1, v0  }
0x1c8: {  	v0 =	vmul.u32 $0x1000193, v0;
	_ =	sdelay $0x1  }
0x1c9: {  	v1 =	vand.u32 $0x7FFFFFFF, v0  }
0x1ca: {  	v2 =	vmulhi.u32 $0x431BDE83, v1;
	_ =	sdelay $0x1  }
0x1cb: {  	v2 =	vshrl.u32 v2, $0x11  }
0x1cc: {  	v2 =	vmul.u32 $0x7A120, v2  }
0x1cd: {  	v0 =	vshra.s32 v0, $0x1F  }
0x1ce: {  	v0 =	vand.u32 $0x76140, v0;
	v1 =	vsub.s32 v1, v2  }
0x1cf: {  	s30 =	simm.s32 $0x7F0;
	s1 =	simm.s32 $0x7E0;
	v0 =	vadd.s32 v0, v1  }
0x1d0: {  	s29 =	simm.s32 $0x40;
	s31 =	sand.u32 $0x70, s1;
	s1 =	simm.s32 $0x1F80;
	v1 =	vadd.s32 $0xFFF85EE0, v0  }
.LBB2_20:
0x1d1: {  	p0 =	sne.s32 s30, $0x950;
	s1 =	sand.u32 $0x3E00, s1;
	v0 =	vmin.u32 v0, v1;
	s28 =	sshra.s32 s28, $0x2  }
0x1d2: {  	s1 =	sor.u32 s31, s1;
	[tilespmem:s28+$0x6600] =	vst v0;
	s28 =	smov.u32 s29  }
0x1d3: {  	v0 =	vld [tilespmem:s1+$0x0];
	_ =	sdelay $0x2  }
0x1d4: {  	v1 =	vld [tilespmem:s1+$0x80];
	_ =	sdelay $0x1  }
0x1d5: {  	v0 =	vxor.u32 $0x811C9DC5, v0  }
0x1d6: {  	v0 =	vmul.u32 $0x1000193, v0;
	v2 =	vld [tilespmem:s1+$0x100];
	_ =	sdelay $0x1  }
0x1d7: {  	v0 =	vxor.u32 v1, v0  }
0x1d8: {  	v0 =	vmul.u32 $0x1000193, v0;
	v1 =	vld [tilespmem:s1+$0x180];
	_ =	sdelay $0x1  }
0x1d9: {  	v0 =	vxor.u32 v2, v0  }
0x1da: {  	v0 =	vmul.u32 $0x1000193, v0;
	_ =	sdelay $0x1  }
0x1db: {  	v0 =	vxor.u32 v1, v0  }
0x1dc: {  	v0 =	vmul.u32 $0x1000193, v0;
	_ =	sdelay $0x1  }
0x1dd: {  	v1 =	vand.u32 $0x7FFFFFFF, v0  }
0x1de: {  	v2 =	vmulhi.u32 $0x431BDE83, v1;
	_ =	sdelay $0x1  }
0x1df: {  	v2 =	vshrl.u32 v2, $0x11  }
.Ltmp9:
0x1e0: {  	v2 =	vmul.u32 $0x7A120, v2;
	(pc) =	sbr.rel @p0 .LBB2_20-.Ltmp9, $4  }
0x1e1: {  	v0 =	vshra.s32 v0, $0x1F  }
0x1e2: {  	v0 =	vand.u32 $0x76140, v0;
	v1 =	vsub.s32 v1, v2  }
0x1e3: {  	s29 =	sadd.s32 $0x40, s29;
	v0 =	vadd.s32 v0, v1  }
0x1e4: {  	s31 =	sand.u32 $0x70, s30;
	s30 =	sadd.s32 $0x10, s30;
	s1 =	sadd.s32 $0x1F40, s29;
	v1 =	vadd.s32 $0xFFF85EE0, v0  }
0x1e5: {  	s1 =	sand.u32 $0x3E00, s1;
	v0 =	vmin.u32 v0, v1;
	s28 =	sshra.s32 s28, $0x2  }
0x1e6: {  	s1 =	sor.u32 s31, s1;
	[tilespmem:s28+$0x6600] =	vst v0  }
0x1e7: {  	v0 =	vld [tilespmem:s1+$0x0];
	_ =	sdelay $0x2  }
0x1e8: {  	v1 =	vld [tilespmem:s1+$0x80];
	_ =	sdelay $0x1  }
0x1e9: {  	v0 =	vxor.u32 $0x811C9DC5, v0  }
0x1ea: {  	v2 =	vld [tilespmem:s1+$0x100];
	v0 =	vmul.u32 $0x1000193, v0;
	_ =	sdelay $0x1  }
0x1eb: {  	v0 =	vxor.u32 v1, v0  }
0x1ec: {  	v1 =	vld [tilespmem:s1+$0x180];
	v0 =	vmul.u32 $0x1000193, v0;
	_ =	sdelay $0x1  }
0x1ed: {  	v0 =	vxor.u32 v2, v0  }
0x1ee: {  	v0 =	vmul.u32 $0x1000193, v0;
	_ =	sdelay $0x1  }
0x1ef: {  	v0 =	vxor.u32 v1, v0  }
0x1f0: {  	v0 =	vmul.u32 $0x1000193, v0;
	_ =	sdelay $0x1  }
0x1f1: {  	v1 =	vand.u32 $0x7FFFFFFF, v0  }
0x1f2: {  	v2 =	vmulhi.u32 $0x431BDE83, v1;
	_ =	sdelay $0x1  }
0x1f3: {  	v2 =	vshrl.u32 v2, $0x11  }
0x1f4: {  	v2 =	vmul.u32 $0x7A120, v2  }
0x1f5: {  	v0 =	vshra.s32 v0, $0x1F  }
0x1f6: {  	v0 =	vand.u32 $0x76140, v0;
	v1 =	vsub.s32 v1, v2  }
0x1f7: {  	v0 =	vadd.s32 v0, v1  }
0x1f8: {  	v1 =	vadd.s32 $0xFFF85EE0, v0  }
0x1f9: {  	s1 =	sshra.s32 s29, $0x2;
	v0 =	vmin.u32 v0, v1  }
0x1fa: {  	[tilespmem:s1+$0x6600] =	vst v0  }
0x1fb: {  	[tilespmem:s19], [sflag:$0x2] =	stream.indirect.gather [hbm4b:s3+s15], $0x80, s20, s15, $0xb8;
	[tilespmem:$0x19400] =	vst v63  }
0x1fc: {  	_ =	swait.ge [sflag:s25], $0x6400  }
0x1fd: {  	[sflag:s25] =	ssyncset.done $0x0  }
0x1fe: {  	s28 =	simm.s32 $0x0;
	s1 =	rddreg [dreg:$0x9];
	[sflag:s25] =	ssyncadd.s32 $0xFFFF9C00  }
0x1ff: {  	[hbm4b:s1+s28] =	stream.linear.scatter [tilespmem:s21], [sflag:$0x4], $0x6400, $0x38;
	[tilespmem:$0x19400] =	vst v63  }
0x200: {  	_ =	swait.ge [sflag:s14], $0x6400  }
0x201: {  	[sflag:s14] =	ssyncset.done $0x0  }
0x202: {  	[sflag:s14] =	ssyncadd.s32 $0xFFFF9C00  }
0x203: {  	[tilespmem:s21], [sflag:$0x3] =	stream.indirect.gather [hbm4b:s3+s15], $0x80, s23, s15, $0xb8;
	[tilespmem:$0x19400] =	vst v63  }
0x204: {  	_ =	swait.ge [sflag:s22], $0x6400  }
0x205: {  	[sflag:s22] =	ssyncset.done $0x0  }
0x206: {  	s1 =	rddreg [dreg:$0xa];
	[sflag:s22] =	ssyncadd.s32 $0xFFFF9C00  }
0x207: {  	[hbm4b:s1+s28] =	stream.linear.scatter [tilespmem:s17], [sflag:$0x4], $0x6400, $0x38;
	[tilespmem:$0x19400] =	vst v63  }
0x208: {  	s29 =	simm.s32 $0x2580;
	s1 =	simm.s32 $0x960;
	_ =	swait.ge [sflag:s14], $0x6400  }
0x209: {  	s29 =	sand.u32 $0x2E00, s29;
	s1 =	sand.u32 $0x70, s1;
	[sflag:s14] =	ssyncset.done $0x0  }
0x20a: {  	s1 =	sor.u32 s1, s29;
	[sflag:s14] =	ssyncadd.s32 $0xFFFF9C00  }
0x20b: {  	v0 =	vld [tilespmem:s1+$0x0];
	_ =	sdelay $0x2  }
0x20c: {  	v1 =	vld [tilespmem:s1+$0x80];
	_ =	sdelay $0x1  }
0x20d: {  	v0 =	vxor.u32 $0x811C9DC5, v0  }
0x20e: {  	v2 =	vld [tilespmem:s1+$0x100];
	v0 =	vmul.u32 $0x1000193, v0;
	_ =	sdelay $0x1  }
0x20f: {  	v0 =	vxor.u32 v1, v0  }
0x210: {  	v1 =	vld [tilespmem:s1+$0x180];
	v0 =	vmul.u32 $0x1000193, v0;
	_ =	sdelay $0x1  }
0x211: {  	v0 =	vxor.u32 v2, v0  }
0x212: {  	v0 =	vmul.u32 $0x1000193, v0;
	_ =	sdelay $0x1  }
0x213: {  	v0 =	vxor.u32 v1, v0  }
0x214: {  	v0 =	vmul.u32 $0x1000193, v0;
	_ =	sdelay $0x1  }
0x215: {  	v1 =	vand.u32 $0x7FFFFFFF, v0  }
0x216: {  	v2 =	vmulhi.u32 $0x431BDE83, v1;
	_ =	sdelay $0x1  }
0x217: {  	v2 =	vshrl.u32 v2, $0x11  }
0x218: {  	v2 =	vmul.u32 $0x7A120, v2  }
0x219: {  	v0 =	vshra.s32 v0, $0x1F  }
0x21a: {  	v0 =	vand.u32 $0x76140, v0;
	v1 =	vsub.s32 v1, v2  }
0x21b: {  	s30 =	simm.s32 $0x980;
	s1 =	simm.s32 $0x970;
	v0 =	vadd.s32 v0, v1  }
0x21c: {  	s29 =	simm.s32 $0x40;
	s31 =	sand.u32 $0x70, s1;
	s1 =	simm.s32 $0x25C0;
	v1 =	vadd.s32 $0xFFF85EE0, v0  }
.LBB2_22:
0x21d: {  	p0 =	sne.s32 s30, $0xAE0;
	s1 =	sand.u32 $0x2E00, s1;
	v0 =	vmin.u32 v0, v1;
	s28 =	sshra.s32 s28, $0x2  }
0x21e: {  	s1 =	sor.u32 s31, s1;
	[tilespmem:s28+$0x6400] =	vst v0;
	s28 =	smov.u32 s29  }
0x21f: {  	v0 =	vld [tilespmem:s1+$0x0];
	_ =	sdelay $0x2  }
0x220: {  	v1 =	vld [tilespmem:s1+$0x80];
	_ =	sdelay $0x1  }
0x221: {  	v0 =	vxor.u32 $0x811C9DC5, v0  }
0x222: {  	v0 =	vmul.u32 $0x1000193, v0;
	v2 =	vld [tilespmem:s1+$0x100];
	_ =	sdelay $0x1  }
0x223: {  	v0 =	vxor.u32 v1, v0  }
0x224: {  	v0 =	vmul.u32 $0x1000193, v0;
	v1 =	vld [tilespmem:s1+$0x180];
	_ =	sdelay $0x1  }
0x225: {  	v0 =	vxor.u32 v2, v0  }
0x226: {  	v0 =	vmul.u32 $0x1000193, v0;
	_ =	sdelay $0x1  }
0x227: {  	v0 =	vxor.u32 v1, v0  }
0x228: {  	v0 =	vmul.u32 $0x1000193, v0;
	_ =	sdelay $0x1  }
0x229: {  	v1 =	vand.u32 $0x7FFFFFFF, v0  }
0x22a: {  	v2 =	vmulhi.u32 $0x431BDE83, v1;
	_ =	sdelay $0x1  }
0x22b: {  	v2 =	vshrl.u32 v2, $0x11  }
.Ltmp10:
0x22c: {  	v2 =	vmul.u32 $0x7A120, v2;
	(pc) =	sbr.rel @p0 .LBB2_22-.Ltmp10, $4  }
0x22d: {  	v0 =	vshra.s32 v0, $0x1F  }
0x22e: {  	v0 =	vand.u32 $0x76140, v0;
	v1 =	vsub.s32 v1, v2  }
0x22f: {  	s29 =	sadd.s32 $0x40, s29;
	v0 =	vadd.s32 v0, v1  }
0x230: {  	s31 =	sand.u32 $0x70, s30;
	s30 =	sadd.s32 $0x10, s30;
	s1 =	sadd.s32 $0x2580, s29;
	v1 =	vadd.s32 $0xFFF85EE0, v0  }
0x231: {  	s1 =	sand.u32 $0x2E00, s1;
	v0 =	vmin.u32 v0, v1;
	s28 =	sshra.s32 s28, $0x2  }
0x232: {  	s1 =	sor.u32 s31, s1;
	[tilespmem:s28+$0x6400] =	vst v0  }
0x233: {  	v0 =	vld [tilespmem:s1+$0x0];
	_ =	sdelay $0x2  }
0x234: {  	v1 =	vld [tilespmem:s1+$0x80];
	_ =	sdelay $0x1  }
0x235: {  	v0 =	vxor.u32 $0x811C9DC5, v0  }
0x236: {  	v2 =	vld [tilespmem:s1+$0x100];
	v0 =	vmul.u32 $0x1000193, v0;
	_ =	sdelay $0x1  }
0x237: {  	v0 =	vxor.u32 v1, v0  }
0x238: {  	v1 =	vld [tilespmem:s1+$0x180];
	v0 =	vmul.u32 $0x1000193, v0;
	_ =	sdelay $0x1  }
0x239: {  	v0 =	vxor.u32 v2, v0  }
0x23a: {  	v0 =	vmul.u32 $0x1000193, v0;
	_ =	sdelay $0x1  }
0x23b: {  	v0 =	vxor.u32 v1, v0  }
0x23c: {  	v0 =	vmul.u32 $0x1000193, v0;
	_ =	sdelay $0x1  }
0x23d: {  	v1 =	vand.u32 $0x7FFFFFFF, v0  }
0x23e: {  	v2 =	vmulhi.u32 $0x431BDE83, v1;
	_ =	sdelay $0x1  }
0x23f: {  	v2 =	vshrl.u32 v2, $0x11  }
0x240: {  	v2 =	vmul.u32 $0x7A120, v2  }
0x241: {  	v0 =	vshra.s32 v0, $0x1F  }
0x242: {  	v0 =	vand.u32 $0x76140, v0;
	v1 =	vsub.s32 v1, v2  }
0x243: {  	v0 =	vadd.s32 v0, v1  }
0x244: {  	v1 =	vadd.s32 $0xFFF85EE0, v0  }
0x245: {  	s1 =	sshra.s32 s29, $0x2;
	v0 =	vmin.u32 v0, v1  }
0x246: {  	[tilespmem:s1+$0x6400] =	vst v0  }
0x247: {  	[tilespmem:s17], [sflag:$0x1] =	stream.indirect.gather [hbm4b:s3+s15], $0x80, s16, s15, $0xb8;
	[tilespmem:$0x19400] =	vst v63  }
0x248: {  	_ =	swait.ge [sflag:s24], $0x6400  }
0x249: {  	[sflag:s24] =	ssyncset.done $0x0  }
0x24a: {  	s28 =	simm.s32 $0x0;
	s1 =	rddreg [dreg:$0xb];
	[sflag:s24] =	ssyncadd.s32 $0xFFFF9C00  }
0x24b: {  	[hbm4b:s1+s28] =	stream.linear.scatter [tilespmem:s19], [sflag:$0x4], $0x6400, $0x38;
	[tilespmem:$0x19400] =	vst v63  }
0x24c: {  	_ =	swait.ge [sflag:s14], $0x6400  }
0x24d: {  	[sflag:s14] =	ssyncset.done $0x0  }
0x24e: {  	[sflag:s14] =	ssyncadd.s32 $0xFFFF9C00  }
0x24f: {  	[tilespmem:s19], [sflag:$0x2] =	stream.indirect.gather [hbm4b:s3+s15], $0x80, s18, s15, $0xb8;
	[tilespmem:$0x19400] =	vst v63  }
0x250: {  	_ =	swait.ge [sflag:s25], $0x6400  }
0x251: {  	[sflag:s25] =	ssyncset.done $0x0  }
0x252: {  	s1 =	rddreg [dreg:$0xc];
	[sflag:s25] =	ssyncadd.s32 $0xFFFF9C00  }
0x253: {  	[hbm4b:s1+s28] =	stream.linear.scatter [tilespmem:s21], [sflag:$0x4], $0x6400, $0x38;
	[tilespmem:$0x19400] =	vst v63  }
0x254: {  	s29 =	simm.s32 $0x2BC0;
	s1 =	simm.s32 $0xAF0;
	_ =	swait.ge [sflag:s14], $0x6400  }
0x255: {  	s29 =	sand.u32 $0x3E00, s29;
	s1 =	sand.u32 $0x70, s1;
	[sflag:s14] =	ssyncset.done $0x0  }
0x256: {  	s1 =	sor.u32 s1, s29;
	[sflag:s14] =	ssyncadd.s32 $0xFFFF9C00  }
0x257: {  	v0 =	vld [tilespmem:s1+$0x0];
	_ =	sdelay $0x2  }
0x258: {  	v1 =	vld [tilespmem:s1+$0x80];
	_ =	sdelay $0x1  }
0x259: {  	v0 =	vxor.u32 $0x811C9DC5, v0  }
0x25a: {  	v2 =	vld [tilespmem:s1+$0x100];
	v0 =	vmul.u32 $0x1000193, v0;
	_ =	sdelay $0x1  }
0x25b: {  	v0 =	vxor.u32 v1, v0  }
0x25c: {  	v1 =	vld [tilespmem:s1+$0x180];
	v0 =	vmul.u32 $0x1000193, v0;
	_ =	sdelay $0x1  }
0x25d: {  	v0 =	vxor.u32 v2, v0  }
0x25e: {  	v0 =	vmul.u32 $0x1000193, v0;
	_ =	sdelay $0x1  }
0x25f: {  	v0 =	vxor.u32 v1, v0  }
0x260: {  	v0 =	vmul.u32 $0x1000193, v0;
	_ =	sdelay $0x1  }
0x261: {  	v1 =	vand.u32 $0x7FFFFFFF, v0  }
0x262: {  	v2 =	vmulhi.u32 $0x431BDE83, v1;
	_ =	sdelay $0x1  }
0x263: {  	v2 =	vshrl.u32 v2, $0x11  }
0x264: {  	v2 =	vmul.u32 $0x7A120, v2  }
0x265: {  	v0 =	vshra.s32 v0, $0x1F  }
0x266: {  	v0 =	vand.u32 $0x76140, v0;
	v1 =	vsub.s32 v1, v2  }
0x267: {  	s30 =	simm.s32 $0xB10;
	s1 =	simm.s32 $0xB00;
	v0 =	vadd.s32 v0, v1  }
0x268: {  	s29 =	simm.s32 $0x40;
	s31 =	sand.u32 $0x70, s1;
	s1 =	simm.s32 $0x2C00;
	v1 =	vadd.s32 $0xFFF85EE0, v0  }
.LBB2_24:
0x269: {  	p0 =	sne.s32 s30, $0xC70;
	s1 =	sand.u32 $0x3E00, s1;
	v0 =	vmin.u32 v0, v1;
	s28 =	sshra.s32 s28, $0x2  }
0x26a: {  	s1 =	sor.u32 s31, s1;
	[tilespmem:s28+$0x6600] =	vst v0;
	s28 =	smov.u32 s29  }
0x26b: {  	v0 =	vld [tilespmem:s1+$0x0];
	_ =	sdelay $0x2  }
0x26c: {  	v1 =	vld [tilespmem:s1+$0x80];
	_ =	sdelay $0x1  }
0x26d: {  	v0 =	vxor.u32 $0x811C9DC5, v0  }
0x26e: {  	v0 =	vmul.u32 $0x1000193, v0;
	v2 =	vld [tilespmem:s1+$0x100];
	_ =	sdelay $0x1  }
0x26f: {  	v0 =	vxor.u32 v1, v0  }
0x270: {  	v0 =	vmul.u32 $0x1000193, v0;
	v1 =	vld [tilespmem:s1+$0x180];
	_ =	sdelay $0x1  }
0x271: {  	v0 =	vxor.u32 v2, v0  }
0x272: {  	v0 =	vmul.u32 $0x1000193, v0;
	_ =	sdelay $0x1  }
0x273: {  	v0 =	vxor.u32 v1, v0  }
0x274: {  	v0 =	vmul.u32 $0x1000193, v0;
	_ =	sdelay $0x1  }
0x275: {  	v1 =	vand.u32 $0x7FFFFFFF, v0  }
0x276: {  	v2 =	vmulhi.u32 $0x431BDE83, v1;
	_ =	sdelay $0x1  }
0x277: {  	v2 =	vshrl.u32 v2, $0x11  }
.Ltmp11:
0x278: {  	v2 =	vmul.u32 $0x7A120, v2;
	(pc) =	sbr.rel @p0 .LBB2_24-.Ltmp11, $4  }
0x279: {  	v0 =	vshra.s32 v0, $0x1F  }
0x27a: {  	v0 =	vand.u32 $0x76140, v0;
	v1 =	vsub.s32 v1, v2  }
0x27b: {  	s29 =	sadd.s32 $0x40, s29;
	v0 =	vadd.s32 v0, v1  }
0x27c: {  	s31 =	sand.u32 $0x70, s30;
	s30 =	sadd.s32 $0x10, s30;
	s1 =	sadd.s32 $0x2BC0, s29;
	v1 =	vadd.s32 $0xFFF85EE0, v0  }
0x27d: {  	s1 =	sand.u32 $0x3E00, s1;
	v0 =	vmin.u32 v0, v1;
	s28 =	sshra.s32 s28, $0x2  }
0x27e: {  	s1 =	sor.u32 s31, s1;
	[tilespmem:s28+$0x6600] =	vst v0  }
0x27f: {  	v0 =	vld [tilespmem:s1+$0x0];
	_ =	sdelay $0x2  }
0x280: {  	v1 =	vld [tilespmem:s1+$0x80];
	_ =	sdelay $0x1  }
0x281: {  	v0 =	vxor.u32 $0x811C9DC5, v0  }
0x282: {  	v2 =	vld [tilespmem:s1+$0x100];
	v0 =	vmul.u32 $0x1000193, v0;
	_ =	sdelay $0x1  }
0x283: {  	v0 =	vxor.u32 v1, v0  }
0x284: {  	v1 =	vld [tilespmem:s1+$0x180];
	v0 =	vmul.u32 $0x1000193, v0;
	_ =	sdelay $0x1  }
0x285: {  	v0 =	vxor.u32 v2, v0  }
0x286: {  	v0 =	vmul.u32 $0x1000193, v0;
	_ =	sdelay $0x1  }
0x287: {  	v0 =	vxor.u32 v1, v0  }
0x288: {  	v0 =	vmul.u32 $0x1000193, v0;
	_ =	sdelay $0x1  }
0x289: {  	v1 =	vand.u32 $0x7FFFFFFF, v0  }
0x28a: {  	v2 =	vmulhi.u32 $0x431BDE83, v1;
	_ =	sdelay $0x1  }
0x28b: {  	v2 =	vshrl.u32 v2, $0x11  }
0x28c: {  	v2 =	vmul.u32 $0x7A120, v2  }
0x28d: {  	v0 =	vshra.s32 v0, $0x1F  }
0x28e: {  	v0 =	vand.u32 $0x76140, v0;
	v1 =	vsub.s32 v1, v2  }
0x28f: {  	v0 =	vadd.s32 v0, v1  }
0x290: {  	v1 =	vadd.s32 $0xFFF85EE0, v0  }
0x291: {  	s1 =	sshra.s32 s29, $0x2;
	v0 =	vmin.u32 v0, v1  }
0x292: {  	[tilespmem:s1+$0x6600] =	vst v0  }
0x293: {  	[tilespmem:s21], [sflag:$0x3] =	stream.indirect.gather [hbm4b:s3+s15], $0x80, s20, s15, $0xb8;
	[tilespmem:$0x19400] =	vst v63  }
0x294: {  	_ =	swait.ge [sflag:s22], $0x6400  }
0x295: {  	[sflag:s22] =	ssyncset.done $0x0  }
0x296: {  	s1 =	simm.s32 $0x0;
	s28 =	rddreg [dreg:$0xd];
	[sflag:s22] =	ssyncadd.s32 $0xFFFF9C00  }
0x297: {  	[hbm4b:s28+s1] =	stream.linear.scatter [tilespmem:s17], [sflag:$0x4], $0x6400, $0x38;
	[tilespmem:$0x19400] =	vst v63  }
0x298: {  	_ =	swait.ge [sflag:s14], $0x6400  }
0x299: {  	[sflag:s14] =	ssyncset.done $0x0  }
0x29a: {  	[sflag:s14] =	ssyncadd.s32 $0xFFFF9C00  }
0x29b: {  	[tilespmem:s17], [sflag:$0x1] =	stream.indirect.gather [hbm4b:s3+s15], $0x80, s23, s15, $0xb8;
	[tilespmem:$0x19400] =	vst v63  }
0x29c: {  	_ =	swait.ge [sflag:s24], $0x6400  }
0x29d: {  	[sflag:s24] =	ssyncset.done $0x0  }
0x29e: {  	s28 =	rddreg [dreg:$0xe];
	[sflag:s24] =	ssyncadd.s32 $0xFFFF9C00  }
0x29f: {  	[hbm4b:s28+s1] =	stream.linear.scatter [tilespmem:s19], [sflag:$0x4], $0x6400, $0x38;
	[tilespmem:$0x19400] =	vst v63  }
0x2a0: {  	_ =	swait.ge [sflag:s14], $0x6400  }
0x2a1: {  	s28 =	sand.u32 $0x70, s1;
	s1 =	sand.u32 $0x600, s1;
	[sflag:s14] =	ssyncset.done $0x0  }
0x2a2: {  	s1 =	sor.u32 s28, s1;
	[sflag:s14] =	ssyncadd.s32 $0xFFFF9C00  }
0x2a3: {  	v0 =	vld [tilespmem:s1+$0x3200];
	_ =	sdelay $0x2  }
0x2a4: {  	v1 =	vld [tilespmem:s1+$0x3280];
	_ =	sdelay $0x1  }
0x2a5: {  	v0 =	vxor.u32 $0x811C9DC5, v0  }
0x2a6: {  	v2 =	vld [tilespmem:s1+$0x3300];
	v0 =	vmul.u32 $0x1000193, v0;
	_ =	sdelay $0x1  }
0x2a7: {  	v0 =	vxor.u32 v1, v0  }
0x2a8: {  	v1 =	vld [tilespmem:s1+$0x3380];
	v0 =	vmul.u32 $0x1000193, v0;
	_ =	sdelay $0x1  }
0x2a9: {  	v0 =	vxor.u32 v2, v0  }
0x2aa: {  	v0 =	vmul.u32 $0x1000193, v0;
	_ =	sdelay $0x1  }
0x2ab: {  	v0 =	vxor.u32 v1, v0  }
0x2ac: {  	v0 =	vmul.u32 $0x1000193, v0;
	_ =	sdelay $0x1  }
0x2ad: {  	v1 =	vand.u32 $0x7FFFFFFF, v0  }
0x2ae: {  	v2 =	vmulhi.u32 $0x431BDE83, v1;
	_ =	sdelay $0x1  }
0x2af: {  	v2 =	vshrl.u32 v2, $0x11  }
0x2b0: {  	v2 =	vmul.u32 $0x7A120, v2  }
0x2b1: {  	v0 =	vshra.s32 v0, $0x1F  }
0x2b2: {  	v0 =	vand.u32 $0x76140, v0;
	v1 =	vsub.s32 v1, v2  }
0x2b3: {  	v0 =	vadd.s32 v0, v1  }
0x2b4: {  	s29 =	simm.s32 $0x20;
	s28 =	simm.s32 $0x40;
	s1 =	simm.s32 $0x10;
	v1 =	vadd.s32 $0xFFF85EE0, v0  }
0x2b5: {  	s31 =	sand.u32 $0x600, s28;
	s30 =	sand.u32 $0x70, s1;
	s1 =	simm.s32 $0x0;
	v0 =	vmin.u32 v0, v1  }
.LBB2_26:
0x2b6: {  	p0 =	sne.s32 s29, $0x180;
	s30 =	sor.u32 s30, s31;
	[tilespmem:s1+$0x6400] =	vst v0;
	s1 =	smov.u32 s28  }
0x2b7: {  	v0 =	vld [tilespmem:s30+$0x3200];
	_ =	sdelay $0x2  }
0x2b8: {  	v1 =	vld [tilespmem:s30+$0x3280];
	_ =	sdelay $0x1  }
0x2b9: {  	v0 =	vxor.u32 $0x811C9DC5, v0  }
0x2ba: {  	v0 =	vmul.u32 $0x1000193, v0;
	v2 =	vld [tilespmem:s30+$0x3300];
	_ =	sdelay $0x1  }
0x2bb: {  	v0 =	vxor.u32 v1, v0  }
0x2bc: {  	v0 =	vmul.u32 $0x1000193, v0;
	v1 =	vld [tilespmem:s30+$0x3380];
	_ =	sdelay $0x1  }
0x2bd: {  	v0 =	vxor.u32 v2, v0  }
0x2be: {  	v0 =	vmul.u32 $0x1000193, v0;
	_ =	sdelay $0x1  }
0x2bf: {  	v0 =	vxor.u32 v1, v0  }
0x2c0: {  	v0 =	vmul.u32 $0x1000193, v0;
	_ =	sdelay $0x1  }
0x2c1: {  	v1 =	vand.u32 $0x7FFFFFFF, v0  }
0x2c2: {  	v2 =	vmulhi.u32 $0x431BDE83, v1;
	_ =	sdelay $0x1  }
0x2c3: {  	v2 =	vshrl.u32 v2, $0x11  }
0x2c4: {  	v2 =	vmul.u32 $0x7A120, v2  }
.Ltmp12:
0x2c5: {  	v0 =	vshra.s32 v0, $0x1F;
	(pc) =	sbr.rel @p0 .LBB2_26-.Ltmp12, $4  }
0x2c6: {  	v0 =	vand.u32 $0x76140, v0;
	v1 =	vsub.s32 v1, v2  }
0x2c7: {  	v0 =	vadd.s32 v0, v1  }
0x2c8: {  	s28 =	sadd.s32 $0x40, s28;
	s30 =	sand.u32 $0x70, s29;
	v1 =	vadd.s32 $0xFFF85EE0, v0  }
0x2c9: {  	s31 =	sand.u32 $0x600, s28;
	s1 =	sshra.s32 s1, $0x2;
	s29 =	sadd.s32 $0x10, s29;
	v0 =	vmin.u32 v0, v1  }
0x2ca: {  	s29 =	sor.u32 s30, s31;
	[tilespmem:s1+$0x6400] =	vst v0  }
0x2cb: {  	v0 =	vld [tilespmem:s29+$0x3200];
	_ =	sdelay $0x2  }
0x2cc: {  	v1 =	vld [tilespmem:s29+$0x3280];
	_ =	sdelay $0x1  }
0x2cd: {  	v0 =	vxor.u32 $0x811C9DC5, v0  }
0x2ce: {  	v2 =	vld [tilespmem:s29+$0x3300];
	v0 =	vmul.u32 $0x1000193, v0;
	_ =	sdelay $0x1  }
0x2cf: {  	v0 =	vxor.u32 v1, v0  }
0x2d0: {  	v1 =	vld [tilespmem:s29+$0x3380];
	v0 =	vmul.u32 $0x1000193, v0;
	_ =	sdelay $0x1  }
0x2d1: {  	v0 =	vxor.u32 v2, v0  }
0x2d2: {  	v0 =	vmul.u32 $0x1000193, v0;
	_ =	sdelay $0x1  }
0x2d3: {  	v0 =	vxor.u32 v1, v0  }
0x2d4: {  	v0 =	vmul.u32 $0x1000193, v0;
	_ =	sdelay $0x1  }
0x2d5: {  	v1 =	vand.u32 $0x7FFFFFFF, v0  }
0x2d6: {  	v2 =	vmulhi.u32 $0x431BDE83, v1;
	_ =	sdelay $0x1  }
0x2d7: {  	v2 =	vshrl.u32 v2, $0x11  }
0x2d8: {  	v2 =	vmul.u32 $0x7A120, v2  }
0x2d9: {  	v0 =	vshra.s32 v0, $0x1F  }
0x2da: {  	v0 =	vand.u32 $0x76140, v0;
	v1 =	vsub.s32 v1, v2  }
0x2db: {  	v0 =	vadd.s32 v0, v1  }
0x2dc: {  	v1 =	vadd.s32 $0xFFF85EE0, v0  }
0x2dd: {  	s1 =	sshra.s32 s28, $0x2;
	v0 =	vmin.u32 v0, v1  }
0x2de: {  	[tilespmem:s1+$0x6400] =	vst v0  }
0x2df: {  	[tilespmem:s19], [sflag:$0x2] =	stream.indirect.gather [hbm4b:s3+s15], $0x80, s16, s15, $0xb8;
	[tilespmem:$0x19400] =	vst v63  }
0x2e0: {  	_ =	swait.ge [sflag:s25], $0x6400  }
0x2e1: {  	[sflag:s25] =	ssyncset.done $0x0  }
0x2e2: {  	s28 =	simm.s32 $0x0;
	s1 =	rddreg [dreg:$0xf];
	[sflag:s25] =	ssyncadd.s32 $0xFFFF9C00  }
0x2e3: {  	[hbm4b:s1+s28] =	stream.linear.scatter [tilespmem:s21], [sflag:$0x4], $0x6400, $0x38;
	[tilespmem:$0x19400] =	vst v63  }
0x2e4: {  	_ =	swait.ge [sflag:s14], $0x6400  }
0x2e5: {  	[sflag:s14] =	ssyncset.done $0x0  }
0x2e6: {  	[sflag:s14] =	ssyncadd.s32 $0xFFFF9C00  }
0x2e7: {  	[tilespmem:s21], [sflag:$0x3] =	stream.indirect.gather [hbm4b:s3+s15], $0x80, s18, s15, $0xb8;
	[tilespmem:$0x19400] =	vst v63  }
0x2e8: {  	_ =	swait.ge [sflag:s22], $0x6400  }
0x2e9: {  	[sflag:s22] =	ssyncset.done $0x0  }
0x2ea: {  	s1 =	rddreg [dreg:$0x10];
	[sflag:s22] =	ssyncadd.s32 $0xFFFF9C00  }
0x2eb: {  	[hbm4b:s1+s28] =	stream.linear.scatter [tilespmem:s17], [sflag:$0x4], $0x6400, $0x38;
	[tilespmem:$0x19400] =	vst v63  }
0x2ec: {  	s29 =	simm.s32 $0x3840;
	s1 =	simm.s32 $0xE10;
	_ =	swait.ge [sflag:s14], $0x6400  }
0x2ed: {  	s29 =	sand.u32 $0x7E00, s29;
	s1 =	sand.u32 $0x70, s1;
	[sflag:s14] =	ssyncset.done $0x0  }
0x2ee: {  	s1 =	sor.u32 s1, s29;
	[sflag:s14] =	ssyncadd.s32 $0xFFFF9C00  }
0x2ef: {  	v0 =	vld [tilespmem:s1+$0x0];
	_ =	sdelay $0x2  }
0x2f0: {  	v1 =	vld [tilespmem:s1+$0x80];
	_ =	sdelay $0x1  }
0x2f1: {  	v0 =	vxor.u32 $0x811C9DC5, v0  }
0x2f2: {  	v2 =	vld [tilespmem:s1+$0x100];
	v0 =	vmul.u32 $0x1000193, v0;
	_ =	sdelay $0x1  }
0x2f3: {  	v0 =	vxor.u32 v1, v0  }
0x2f4: {  	v1 =	vld [tilespmem:s1+$0x180];
	v0 =	vmul.u32 $0x1000193, v0;
	_ =	sdelay $0x1  }
0x2f5: {  	v0 =	vxor.u32 v2, v0  }
0x2f6: {  	v0 =	vmul.u32 $0x1000193, v0;
	_ =	sdelay $0x1  }
0x2f7: {  	v0 =	vxor.u32 v1, v0  }
0x2f8: {  	v0 =	vmul.u32 $0x1000193, v0;
	_ =	sdelay $0x1  }
0x2f9: {  	v1 =	vand.u32 $0x7FFFFFFF, v0  }
0x2fa: {  	v2 =	vmulhi.u32 $0x431BDE83, v1;
	_ =	sdelay $0x1  }
0x2fb: {  	v2 =	vshrl.u32 v2, $0x11  }
0x2fc: {  	v2 =	vmul.u32 $0x7A120, v2  }
0x2fd: {  	v0 =	vshra.s32 v0, $0x1F  }
0x2fe: {  	v0 =	vand.u32 $0x76140, v0;
	v1 =	vsub.s32 v1, v2  }
0x2ff: {  	s30 =	simm.s32 $0xE30;
	s1 =	simm.s32 $0xE20;
	v0 =	vadd.s32 v0, v1  }
0x300: {  	s29 =	simm.s32 $0x40;
	s31 =	sand.u32 $0x70, s1;
	s1 =	simm.s32 $0x3880;
	v1 =	vadd.s32 $0xFFF85EE0, v0  }
.LBB2_28:
0x301: {  	p0 =	sne.s32 s30, $0xF90;
	s1 =	sand.u32 $0x7E00, s1;
	v0 =	vmin.u32 v0, v1;
	s28 =	sshra.s32 s28, $0x2  }
0x302: {  	s1 =	sor.u32 s31, s1;
	[tilespmem:s28+$0x6600] =	vst v0;
	s28 =	smov.u32 s29  }
0x303: {  	v0 =	vld [tilespmem:s1+$0x0];
	_ =	sdelay $0x2  }
0x304: {  	v1 =	vld [tilespmem:s1+$0x80];
	_ =	sdelay $0x1  }
0x305: {  	v0 =	vxor.u32 $0x811C9DC5, v0  }
0x306: {  	v0 =	vmul.u32 $0x1000193, v0;
	v2 =	vld [tilespmem:s1+$0x100];
	_ =	sdelay $0x1  }
0x307: {  	v0 =	vxor.u32 v1, v0  }
0x308: {  	v0 =	vmul.u32 $0x1000193, v0;
	v1 =	vld [tilespmem:s1+$0x180];
	_ =	sdelay $0x1  }
0x309: {  	v0 =	vxor.u32 v2, v0  }
0x30a: {  	v0 =	vmul.u32 $0x1000193, v0;
	_ =	sdelay $0x1  }
0x30b: {  	v0 =	vxor.u32 v1, v0  }
0x30c: {  	v0 =	vmul.u32 $0x1000193, v0;
	_ =	sdelay $0x1  }
0x30d: {  	v1 =	vand.u32 $0x7FFFFFFF, v0  }
0x30e: {  	v2 =	vmulhi.u32 $0x431BDE83, v1;
	_ =	sdelay $0x1  }
0x30f: {  	v2 =	vshrl.u32 v2, $0x11  }
.Ltmp13:
0x310: {  	v2 =	vmul.u32 $0x7A120, v2;
	(pc) =	sbr.rel @p0 .LBB2_28-.Ltmp13, $4  }
0x311: {  	v0 =	vshra.s32 v0, $0x1F  }
0x312: {  	v0 =	vand.u32 $0x76140, v0;
	v1 =	vsub.s32 v1, v2  }
0x313: {  	s29 =	sadd.s32 $0x40, s29;
	v0 =	vadd.s32 v0, v1  }
0x314: {  	s31 =	sand.u32 $0x70, s30;
	s30 =	sadd.s32 $0x10, s30;
	s1 =	sadd.s32 $0x3840, s29;
	v1 =	vadd.s32 $0xFFF85EE0, v0  }
0x315: {  	s1 =	sand.u32 $0x7E00, s1;
	v0 =	vmin.u32 v0, v1;
	s28 =	sshra.s32 s28, $0x2  }
0x316: {  	s1 =	sor.u32 s31, s1;
	[tilespmem:s28+$0x6600] =	vst v0  }
0x317: {  	v0 =	vld [tilespmem:s1+$0x0];
	_ =	sdelay $0x2  }
0x318: {  	v1 =	vld [tilespmem:s1+$0x80];
	_ =	sdelay $0x1  }
0x319: {  	v0 =	vxor.u32 $0x811C9DC5, v0  }
0x31a: {  	v2 =	vld [tilespmem:s1+$0x100];
	v0 =	vmul.u32 $0x1000193, v0;
	_ =	sdelay $0x1  }
0x31b: {  	v0 =	vxor.u32 v1, v0  }
0x31c: {  	v1 =	vld [tilespmem:s1+$0x180];
	v0 =	vmul.u32 $0x1000193, v0;
	_ =	sdelay $0x1  }
0x31d: {  	v0 =	vxor.u32 v2, v0  }
0x31e: {  	v0 =	vmul.u32 $0x1000193, v0;
	_ =	sdelay $0x1  }
0x31f: {  	v0 =	vxor.u32 v1, v0  }
0x320: {  	v0 =	vmul.u32 $0x1000193, v0;
	_ =	sdelay $0x1  }
0x321: {  	v1 =	vand.u32 $0x7FFFFFFF, v0  }
0x322: {  	v2 =	vmulhi.u32 $0x431BDE83, v1;
	_ =	sdelay $0x1  }
0x323: {  	v2 =	vshrl.u32 v2, $0x11  }
0x324: {  	v2 =	vmul.u32 $0x7A120, v2  }
0x325: {  	v0 =	vshra.s32 v0, $0x1F  }
0x326: {  	v0 =	vand.u32 $0x76140, v0;
	v1 =	vsub.s32 v1, v2  }
0x327: {  	v0 =	vadd.s32 v0, v1  }
0x328: {  	v1 =	vadd.s32 $0xFFF85EE0, v0  }
0x329: {  	s1 =	sshra.s32 s29, $0x2;
	v0 =	vmin.u32 v0, v1  }
0x32a: {  	[tilespmem:s1+$0x6600] =	vst v0  }
0x32b: {  	[tilespmem:s17], [sflag:$0x1] =	stream.indirect.gather [hbm4b:s3+s15], $0x80, s20, s15, $0xb8;
	[tilespmem:$0x19400] =	vst v63  }
0x32c: {  	_ =	swait.ge [sflag:s24], $0x6400  }
0x32d: {  	[sflag:s24] =	ssyncset.done $0x0  }
0x32e: {  	s28 =	simm.s32 $0x0;
	s1 =	rddreg [dreg:$0x11];
	[sflag:s24] =	ssyncadd.s32 $0xFFFF9C00  }
0x32f: {  	[hbm4b:s1+s28] =	stream.linear.scatter [tilespmem:s19], [sflag:$0x4], $0x6400, $0x38;
	[tilespmem:$0x19400] =	vst v63  }
0x330: {  	_ =	swait.ge [sflag:s14], $0x6400  }
0x331: {  	[sflag:s14] =	ssyncset.done $0x0  }
0x332: {  	[sflag:s14] =	ssyncadd.s32 $0xFFFF9C00  }
0x333: {  	[tilespmem:s19], [sflag:$0x2] =	stream.indirect.gather [hbm4b:s3+s15], $0x80, s23, s15, $0xb8;
	[tilespmem:$0x19400] =	vst v63  }
0x334: {  	_ =	swait.ge [sflag:s25], $0x6400  }
0x335: {  	[sflag:s25] =	ssyncset.done $0x0  }
0x336: {  	s1 =	rddreg [dreg:$0x12];
	[sflag:s25] =	ssyncadd.s32 $0xFFFF9C00  }
0x337: {  	[hbm4b:s1+s28] =	stream.linear.scatter [tilespmem:s21], [sflag:$0x4], $0x6400, $0x38;
	[tilespmem:$0x19400] =	vst v63  }
0x338: {  	s29 =	simm.s32 $0x3E80;
	s1 =	simm.s32 $0xFA0;
	_ =	swait.ge [sflag:s14], $0x6400  }
0x339: {  	s29 =	sand.u32 $0x7E00, s29;
	s1 =	sand.u32 $0x70, s1;
	[sflag:s14] =	ssyncset.done $0x0  }
0x33a: {  	s1 =	sor.u32 s1, s29;
	[sflag:s14] =	ssyncadd.s32 $0xFFFF9C00  }
0x33b: {  	v0 =	vld [tilespmem:s1+$0x0];
	_ =	sdelay $0x2  }
0x33c: {  	v1 =	vld [tilespmem:s1+$0x80];
	_ =	sdelay $0x1  }
0x33d: {  	v0 =	vxor.u32 $0x811C9DC5, v0  }
0x33e: {  	v2 =	vld [tilespmem:s1+$0x100];
	v0 =	vmul.u32 $0x1000193, v0;
	_ =	sdelay $0x1  }
0x33f: {  	v0 =	vxor.u32 v1, v0  }
0x340: {  	v1 =	vld [tilespmem:s1+$0x180];
	v0 =	vmul.u32 $0x1000193, v0;
	_ =	sdelay $0x1  }
0x341: {  	v0 =	vxor.u32 v2, v0  }
0x342: {  	v0 =	vmul.u32 $0x1000193, v0;
	_ =	sdelay $0x1  }
0x343: {  	v0 =	vxor.u32 v1, v0  }
0x344: {  	v0 =	vmul.u32 $0x1000193, v0;
	_ =	sdelay $0x1  }
0x345: {  	v1 =	vand.u32 $0x7FFFFFFF, v0  }
0x346: {  	v2 =	vmulhi.u32 $0x431BDE83, v1;
	_ =	sdelay $0x1  }
0x347: {  	v2 =	vshrl.u32 v2, $0x11  }
0x348: {  	v2 =	vmul.u32 $0x7A120, v2  }
0x349: {  	v0 =	vshra.s32 v0, $0x1F  }
0x34a: {  	v0 =	vand.u32 $0x76140, v0;
	v1 =	vsub.s32 v1, v2  }
0x34b: {  	s30 =	simm.s32 $0xFC0;
	s1 =	simm.s32 $0xFB0;
	v0 =	vadd.s32 v0, v1  }
0x34c: {  	s29 =	simm.s32 $0x40;
	s31 =	sand.u32 $0x70, s1;
	s1 =	simm.s32 $0x3EC0;
	v1 =	vadd.s32 $0xFFF85EE0, v0  }
.LBB2_30:
0x34d: {  	p0 =	sne.s32 s30, $0x1120;
	s1 =	sand.u32 $0x7E00, s1;
	v0 =	vmin.u32 v0, v1;
	s28 =	sshra.s32 s28, $0x2  }
0x34e: {  	s1 =	sor.u32 s31, s1;
	[tilespmem:s28+$0x6400] =	vst v0;
	s28 =	smov.u32 s29  }
0x34f: {  	v0 =	vld [tilespmem:s1+$0x0];
	_ =	sdelay $0x2  }
0x350: {  	v1 =	vld [tilespmem:s1+$0x80];
	_ =	sdelay $0x1  }
0x351: {  	v0 =	vxor.u32 $0x811C9DC5, v0  }
0x352: {  	v0 =	vmul.u32 $0x1000193, v0;
	v2 =	vld [tilespmem:s1+$0x100];
	_ =	sdelay $0x1  }
0x353: {  	v0 =	vxor.u32 v1, v0  }
0x354: {  	v0 =	vmul.u32 $0x1000193, v0;
	v1 =	vld [tilespmem:s1+$0x180];
	_ =	sdelay $0x1  }
0x355: {  	v0 =	vxor.u32 v2, v0  }
0x356: {  	v0 =	vmul.u32 $0x1000193, v0;
	_ =	sdelay $0x1  }
0x357: {  	v0 =	vxor.u32 v1, v0  }
0x358: {  	v0 =	vmul.u32 $0x1000193, v0;
	_ =	sdelay $0x1  }
0x359: {  	v1 =	vand.u32 $0x7FFFFFFF, v0  }
0x35a: {  	v2 =	vmulhi.u32 $0x431BDE83, v1;
	_ =	sdelay $0x1  }
0x35b: {  	v2 =	vshrl.u32 v2, $0x11  }
.Ltmp14:
0x35c: {  	v2 =	vmul.u32 $0x7A120, v2;
	(pc) =	sbr.rel @p0 .LBB2_30-.Ltmp14, $4  }
0x35d: {  	v0 =	vshra.s32 v0, $0x1F  }
0x35e: {  	v0 =	vand.u32 $0x76140, v0;
	v1 =	vsub.s32 v1, v2  }
0x35f: {  	s29 =	sadd.s32 $0x40, s29;
	v0 =	vadd.s32 v0, v1  }
0x360: {  	s31 =	sand.u32 $0x70, s30;
	s30 =	sadd.s32 $0x10, s30;
	s1 =	sadd.s32 $0x3E80, s29;
	v1 =	vadd.s32 $0xFFF85EE0, v0  }
0x361: {  	s1 =	sand.u32 $0x7E00, s1;
	v0 =	vmin.u32 v0, v1;
	s28 =	sshra.s32 s28, $0x2  }
0x362: {  	s1 =	sor.u32 s31, s1;
	[tilespmem:s28+$0x6400] =	vst v0  }
0x363: {  	v0 =	vld [tilespmem:s1+$0x0];
	_ =	sdelay $0x2  }
0x364: {  	v1 =	vld [tilespmem:s1+$0x80];
	_ =	sdelay $0x1  }
0x365: {  	v0 =	vxor.u32 $0x811C9DC5, v0  }
0x366: {  	v2 =	vld [tilespmem:s1+$0x100];
	v0 =	vmul.u32 $0x1000193, v0;
	_ =	sdelay $0x1  }
0x367: {  	v0 =	vxor.u32 v1, v0  }
0x368: {  	v1 =	vld [tilespmem:s1+$0x180];
	v0 =	vmul.u32 $0x1000193, v0;
	_ =	sdelay $0x1  }
0x369: {  	v0 =	vxor.u32 v2, v0  }
0x36a: {  	v0 =	vmul.u32 $0x1000193, v0;
	_ =	sdelay $0x1  }
0x36b: {  	v0 =	vxor.u32 v1, v0  }
0x36c: {  	v0 =	vmul.u32 $0x1000193, v0;
	_ =	sdelay $0x1  }
0x36d: {  	v1 =	vand.u32 $0x7FFFFFFF, v0  }
0x36e: {  	v2 =	vmulhi.u32 $0x431BDE83, v1;
	_ =	sdelay $0x1  }
0x36f: {  	v2 =	vshrl.u32 v2, $0x11  }
0x370: {  	v2 =	vmul.u32 $0x7A120, v2  }
0x371: {  	v0 =	vshra.s32 v0, $0x1F  }
0x372: {  	v0 =	vand.u32 $0x76140, v0;
	v1 =	vsub.s32 v1, v2  }
0x373: {  	v0 =	vadd.s32 v0, v1  }
0x374: {  	v1 =	vadd.s32 $0xFFF85EE0, v0  }
0x375: {  	s1 =	sshra.s32 s29, $0x2;
	v0 =	vmin.u32 v0, v1  }
0x376: {  	[tilespmem:s1+$0x6400] =	vst v0  }
0x377: {  	[tilespmem:s21], [sflag:$0x3] =	stream.indirect.gather [hbm4b:s3+s15], $0x80, s16, s15, $0xb8;
	[tilespmem:$0x19400] =	vst v63  }
0x378: {  	_ =	swait.ge [sflag:s22], $0x6400  }
0x379: {  	[sflag:s22] =	ssyncset.done $0x0  }
0x37a: {  	s28 =	simm.s32 $0x0;
	s1 =	rddreg [dreg:$0x13];
	[sflag:s22] =	ssyncadd.s32 $0xFFFF9C00  }
0x37b: {  	[hbm4b:s1+s28] =	stream.linear.scatter [tilespmem:s17], [sflag:$0x4], $0x6400, $0x38;
	[tilespmem:$0x19400] =	vst v63  }
0x37c: {  	_ =	swait.ge [sflag:s14], $0x6400  }
0x37d: {  	[sflag:s14] =	ssyncset.done $0x0  }
0x37e: {  	[sflag:s14] =	ssyncadd.s32 $0xFFFF9C00  }
0x37f: {  	[tilespmem:s17], [sflag:$0x1] =	stream.indirect.gather [hbm4b:s3+s15], $0x80, s18, s15, $0xb8;
	[tilespmem:$0x19400] =	vst v63  }
0x380: {  	_ =	swait.ge [sflag:s24], $0x6400  }
0x381: {  	[sflag:s24] =	ssyncset.done $0x0  }
0x382: {  	s1 =	rddreg [dreg:$0x14];
	[sflag:s24] =	ssyncadd.s32 $0xFFFF9C00  }
0x383: {  	[hbm4b:s1+s28] =	stream.linear.scatter [tilespmem:s19], [sflag:$0x4], $0x6400, $0x38;
	[tilespmem:$0x19400] =	vst v63  }
0x384: {  	s29 =	simm.s32 $0x44C0;
	s1 =	simm.s32 $0x1130;
	_ =	swait.ge [sflag:s14], $0x6400  }
0x385: {  	s29 =	sand.u32 $0x4E00, s29;
	s1 =	sand.u32 $0x70, s1;
	[sflag:s14] =	ssyncset.done $0x0  }
0x386: {  	s1 =	sor.u32 s1, s29;
	[sflag:s14] =	ssyncadd.s32 $0xFFFF9C00  }
0x387: {  	v0 =	vld [tilespmem:s1+$0x0];
	_ =	sdelay $0x2  }
0x388: {  	v1 =	vld [tilespmem:s1+$0x80];
	_ =	sdelay $0x1  }
0x389: {  	v0 =	vxor.u32 $0x811C9DC5, v0  }
0x38a: {  	v2 =	vld [tilespmem:s1+$0x100];
	v0 =	vmul.u32 $0x1000193, v0;
	_ =	sdelay $0x1  }
0x38b: {  	v0 =	vxor.u32 v1, v0  }
0x38c: {  	v1 =	vld [tilespmem:s1+$0x180];
	v0 =	vmul.u32 $0x1000193, v0;
	_ =	sdelay $0x1  }
0x38d: {  	v0 =	vxor.u32 v2, v0  }
0x38e: {  	v0 =	vmul.u32 $0x1000193, v0;
	_ =	sdelay $0x1  }
0x38f: {  	v0 =	vxor.u32 v1, v0  }
0x390: {  	v0 =	vmul.u32 $0x1000193, v0;
	_ =	sdelay $0x1  }
0x391: {  	v1 =	vand.u32 $0x7FFFFFFF, v0  }
0x392: {  	v2 =	vmulhi.u32 $0x431BDE83, v1;
	_ =	sdelay $0x1  }
0x393: {  	v2 =	vshrl.u32 v2, $0x11  }
0x394: {  	v2 =	vmul.u32 $0x7A120, v2  }
0x395: {  	v0 =	vshra.s32 v0, $0x1F  }
0x396: {  	v0 =	vand.u32 $0x76140, v0;
	v1 =	vsub.s32 v1, v2  }
0x397: {  	s30 =	simm.s32 $0x1150;
	s1 =	simm.s32 $0x1140;
	v0 =	vadd.s32 v0, v1  }
0x398: {  	s29 =	simm.s32 $0x40;
	s31 =	sand.u32 $0x70, s1;
	s1 =	simm.s32 $0x4500;
	v1 =	vadd.s32 $0xFFF85EE0, v0  }
.LBB2_32:
0x399: {  	p0 =	sne.s32 s30, $0x12B0;
	s1 =	sand.u32 $0x4E00, s1;
	v0 =	vmin.u32 v0, v1;
	s28 =	sshra.s32 s28, $0x2  }
0x39a: {  	s1 =	sor.u32 s31, s1;
	[tilespmem:s28+$0x6600] =	vst v0;
	s28 =	smov.u32 s29  }
0x39b: {  	v0 =	vld [tilespmem:s1+$0x0];
	_ =	sdelay $0x2  }
0x39c: {  	v1 =	vld [tilespmem:s1+$0x80];
	_ =	sdelay $0x1  }
0x39d: {  	v0 =	vxor.u32 $0x811C9DC5, v0  }
0x39e: {  	v0 =	vmul.u32 $0x1000193, v0;
	v2 =	vld [tilespmem:s1+$0x100];
	_ =	sdelay $0x1  }
0x39f: {  	v0 =	vxor.u32 v1, v0  }
0x3a0: {  	v0 =	vmul.u32 $0x1000193, v0;
	v1 =	vld [tilespmem:s1+$0x180];
	_ =	sdelay $0x1  }
0x3a1: {  	v0 =	vxor.u32 v2, v0  }
0x3a2: {  	v0 =	vmul.u32 $0x1000193, v0;
	_ =	sdelay $0x1  }
0x3a3: {  	v0 =	vxor.u32 v1, v0  }
0x3a4: {  	v0 =	vmul.u32 $0x1000193, v0;
	_ =	sdelay $0x1  }
0x3a5: {  	v1 =	vand.u32 $0x7FFFFFFF, v0  }
0x3a6: {  	v2 =	vmulhi.u32 $0x431BDE83, v1;
	_ =	sdelay $0x1  }
0x3a7: {  	v2 =	vshrl.u32 v2, $0x11  }
.Ltmp15:
0x3a8: {  	v2 =	vmul.u32 $0x7A120, v2;
	(pc) =	sbr.rel @p0 .LBB2_32-.Ltmp15, $4  }
0x3a9: {  	v0 =	vshra.s32 v0, $0x1F  }
0x3aa: {  	v0 =	vand.u32 $0x76140, v0;
	v1 =	vsub.s32 v1, v2  }
0x3ab: {  	s29 =	sadd.s32 $0x40, s29;
	v0 =	vadd.s32 v0, v1  }
0x3ac: {  	s31 =	sand.u32 $0x70, s30;
	s30 =	sadd.s32 $0x10, s30;
	s1 =	sadd.s32 $0x44C0, s29;
	v1 =	vadd.s32 $0xFFF85EE0, v0  }
0x3ad: {  	s1 =	sand.u32 $0x4E00, s1;
	v0 =	vmin.u32 v0, v1;
	s28 =	sshra.s32 s28, $0x2  }
0x3ae: {  	s1 =	sor.u32 s31, s1;
	[tilespmem:s28+$0x6600] =	vst v0  }
0x3af: {  	v0 =	vld [tilespmem:s1+$0x0];
	_ =	sdelay $0x2  }
0x3b0: {  	v1 =	vld [tilespmem:s1+$0x80];
	_ =	sdelay $0x1  }
0x3b1: {  	v0 =	vxor.u32 $0x811C9DC5, v0  }
0x3b2: {  	v2 =	vld [tilespmem:s1+$0x100];
	v0 =	vmul.u32 $0x1000193, v0;
	_ =	sdelay $0x1  }
0x3b3: {  	v0 =	vxor.u32 v1, v0  }
0x3b4: {  	v1 =	vld [tilespmem:s1+$0x180];
	v0 =	vmul.u32 $0x1000193, v0;
	_ =	sdelay $0x1  }
0x3b5: {  	v0 =	vxor.u32 v2, v0  }
0x3b6: {  	v0 =	vmul.u32 $0x1000193, v0;
	_ =	sdelay $0x1  }
0x3b7: {  	v0 =	vxor.u32 v1, v0  }
0x3b8: {  	v0 =	vmul.u32 $0x1000193, v0;
	_ =	sdelay $0x1  }
0x3b9: {  	v1 =	vand.u32 $0x7FFFFFFF, v0  }
0x3ba: {  	v2 =	vmulhi.u32 $0x431BDE83, v1;
	_ =	sdelay $0x1  }
0x3bb: {  	v2 =	vshrl.u32 v2, $0x11  }
0x3bc: {  	v2 =	vmul.u32 $0x7A120, v2  }
0x3bd: {  	v0 =	vshra.s32 v0, $0x1F  }
0x3be: {  	v0 =	vand.u32 $0x76140, v0;
	v1 =	vsub.s32 v1, v2  }
0x3bf: {  	v0 =	vadd.s32 v0, v1  }
0x3c0: {  	v1 =	vadd.s32 $0xFFF85EE0, v0  }
0x3c1: {  	s1 =	sshra.s32 s29, $0x2;
	v0 =	vmin.u32 v0, v1  }
0x3c2: {  	[tilespmem:s1+$0x6600] =	vst v0  }
0x3c3: {  	[tilespmem:s19], [sflag:$0x2] =	stream.indirect.gather [hbm4b:s3+s15], $0x80, s20, s15, $0xb8;
	[tilespmem:$0x19400] =	vst v63  }
0x3c4: {  	_ =	swait.ge [sflag:s25], $0x6400  }
0x3c5: {  	[sflag:s25] =	ssyncset.done $0x0  }
0x3c6: {  	s28 =	simm.s32 $0x0;
	s1 =	rddreg [dreg:$0x15];
	[sflag:s25] =	ssyncadd.s32 $0xFFFF9C00  }
0x3c7: {  	[hbm4b:s1+s28] =	stream.linear.scatter [tilespmem:s21], [sflag:$0x4], $0x6400, $0x38;
	[tilespmem:$0x19400] =	vst v63  }
0x3c8: {  	_ =	swait.ge [sflag:s14], $0x6400  }
0x3c9: {  	[sflag:s14] =	ssyncset.done $0x0  }
0x3ca: {  	[sflag:s14] =	ssyncadd.s32 $0xFFFF9C00  }
0x3cb: {  	[tilespmem:s21], [sflag:$0x3] =	stream.indirect.gather [hbm4b:s3+s15], $0x80, s23, s15, $0xb8;
	[tilespmem:$0x19400] =	vst v63  }
0x3cc: {  	_ =	swait.ge [sflag:s22], $0x6400  }
0x3cd: {  	[sflag:s22] =	ssyncset.done $0x0  }
0x3ce: {  	s1 =	rddreg [dreg:$0x16];
	[sflag:s22] =	ssyncadd.s32 $0xFFFF9C00  }
0x3cf: {  	[hbm4b:s1+s28] =	stream.linear.scatter [tilespmem:s17], [sflag:$0x4], $0x6400, $0x38;
	[tilespmem:$0x19400] =	vst v63  }
0x3d0: {  	s29 =	simm.s32 $0x4B00;
	s1 =	simm.s32 $0x12C0;
	_ =	swait.ge [sflag:s14], $0x6400  }
0x3d1: {  	s29 =	sand.u32 $0x5E00, s29;
	s1 =	sand.u32 $0x70, s1;
	[sflag:s14] =	ssyncset.done $0x0  }
0x3d2: {  	s1 =	sor.u32 s1, s29;
	[sflag:s14] =	ssyncadd.s32 $0xFFFF9C00  }
0x3d3: {  	v0 =	vld [tilespmem:s1+$0x0];
	_ =	sdelay $0x2  }
0x3d4: {  	v1 =	vld [tilespmem:s1+$0x80];
	_ =	sdelay $0x1  }
0x3d5: {  	v0 =	vxor.u32 $0x811C9DC5, v0  }
0x3d6: {  	v2 =	vld [tilespmem:s1+$0x100];
	v0 =	vmul.u32 $0x1000193, v0;
	_ =	sdelay $0x1  }
0x3d7: {  	v0 =	vxor.u32 v1, v0  }
0x3d8: {  	v1 =	vld [tilespmem:s1+$0x180];
	v0 =	vmul.u32 $0x1000193, v0;
	_ =	sdelay $0x1  }
0x3d9: {  	v0 =	vxor.u32 v2, v0  }
0x3da: {  	v0 =	vmul.u32 $0x1000193, v0;
	_ =	sdelay $0x1  }
0x3db: {  	v0 =	vxor.u32 v1, v0  }
0x3dc: {  	v0 =	vmul.u32 $0x1000193, v0;
	_ =	sdelay $0x1  }
0x3dd: {  	v1 =	vand.u32 $0x7FFFFFFF, v0  }
0x3de: {  	v2 =	vmulhi.u32 $0x431BDE83, v1;
	_ =	sdelay $0x1  }
0x3df: {  	v2 =	vshrl.u32 v2, $0x11  }
0x3e0: {  	v2 =	vmul.u32 $0x7A120, v2  }
0x3e1: {  	v0 =	vshra.s32 v0, $0x1F  }
0x3e2: {  	v0 =	vand.u32 $0x76140, v0;
	v1 =	vsub.s32 v1, v2  }
0x3e3: {  	s30 =	simm.s32 $0x12E0;
	s1 =	simm.s32 $0x12D0;
	v0 =	vadd.s32 v0, v1  }
0x3e4: {  	s29 =	simm.s32 $0x40;
	s31 =	sand.u32 $0x70, s1;
	s1 =	simm.s32 $0x4B40;
	v1 =	vadd.s32 $0xFFF85EE0, v0  }
.LBB2_34:
0x3e5: {  	p0 =	sne.s32 s30, $0x1440;
	s1 =	sand.u32 $0x5E00, s1;
	v0 =	vmin.u32 v0, v1;
	s28 =	sshra.s32 s28, $0x2  }
0x3e6: {  	s1 =	sor.u32 s31, s1;
	[tilespmem:s28+$0x6400] =	vst v0;
	s28 =	smov.u32 s29  }
0x3e7: {  	v0 =	vld [tilespmem:s1+$0x0];
	_ =	sdelay $0x2  }
0x3e8: {  	v1 =	vld [tilespmem:s1+$0x80];
	_ =	sdelay $0x1  }
0x3e9: {  	v0 =	vxor.u32 $0x811C9DC5, v0  }
0x3ea: {  	v0 =	vmul.u32 $0x1000193, v0;
	v2 =	vld [tilespmem:s1+$0x100];
	_ =	sdelay $0x1  }
0x3eb: {  	v0 =	vxor.u32 v1, v0  }
0x3ec: {  	v0 =	vmul.u32 $0x1000193, v0;
	v1 =	vld [tilespmem:s1+$0x180];
	_ =	sdelay $0x1  }
0x3ed: {  	v0 =	vxor.u32 v2, v0  }
0x3ee: {  	v0 =	vmul.u32 $0x1000193, v0;
	_ =	sdelay $0x1  }
0x3ef: {  	v0 =	vxor.u32 v1, v0  }
0x3f0: {  	v0 =	vmul.u32 $0x1000193, v0;
	_ =	sdelay $0x1  }
0x3f1: {  	v1 =	vand.u32 $0x7FFFFFFF, v0  }
0x3f2: {  	v2 =	vmulhi.u32 $0x431BDE83, v1;
	_ =	sdelay $0x1  }
0x3f3: {  	v2 =	vshrl.u32 v2, $0x11  }
.Ltmp16:
0x3f4: {  	v2 =	vmul.u32 $0x7A120, v2;
	(pc) =	sbr.rel @p0 .LBB2_34-.Ltmp16, $4  }
0x3f5: {  	v0 =	vshra.s32 v0, $0x1F  }
0x3f6: {  	v0 =	vand.u32 $0x76140, v0;
	v1 =	vsub.s32 v1, v2  }
0x3f7: {  	s29 =	sadd.s32 $0x40, s29;
	v0 =	vadd.s32 v0, v1  }
0x3f8: {  	s31 =	sand.u32 $0x70, s30;
	s30 =	sadd.s32 $0x10, s30;
	s1 =	sadd.s32 $0x4B00, s29;
	v1 =	vadd.s32 $0xFFF85EE0, v0  }
0x3f9: {  	s1 =	sand.u32 $0x5E00, s1;
	v0 =	vmin.u32 v0, v1;
	s28 =	sshra.s32 s28, $0x2  }
0x3fa: {  	s1 =	sor.u32 s31, s1;
	[tilespmem:s28+$0x6400] =	vst v0  }
0x3fb: {  	v0 =	vld [tilespmem:s1+$0x0];
	_ =	sdelay $0x2  }
0x3fc: {  	v1 =	vld [tilespmem:s1+$0x80];
	_ =	sdelay $0x1  }
0x3fd: {  	v0 =	vxor.u32 $0x811C9DC5, v0  }
0x3fe: {  	v2 =	vld [tilespmem:s1+$0x100];
	v0 =	vmul.u32 $0x1000193, v0;
	_ =	sdelay $0x1  }
0x3ff: {  	v0 =	vxor.u32 v1, v0  }
0x400: {  	v1 =	vld [tilespmem:s1+$0x180];
	v0 =	vmul.u32 $0x1000193, v0;
	_ =	sdelay $0x1  }
0x401: {  	v0 =	vxor.u32 v2, v0  }
0x402: {  	v0 =	vmul.u32 $0x1000193, v0;
	_ =	sdelay $0x1  }
0x403: {  	v0 =	vxor.u32 v1, v0  }
0x404: {  	v0 =	vmul.u32 $0x1000193, v0;
	_ =	sdelay $0x1  }
0x405: {  	v1 =	vand.u32 $0x7FFFFFFF, v0  }
0x406: {  	v2 =	vmulhi.u32 $0x431BDE83, v1;
	_ =	sdelay $0x1  }
0x407: {  	v2 =	vshrl.u32 v2, $0x11  }
0x408: {  	v2 =	vmul.u32 $0x7A120, v2  }
0x409: {  	v0 =	vshra.s32 v0, $0x1F  }
0x40a: {  	v0 =	vand.u32 $0x76140, v0;
	v1 =	vsub.s32 v1, v2  }
0x40b: {  	v0 =	vadd.s32 v0, v1  }
0x40c: {  	v1 =	vadd.s32 $0xFFF85EE0, v0  }
0x40d: {  	s1 =	sshra.s32 s29, $0x2;
	v0 =	vmin.u32 v0, v1  }
0x40e: {  	[tilespmem:s1+$0x6400] =	vst v0  }
0x40f: {  	[tilespmem:s17], [sflag:$0x1] =	stream.indirect.gather [hbm4b:s3+s15], $0x80, s16, s15, $0xb8;
	[tilespmem:$0x19400] =	vst v63  }
0x410: {  	_ =	swait.ge [sflag:s24], $0x6400  }
0x411: {  	[sflag:s24] =	ssyncset.done $0x0  }
0x412: {  	s28 =	simm.s32 $0x0;
	s1 =	rddreg [dreg:$0x17];
	[sflag:s24] =	ssyncadd.s32 $0xFFFF9C00  }
0x413: {  	[hbm4b:s1+s28] =	stream.linear.scatter [tilespmem:s19], [sflag:$0x4], $0x6400, $0x38;
	[tilespmem:$0x19400] =	vst v63  }
0x414: {  	_ =	swait.ge [sflag:s14], $0x6400  }
0x415: {  	[sflag:s14] =	ssyncset.done $0x0  }
0x416: {  	[sflag:s14] =	ssyncadd.s32 $0xFFFF9C00  }
0x417: {  	[tilespmem:s19], [sflag:$0x2] =	stream.indirect.gather [hbm4b:s3+s15], $0x80, s18, s15, $0xb8;
	[tilespmem:$0x19400] =	vst v63  }
0x418: {  	_ =	swait.ge [sflag:s25], $0x6400  }
0x419: {  	[sflag:s25] =	ssyncset.done $0x0  }
0x41a: {  	s1 =	rddreg [dreg:$0x18];
	[sflag:s25] =	ssyncadd.s32 $0xFFFF9C00  }
0x41b: {  	[hbm4b:s1+s28] =	stream.linear.scatter [tilespmem:s21], [sflag:$0x4], $0x6400, $0x38;
	[tilespmem:$0x19400] =	vst v63  }
0x41c: {  	s29 =	simm.s32 $0x5140;
	s1 =	simm.s32 $0x1450;
	_ =	swait.ge [sflag:s14], $0x6400  }
0x41d: {  	s29 =	sand.u32 $0x5E00, s29;
	s1 =	sand.u32 $0x70, s1;
	[sflag:s14] =	ssyncset.done $0x0  }
0x41e: {  	s1 =	sor.u32 s1, s29;
	[sflag:s14] =	ssyncadd.s32 $0xFFFF9C00  }
0x41f: {  	v0 =	vld [tilespmem:s1+$0x0];
	_ =	sdelay $0x2  }
0x420: {  	v1 =	vld [tilespmem:s1+$0x80];
	_ =	sdelay $0x1  }
0x421: {  	v0 =	vxor.u32 $0x811C9DC5, v0  }
0x422: {  	v2 =	vld [tilespmem:s1+$0x100];
	v0 =	vmul.u32 $0x1000193, v0;
	_ =	sdelay $0x1  }
0x423: {  	v0 =	vxor.u32 v1, v0  }
0x424: {  	v1 =	vld [tilespmem:s1+$0x180];
	v0 =	vmul.u32 $0x1000193, v0;
	_ =	sdelay $0x1  }
0x425: {  	v0 =	vxor.u32 v2, v0  }
0x426: {  	v0 =	vmul.u32 $0x1000193, v0;
	_ =	sdelay $0x1  }
0x427: {  	v0 =	vxor.u32 v1, v0  }
0x428: {  	v0 =	vmul.u32 $0x1000193, v0;
	_ =	sdelay $0x1  }
0x429: {  	v1 =	vand.u32 $0x7FFFFFFF, v0  }
0x42a: {  	v2 =	vmulhi.u32 $0x431BDE83, v1;
	_ =	sdelay $0x1  }
0x42b: {  	v2 =	vshrl.u32 v2, $0x11  }
0x42c: {  	v2 =	vmul.u32 $0x7A120, v2  }
0x42d: {  	v0 =	vshra.s32 v0, $0x1F  }
0x42e: {  	v0 =	vand.u32 $0x76140, v0;
	v1 =	vsub.s32 v1, v2  }
0x42f: {  	s30 =	simm.s32 $0x1470;
	s1 =	simm.s32 $0x1460;
	v0 =	vadd.s32 v0, v1  }
0x430: {  	s29 =	simm.s32 $0x40;
	s31 =	sand.u32 $0x70, s1;
	s1 =	simm.s32 $0x5180;
	v1 =	vadd.s32 $0xFFF85EE0, v0  }
.LBB2_36:
0x431: {  	p0 =	sne.s32 s30, $0x15D0;
	s1 =	sand.u32 $0x5E00, s1;
	v0 =	vmin.u32 v0, v1;
	s28 =	sshra.s32 s28, $0x2  }
0x432: {  	s1 =	sor.u32 s31, s1;
	[tilespmem:s28+$0x6600] =	vst v0;
	s28 =	smov.u32 s29  }
0x433: {  	v0 =	vld [tilespmem:s1+$0x0];
	_ =	sdelay $0x2  }
0x434: {  	v1 =	vld [tilespmem:s1+$0x80];
	_ =	sdelay $0x1  }
0x435: {  	v0 =	vxor.u32 $0x811C9DC5, v0  }
0x436: {  	v0 =	vmul.u32 $0x1000193, v0;
	v2 =	vld [tilespmem:s1+$0x100];
	_ =	sdelay $0x1  }
0x437: {  	v0 =	vxor.u32 v1, v0  }
0x438: {  	v0 =	vmul.u32 $0x1000193, v0;
	v1 =	vld [tilespmem:s1+$0x180];
	_ =	sdelay $0x1  }
0x439: {  	v0 =	vxor.u32 v2, v0  }
0x43a: {  	v0 =	vmul.u32 $0x1000193, v0;
	_ =	sdelay $0x1  }
0x43b: {  	v0 =	vxor.u32 v1, v0  }
0x43c: {  	v0 =	vmul.u32 $0x1000193, v0;
	_ =	sdelay $0x1  }
0x43d: {  	v1 =	vand.u32 $0x7FFFFFFF, v0  }
0x43e: {  	v2 =	vmulhi.u32 $0x431BDE83, v1;
	_ =	sdelay $0x1  }
0x43f: {  	v2 =	vshrl.u32 v2, $0x11  }
.Ltmp17:
0x440: {  	v2 =	vmul.u32 $0x7A120, v2;
	(pc) =	sbr.rel @p0 .LBB2_36-.Ltmp17, $4  }
0x441: {  	v0 =	vshra.s32 v0, $0x1F  }
0x442: {  	v0 =	vand.u32 $0x76140, v0;
	v1 =	vsub.s32 v1, v2  }
0x443: {  	s29 =	sadd.s32 $0x40, s29;
	v0 =	vadd.s32 v0, v1  }
0x444: {  	s31 =	sand.u32 $0x70, s30;
	s30 =	sadd.s32 $0x10, s30;
	s1 =	sadd.s32 $0x5140, s29;
	v1 =	vadd.s32 $0xFFF85EE0, v0  }
0x445: {  	s1 =	sand.u32 $0x5E00, s1;
	v0 =	vmin.u32 v0, v1;
	s28 =	sshra.s32 s28, $0x2  }
0x446: {  	s1 =	sor.u32 s31, s1;
	[tilespmem:s28+$0x6600] =	vst v0  }
0x447: {  	v0 =	vld [tilespmem:s1+$0x0];
	_ =	sdelay $0x2  }
0x448: {  	v1 =	vld [tilespmem:s1+$0x80];
	_ =	sdelay $0x1  }
0x449: {  	v0 =	vxor.u32 $0x811C9DC5, v0  }
0x44a: {  	v2 =	vld [tilespmem:s1+$0x100];
	v0 =	vmul.u32 $0x1000193, v0;
	_ =	sdelay $0x1  }
0x44b: {  	v0 =	vxor.u32 v1, v0  }
0x44c: {  	v1 =	vld [tilespmem:s1+$0x180];
	v0 =	vmul.u32 $0x1000193, v0;
	_ =	sdelay $0x1  }
0x44d: {  	v0 =	vxor.u32 v2, v0  }
0x44e: {  	v0 =	vmul.u32 $0x1000193, v0;
	_ =	sdelay $0x1  }
0x44f: {  	v0 =	vxor.u32 v1, v0  }
0x450: {  	v0 =	vmul.u32 $0x1000193, v0;
	_ =	sdelay $0x1  }
0x451: {  	v1 =	vand.u32 $0x7FFFFFFF, v0  }
0x452: {  	v2 =	vmulhi.u32 $0x431BDE83, v1;
	_ =	sdelay $0x1  }
0x453: {  	v2 =	vshrl.u32 v2, $0x11  }
0x454: {  	v2 =	vmul.u32 $0x7A120, v2  }
0x455: {  	v0 =	vshra.s32 v0, $0x1F  }
0x456: {  	v0 =	vand.u32 $0x76140, v0;
	v1 =	vsub.s32 v1, v2  }
0x457: {  	v0 =	vadd.s32 v0, v1  }
0x458: {  	v1 =	vadd.s32 $0xFFF85EE0, v0  }
0x459: {  	s1 =	sshra.s32 s29, $0x2;
	v0 =	vmin.u32 v0, v1  }
0x45a: {  	[tilespmem:s1+$0x6600] =	vst v0  }
0x45b: {  	[tilespmem:s21], [sflag:$0x3] =	stream.indirect.gather [hbm4b:s3+s15], $0x80, s20, s15, $0xb8;
	[tilespmem:$0x19400] =	vst v63  }
0x45c: {  	_ =	swait.ge [sflag:s22], $0x6400  }
0x45d: {  	[sflag:s22] =	ssyncset.done $0x0  }
0x45e: {  	s28 =	simm.s32 $0x0;
	s1 =	rddreg [dreg:$0x19];
	[sflag:s22] =	ssyncadd.s32 $0xFFFF9C00  }
0x45f: {  	[hbm4b:s1+s28] =	stream.linear.scatter [tilespmem:s17], [sflag:$0x4], $0x6400, $0x38;
	[tilespmem:$0x19400] =	vst v63  }
0x460: {  	_ =	swait.ge [sflag:s14], $0x6400  }
0x461: {  	[sflag:s14] =	ssyncset.done $0x0  }
0x462: {  	[sflag:s14] =	ssyncadd.s32 $0xFFFF9C00  }
0x463: {  	[tilespmem:s17], [sflag:$0x1] =	stream.indirect.gather [hbm4b:s3+s15], $0x80, s23, s15, $0xb8;
	[tilespmem:$0x19400] =	vst v63  }
0x464: {  	_ =	swait.ge [sflag:s24], $0x6400  }
0x465: {  	[sflag:s24] =	ssyncset.done $0x0  }
0x466: {  	s1 =	rddreg [dreg:$0x1a];
	[sflag:s24] =	ssyncadd.s32 $0xFFFF9C00  }
0x467: {  	[hbm4b:s1+s28] =	stream.linear.scatter [tilespmem:s19], [sflag:$0x4], $0x6400, $0x38;
	[tilespmem:$0x19400] =	vst v63  }
0x468: {  	s29 =	simm.s32 $0x5780;
	s1 =	simm.s32 $0x15E0;
	_ =	swait.ge [sflag:s14], $0x6400  }
0x469: {  	s29 =	sand.u32 $0x5E00, s29;
	s1 =	sand.u32 $0x70, s1;
	[sflag:s14] =	ssyncset.done $0x0  }
0x46a: {  	s1 =	sor.u32 s1, s29;
	[sflag:s14] =	ssyncadd.s32 $0xFFFF9C00  }
0x46b: {  	v0 =	vld [tilespmem:s1+$0x0];
	_ =	sdelay $0x2  }
0x46c: {  	v1 =	vld [tilespmem:s1+$0x80];
	_ =	sdelay $0x1  }
0x46d: {  	v0 =	vxor.u32 $0x811C9DC5, v0  }
0x46e: {  	v2 =	vld [tilespmem:s1+$0x100];
	v0 =	vmul.u32 $0x1000193, v0;
	_ =	sdelay $0x1  }
0x46f: {  	v0 =	vxor.u32 v1, v0  }
0x470: {  	v1 =	vld [tilespmem:s1+$0x180];
	v0 =	vmul.u32 $0x1000193, v0;
	_ =	sdelay $0x1  }
0x471: {  	v0 =	vxor.u32 v2, v0  }
0x472: {  	v0 =	vmul.u32 $0x1000193, v0;
	_ =	sdelay $0x1  }
0x473: {  	v0 =	vxor.u32 v1, v0  }
0x474: {  	v0 =	vmul.u32 $0x1000193, v0;
	_ =	sdelay $0x1  }
0x475: {  	v1 =	vand.u32 $0x7FFFFFFF, v0  }
0x476: {  	v2 =	vmulhi.u32 $0x431BDE83, v1;
	_ =	sdelay $0x1  }
0x477: {  	v2 =	vshrl.u32 v2, $0x11  }
0x478: {  	v2 =	vmul.u32 $0x7A120, v2  }
0x479: {  	v0 =	vshra.s32 v0, $0x1F  }
0x47a: {  	v0 =	vand.u32 $0x76140, v0;
	v1 =	vsub.s32 v1, v2  }
0x47b: {  	s30 =	simm.s32 $0x1600;
	s1 =	simm.s32 $0x15F0;
	v0 =	vadd.s32 v0, v1  }
0x47c: {  	s29 =	simm.s32 $0x40;
	s31 =	sand.u32 $0x70, s1;
	s1 =	simm.s32 $0x57C0;
	v1 =	vadd.s32 $0xFFF85EE0, v0  }
.LBB2_38:
0x47d: {  	p0 =	sne.s32 s30, $0x1760;
	s1 =	sand.u32 $0x5E00, s1;
	v0 =	vmin.u32 v0, v1;
	s28 =	sshra.s32 s28, $0x2  }
0x47e: {  	s1 =	sor.u32 s31, s1;
	[tilespmem:s28+$0x6400] =	vst v0;
	s28 =	smov.u32 s29  }
0x47f: {  	v0 =	vld [tilespmem:s1+$0x0];
	_ =	sdelay $0x2  }
0x480: {  	v1 =	vld [tilespmem:s1+$0x80];
	_ =	sdelay $0x1  }
0x481: {  	v0 =	vxor.u32 $0x811C9DC5, v0  }
0x482: {  	v0 =	vmul.u32 $0x1000193, v0;
	v2 =	vld [tilespmem:s1+$0x100];
	_ =	sdelay $0x1  }
0x483: {  	v0 =	vxor.u32 v1, v0  }
0x484: {  	v0 =	vmul.u32 $0x1000193, v0;
	v1 =	vld [tilespmem:s1+$0x180];
	_ =	sdelay $0x1  }
0x485: {  	v0 =	vxor.u32 v2, v0  }
0x486: {  	v0 =	vmul.u32 $0x1000193, v0;
	_ =	sdelay $0x1  }
0x487: {  	v0 =	vxor.u32 v1, v0  }
0x488: {  	v0 =	vmul.u32 $0x1000193, v0;
	_ =	sdelay $0x1  }
0x489: {  	v1 =	vand.u32 $0x7FFFFFFF, v0  }
0x48a: {  	v2 =	vmulhi.u32 $0x431BDE83, v1;
	_ =	sdelay $0x1  }
0x48b: {  	v2 =	vshrl.u32 v2, $0x11  }
.Ltmp18:
0x48c: {  	v2 =	vmul.u32 $0x7A120, v2;
	(pc) =	sbr.rel @p0 .LBB2_38-.Ltmp18, $4  }
0x48d: {  	v0 =	vshra.s32 v0, $0x1F  }
0x48e: {  	v0 =	vand.u32 $0x76140, v0;
	v1 =	vsub.s32 v1, v2  }
0x48f: {  	s29 =	sadd.s32 $0x40, s29;
	v0 =	vadd.s32 v0, v1  }
0x490: {  	s31 =	sand.u32 $0x70, s30;
	s30 =	sadd.s32 $0x10, s30;
	s1 =	sadd.s32 $0x5780, s29;
	v1 =	vadd.s32 $0xFFF85EE0, v0  }
0x491: {  	s1 =	sand.u32 $0x5E00, s1;
	v0 =	vmin.u32 v0, v1;
	s28 =	sshra.s32 s28, $0x2  }
0x492: {  	s1 =	sor.u32 s31, s1;
	[tilespmem:s28+$0x6400] =	vst v0  }
0x493: {  	v0 =	vld [tilespmem:s1+$0x0];
	_ =	sdelay $0x2  }
0x494: {  	v1 =	vld [tilespmem:s1+$0x80];
	_ =	sdelay $0x1  }
0x495: {  	v0 =	vxor.u32 $0x811C9DC5, v0  }
0x496: {  	v2 =	vld [tilespmem:s1+$0x100];
	v0 =	vmul.u32 $0x1000193, v0;
	_ =	sdelay $0x1  }
0x497: {  	v0 =	vxor.u32 v1, v0  }
0x498: {  	v1 =	vld [tilespmem:s1+$0x180];
	v0 =	vmul.u32 $0x1000193, v0;
	_ =	sdelay $0x1  }
0x499: {  	v0 =	vxor.u32 v2, v0  }
0x49a: {  	v0 =	vmul.u32 $0x1000193, v0;
	_ =	sdelay $0x1  }
0x49b: {  	v0 =	vxor.u32 v1, v0  }
0x49c: {  	v0 =	vmul.u32 $0x1000193, v0;
	_ =	sdelay $0x1  }
0x49d: {  	v1 =	vand.u32 $0x7FFFFFFF, v0  }
0x49e: {  	v2 =	vmulhi.u32 $0x431BDE83, v1;
	_ =	sdelay $0x1  }
0x49f: {  	v2 =	vshrl.u32 v2, $0x11  }
0x4a0: {  	v2 =	vmul.u32 $0x7A120, v2  }
0x4a1: {  	v0 =	vshra.s32 v0, $0x1F  }
0x4a2: {  	v0 =	vand.u32 $0x76140, v0;
	v1 =	vsub.s32 v1, v2  }
0x4a3: {  	v0 =	vadd.s32 v0, v1  }
0x4a4: {  	v1 =	vadd.s32 $0xFFF85EE0, v0  }
0x4a5: {  	s1 =	sshra.s32 s29, $0x2;
	v0 =	vmin.u32 v0, v1  }
0x4a6: {  	[tilespmem:s1+$0x6400] =	vst v0  }
0x4a7: {  	[tilespmem:s19], [sflag:$0x2] =	stream.indirect.gather [hbm4b:s3+s15], $0x80, s16, s15, $0xb8;
	[tilespmem:$0x19400] =	vst v63  }
0x4a8: {  	_ =	swait.ge [sflag:s25], $0x6400  }
0x4a9: {  	[sflag:s25] =	ssyncset.done $0x0  }
0x4aa: {  	s28 =	simm.s32 $0x0;
	s1 =	rddreg [dreg:$0x1b];
	[sflag:s25] =	ssyncadd.s32 $0xFFFF9C00  }
0x4ab: {  	[hbm4b:s1+s28] =	stream.linear.scatter [tilespmem:s21], [sflag:$0x4], $0x6400, $0x38;
	[tilespmem:$0x19400] =	vst v63  }
0x4ac: {  	_ =	swait.ge [sflag:s14], $0x6400  }
0x4ad: {  	[sflag:s14] =	ssyncset.done $0x0  }
0x4ae: {  	[sflag:s14] =	ssyncadd.s32 $0xFFFF9C00  }
0x4af: {  	[tilespmem:s21], [sflag:$0x3] =	stream.indirect.gather [hbm4b:s3+s15], $0x80, s18, s15, $0xb8;
	[tilespmem:$0x19400] =	vst v63  }
0x4b0: {  	_ =	swait.ge [sflag:s22], $0x6400  }
0x4b1: {  	[sflag:s22] =	ssyncset.done $0x0  }
0x4b2: {  	s1 =	rddreg [dreg:$0x1c];
	[sflag:s22] =	ssyncadd.s32 $0xFFFF9C00  }
0x4b3: {  	[hbm4b:s1+s28] =	stream.linear.scatter [tilespmem:s17], [sflag:$0x4], $0x6400, $0x38;
	[tilespmem:$0x19400] =	vst v63  }
0x4b4: {  	s29 =	simm.s32 $0x5DC0;
	s1 =	simm.s32 $0x1770;
	_ =	swait.ge [sflag:s14], $0x6400  }
0x4b5: {  	s29 =	sand.u32 $0x7E00, s29;
	s1 =	sand.u32 $0x70, s1;
	[sflag:s14] =	ssyncset.done $0x0  }
0x4b6: {  	s1 =	sor.u32 s1, s29;
	[sflag:s14] =	ssyncadd.s32 $0xFFFF9C00  }
0x4b7: {  	v0 =	vld [tilespmem:s1+$0x0];
	_ =	sdelay $0x2  }
0x4b8: {  	v1 =	vld [tilespmem:s1+$0x80];
	_ =	sdelay $0x1  }
0x4b9: {  	v0 =	vxor.u32 $0x811C9DC5, v0  }
0x4ba: {  	v2 =	vld [tilespmem:s1+$0x100];
	v0 =	vmul.u32 $0x1000193, v0;
	_ =	sdelay $0x1  }
0x4bb: {  	v0 =	vxor.u32 v1, v0  }
0x4bc: {  	v1 =	vld [tilespmem:s1+$0x180];
	v0 =	vmul.u32 $0x1000193, v0;
	_ =	sdelay $0x1  }
0x4bd: {  	v0 =	vxor.u32 v2, v0  }
0x4be: {  	v0 =	vmul.u32 $0x1000193, v0;
	_ =	sdelay $0x1  }
0x4bf: {  	v0 =	vxor.u32 v1, v0  }
0x4c0: {  	v0 =	vmul.u32 $0x1000193, v0;
	_ =	sdelay $0x1  }
0x4c1: {  	v1 =	vand.u32 $0x7FFFFFFF, v0  }
0x4c2: {  	v2 =	vmulhi.u32 $0x431BDE83, v1;
	_ =	sdelay $0x1  }
0x4c3: {  	v2 =	vshrl.u32 v2, $0x11  }
0x4c4: {  	v2 =	vmul.u32 $0x7A120, v2  }
0x4c5: {  	v0 =	vshra.s32 v0, $0x1F  }
0x4c6: {  	v0 =	vand.u32 $0x76140, v0;
	v1 =	vsub.s32 v1, v2  }
0x4c7: {  	s30 =	simm.s32 $0x1790;
	s1 =	simm.s32 $0x1780;
	v0 =	vadd.s32 v0, v1  }
0x4c8: {  	s29 =	simm.s32 $0x40;
	s31 =	sand.u32 $0x70, s1;
	s1 =	simm.s32 $0x5E00;
	v1 =	vadd.s32 $0xFFF85EE0, v0  }
.LBB2_40:
0x4c9: {  	p0 =	sne.s32 s30, $0x18F0;
	s1 =	sand.u32 $0x7E00, s1;
	v0 =	vmin.u32 v0, v1;
	s28 =	sshra.s32 s28, $0x2  }
0x4ca: {  	s1 =	sor.u32 s31, s1;
	[tilespmem:s28+$0x6600] =	vst v0;
	s28 =	smov.u32 s29  }
0x4cb: {  	v0 =	vld [tilespmem:s1+$0x0];
	_ =	sdelay $0x2  }
0x4cc: {  	v1 =	vld [tilespmem:s1+$0x80];
	_ =	sdelay $0x1  }
0x4cd: {  	v0 =	vxor.u32 $0x811C9DC5, v0  }
0x4ce: {  	v0 =	vmul.u32 $0x1000193, v0;
	v2 =	vld [tilespmem:s1+$0x100];
	_ =	sdelay $0x1  }
0x4cf: {  	v0 =	vxor.u32 v1, v0  }
0x4d0: {  	v0 =	vmul.u32 $0x1000193, v0;
	v1 =	vld [tilespmem:s1+$0x180];
	_ =	sdelay $0x1  }
0x4d1: {  	v0 =	vxor.u32 v2, v0  }
0x4d2: {  	v0 =	vmul.u32 $0x1000193, v0;
	_ =	sdelay $0x1  }
0x4d3: {  	v0 =	vxor.u32 v1, v0  }
0x4d4: {  	v0 =	vmul.u32 $0x1000193, v0;
	_ =	sdelay $0x1  }
0x4d5: {  	v1 =	vand.u32 $0x7FFFFFFF, v0  }
0x4d6: {  	v2 =	vmulhi.u32 $0x431BDE83, v1;
	_ =	sdelay $0x1  }
0x4d7: {  	v2 =	vshrl.u32 v2, $0x11  }
.Ltmp19:
0x4d8: {  	v2 =	vmul.u32 $0x7A120, v2;
	(pc) =	sbr.rel @p0 .LBB2_40-.Ltmp19, $4  }
0x4d9: {  	v0 =	vshra.s32 v0, $0x1F  }
0x4da: {  	v0 =	vand.u32 $0x76140, v0;
	v1 =	vsub.s32 v1, v2  }
0x4db: {  	s29 =	sadd.s32 $0x40, s29;
	v0 =	vadd.s32 v0, v1  }
0x4dc: {  	s31 =	sand.u32 $0x70, s30;
	s30 =	sadd.s32 $0x10, s30;
	s1 =	sadd.s32 $0x5DC0, s29;
	v1 =	vadd.s32 $0xFFF85EE0, v0  }
0x4dd: {  	s1 =	sand.u32 $0x7E00, s1;
	v0 =	vmin.u32 v0, v1;
	s28 =	sshra.s32 s28, $0x2  }
0x4de: {  	s1 =	sor.u32 s31, s1;
	[tilespmem:s28+$0x6600] =	vst v0  }
0x4df: {  	v0 =	vld [tilespmem:s1+$0x0];
	_ =	sdelay $0x2  }
0x4e0: {  	v60 =	vld [tilespmem:s1+$0x80];
	_ =	sdelay $0x1  }
0x4e1: {  	v0 =	vxor.u32 $0x811C9DC5, v0  }
0x4e2: {  	v2 =	vld [tilespmem:s1+$0x100];
	v0 =	vmul.u32 $0x1000193, v0;
	_ =	sdelay $0x1  }
0x4e3: {  	v0 =	vxor.u32 v60, v0  }
0x4e4: {  	v61 =	vld [tilespmem:s1+$0x180];
	v0 =	vmul.u32 $0x1000193, v0;
	_ =	sdelay $0x1  }
0x4e5: {  	v0 =	vxor.u32 v2, v0  }
0x4e6: {  	v0 =	vmul.u32 $0x1000193, v0;
	_ =	sdelay $0x1  }
0x4e7: {  	v0 =	vxor.u32 v61, v0  }
0x4e8: {  	v0 =	vmul.u32 $0x1000193, v0;
	_ =	sdelay $0x1  }
0x4e9: {  	v62 =	vand.u32 $0x7FFFFFFF, v0  }
0x4ea: {  	v63 =	vmulhi.u32 $0x431BDE83, v62;
	_ =	sdelay $0x1  }
0x4eb: {  	v2 =	vshrl.u32 v63, $0x11  }
0x4ec: {  	v2 =	vmul.u32 $0x7A120, v2  }
0x4ed: {  	v0 =	vshra.s32 v0, $0x1F  }
0x4ee: {  	v0 =	vand.u32 $0x76140, v0;
	v1 =	vsub.s32 v62, v2  }
0x4ef: {  	v0 =	vadd.s32 v0, v1  }
0x4f0: {  	v1 =	vadd.s32 $0xFFF85EE0, v0  }
0x4f1: {  	s31 =	sshra.s32 s29, $0x2;
	v0 =	vmin.u32 v0, v1  }
0x4f2: {  	[tilespmem:s31+$0x6600] =	vst v0  }
0x4f3: {  	[tilespmem:s17], [sflag:$0x1] =	stream.indirect.gather [hbm4b:s3+s15], $0x80, s20, s15, $0xb8;
	[tilespmem:$0x19400] =	vst v63  }
0x4f4: {  	_ =	swait.ge [sflag:s24], $0x6400  }
0x4f5: {  	[sflag:s24] =	ssyncset.done $0x0  }
0x4f6: {  	[sflag:s24] =	ssyncadd.s32 $0xFFFF9C00  }
0x4f7: {  	[hbm4b:s0+s2] =	stream.linear.scatter [tilespmem:s19], [sflag:$0x4], $0x6400, $0x38;
	[tilespmem:$0x19400] =	vst v63  }
0x4f8: {  	_ =	swait.ge [sflag:s14], $0x6400  }
0x4f9: {  	[sflag:s14] =	ssyncset.done $0x0  }
0x4fa: {  	[sflag:s14] =	ssyncadd.s32 $0xFFFF9C00  }
0x4fb: {  	[tilespmem:s19], [sflag:$0x2] =	stream.indirect.gather [hbm4b:s3+s15], $0x80, s23, s15, $0xb8;
	[tilespmem:$0x19400] =	vst v63  }
0x4fc: {  	_ =	swait.ge [sflag:s25], $0x6400  }
0x4fd: {  	[sflag:s25] =	ssyncset.done $0x0  }
0x4fe: {  	[sflag:s25] =	ssyncadd.s32 $0xFFFF9C00  }
0x4ff: {  	[hbm4b:s6+s2] =	stream.linear.scatter [tilespmem:s21], [sflag:$0x4], $0x6400, $0x38;
	[tilespmem:$0x19400] =	vst v63  }
0x500: {  	_ =	swait.ge [sflag:s14], $0x6400  }
0x501: {  	[sflag:s14] =	ssyncset.done $0x0  }
0x502: {  	[sflag:s14] =	ssyncadd.s32 $0xFFFF9C00  }
0x503: {  	_ =	swait.ge [sflag:s22], $0x6400  }
0x504: {  	[sflag:s22] =	ssyncset.done $0x0  }
0x505: {  	[sflag:s22] =	ssyncadd.s32 $0xFFFF9C00  }
0x506: {  	[hbm4b:s7+s2] =	stream.linear.scatter [tilespmem:s17], [sflag:$0x4], $0x6400, $0x38;
	[tilespmem:$0x19400] =	vst v63  }
0x507: {  	_ =	swait.ge [sflag:s14], $0x6400  }
0x508: {  	[sflag:s14] =	ssyncset.done $0x0  }
0x509: {  	[sflag:s14] =	ssyncadd.s32 $0xFFFF9C00  }
0x50a: {  	s26 =	sadd.s32 $0x1, s26;
	_ =	swait.ge [sflag:s24], $0x6400  }
0x50b: {  	p0 =	sne.s32 s26, s9;
	[sflag:s24] =	ssyncset.done $0x0  }
.Ltmp20:
0x50c: {  	[sflag:s24] =	ssyncadd.s32 $0xFFFF9C00;
	(pc) =	sbr.rel @p0 .LBB2_1-.Ltmp20, $4  }
0x50d: {  	[hbm4b:s8+s2] =	stream.linear.scatter [tilespmem:s19], [sflag:$0x4], $0x6400, $0x38;
	[tilespmem:$0x19400] =	vst v63  }
0x50e: {  	_ =	swait.ge [sflag:s14], $0x6400  }
0x50f: {  	[sflag:s14] =	ssyncset.done $0x0  }
0x510: {  	[sflag:s14] =	ssyncadd.s32 $0xFFFF9C00  }
0x511: {  	_ =	sfence.sel $0x180000  }
0x512: {  	[bflag:$0x0] =	sbarrier.arrive $0xFFFF  }
0x513: {  	_ =	strace $0x90000047  }
0x514: {  	s0 =	stileid.u32;
	[bflag:$0x2] =	sbarrier.arrive $0xFFFF  }
0x515: {  	p0 =	sne.s32 s0, $0x0;
	s0 =	rddreg [dreg:$0x2]  }
0x516: {  	s0 =	sadd.s32 @!p0 $0x100000, s0  }
0x517: {  	[sflag:s0] =	ssyncadd.tile.s32 @!p0 $0x1;
	_ =	shalt  }
.Lfunc_end2:
_tile_overlayer_lowered:
.L_overlay_start_2:
0x518: {  	(tag) =	ssettag $0x2  }
0x519: {  	s0 =	rddreg [dreg:$0x0];
	s2 =	stileid.u32  }
0x51a: {  	s1 =	rddreg [dreg:$0x1];
	p0 =	sne.s32 s2, $0x0  }
0x51b: {  	s3 =	rddreg [dreg:$0x2];
	[bflag:$0x3] =	sbarrier.arrive $0xFFFF;
	s2 =	simm.s32 @!p0 $0x1C04  }
0x51c: {  	[timem:s3], [sflag:s2] =	dma.local @!p0 [hbm:s0], s1  }
0x51d: {  	s0 =	simm.s32 @!p0 $0x4  }
0x51e: {  	_ =	swait.ge @!p0 [sflag:s0], s1  }
0x51f: {  	s1 =	ssub.s32 @!p0 $0x0, s1;
	[sflag:s0] =	ssyncset.done @!p0 $0x0  }
0x520: {  	[sflag:s0] =	ssyncadd.s32 @!p0 s1  }
0x521: {  	[bflag:$0x3] =	sbarrier.arrive $0xFFFF  }
0x522: {  	_ =	shalt  }

</sc_bundles>
